<compile_context>
chip_gen: v7x
topology: tpu7x:2x2x1
jax: 0.10.2.dev20260603
libtpu: 0.0.44.dev20260713+nightly
codegen_flags: <defaults>
</compile_context>

<pallas_src>
import functools

import jax
import jax.numpy as jnp
from jax import lax
from jax.experimental import pallas as pl
from jax.experimental.pallas import tpu as pltpu
from jax.experimental.pallas import tpu_sc as plsc

_NC = 2
_NS = 16
_KG = 400
_KS = 80


def _pre_body(h_ref, tn_ref, w1a_ref, w1b_ref, b1_ref, nw1a_ref, nw1c_ref,
              nb1_ref, a_out, b_out, np_out):
    h = h_ref[...]
    a_out[...] = h @ w1a_ref[...] + b1_ref[...]
    b_out[...] = h @ w1b_ref[...]
    np_out[...] = h @ nw1a_ref[...] + tn_ref[...] @ nw1c_ref[...] + nb1_ref[...]


def _edge_body(ga_ref, gb_ref, dist_ref, temb_ref, diff_ref,
               w1d_ref, w1c_ref, w2_ref, b2_ref, cw1_ref, cb1_ref, cw2_ref,
               mij_out, cs_out):
    pre = (ga_ref[...] + gb_ref[...] + dist_ref[...] * w1c_ref[...]
           + temb_ref[...] @ w1d_ref[...])
    m = pre * jax.nn.sigmoid(pre)
    m2 = m @ w2_ref[...] + b2_ref[...]
    mij = m2 * jax.nn.sigmoid(m2)
    ch = mij @ cw1_ref[...] + cb1_ref[...]
    ch = ch * jax.nn.sigmoid(ch)
    cw = ch @ cw2_ref[...]
    mij_out[...] = mij
    pad = jnp.zeros((cw.shape[0], cs_out.shape[-1] - 4), cw.dtype)
    cs_out[...] = jnp.concatenate([diff_ref[...] * cw, pad], axis=-1)


def _node_body(h_ref, np_ref, mi0_ref, mi1_ref, cp0_ref, cp1_ref,
               nw1b_ref, nw2_ref, nb2_ref, hu_out, cu_out):
    mi = mi0_ref[...] + mi1_ref[...]
    t = np_ref[...] + mi @ nw1b_ref[...]
    t = t * jax.nn.sigmoid(t)
    hu_out[...] = h_ref[...] + (t @ nw2_ref[...] + nb2_ref[...])
    cu_out[...] = (cp0_ref[...] + cp1_ref[...])[:, :3]


def _make_gather(EH, D, eoff):
    per = EH // (_NC * _NS)
    nch = per // _KG
    mesh = plsc.VectorSubcoreMesh(core_axis_name="c", subcore_axis_name="s")

    @functools.partial(
        pl.kernel,
        out_type=[jax.ShapeDtypeStruct((EH, D), jnp.float32),
                  jax.ShapeDtypeStruct((EH, D), jnp.float32)],
        mesh=mesh,
        scratch_types=[pltpu.VMEM((_KG,), jnp.int32),
                       pltpu.VMEM((_KG,), jnp.int32),
                       pltpu.VMEM((_KG, D), jnp.float32),
                       pltpu.VMEM((_KG, D), jnp.float32),
                       pltpu.SemaphoreType.DMA,
                       pltpu.SemaphoreType.DMA,
                       pltpu.SemaphoreType.DMA,
                       pltpu.SemaphoreType.DMA,
                       pltpu.SemaphoreType.DMA,
                       pltpu.SemaphoreType.DMA],
    )
    def gather_k(a_hbm, b_hbm, src_hbm, dst_hbm, ga_hbm, gb_hbm,
                 idxa_v, idxb_v, rowsa_v, rowsb_v,
                 sia, sib, sga, sgb, swa, swb):
        wid = lax.axis_index("s") * _NC + lax.axis_index("c")
        base = pl.multiple_of(wid * per, 8)
        ibase = pl.multiple_of(eoff + wid * per, 8)

        def body(ci, _):
            @pl.when(ci > 0)
            def _drain():
                pltpu.make_async_copy(
                    rowsa_v, ga_hbm.at[pl.ds(base, _KG)], swa).wait()
                pltpu.make_async_copy(
                    rowsb_v, gb_hbm.at[pl.ds(base, _KG)], swb).wait()

            off = pl.multiple_of(base + ci * _KG, 8)
            ioff = pl.multiple_of(ibase + ci * _KG, 8)
            ia = pltpu.async_copy(src_hbm.at[pl.ds(ioff, _KG)], idxa_v, sia)
            ib = pltpu.async_copy(dst_hbm.at[pl.ds(ioff, _KG)], idxb_v, sib)
            ia.wait()
            ca = pltpu.async_copy(a_hbm.at[idxa_v], rowsa_v, sga)
            ib.wait()
            cb = pltpu.async_copy(b_hbm.at[idxb_v], rowsb_v, sgb)
            ca.wait()
            pltpu.async_copy(rowsa_v, ga_hbm.at[pl.ds(off, _KG)], swa)
            cb.wait()
            pltpu.async_copy(rowsb_v, gb_hbm.at[pl.ds(off, _KG)], swb)
            return 0

        lax.fori_loop(0, nch, body, 0)
        pltpu.make_async_copy(rowsa_v, ga_hbm.at[pl.ds(base, _KG)], swa).wait()
        pltpu.make_async_copy(rowsb_v, gb_hbm.at[pl.ds(base, _KG)], swb).wait()

    return gather_k


def _make_scatter(EH, N, W, K, eoff):
    per = EH // (_NC * _NS)
    nch = per // K
    npair = nch // 2
    odd = nch % 2
    rows_lo = (N // _NS) // 8 * 8
    mesh = plsc.VectorSubcoreMesh(core_axis_name="c", subcore_axis_name="s")

    @functools.partial(
        pl.kernel,
        out_type=jax.ShapeDtypeStruct((_NC, N, W), jnp.float32),
        mesh=mesh,
        scratch_types=[pltpu.VMEM_SHARED((N, W), jnp.float32),
                       pltpu.VMEM((K,), jnp.int32),
                       pltpu.VMEM((K,), jnp.int32),
                       pltpu.VMEM((K, W), jnp.float32),
                       pltpu.VMEM((K, W), jnp.float32),
                       pltpu.SemaphoreType.DMA,
                       pltpu.SemaphoreType.DMA,
                       pltpu.SemaphoreType.DMA,
                       pltpu.SemaphoreType.DMA,
                       pltpu.SemaphoreType.DMA,
                       pltpu.SemaphoreType.DMA],
    )
    def scatter_k(val_hbm, idx_hbm, z_hbm, out_hbm, sh,
                  idx0_v, idx1_v, rows0_v, rows1_v,
                  si0, si1, sv0, sv1, ss0, ss1):
        c = lax.axis_index("c")
        s = lax.axis_index("s")
        wid = s * _NC + c
        tail = N - rows_lo * _NS

        def row_chunks():
            chunks = []
            done = 0
            while done < rows_lo:
                step = min(K, rows_lo - done)
                chunks.append((done, step))
                done += step
            return chunks

        r0 = pl.multiple_of(s * rows_lo, 8)
        pltpu.sync_copy(z_hbm, rows0_v)
        for done, step in row_chunks():
            pltpu.sync_copy(rows0_v.at[pl.ds(0, step)],
                            sh.at[pl.ds(r0 + done, step)])

        @pl.when(s == _NS - 1)
        def _zero_tail():
            pltpu.sync_copy(rows0_v.at[pl.ds(0, tail)],
                            sh.at[pl.ds(N - tail, tail)])

        plsc.subcore_barrier()
        base = pl.multiple_of(wid * per, 8)
        ibase = pl.multiple_of(eoff + wid * per, 8)

        def drain_pair():
            pltpu.make_async_copy(rows0_v, sh.at[idx0_v], ss0).wait()
            pltpu.make_async_copy(rows1_v, sh.at[idx1_v], ss1).wait()

        def body(k, _):
            @pl.when(k > 0)
            def _drain():
                drain_pair()

            off0 = pl.multiple_of(base + (2 * k) * K, 8)
            off1 = pl.multiple_of(base + (2 * k + 1) * K, 8)
            ioff0 = pl.multiple_of(ibase + (2 * k) * K, 8)
            ioff1 = pl.multiple_of(ibase + (2 * k + 1) * K, 8)
            i0 = pltpu.async_copy(idx_hbm.at[pl.ds(ioff0, K)], idx0_v, si0)
            v0 = pltpu.async_copy(val_hbm.at[pl.ds(off0, K)], rows0_v, sv0)
            i1 = pltpu.async_copy(idx_hbm.at[pl.ds(ioff1, K)], idx1_v, si1)
            v1 = pltpu.async_copy(val_hbm.at[pl.ds(off1, K)], rows1_v, sv1)
            i0.wait()
            v0.wait()
            pltpu.async_copy(rows0_v, sh.at[idx0_v], ss0, add=True)
            i1.wait()
            v1.wait()
            pltpu.async_copy(rows1_v, sh.at[idx1_v], ss1, add=True)
            return 0

        lax.fori_loop(0, npair, body, 0)
        drain_pair()
        if odd:
            lastoff = pl.multiple_of(base + (nch - 1) * K, 8)
            lastioff = pl.multiple_of(ibase + (nch - 1) * K, 8)
            pltpu.sync_copy(idx_hbm.at[pl.ds(lastioff, K)], idx0_v)
            pltpu.sync_copy(val_hbm.at[pl.ds(lastoff, K)], rows0_v)
            pltpu.sync_copy(rows0_v, sh.at[idx0_v], add=True)
        plsc.subcore_barrier()
        for done, step in row_chunks():
            pltpu.sync_copy(sh.at[pl.ds(r0 + done, step)],
                            rows0_v.at[pl.ds(0, step)])
            pltpu.sync_copy(rows0_v.at[pl.ds(0, step)],
                            out_hbm.at[c, pl.ds(r0 + done, step)])

        @pl.when(s == _NS - 1)
        def _write_tail():
            pltpu.sync_copy(sh.at[pl.ds(N - tail, tail)],
                            rows0_v.at[pl.ds(0, tail)])
            pltpu.sync_copy(rows0_v.at[pl.ds(0, tail)],
                            out_hbm.at[c, pl.ds(N - tail, tail)])

    return scatter_k


def kernel(h, diff_cart, dist_sq, edge_src, edge_dst, t_emb_edges, t_emb_nodes,
           edge_w1, edge_b1, edge_w2, edge_b2,
           coord_w1, coord_b1, coord_w2,
           node_w1, node_b1, node_w2, node_b2):
    N, D = h.shape
    E = edge_src.shape[0]
    T = t_emb_edges.shape[1]
    f32 = jnp.float32

    src = edge_src.astype(jnp.int32)
    dst = edge_dst.astype(jnp.int32)
    w1a = edge_w1[:D]
    w1b = edge_w1[D:2 * D]
    w1c = edge_w1[2 * D:2 * D + 1]
    w1d = edge_w1[2 * D + 1:]
    nw1a = node_w1[:D]
    nw1b = node_w1[D:2 * D]
    nw1c = node_w1[2 * D:]
    b1 = edge_b1.reshape(1, D)
    b2 = edge_b2.reshape(1, D)
    cb1 = coord_b1.reshape(1, D)
    nb1 = node_b1.reshape(1, D)
    nb2 = node_b2.reshape(1, D)
    diff4 = jnp.concatenate([diff_cart, jnp.zeros((E, 1), f32)], axis=1)

    BN = 2000
    BE = 2000
    gn = N // BN
    ge = E // BE

    def row_spec(b, w):
        return pl.BlockSpec((b, w), lambda i: (i, 0))

    def full_spec(shape):
        return pl.BlockSpec(shape, lambda i: tuple(0 for _ in shape))

    a_tab, b_tab, node_pre = pl.pallas_call(
        _pre_body,
        grid=(gn,),
        in_specs=[row_spec(BN, D), row_spec(BN, T),
                  full_spec((D, D)), full_spec((D, D)), full_spec((1, D)),
                  full_spec((D, D)), full_spec((T, D)), full_spec((1, D))],
        out_specs=[row_spec(BN, D)] * 3,
        out_shape=[jax.ShapeDtypeStruct((N, D), f32)] * 3,
    )(h, t_emb_nodes, w1a, w1b, b1, nw1a, nw1c, nb1)

    ga, gb = _make_gather(E, D, 0)(a_tab, b_tab, src, dst)

    m_ij, coord_shift = pl.pallas_call(
        _edge_body,
        grid=(ge,),
        in_specs=[row_spec(BE, D), row_spec(BE, D), row_spec(BE, 1),
                  row_spec(BE, T), row_spec(BE, 4),
                  full_spec((T, D)), full_spec((1, D)), full_spec((D, D)),
                  full_spec((1, D)), full_spec((D, D)), full_spec((1, D)),
                  full_spec((D, 1))],
        out_specs=[row_spec(BE, D), row_spec(BE, D)],
        out_shape=[jax.ShapeDtypeStruct((E, D), f32),
                   jax.ShapeDtypeStruct((E, D), f32)],
    )(ga, gb, dist_sq, t_emb_edges, diff4,
      w1d, w1c, edge_w2, b2, coord_w1, cb1, coord_w2)

    z = jnp.zeros((_KS, D), f32)
    mi_part = _make_scatter(E, N, D, _KS, 0)(m_ij, dst, z)
    cp_part = _make_scatter(E, N, D, _KS, 0)(coord_shift, src, z)

    h_update, coord_update = pl.pallas_call(
        _node_body,
        grid=(gn,),
        in_specs=[row_spec(BN, D)] * 6 + [
                  full_spec((D, D)), full_spec((D, D)), full_spec((1, D))],
        out_specs=[row_spec(BN, D), row_spec(BN, 3)],
        out_shape=[jax.ShapeDtypeStruct((N, D), f32),
                   jax.ShapeDtypeStruct((N, 3), f32)],
    )(h, node_pre, mi_part[0], mi_part[1], cp_part[0], cp_part[1],
      nw1b, node_w2, nb2)

    return (h_update, coord_update)

# --- scband reference (transcript-rebuilt; emitter-appended) ---
"""Pipeline reference for scband-egnnlayer-18837726560908 (READ-ONLY COPY).

The authoritative reference and input builder live on the scoring server;
editing this copy changes nothing except your own understanding.
"""

import jax, jax.numpy as jnp
import numpy as np

N = 10000
E = 320000
D = 128
T = 128


def setup_inputs(seed: int = 0) -> dict:
    key = jax.random.key(seed)
    ks = jax.random.split(key, 16)

    def lin(k, fan_in, fan_out):
        return (jax.random.normal(k, (fan_in, fan_out), dtype=jnp.float32)
                * (1.0 / np.sqrt(fan_in)))

    inp = {}
    inp["h"] = jax.random.normal(ks[0], (N, D), dtype=jnp.float32)
    inp["diff_cart"] = jax.random.normal(ks[1], (E, 3), dtype=jnp.float32)
    inp["dist_sq"] = jax.random.uniform(ks[2], (E, 1), dtype=jnp.float32)
    inp["edge_src"] = jax.random.randint(ks[3], (E,), 0, N)
    inp["edge_dst"] = jax.random.randint(ks[4], (E,), 0, N)
    inp["t_emb_edges"] = jax.random.normal(ks[5], (E, T), dtype=jnp.float32)
    inp["t_emb_nodes"] = jax.random.normal(ks[6], (N, T), dtype=jnp.float32)
    # edge_mlp: Linear(2D+1+T -> D), SiLU, Linear(D -> D), SiLU
    inp["edge_w1"] = lin(ks[7], 2 * D + 1 + T, D)
    inp["edge_b1"] = jnp.zeros((D,), dtype=jnp.float32)
    inp["edge_w2"] = lin(ks[8], D, D)
    inp["edge_b2"] = jnp.zeros((D,), dtype=jnp.float32)
    # coord_mlp: Linear(D -> D), SiLU, Linear(D -> 1, no bias)
    inp["coord_w1"] = lin(ks[9], D, D)
    inp["coord_b1"] = jnp.zeros((D,), dtype=jnp.float32)
    inp["coord_w2"] = lin(ks[10], D, 1)
    # node_mlp: Linear(2D+T -> D), SiLU, Linear(D -> D)
    inp["node_w1"] = lin(ks[11], 2 * D + T, D)
    inp["node_b1"] = jnp.zeros((D,), dtype=jnp.float32)
    inp["node_w2"] = lin(ks[12], D, D)
    inp["node_b2"] = jnp.zeros((D,), dtype=jnp.float32)
    return inp


def reference(h, diff_cart, dist_sq, edge_src, edge_dst, t_emb_edges, t_emb_nodes,
              edge_w1, edge_b1, edge_w2, edge_b2,
              coord_w1, coord_b1, coord_w2,
              node_w1, node_b1, node_w2, node_b2):
    h_src = jnp.take(h, edge_src, axis=0)
    h_dst = jnp.take(h, edge_dst, axis=0)
    edge_input = jnp.concatenate([h_src, h_dst, dist_sq, t_emb_edges], axis=-1)
    m = jax.nn.silu(edge_input @ edge_w1 + edge_b1)
    m_ij = jax.nn.silu(m @ edge_w2 + edge_b2)
    coord_weights = jax.nn.silu(m_ij @ coord_w1 + coord_b1) @ coord_w2
    coord_shift = diff_cart * coord_weights
    coord_update = jnp.zeros((h.shape[0], 3), dtype=h.dtype).at[edge_src].add(coord_shift)
    m_i = jnp.zeros_like(h).at[edge_dst].add(m_ij)
    node_input = jnp.concatenate([h, m_i, t_emb_nodes], axis=-1)
    h_update = h + (jax.nn.silu(node_input @ node_w1 + node_b1) @ node_w2 + node_b2)
    return (h_update, coord_update)

if __name__ == "__main__":
    import jax
    _d = setup_inputs()
    print(jax.jit(kernel)(*tuple(_d.values())))

</pallas_src>

<mosaic_0001>
#map = affine_map<(d0, d1) -> (0, 0)>
#map1 = affine_map<(d0, d1) -> (0)>
module attributes {stable_mosaic.version = 14 : i64} {
  func.func @gather_k(%arg0: i32, %arg1: i32, %arg2: memref<10000x128xf32, #tpu.memory_space<hbm>>, %arg3: memref<10000x128xf32, #tpu.memory_space<hbm>>, %arg4: memref<320000xi32, #tpu.memory_space<hbm>>, %arg5: memref<320000xi32, #tpu.memory_space<hbm>>, %arg6: memref<320000x128xf32, #tpu.memory_space<hbm>>, %arg7: memref<320000x128xf32, #tpu.memory_space<hbm>>, %arg8: memref<400xi32, #tpu.memory_space<vmem>>, %arg9: memref<400xi32, #tpu.memory_space<vmem>>, %arg10: memref<400x128xf32, #tpu.memory_space<vmem>>, %arg11: memref<400x128xf32, #tpu.memory_space<vmem>>, %arg12: memref<!tpu.dma_semaphore, #tpu.memory_space<semaphore_mem>>, %arg13: memref<!tpu.dma_semaphore, #tpu.memory_space<semaphore_mem>>, %arg14: memref<!tpu.dma_semaphore, #tpu.memory_space<semaphore_mem>>, %arg15: memref<!tpu.dma_semaphore, #tpu.memory_space<semaphore_mem>>, %arg16: memref<!tpu.dma_semaphore, #tpu.memory_space<semaphore_mem>>, %arg17: memref<!tpu.dma_semaphore, #tpu.memory_space<semaphore_mem>>) attributes {dimension_semantics = [#tpu.dimension_semantics<core_parallel>, #tpu.dimension_semantics<subcore_parallel>], iteration_bounds = array<i64: 2, 16>, scalar_prefetch = 0 : i64, scratch_operands = 10 : i64, tpu.core_type = #tpu.core_type<sc_vector_subcore>, window_params = [{transform_indices = #map}, {transform_indices = #map}, {transform_indices = #map1}, {transform_indices = #map1}, {transform_indices = #map}, {transform_indices = #map}]} {
    %mul3A = arith.constant 2 : i32
    %mul3A_0 = arith.muli %arg1, %mul3A : i32
    %add3A = arith.addi %mul3A_0, %arg0 : i32
    %mul3A_1 = arith.constant 10000 : i32
    %mul3A_2 = arith.muli %add3A, %mul3A_1 : i32
    %multiple_of3A = tpu.assume_multiple %mul3A_2, 8 : i32
    %mul3A_3 = arith.constant 10000 : i32
    %mul3A_4 = arith.muli %add3A, %mul3A_3 : i32
    %add3A_5 = arith.constant 0 : i32
    %add3A_6 = arith.addi %add3A_5, %mul3A_4 : i32
    %multiple_of3A_7 = tpu.assume_multiple %add3A_6, 8 : i32
    %scan3A = arith.constant 0 : i32
    %scan3A_8 = arith.constant 0 : i32
    %scan3A_9 = arith.constant 25 : i32
    %scan3A_10 = arith.addi %scan3A_8, %scan3A_9 : i32
    %scan3A_11 = arith.constant 1 : i32
    %scan3A_12 = scf.for %scan3A_21 = %scan3A_8 to %scan3A_10 step %scan3A_11 iter_args(%scan3A_22 = %scan3A) -> (i32)  : i32 {
      %gt3A = arith.constant 0 : i32
      %gt3A_23 = arith.cmpi sgt, %scan3A_21, %gt3A : i32
      %convert_element_type3A = arith.extui %gt3A_23 : i1 to i32
      %cond3A = arith.constant 0 : i32
      %cond3A_24 = arith.cmpi ne, %convert_element_type3A, %cond3A : i32
      scf.if %cond3A_24 {
        %dma_wait3A_61 = arith.constant 0 : i32
        %dma_wait3A_62 = tpu.memref_slice %arg6[%multiple_of3A, %dma_wait3A_61] : memref<320000x128xf32, #tpu.memory_space<hbm>> -> memref<400x128xf32, #tpu.memory_space<hbm>>
        %dma_wait3A_63 = arith.constant 0 : i32
        %dma_wait3A_64 = tpu.memref_slice %arg6[%multiple_of3A, %dma_wait3A_63] : memref<320000x128xf32, #tpu.memory_space<hbm>> -> memref<400x128xf32, #tpu.memory_space<hbm>>
        tpu.wait_dma2 semaphore(%arg16 : memref<!tpu.dma_semaphore, #tpu.memory_space<semaphore_mem>>) src(%arg10 : memref<400x128xf32, #tpu.memory_space<vmem>>) dst(%dma_wait3A_64 : memref<400x128xf32, #tpu.memory_space<hbm>>)
        %dma_wait3A_65 = arith.constant 0 : i32
        %dma_wait3A_66 = tpu.memref_slice %arg7[%multiple_of3A, %dma_wait3A_65] : memref<320000x128xf32, #tpu.memory_space<hbm>> -> memref<400x128xf32, #tpu.memory_space<hbm>>
        %dma_wait3A_67 = arith.constant 0 : i32
        %dma_wait3A_68 = tpu.memref_slice %arg7[%multiple_of3A, %dma_wait3A_67] : memref<320000x128xf32, #tpu.memory_space<hbm>> -> memref<400x128xf32, #tpu.memory_space<hbm>>
        tpu.wait_dma2 semaphore(%arg17 : memref<!tpu.dma_semaphore, #tpu.memory_space<semaphore_mem>>) src(%arg11 : memref<400x128xf32, #tpu.memory_space<vmem>>) dst(%dma_wait3A_68 : memref<400x128xf32, #tpu.memory_space<hbm>>)
      } else {
      }
      %mul3A_25 = arith.constant 400 : i32
      %mul3A_26 = arith.muli %scan3A_21, %mul3A_25 : i32
      %add3A_27 = arith.addi %multiple_of3A, %mul3A_26 : i32
      %multiple_of3A_28 = tpu.assume_multiple %add3A_27, 8 : i32
      %mul3A_29 = arith.constant 400 : i32
      %mul3A_30 = arith.muli %scan3A_21, %mul3A_29 : i32
      %add3A_31 = arith.addi %multiple_of3A_7, %mul3A_30 : i32
      %multiple_of3A_32 = tpu.assume_multiple %add3A_31, 8 : i32
      %dma_start3A = tpu.memref_slice %arg4[%multiple_of3A_32] : memref<320000xi32, #tpu.memory_space<hbm>> -> memref<400xi32, #tpu.memory_space<hbm>>
      %dma_start3A_33 = tpu.memref_slice %arg4[%multiple_of3A_32] : memref<320000xi32, #tpu.memory_space<hbm>> -> memref<400xi32, #tpu.memory_space<hbm>>
      tpu.enqueue_dma source(%dma_start3A_33 : memref<400xi32, #tpu.memory_space<hbm>>) target(%arg8 : memref<400xi32, #tpu.memory_space<vmem>>) target_semaphore(%arg12 : memref<!tpu.dma_semaphore, #tpu.memory_space<semaphore_mem>>)
      %dma_start3A_34 = tpu.memref_slice %arg5[%multiple_of3A_32] : memref<320000xi32, #tpu.memory_space<hbm>> -> memref<400xi32, #tpu.memory_space<hbm>>
      %dma_start3A_35 = tpu.memref_slice %arg5[%multiple_of3A_32] : memref<320000xi32, #tpu.memory_space<hbm>> -> memref<400xi32, #tpu.memory_space<hbm>>
      tpu.enqueue_dma source(%dma_start3A_35 : memref<400xi32, #tpu.memory_space<hbm>>) target(%arg9 : memref<400xi32, #tpu.memory_space<vmem>>) target_semaphore(%arg13 : memref<!tpu.dma_semaphore, #tpu.memory_space<semaphore_mem>>)
      %dma_wait3A_36 = tpu.memref_slice %arg4[%multiple_of3A_32] : memref<320000xi32, #tpu.memory_space<hbm>> -> memref<400xi32, #tpu.memory_space<hbm>>
      %dma_wait3A_37 = tpu.memref_slice %arg4[%multiple_of3A_32] : memref<320000xi32, #tpu.memory_space<hbm>> -> memref<400xi32, #tpu.memory_space<hbm>>
      tpu.wait_dma2 semaphore(%arg12 : memref<!tpu.dma_semaphore, #tpu.memory_space<semaphore_mem>>) src(%dma_wait3A_37 : memref<400xi32, #tpu.memory_space<hbm>>) dst(%arg8 : memref<400xi32, #tpu.memory_space<vmem>>)
      %dma_start3A_38 = arith.constant 0 : i32
      %dma_start3A_39 = arith.constant 0 : i32
      %dma_start3A_40 = tpu.memref_slice %arg2[%dma_start3A_38, %dma_start3A_39] : memref<10000x128xf32, #tpu.memory_space<hbm>> -> memref<10000x128xf32, #tpu.memory_space<hbm>>
      tpu.enqueue_indirect_dma source(%dma_start3A_40 : memref<10000x128xf32, #tpu.memory_space<hbm>>) target(%arg10 : memref<400x128xf32, #tpu.memory_space<vmem>>) offsets(%arg8 : memref<400xi32, #tpu.memory_space<vmem>>) semaphore(%arg14 : memref<!tpu.dma_semaphore, #tpu.memory_space<semaphore_mem>>)
      %dma_wait3A_41 = tpu.memref_slice %arg5[%multiple_of3A_32] : memref<320000xi32, #tpu.memory_space<hbm>> -> memref<400xi32, #tpu.memory_space<hbm>>
      %dma_wait3A_42 = tpu.memref_slice %arg5[%multiple_of3A_32] : memref<320000xi32, #tpu.memory_space<hbm>> -> memref<400xi32, #tpu.memory_space<hbm>>
      tpu.wait_dma2 semaphore(%arg13 : memref<!tpu.dma_semaphore, #tpu.memory_space<semaphore_mem>>) src(%dma_wait3A_42 : memref<400xi32, #tpu.memory_space<hbm>>) dst(%arg9 : memref<400xi32, #tpu.memory_space<vmem>>)
      %dma_start3A_43 = arith.constant 0 : i32
      %dma_start3A_44 = arith.constant 0 : i32
      %dma_start3A_45 = tpu.memref_slice %arg3[%dma_start3A_43, %dma_start3A_44] : memref<10000x128xf32, #tpu.memory_space<hbm>> -> memref<10000x128xf32, #tpu.memory_space<hbm>>
      tpu.enqueue_indirect_dma source(%dma_start3A_45 : memref<10000x128xf32, #tpu.memory_space<hbm>>) target(%arg11 : memref<400x128xf32, #tpu.memory_space<vmem>>) offsets(%arg9 : memref<400xi32, #tpu.memory_space<vmem>>) semaphore(%arg15 : memref<!tpu.dma_semaphore, #tpu.memory_space<semaphore_mem>>)
      %dma_wait3A_46 = arith.constant 0 : i32
      %dma_wait3A_47 = arith.constant 0 : i32
      %dma_wait3A_48 = tpu.memref_slice %arg2[%dma_wait3A_46, %dma_wait3A_47] : memref<10000x128xf32, #tpu.memory_space<hbm>> -> memref<10000x128xf32, #tpu.memory_space<hbm>>
      tpu.wait_indirect_dma semaphore(%arg14 : memref<!tpu.dma_semaphore, #tpu.memory_space<semaphore_mem>>) src(%dma_wait3A_48 : memref<10000x128xf32, #tpu.memory_space<hbm>>) dst(%arg10 : memref<400x128xf32, #tpu.memory_space<vmem>>)
      %dma_start3A_49 = arith.constant 0 : i32
      %dma_start3A_50 = tpu.memref_slice %arg6[%multiple_of3A_28, %dma_start3A_49] : memref<320000x128xf32, #tpu.memory_space<hbm>> -> memref<400x128xf32, #tpu.memory_space<hbm>>
      %dma_start3A_51 = arith.constant 0 : i32
      %dma_start3A_52 = tpu.memref_slice %arg6[%multiple_of3A_28, %dma_start3A_51] : memref<320000x128xf32, #tpu.memory_space<hbm>> -> memref<400x128xf32, #tpu.memory_space<hbm>>
      tpu.enqueue_dma source(%arg10 : memref<400x128xf32, #tpu.memory_space<vmem>>) target(%dma_start3A_52 : memref<400x128xf32, #tpu.memory_space<hbm>>) target_semaphore(%arg16 : memref<!tpu.dma_semaphore, #tpu.memory_space<semaphore_mem>>)
      %dma_wait3A_53 = arith.constant 0 : i32
      %dma_wait3A_54 = arith.constant 0 : i32
      %dma_wait3A_55 = tpu.memref_slice %arg3[%dma_wait3A_53, %dma_wait3A_54] : memref<10000x128xf32, #tpu.memory_space<hbm>> -> memref<10000x128xf32, #tpu.memory_space<hbm>>
      tpu.wait_indirect_dma semaphore(%arg15 : memref<!tpu.dma_semaphore, #tpu.memory_space<semaphore_mem>>) src(%dma_wait3A_55 : memref<10000x128xf32, #tpu.memory_space<hbm>>) dst(%arg11 : memref<400x128xf32, #tpu.memory_space<vmem>>)
      %dma_start3A_56 = arith.constant 0 : i32
      %dma_start3A_57 = tpu.memref_slice %arg7[%multiple_of3A_28, %dma_start3A_56] : memref<320000x128xf32, #tpu.memory_space<hbm>> -> memref<400x128xf32, #tpu.memory_space<hbm>>
      %dma_start3A_58 = arith.constant 0 : i32
      %dma_start3A_59 = tpu.memref_slice %arg7[%multiple_of3A_28, %dma_start3A_58] : memref<320000x128xf32, #tpu.memory_space<hbm>> -> memref<400x128xf32, #tpu.memory_space<hbm>>
      tpu.enqueue_dma source(%arg11 : memref<400x128xf32, #tpu.memory_space<vmem>>) target(%dma_start3A_59 : memref<400x128xf32, #tpu.memory_space<hbm>>) target_semaphore(%arg17 : memref<!tpu.dma_semaphore, #tpu.memory_space<semaphore_mem>>)
      %scan3A_60 = arith.constant 0 : i32
      scf.yield %scan3A_60 : i32
    }
    %scan3A_13 = arith.constant 25 : i32
    %dma_wait3A = arith.constant 0 : i32
    %dma_wait3A_14 = tpu.memref_slice %arg6[%multiple_of3A, %dma_wait3A] : memref<320000x128xf32, #tpu.memory_space<hbm>> -> memref<400x128xf32, #tpu.memory_space<hbm>>
    %dma_wait3A_15 = arith.constant 0 : i32
    %dma_wait3A_16 = tpu.memref_slice %arg6[%multiple_of3A, %dma_wait3A_15] : memref<320000x128xf32, #tpu.memory_space<hbm>> -> memref<400x128xf32, #tpu.memory_space<hbm>>
    tpu.wait_dma2 semaphore(%arg16 : memref<!tpu.dma_semaphore, #tpu.memory_space<semaphore_mem>>) src(%arg10 : memref<400x128xf32, #tpu.memory_space<vmem>>) dst(%dma_wait3A_16 : memref<400x128xf32, #tpu.memory_space<hbm>>)
    %dma_wait3A_17 = arith.constant 0 : i32
    %dma_wait3A_18 = tpu.memref_slice %arg7[%multiple_of3A, %dma_wait3A_17] : memref<320000x128xf32, #tpu.memory_space<hbm>> -> memref<400x128xf32, #tpu.memory_space<hbm>>
    %dma_wait3A_19 = arith.constant 0 : i32
    %dma_wait3A_20 = tpu.memref_slice %arg7[%multiple_of3A, %dma_wait3A_19] : memref<320000x128xf32, #tpu.memory_space<hbm>> -> memref<400x128xf32, #tpu.memory_space<hbm>>
    tpu.wait_dma2 semaphore(%arg17 : memref<!tpu.dma_semaphore, #tpu.memory_space<semaphore_mem>>) src(%arg11 : memref<400x128xf32, #tpu.memory_space<vmem>>) dst(%dma_wait3A_20 : memref<400x128xf32, #tpu.memory_space<hbm>>)
    return
  }
}

#map = affine_map<(d0, d1) -> (0, 0)>
#map1 = affine_map<(d0, d1) -> (0)>
#map2 = affine_map<(d0, d1) -> (0, 0, 0)>
module attributes {stable_mosaic.version = 14 : i64} {
  func.func @scatter_k(%arg0: i32, %arg1: i32, %arg2: memref<320000x128xf32, #tpu.memory_space<hbm>>, %arg3: memref<320000xi32, #tpu.memory_space<hbm>>, %arg4: memref<80x128xf32, #tpu.memory_space<hbm>>, %arg5: memref<2x10000x128xf32, #tpu.memory_space<hbm>>, %arg6: memref<10000x128xf32, #tpu.memory_space<vmem_shared>>, %arg7: memref<80xi32, #tpu.memory_space<vmem>>, %arg8: memref<80xi32, #tpu.memory_space<vmem>>, %arg9: memref<80x128xf32, #tpu.memory_space<vmem>>, %arg10: memref<80x128xf32, #tpu.memory_space<vmem>>, %arg11: memref<!tpu.dma_semaphore, #tpu.memory_space<semaphore_mem>>, %arg12: memref<!tpu.dma_semaphore, #tpu.memory_space<semaphore_mem>>, %arg13: memref<!tpu.dma_semaphore, #tpu.memory_space<semaphore_mem>>, %arg14: memref<!tpu.dma_semaphore, #tpu.memory_space<semaphore_mem>>, %arg15: memref<!tpu.dma_semaphore, #tpu.memory_space<semaphore_mem>>, %arg16: memref<!tpu.dma_semaphore, #tpu.memory_space<semaphore_mem>>) attributes {dimension_semantics = [#tpu.dimension_semantics<core_parallel>, #tpu.dimension_semantics<subcore_parallel>], iteration_bounds = array<i64: 2, 16>, scalar_prefetch = 0 : i64, scratch_operands = 11 : i64, tpu.core_type = #tpu.core_type<sc_vector_subcore>, window_params = [{transform_indices = #map}, {transform_indices = #map1}, {transform_indices = #map}, {transform_indices = #map2}]} {
    %mul3A = arith.constant 2 : i32
    %mul3A_0 = arith.muli %arg1, %mul3A : i32
    %add3A = arith.addi %mul3A_0, %arg0 : i32
    %mul3A_1 = arith.constant 624 : i32
    %mul3A_2 = arith.muli %arg1, %mul3A_1 : i32
    %multiple_of3A = tpu.assume_multiple %mul3A_2, 8 : i32
    "tpu.region"() ({
      %run_scoped3A = tpu.sem_alloc : memref<!tpu.dma_semaphore, #tpu.memory_space<semaphore_mem>>
      tpu.enqueue_dma source(%arg4 : memref<80x128xf32, #tpu.memory_space<hbm>>) target(%arg9 : memref<80x128xf32, #tpu.memory_space<vmem>>) target_semaphore(%run_scoped3A : memref<!tpu.dma_semaphore, #tpu.memory_space<semaphore_mem>>)
      tpu.wait_dma2 semaphore(%run_scoped3A : memref<!tpu.dma_semaphore, #tpu.memory_space<semaphore_mem>>) src(%arg4 : memref<80x128xf32, #tpu.memory_space<hbm>>) dst(%arg9 : memref<80x128xf32, #tpu.memory_space<vmem>>)
      tpu.yield
    }) : () -> ()
    %add3A_3 = arith.constant 0 : i32
    %add3A_4 = arith.addi %multiple_of3A, %add3A_3 : i32
    "tpu.region"() ({
      %run_scoped3A = tpu.sem_alloc : memref<!tpu.dma_semaphore, #tpu.memory_space<semaphore_mem>>
      %dma_start3A = arith.constant 0 : i32
      %dma_start3A_84 = arith.constant 0 : i32
      %dma_start3A_85 = tpu.memref_slice %arg9[%dma_start3A, %dma_start3A_84] : memref<80x128xf32, #tpu.memory_space<vmem>> -> memref<80x128xf32, #tpu.memory_space<vmem>>
      %dma_start3A_86 = arith.constant 0 : i32
      %dma_start3A_87 = tpu.memref_slice %arg6[%add3A_4, %dma_start3A_86] : memref<10000x128xf32, #tpu.memory_space<vmem_shared>> -> memref<80x128xf32, #tpu.memory_space<vmem_shared>>
      %dma_start3A_88 = arith.constant 0 : i32
      %dma_start3A_89 = tpu.memref_slice %arg6[%add3A_4, %dma_start3A_88] : memref<10000x128xf32, #tpu.memory_space<vmem_shared>> -> memref<80x128xf32, #tpu.memory_space<vmem_shared>>
      %dma_start3A_90 = arith.constant 0 : i32
      %dma_start3A_91 = arith.constant 0 : i32
      %dma_start3A_92 = tpu.memref_slice %arg9[%dma_start3A_90, %dma_start3A_91] : memref<80x128xf32, #tpu.memory_space<vmem>> -> memref<80x128xf32, #tpu.memory_space<vmem>>
      tpu.enqueue_dma source(%dma_start3A_92 : memref<80x128xf32, #tpu.memory_space<vmem>>) target(%dma_start3A_89 : memref<80x128xf32, #tpu.memory_space<vmem_shared>>) target_semaphore(%run_scoped3A : memref<!tpu.dma_semaphore, #tpu.memory_space<semaphore_mem>>)
      %dma_wait3A_93 = arith.constant 0 : i32
      %dma_wait3A_94 = arith.constant 0 : i32
      %dma_wait3A_95 = tpu.memref_slice %arg9[%dma_wait3A_93, %dma_wait3A_94] : memref<80x128xf32, #tpu.memory_space<vmem>> -> memref<80x128xf32, #tpu.memory_space<vmem>>
      %dma_wait3A_96 = arith.constant 0 : i32
      %dma_wait3A_97 = tpu.memref_slice %arg6[%add3A_4, %dma_wait3A_96] : memref<10000x128xf32, #tpu.memory_space<vmem_shared>> -> memref<80x128xf32, #tpu.memory_space<vmem_shared>>
      %dma_wait3A_98 = arith.constant 0 : i32
      %dma_wait3A_99 = tpu.memref_slice %arg6[%add3A_4, %dma_wait3A_98] : memref<10000x128xf32, #tpu.memory_space<vmem_shared>> -> memref<80x128xf32, #tpu.memory_space<vmem_shared>>
      %dma_wait3A_100 = arith.constant 0 : i32
      %dma_wait3A_101 = arith.constant 0 : i32
      %dma_wait3A_102 = tpu.memref_slice %arg9[%dma_wait3A_100, %dma_wait3A_101] : memref<80x128xf32, #tpu.memory_space<vmem>> -> memref<80x128xf32, #tpu.memory_space<vmem>>
      tpu.wait_dma2 semaphore(%run_scoped3A : memref<!tpu.dma_semaphore, #tpu.memory_space<semaphore_mem>>) src(%dma_wait3A_102 : memref<80x128xf32, #tpu.memory_space<vmem>>) dst(%dma_wait3A_99 : memref<80x128xf32, #tpu.memory_space<vmem_shared>>)
      tpu.yield
    }) : () -> ()
    %add3A_5 = arith.constant 80 : i32
    %add3A_6 = arith.addi %multiple_of3A, %add3A_5 : i32
    "tpu.region"() ({
      %run_scoped3A = tpu.sem_alloc : memref<!tpu.dma_semaphore, #tpu.memory_space<semaphore_mem>>
      %dma_start3A = arith.constant 0 : i32
      %dma_start3A_84 = arith.constant 0 : i32
      %dma_start3A_85 = tpu.memref_slice %arg9[%dma_start3A, %dma_start3A_84] : memref<80x128xf32, #tpu.memory_space<vmem>> -> memref<80x128xf32, #tpu.memory_space<vmem>>
      %dma_start3A_86 = arith.constant 0 : i32
      %dma_start3A_87 = tpu.memref_slice %arg6[%add3A_6, %dma_start3A_86] : memref<10000x128xf32, #tpu.memory_space<vmem_shared>> -> memref<80x128xf32, #tpu.memory_space<vmem_shared>>
      %dma_start3A_88 = arith.constant 0 : i32
      %dma_start3A_89 = tpu.memref_slice %arg6[%add3A_6, %dma_start3A_88] : memref<10000x128xf32, #tpu.memory_space<vmem_shared>> -> memref<80x128xf32, #tpu.memory_space<vmem_shared>>
      %dma_start3A_90 = arith.constant 0 : i32
      %dma_start3A_91 = arith.constant 0 : i32
      %dma_start3A_92 = tpu.memref_slice %arg9[%dma_start3A_90, %dma_start3A_91] : memref<80x128xf32, #tpu.memory_space<vmem>> -> memref<80x128xf32, #tpu.memory_space<vmem>>
      tpu.enqueue_dma source(%dma_start3A_92 : memref<80x128xf32, #tpu.memory_space<vmem>>) target(%dma_start3A_89 : memref<80x128xf32, #tpu.memory_space<vmem_shared>>) target_semaphore(%run_scoped3A : memref<!tpu.dma_semaphore, #tpu.memory_space<semaphore_mem>>)
      %dma_wait3A_93 = arith.constant 0 : i32
      %dma_wait3A_94 = arith.constant 0 : i32
      %dma_wait3A_95 = tpu.memref_slice %arg9[%dma_wait3A_93, %dma_wait3A_94] : memref<80x128xf32, #tpu.memory_space<vmem>> -> memref<80x128xf32, #tpu.memory_space<vmem>>
      %dma_wait3A_96 = arith.constant 0 : i32
      %dma_wait3A_97 = tpu.memref_slice %arg6[%add3A_6, %dma_wait3A_96] : memref<10000x128xf32, #tpu.memory_space<vmem_shared>> -> memref<80x128xf32, #tpu.memory_space<vmem_shared>>
      %dma_wait3A_98 = arith.constant 0 : i32
      %dma_wait3A_99 = tpu.memref_slice %arg6[%add3A_6, %dma_wait3A_98] : memref<10000x128xf32, #tpu.memory_space<vmem_shared>> -> memref<80x128xf32, #tpu.memory_space<vmem_shared>>
      %dma_wait3A_100 = arith.constant 0 : i32
      %dma_wait3A_101 = arith.constant 0 : i32
      %dma_wait3A_102 = tpu.memref_slice %arg9[%dma_wait3A_100, %dma_wait3A_101] : memref<80x128xf32, #tpu.memory_space<vmem>> -> memref<80x128xf32, #tpu.memory_space<vmem>>
      tpu.wait_dma2 semaphore(%run_scoped3A : memref<!tpu.dma_semaphore, #tpu.memory_space<semaphore_mem>>) src(%dma_wait3A_102 : memref<80x128xf32, #tpu.memory_space<vmem>>) dst(%dma_wait3A_99 : memref<80x128xf32, #tpu.memory_space<vmem_shared>>)
      tpu.yield
    }) : () -> ()
    %add3A_7 = arith.constant 160 : i32
    %add3A_8 = arith.addi %multiple_of3A, %add3A_7 : i32
    "tpu.region"() ({
      %run_scoped3A = tpu.sem_alloc : memref<!tpu.dma_semaphore, #tpu.memory_space<semaphore_mem>>
      %dma_start3A = arith.constant 0 : i32
      %dma_start3A_84 = arith.constant 0 : i32
      %dma_start3A_85 = tpu.memref_slice %arg9[%dma_start3A, %dma_start3A_84] : memref<80x128xf32, #tpu.memory_space<vmem>> -> memref<80x128xf32, #tpu.memory_space<vmem>>
      %dma_start3A_86 = arith.constant 0 : i32
      %dma_start3A_87 = tpu.memref_slice %arg6[%add3A_8, %dma_start3A_86] : memref<10000x128xf32, #tpu.memory_space<vmem_shared>> -> memref<80x128xf32, #tpu.memory_space<vmem_shared>>
      %dma_start3A_88 = arith.constant 0 : i32
      %dma_start3A_89 = tpu.memref_slice %arg6[%add3A_8, %dma_start3A_88] : memref<10000x128xf32, #tpu.memory_space<vmem_shared>> -> memref<80x128xf32, #tpu.memory_space<vmem_shared>>
      %dma_start3A_90 = arith.constant 0 : i32
      %dma_start3A_91 = arith.constant 0 : i32
      %dma_start3A_92 = tpu.memref_slice %arg9[%dma_start3A_90, %dma_start3A_91] : memref<80x128xf32, #tpu.memory_space<vmem>> -> memref<80x128xf32, #tpu.memory_space<vmem>>
      tpu.enqueue_dma source(%dma_start3A_92 : memref<80x128xf32, #tpu.memory_space<vmem>>) target(%dma_start3A_89 : memref<80x128xf32, #tpu.memory_space<vmem_shared>>) target_semaphore(%run_scoped3A : memref<!tpu.dma_semaphore, #tpu.memory_space<semaphore_mem>>)
      %dma_wait3A_93 = arith.constant 0 : i32
      %dma_wait3A_94 = arith.constant 0 : i32
      %dma_wait3A_95 = tpu.memref_slice %arg9[%dma_wait3A_93, %dma_wait3A_94] : memref<80x128xf32, #tpu.memory_space<vmem>> -> memref<80x128xf32, #tpu.memory_space<vmem>>
      %dma_wait3A_96 = arith.constant 0 : i32
      %dma_wait3A_97 = tpu.memref_slice %arg6[%add3A_8, %dma_wait3A_96] : memref<10000x128xf32, #tpu.memory_space<vmem_shared>> -> memref<80x128xf32, #tpu.memory_space<vmem_shared>>
      %dma_wait3A_98 = arith.constant 0 : i32
      %dma_wait3A_99 = tpu.memref_slice %arg6[%add3A_8, %dma_wait3A_98] : memref<10000x128xf32, #tpu.memory_space<vmem_shared>> -> memref<80x128xf32, #tpu.memory_space<vmem_shared>>
      %dma_wait3A_100 = arith.constant 0 : i32
      %dma_wait3A_101 = arith.constant 0 : i32
      %dma_wait3A_102 = tpu.memref_slice %arg9[%dma_wait3A_100, %dma_wait3A_101] : memref<80x128xf32, #tpu.memory_space<vmem>> -> memref<80x128xf32, #tpu.memory_space<vmem>>
      tpu.wait_dma2 semaphore(%run_scoped3A : memref<!tpu.dma_semaphore, #tpu.memory_space<semaphore_mem>>) src(%dma_wait3A_102 : memref<80x128xf32, #tpu.memory_space<vmem>>) dst(%dma_wait3A_99 : memref<80x128xf32, #tpu.memory_space<vmem_shared>>)
      tpu.yield
    }) : () -> ()
    %add3A_9 = arith.constant 240 : i32
    %add3A_10 = arith.addi %multiple_of3A, %add3A_9 : i32
    "tpu.region"() ({
      %run_scoped3A = tpu.sem_alloc : memref<!tpu.dma_semaphore, #tpu.memory_space<semaphore_mem>>
      %dma_start3A = arith.constant 0 : i32
      %dma_start3A_84 = arith.constant 0 : i32
      %dma_start3A_85 = tpu.memref_slice %arg9[%dma_start3A, %dma_start3A_84] : memref<80x128xf32, #tpu.memory_space<vmem>> -> memref<80x128xf32, #tpu.memory_space<vmem>>
      %dma_start3A_86 = arith.constant 0 : i32
      %dma_start3A_87 = tpu.memref_slice %arg6[%add3A_10, %dma_start3A_86] : memref<10000x128xf32, #tpu.memory_space<vmem_shared>> -> memref<80x128xf32, #tpu.memory_space<vmem_shared>>
      %dma_start3A_88 = arith.constant 0 : i32
      %dma_start3A_89 = tpu.memref_slice %arg6[%add3A_10, %dma_start3A_88] : memref<10000x128xf32, #tpu.memory_space<vmem_shared>> -> memref<80x128xf32, #tpu.memory_space<vmem_shared>>
      %dma_start3A_90 = arith.constant 0 : i32
      %dma_start3A_91 = arith.constant 0 : i32
      %dma_start3A_92 = tpu.memref_slice %arg9[%dma_start3A_90, %dma_start3A_91] : memref<80x128xf32, #tpu.memory_space<vmem>> -> memref<80x128xf32, #tpu.memory_space<vmem>>
      tpu.enqueue_dma source(%dma_start3A_92 : memref<80x128xf32, #tpu.memory_space<vmem>>) target(%dma_start3A_89 : memref<80x128xf32, #tpu.memory_space<vmem_shared>>) target_semaphore(%run_scoped3A : memref<!tpu.dma_semaphore, #tpu.memory_space<semaphore_mem>>)
      %dma_wait3A_93 = arith.constant 0 : i32
      %dma_wait3A_94 = arith.constant 0 : i32
      %dma_wait3A_95 = tpu.memref_slice %arg9[%dma_wait3A_93, %dma_wait3A_94] : memref<80x128xf32, #tpu.memory_space<vmem>> -> memref<80x128xf32, #tpu.memory_space<vmem>>
      %dma_wait3A_96 = arith.constant 0 : i32
      %dma_wait3A_97 = tpu.memref_slice %arg6[%add3A_10, %dma_wait3A_96] : memref<10000x128xf32, #tpu.memory_space<vmem_shared>> -> memref<80x128xf32, #tpu.memory_space<vmem_shared>>
      %dma_wait3A_98 = arith.constant 0 : i32
      %dma_wait3A_99 = tpu.memref_slice %arg6[%add3A_10, %dma_wait3A_98] : memref<10000x128xf32, #tpu.memory_space<vmem_shared>> -> memref<80x128xf32, #tpu.memory_space<vmem_shared>>
      %dma_wait3A_100 = arith.constant 0 : i32
      %dma_wait3A_101 = arith.constant 0 : i32
      %dma_wait3A_102 = tpu.memref_slice %arg9[%dma_wait3A_100, %dma_wait3A_101] : memref<80x128xf32, #tpu.memory_space<vmem>> -> memref<80x128xf32, #tpu.memory_space<vmem>>
      tpu.wait_dma2 semaphore(%run_scoped3A : memref<!tpu.dma_semaphore, #tpu.memory_space<semaphore_mem>>) src(%dma_wait3A_102 : memref<80x128xf32, #tpu.memory_space<vmem>>) dst(%dma_wait3A_99 : memref<80x128xf32, #tpu.memory_space<vmem_shared>>)
      tpu.yield
    }) : () -> ()
    %add3A_11 = arith.constant 320 : i32
    %add3A_12 = arith.addi %multiple_of3A, %add3A_11 : i32
    "tpu.region"() ({
      %run_scoped3A = tpu.sem_alloc : memref<!tpu.dma_semaphore, #tpu.memory_space<semaphore_mem>>
      %dma_start3A = arith.constant 0 : i32
      %dma_start3A_84 = arith.constant 0 : i32
      %dma_start3A_85 = tpu.memref_slice %arg9[%dma_start3A, %dma_start3A_84] : memref<80x128xf32, #tpu.memory_space<vmem>> -> memref<80x128xf32, #tpu.memory_space<vmem>>
      %dma_start3A_86 = arith.constant 0 : i32
      %dma_start3A_87 = tpu.memref_slice %arg6[%add3A_12, %dma_start3A_86] : memref<10000x128xf32, #tpu.memory_space<vmem_shared>> -> memref<80x128xf32, #tpu.memory_space<vmem_shared>>
      %dma_start3A_88 = arith.constant 0 : i32
      %dma_start3A_89 = tpu.memref_slice %arg6[%add3A_12, %dma_start3A_88] : memref<10000x128xf32, #tpu.memory_space<vmem_shared>> -> memref<80x128xf32, #tpu.memory_space<vmem_shared>>
      %dma_start3A_90 = arith.constant 0 : i32
      %dma_start3A_91 = arith.constant 0 : i32
      %dma_start3A_92 = tpu.memref_slice %arg9[%dma_start3A_90, %dma_start3A_91] : memref<80x128xf32, #tpu.memory_space<vmem>> -> memref<80x128xf32, #tpu.memory_space<vmem>>
      tpu.enqueue_dma source(%dma_start3A_92 : memref<80x128xf32, #tpu.memory_space<vmem>>) target(%dma_start3A_89 : memref<80x128xf32, #tpu.memory_space<vmem_shared>>) target_semaphore(%run_scoped3A : memref<!tpu.dma_semaphore, #tpu.memory_space<semaphore_mem>>)
      %dma_wait3A_93 = arith.constant 0 : i32
      %dma_wait3A_94 = arith.constant 0 : i32
      %dma_wait3A_95 = tpu.memref_slice %arg9[%dma_wait3A_93, %dma_wait3A_94] : memref<80x128xf32, #tpu.memory_space<vmem>> -> memref<80x128xf32, #tpu.memory_space<vmem>>
      %dma_wait3A_96 = arith.constant 0 : i32
      %dma_wait3A_97 = tpu.memref_slice %arg6[%add3A_12, %dma_wait3A_96] : memref<10000x128xf32, #tpu.memory_space<vmem_shared>> -> memref<80x128xf32, #tpu.memory_space<vmem_shared>>
      %dma_wait3A_98 = arith.constant 0 : i32
      %dma_wait3A_99 = tpu.memref_slice %arg6[%add3A_12, %dma_wait3A_98] : memref<10000x128xf32, #tpu.memory_space<vmem_shared>> -> memref<80x128xf32, #tpu.memory_space<vmem_shared>>
      %dma_wait3A_100 = arith.constant 0 : i32
      %dma_wait3A_101 = arith.constant 0 : i32
      %dma_wait3A_102 = tpu.memref_slice %arg9[%dma_wait3A_100, %dma_wait3A_101] : memref<80x128xf32, #tpu.memory_space<vmem>> -> memref<80x128xf32, #tpu.memory_space<vmem>>
      tpu.wait_dma2 semaphore(%run_scoped3A : memref<!tpu.dma_semaphore, #tpu.memory_space<semaphore_mem>>) src(%dma_wait3A_102 : memref<80x128xf32, #tpu.memory_space<vmem>>) dst(%dma_wait3A_99 : memref<80x128xf32, #tpu.memory_space<vmem_shared>>)
      tpu.yield
    }) : () -> ()
    %add3A_13 = arith.constant 400 : i32
    %add3A_14 = arith.addi %multiple_of3A, %add3A_13 : i32
    "tpu.region"() ({
      %run_scoped3A = tpu.sem_alloc : memref<!tpu.dma_semaphore, #tpu.memory_space<semaphore_mem>>
      %dma_start3A = arith.constant 0 : i32
      %dma_start3A_84 = arith.constant 0 : i32
      %dma_start3A_85 = tpu.memref_slice %arg9[%dma_start3A, %dma_start3A_84] : memref<80x128xf32, #tpu.memory_space<vmem>> -> memref<80x128xf32, #tpu.memory_space<vmem>>
      %dma_start3A_86 = arith.constant 0 : i32
      %dma_start3A_87 = tpu.memref_slice %arg6[%add3A_14, %dma_start3A_86] : memref<10000x128xf32, #tpu.memory_space<vmem_shared>> -> memref<80x128xf32, #tpu.memory_space<vmem_shared>>
      %dma_start3A_88 = arith.constant 0 : i32
      %dma_start3A_89 = tpu.memref_slice %arg6[%add3A_14, %dma_start3A_88] : memref<10000x128xf32, #tpu.memory_space<vmem_shared>> -> memref<80x128xf32, #tpu.memory_space<vmem_shared>>
      %dma_start3A_90 = arith.constant 0 : i32
      %dma_start3A_91 = arith.constant 0 : i32
      %dma_start3A_92 = tpu.memref_slice %arg9[%dma_start3A_90, %dma_start3A_91] : memref<80x128xf32, #tpu.memory_space<vmem>> -> memref<80x128xf32, #tpu.memory_space<vmem>>
      tpu.enqueue_dma source(%dma_start3A_92 : memref<80x128xf32, #tpu.memory_space<vmem>>) target(%dma_start3A_89 : memref<80x128xf32, #tpu.memory_space<vmem_shared>>) target_semaphore(%run_scoped3A : memref<!tpu.dma_semaphore, #tpu.memory_space<semaphore_mem>>)
      %dma_wait3A_93 = arith.constant 0 : i32
      %dma_wait3A_94 = arith.constant 0 : i32
      %dma_wait3A_95 = tpu.memref_slice %arg9[%dma_wait3A_93, %dma_wait3A_94] : memref<80x128xf32, #tpu.memory_space<vmem>> -> memref<80x128xf32, #tpu.memory_space<vmem>>
      %dma_wait3A_96 = arith.constant 0 : i32
      %dma_wait3A_97 = tpu.memref_slice %arg6[%add3A_14, %dma_wait3A_96] : memref<10000x128xf32, #tpu.memory_space<vmem_shared>> -> memref<80x128xf32, #tpu.memory_space<vmem_shared>>
      %dma_wait3A_98 = arith.constant 0 : i32
      %dma_wait3A_99 = tpu.memref_slice %arg6[%add3A_14, %dma_wait3A_98] : memref<10000x128xf32, #tpu.memory_space<vmem_shared>> -> memref<80x128xf32, #tpu.memory_space<vmem_shared>>
      %dma_wait3A_100 = arith.constant 0 : i32
      %dma_wait3A_101 = arith.constant 0 : i32
      %dma_wait3A_102 = tpu.memref_slice %arg9[%dma_wait3A_100, %dma_wait3A_101] : memref<80x128xf32, #tpu.memory_space<vmem>> -> memref<80x128xf32, #tpu.memory_space<vmem>>
      tpu.wait_dma2 semaphore(%run_scoped3A : memref<!tpu.dma_semaphore, #tpu.memory_space<semaphore_mem>>) src(%dma_wait3A_102 : memref<80x128xf32, #tpu.memory_space<vmem>>) dst(%dma_wait3A_99 : memref<80x128xf32, #tpu.memory_space<vmem_shared>>)
      tpu.yield
    }) : () -> ()
    %add3A_15 = arith.constant 480 : i32
    %add3A_16 = arith.addi %multiple_of3A, %add3A_15 : i32
    "tpu.region"() ({
      %run_scoped3A = tpu.sem_alloc : memref<!tpu.dma_semaphore, #tpu.memory_space<semaphore_mem>>
      %dma_start3A = arith.constant 0 : i32
      %dma_start3A_84 = arith.constant 0 : i32
      %dma_start3A_85 = tpu.memref_slice %arg9[%dma_start3A, %dma_start3A_84] : memref<80x128xf32, #tpu.memory_space<vmem>> -> memref<80x128xf32, #tpu.memory_space<vmem>>
      %dma_start3A_86 = arith.constant 0 : i32
      %dma_start3A_87 = tpu.memref_slice %arg6[%add3A_16, %dma_start3A_86] : memref<10000x128xf32, #tpu.memory_space<vmem_shared>> -> memref<80x128xf32, #tpu.memory_space<vmem_shared>>
      %dma_start3A_88 = arith.constant 0 : i32
      %dma_start3A_89 = tpu.memref_slice %arg6[%add3A_16, %dma_start3A_88] : memref<10000x128xf32, #tpu.memory_space<vmem_shared>> -> memref<80x128xf32, #tpu.memory_space<vmem_shared>>
      %dma_start3A_90 = arith.constant 0 : i32
      %dma_start3A_91 = arith.constant 0 : i32
      %dma_start3A_92 = tpu.memref_slice %arg9[%dma_start3A_90, %dma_start3A_91] : memref<80x128xf32, #tpu.memory_space<vmem>> -> memref<80x128xf32, #tpu.memory_space<vmem>>
      tpu.enqueue_dma source(%dma_start3A_92 : memref<80x128xf32, #tpu.memory_space<vmem>>) target(%dma_start3A_89 : memref<80x128xf32, #tpu.memory_space<vmem_shared>>) target_semaphore(%run_scoped3A : memref<!tpu.dma_semaphore, #tpu.memory_space<semaphore_mem>>)
      %dma_wait3A_93 = arith.constant 0 : i32
      %dma_wait3A_94 = arith.constant 0 : i32
      %dma_wait3A_95 = tpu.memref_slice %arg9[%dma_wait3A_93, %dma_wait3A_94] : memref<80x128xf32, #tpu.memory_space<vmem>> -> memref<80x128xf32, #tpu.memory_space<vmem>>
      %dma_wait3A_96 = arith.constant 0 : i32
      %dma_wait3A_97 = tpu.memref_slice %arg6[%add3A_16, %dma_wait3A_96] : memref<10000x128xf32, #tpu.memory_space<vmem_shared>> -> memref<80x128xf32, #tpu.memory_space<vmem_shared>>
      %dma_wait3A_98 = arith.constant 0 : i32
      %dma_wait3A_99 = tpu.memref_slice %arg6[%add3A_16, %dma_wait3A_98] : memref<10000x128xf32, #tpu.memory_space<vmem_shared>> -> memref<80x128xf32, #tpu.memory_space<vmem_shared>>
      %dma_wait3A_100 = arith.constant 0 : i32
      %dma_wait3A_101 = arith.constant 0 : i32
      %dma_wait3A_102 = tpu.memref_slice %arg9[%dma_wait3A_100, %dma_wait3A_101] : memref<80x128xf32, #tpu.memory_space<vmem>> -> memref<80x128xf32, #tpu.memory_space<vmem>>
      tpu.wait_dma2 semaphore(%run_scoped3A : memref<!tpu.dma_semaphore, #tpu.memory_space<semaphore_mem>>) src(%dma_wait3A_102 : memref<80x128xf32, #tpu.memory_space<vmem>>) dst(%dma_wait3A_99 : memref<80x128xf32, #tpu.memory_space<vmem_shared>>)
      tpu.yield
    }) : () -> ()
    %add3A_17 = arith.constant 560 : i32
    %add3A_18 = arith.addi %multiple_of3A, %add3A_17 : i32
    "tpu.region"() ({
      %run_scoped3A = tpu.sem_alloc : memref<!tpu.dma_semaphore, #tpu.memory_space<semaphore_mem>>
      %dma_start3A = arith.constant 0 : i32
      %dma_start3A_84 = arith.constant 0 : i32
      %dma_start3A_85 = tpu.memref_slice %arg9[%dma_start3A, %dma_start3A_84] : memref<80x128xf32, #tpu.memory_space<vmem>> -> memref<64x128xf32, #tpu.memory_space<vmem>>
      %dma_start3A_86 = arith.constant 0 : i32
      %dma_start3A_87 = tpu.memref_slice %arg6[%add3A_18, %dma_start3A_86] : memref<10000x128xf32, #tpu.memory_space<vmem_shared>> -> memref<64x128xf32, #tpu.memory_space<vmem_shared>>
      %dma_start3A_88 = arith.constant 0 : i32
      %dma_start3A_89 = tpu.memref_slice %arg6[%add3A_18, %dma_start3A_88] : memref<10000x128xf32, #tpu.memory_space<vmem_shared>> -> memref<64x128xf32, #tpu.memory_space<vmem_shared>>
      %dma_start3A_90 = arith.constant 0 : i32
      %dma_start3A_91 = arith.constant 0 : i32
      %dma_start3A_92 = tpu.memref_slice %arg9[%dma_start3A_90, %dma_start3A_91] : memref<80x128xf32, #tpu.memory_space<vmem>> -> memref<64x128xf32, #tpu.memory_space<vmem>>
      tpu.enqueue_dma source(%dma_start3A_92 : memref<64x128xf32, #tpu.memory_space<vmem>>) target(%dma_start3A_89 : memref<64x128xf32, #tpu.memory_space<vmem_shared>>) target_semaphore(%run_scoped3A : memref<!tpu.dma_semaphore, #tpu.memory_space<semaphore_mem>>)
      %dma_wait3A_93 = arith.constant 0 : i32
      %dma_wait3A_94 = arith.constant 0 : i32
      %dma_wait3A_95 = tpu.memref_slice %arg9[%dma_wait3A_93, %dma_wait3A_94] : memref<80x128xf32, #tpu.memory_space<vmem>> -> memref<64x128xf32, #tpu.memory_space<vmem>>
      %dma_wait3A_96 = arith.constant 0 : i32
      %dma_wait3A_97 = tpu.memref_slice %arg6[%add3A_18, %dma_wait3A_96] : memref<10000x128xf32, #tpu.memory_space<vmem_shared>> -> memref<64x128xf32, #tpu.memory_space<vmem_shared>>
      %dma_wait3A_98 = arith.constant 0 : i32
      %dma_wait3A_99 = tpu.memref_slice %arg6[%add3A_18, %dma_wait3A_98] : memref<10000x128xf32, #tpu.memory_space<vmem_shared>> -> memref<64x128xf32, #tpu.memory_space<vmem_shared>>
      %dma_wait3A_100 = arith.constant 0 : i32
      %dma_wait3A_101 = arith.constant 0 : i32
      %dma_wait3A_102 = tpu.memref_slice %arg9[%dma_wait3A_100, %dma_wait3A_101] : memref<80x128xf32, #tpu.memory_space<vmem>> -> memref<64x128xf32, #tpu.memory_space<vmem>>
      tpu.wait_dma2 semaphore(%run_scoped3A : memref<!tpu.dma_semaphore, #tpu.memory_space<semaphore_mem>>) src(%dma_wait3A_102 : memref<64x128xf32, #tpu.memory_space<vmem>>) dst(%dma_wait3A_99 : memref<64x128xf32, #tpu.memory_space<vmem_shared>>)
      tpu.yield
    }) : () -> ()
    %eq3A = arith.constant 15 : i32
    %eq3A_19 = arith.cmpi eq, %arg1, %eq3A : i32
    %convert_element_type3A = arith.extui %eq3A_19 : i1 to i32
    %cond3A = arith.constant 0 : i32
    %cond3A_20 = arith.cmpi ne, %convert_element_type3A, %cond3A : i32
    scf.if %cond3A_20 {
      "tpu.region"() ({
        %run_scoped3A = tpu.sem_alloc : memref<!tpu.dma_semaphore, #tpu.memory_space<semaphore_mem>>
        %dma_start3A = arith.constant 0 : i32
        %dma_start3A_84 = arith.constant 0 : i32
        %dma_start3A_85 = tpu.memref_slice %arg9[%dma_start3A, %dma_start3A_84] : memref<80x128xf32, #tpu.memory_space<vmem>> -> memref<16x128xf32, #tpu.memory_space<vmem>>
        %dma_start3A_86 = arith.constant 9984 : i32
        %dma_start3A_87 = arith.constant 0 : i32
        %dma_start3A_88 = tpu.memref_slice %arg6[%dma_start3A_86, %dma_start3A_87] : memref<10000x128xf32, #tpu.memory_space<vmem_shared>> -> memref<16x128xf32, #tpu.memory_space<vmem_shared>>
        %dma_start3A_89 = arith.constant 9984 : i32
        %dma_start3A_90 = arith.constant 0 : i32
        %dma_start3A_91 = tpu.memref_slice %arg6[%dma_start3A_89, %dma_start3A_90] : memref<10000x128xf32, #tpu.memory_space<vmem_shared>> -> memref<16x128xf32, #tpu.memory_space<vmem_shared>>
        %dma_start3A_92 = arith.constant 0 : i32
        %dma_start3A_93 = arith.constant 0 : i32
        %dma_start3A_94 = tpu.memref_slice %arg9[%dma_start3A_92, %dma_start3A_93] : memref<80x128xf32, #tpu.memory_space<vmem>> -> memref<16x128xf32, #tpu.memory_space<vmem>>
        tpu.enqueue_dma source(%dma_start3A_94 : memref<16x128xf32, #tpu.memory_space<vmem>>) target(%dma_start3A_91 : memref<16x128xf32, #tpu.memory_space<vmem_shared>>) target_semaphore(%run_scoped3A : memref<!tpu.dma_semaphore, #tpu.memory_space<semaphore_mem>>)
        %dma_wait3A_95 = arith.constant 0 : i32
        %dma_wait3A_96 = arith.constant 0 : i32
        %dma_wait3A_97 = tpu.memref_slice %arg9[%dma_wait3A_95, %dma_wait3A_96] : memref<80x128xf32, #tpu.memory_space<vmem>> -> memref<16x128xf32, #tpu.memory_space<vmem>>
        %dma_wait3A_98 = arith.constant 9984 : i32
        %dma_wait3A_99 = arith.constant 0 : i32
        %dma_wait3A_100 = tpu.memref_slice %arg6[%dma_wait3A_98, %dma_wait3A_99] : memref<10000x128xf32, #tpu.memory_space<vmem_shared>> -> memref<16x128xf32, #tpu.memory_space<vmem_shared>>
        %dma_wait3A_101 = arith.constant 9984 : i32
        %dma_wait3A_102 = arith.constant 0 : i32
        %dma_wait3A_103 = tpu.memref_slice %arg6[%dma_wait3A_101, %dma_wait3A_102] : memref<10000x128xf32, #tpu.memory_space<vmem_shared>> -> memref<16x128xf32, #tpu.memory_space<vmem_shared>>
        %dma_wait3A_104 = arith.constant 0 : i32
        %dma_wait3A_105 = arith.constant 0 : i32
        %dma_wait3A_106 = tpu.memref_slice %arg9[%dma_wait3A_104, %dma_wait3A_105] : memref<80x128xf32, #tpu.memory_space<vmem>> -> memref<16x128xf32, #tpu.memory_space<vmem>>
        tpu.wait_dma2 semaphore(%run_scoped3A : memref<!tpu.dma_semaphore, #tpu.memory_space<semaphore_mem>>) src(%dma_wait3A_106 : memref<16x128xf32, #tpu.memory_space<vmem>>) dst(%dma_wait3A_103 : memref<16x128xf32, #tpu.memory_space<vmem_shared>>)
        tpu.yield
      }) : () -> ()
    } else {
    }
    %barrier3A = arith.constant 0 : index
    tpu.barrier barrier_id(%barrier3A)
    %mul3A_21 = arith.constant 10000 : i32
    %mul3A_22 = arith.muli %add3A, %mul3A_21 : i32
    %multiple_of3A_23 = tpu.assume_multiple %mul3A_22, 8 : i32
    %mul3A_24 = arith.constant 10000 : i32
    %mul3A_25 = arith.muli %add3A, %mul3A_24 : i32
    %add3A_26 = arith.constant 0 : i32
    %add3A_27 = arith.addi %add3A_26, %mul3A_25 : i32
    %multiple_of3A_28 = tpu.assume_multiple %add3A_27, 8 : i32
    %scan3A = arith.constant 0 : i32
    %scan3A_29 = arith.constant 0 : i32
    %scan3A_30 = arith.constant 62 : i32
    %scan3A_31 = arith.addi %scan3A_29, %scan3A_30 : i32
    %scan3A_32 = arith.constant 1 : i32
    %scan3A_33 = scf.for %scan3A_84 = %scan3A_29 to %scan3A_31 step %scan3A_32 iter_args(%scan3A_85 = %scan3A) -> (i32)  : i32 {
      %gt3A = arith.constant 0 : i32
      %gt3A_86 = arith.cmpi sgt, %scan3A_84, %gt3A : i32
      %convert_element_type3A_87 = arith.extui %gt3A_86 : i1 to i32
      %cond3A_88 = arith.constant 0 : i32
      %cond3A_89 = arith.cmpi ne, %convert_element_type3A_87, %cond3A_88 : i32
      scf.if %cond3A_89 {
        %dma_wait3A_148 = arith.constant 0 : i32
        %dma_wait3A_149 = arith.constant 0 : i32
        %dma_wait3A_150 = tpu.memref_slice %arg6[%dma_wait3A_148, %dma_wait3A_149] : memref<10000x128xf32, #tpu.memory_space<vmem_shared>> -> memref<10000x128xf32, #tpu.memory_space<vmem_shared>>
        tpu.wait_indirect_dma semaphore(%arg15 : memref<!tpu.dma_semaphore, #tpu.memory_space<semaphore_mem>>) src(%arg9 : memref<80x128xf32, #tpu.memory_space<vmem>>) dst(%dma_wait3A_150 : memref<10000x128xf32, #tpu.memory_space<vmem_shared>>)
        %dma_wait3A_151 = arith.constant 0 : i32
        %dma_wait3A_152 = arith.constant 0 : i32
        %dma_wait3A_153 = tpu.memref_slice %arg6[%dma_wait3A_151, %dma_wait3A_152] : memref<10000x128xf32, #tpu.memory_space<vmem_shared>> -> memref<10000x128xf32, #tpu.memory_space<vmem_shared>>
        tpu.wait_indirect_dma semaphore(%arg16 : memref<!tpu.dma_semaphore, #tpu.memory_space<semaphore_mem>>) src(%arg10 : memref<80x128xf32, #tpu.memory_space<vmem>>) dst(%dma_wait3A_153 : memref<10000x128xf32, #tpu.memory_space<vmem_shared>>)
      } else {
      }
      %mul3A_90 = arith.constant 2 : i32
      %mul3A_91 = arith.muli %mul3A_90, %scan3A_84 : i32
      %mul3A_92 = arith.constant 80 : i32
      %mul3A_93 = arith.muli %mul3A_91, %mul3A_92 : i32
      %add3A_94 = arith.addi %multiple_of3A_23, %mul3A_93 : i32
      %multiple_of3A_95 = tpu.assume_multiple %add3A_94, 8 : i32
      %mul3A_96 = arith.constant 2 : i32
      %mul3A_97 = arith.muli %mul3A_96, %scan3A_84 : i32
      %add3A_98 = arith.constant 1 : i32
      %add3A_99 = arith.addi %mul3A_97, %add3A_98 : i32
      %mul3A_100 = arith.constant 80 : i32
      %mul3A_101 = arith.muli %add3A_99, %mul3A_100 : i32
      %add3A_102 = arith.addi %multiple_of3A_23, %mul3A_101 : i32
      %multiple_of3A_103 = tpu.assume_multiple %add3A_102, 8 : i32
      %mul3A_104 = arith.constant 2 : i32
      %mul3A_105 = arith.muli %mul3A_104, %scan3A_84 : i32
      %mul3A_106 = arith.constant 80 : i32
      %mul3A_107 = arith.muli %mul3A_105, %mul3A_106 : i32
      %add3A_108 = arith.addi %multiple_of3A_28, %mul3A_107 : i32
      %multiple_of3A_109 = tpu.assume_multiple %add3A_108, 8 : i32
      %mul3A_110 = arith.constant 2 : i32
      %mul3A_111 = arith.muli %mul3A_110, %scan3A_84 : i32
      %add3A_112 = arith.constant 1 : i32
      %add3A_113 = arith.addi %mul3A_111, %add3A_112 : i32
      %mul3A_114 = arith.constant 80 : i32
      %mul3A_115 = arith.muli %add3A_113, %mul3A_114 : i32
      %add3A_116 = arith.addi %multiple_of3A_28, %mul3A_115 : i32
      %multiple_of3A_117 = tpu.assume_multiple %add3A_116, 8 : i32
      %dma_start3A = tpu.memref_slice %arg3[%multiple_of3A_109] : memref<320000xi32, #tpu.memory_space<hbm>> -> memref<80xi32, #tpu.memory_space<hbm>>
      %dma_start3A_118 = tpu.memref_slice %arg3[%multiple_of3A_109] : memref<320000xi32, #tpu.memory_space<hbm>> -> memref<80xi32, #tpu.memory_space<hbm>>
      tpu.enqueue_dma source(%dma_start3A_118 : memref<80xi32, #tpu.memory_space<hbm>>) target(%arg7 : memref<80xi32, #tpu.memory_space<vmem>>) target_semaphore(%arg11 : memref<!tpu.dma_semaphore, #tpu.memory_space<semaphore_mem>>)
      %dma_start3A_119 = arith.constant 0 : i32
      %dma_start3A_120 = tpu.memref_slice %arg2[%multiple_of3A_95, %dma_start3A_119] : memref<320000x128xf32, #tpu.memory_space<hbm>> -> memref<80x128xf32, #tpu.memory_space<hbm>>
      %dma_start3A_121 = arith.constant 0 : i32
      %dma_start3A_122 = tpu.memref_slice %arg2[%multiple_of3A_95, %dma_start3A_121] : memref<320000x128xf32, #tpu.memory_space<hbm>> -> memref<80x128xf32, #tpu.memory_space<hbm>>
      tpu.enqueue_dma source(%dma_start3A_122 : memref<80x128xf32, #tpu.memory_space<hbm>>) target(%arg9 : memref<80x128xf32, #tpu.memory_space<vmem>>) target_semaphore(%arg13 : memref<!tpu.dma_semaphore, #tpu.memory_space<semaphore_mem>>)
      %dma_start3A_123 = tpu.memref_slice %arg3[%multiple_of3A_117] : memref<320000xi32, #tpu.memory_space<hbm>> -> memref<80xi32, #tpu.memory_space<hbm>>
      %dma_start3A_124 = tpu.memref_slice %arg3[%multiple_of3A_117] : memref<320000xi32, #tpu.memory_space<hbm>> -> memref<80xi32, #tpu.memory_space<hbm>>
      tpu.enqueue_dma source(%dma_start3A_124 : memref<80xi32, #tpu.memory_space<hbm>>) target(%arg8 : memref<80xi32, #tpu.memory_space<vmem>>) target_semaphore(%arg12 : memref<!tpu.dma_semaphore, #tpu.memory_space<semaphore_mem>>)
      %dma_start3A_125 = arith.constant 0 : i32
      %dma_start3A_126 = tpu.memref_slice %arg2[%multiple_of3A_103, %dma_start3A_125] : memref<320000x128xf32, #tpu.memory_space<hbm>> -> memref<80x128xf32, #tpu.memory_space<hbm>>
      %dma_start3A_127 = arith.constant 0 : i32
      %dma_start3A_128 = tpu.memref_slice %arg2[%multiple_of3A_103, %dma_start3A_127] : memref<320000x128xf32, #tpu.memory_space<hbm>> -> memref<80x128xf32, #tpu.memory_space<hbm>>
      tpu.enqueue_dma source(%dma_start3A_128 : memref<80x128xf32, #tpu.memory_space<hbm>>) target(%arg10 : memref<80x128xf32, #tpu.memory_space<vmem>>) target_semaphore(%arg14 : memref<!tpu.dma_semaphore, #tpu.memory_space<semaphore_mem>>)
      %dma_wait3A_129 = tpu.memref_slice %arg3[%multiple_of3A_109] : memref<320000xi32, #tpu.memory_space<hbm>> -> memref<80xi32, #tpu.memory_space<hbm>>
      %dma_wait3A_130 = tpu.memref_slice %arg3[%multiple_of3A_109] : memref<320000xi32, #tpu.memory_space<hbm>> -> memref<80xi32, #tpu.memory_space<hbm>>
      tpu.wait_dma2 semaphore(%arg11 : memref<!tpu.dma_semaphore, #tpu.memory_space<semaphore_mem>>) src(%dma_wait3A_130 : memref<80xi32, #tpu.memory_space<hbm>>) dst(%arg7 : memref<80xi32, #tpu.memory_space<vmem>>)
      %dma_wait3A_131 = arith.constant 0 : i32
      %dma_wait3A_132 = tpu.memref_slice %arg2[%multiple_of3A_95, %dma_wait3A_131] : memref<320000x128xf32, #tpu.memory_space<hbm>> -> memref<80x128xf32, #tpu.memory_space<hbm>>
      %dma_wait3A_133 = arith.constant 0 : i32
      %dma_wait3A_134 = tpu.memref_slice %arg2[%multiple_of3A_95, %dma_wait3A_133] : memref<320000x128xf32, #tpu.memory_space<hbm>> -> memref<80x128xf32, #tpu.memory_space<hbm>>
      tpu.wait_dma2 semaphore(%arg13 : memref<!tpu.dma_semaphore, #tpu.memory_space<semaphore_mem>>) src(%dma_wait3A_134 : memref<80x128xf32, #tpu.memory_space<hbm>>) dst(%arg9 : memref<80x128xf32, #tpu.memory_space<vmem>>)
      %dma_start3A_135 = arith.constant 0 : i32
      %dma_start3A_136 = arith.constant 0 : i32
      %dma_start3A_137 = tpu.memref_slice %arg6[%dma_start3A_135, %dma_start3A_136] : memref<10000x128xf32, #tpu.memory_space<vmem_shared>> -> memref<10000x128xf32, #tpu.memory_space<vmem_shared>>
      tpu.enqueue_indirect_dma source(%arg9 : memref<80x128xf32, #tpu.memory_space<vmem>>) target(%dma_start3A_137 : memref<10000x128xf32, #tpu.memory_space<vmem_shared>>) offsets(%arg7 : memref<80xi32, #tpu.memory_space<vmem>>) semaphore(%arg15 : memref<!tpu.dma_semaphore, #tpu.memory_space<semaphore_mem>>) {add = true}
      %dma_wait3A_138 = tpu.memref_slice %arg3[%multiple_of3A_117] : memref<320000xi32, #tpu.memory_space<hbm>> -> memref<80xi32, #tpu.memory_space<hbm>>
      %dma_wait3A_139 = tpu.memref_slice %arg3[%multiple_of3A_117] : memref<320000xi32, #tpu.memory_space<hbm>> -> memref<80xi32, #tpu.memory_space<hbm>>
      tpu.wait_dma2 semaphore(%arg12 : memref<!tpu.dma_semaphore, #tpu.memory_space<semaphore_mem>>) src(%dma_wait3A_139 : memref<80xi32, #tpu.memory_space<hbm>>) dst(%arg8 : memref<80xi32, #tpu.memory_space<vmem>>)
      %dma_wait3A_140 = arith.constant 0 : i32
      %dma_wait3A_141 = tpu.memref_slice %arg2[%multiple_of3A_103, %dma_wait3A_140] : memref<320000x128xf32, #tpu.memory_space<hbm>> -> memref<80x128xf32, #tpu.memory_space<hbm>>
      %dma_wait3A_142 = arith.constant 0 : i32
      %dma_wait3A_143 = tpu.memref_slice %arg2[%multiple_of3A_103, %dma_wait3A_142] : memref<320000x128xf32, #tpu.memory_space<hbm>> -> memref<80x128xf32, #tpu.memory_space<hbm>>
      tpu.wait_dma2 semaphore(%arg14 : memref<!tpu.dma_semaphore, #tpu.memory_space<semaphore_mem>>) src(%dma_wait3A_143 : memref<80x128xf32, #tpu.memory_space<hbm>>) dst(%arg10 : memref<80x128xf32, #tpu.memory_space<vmem>>)
      %dma_start3A_144 = arith.constant 0 : i32
      %dma_start3A_145 = arith.constant 0 : i32
      %dma_start3A_146 = tpu.memref_slice %arg6[%dma_start3A_144, %dma_start3A_145] : memref<10000x128xf32, #tpu.memory_space<vmem_shared>> -> memref<10000x128xf32, #tpu.memory_space<vmem_shared>>
      tpu.enqueue_indirect_dma source(%arg10 : memref<80x128xf32, #tpu.memory_space<vmem>>) target(%dma_start3A_146 : memref<10000x128xf32, #tpu.memory_space<vmem_shared>>) offsets(%arg8 : memref<80xi32, #tpu.memory_space<vmem>>) semaphore(%arg16 : memref<!tpu.dma_semaphore, #tpu.memory_space<semaphore_mem>>) {add = true}
      %scan3A_147 = arith.constant 0 : i32
      scf.yield %scan3A_147 : i32
    }
    %scan3A_34 = arith.constant 62 : i32
    %dma_wait3A = arith.constant 0 : i32
    %dma_wait3A_35 = arith.constant 0 : i32
    %dma_wait3A_36 = tpu.memref_slice %arg6[%dma_wait3A, %dma_wait3A_35] : memref<10000x128xf32, #tpu.memory_space<vmem_shared>> -> memref<10000x128xf32, #tpu.memory_space<vmem_shared>>
    tpu.wait_indirect_dma semaphore(%arg15 : memref<!tpu.dma_semaphore, #tpu.memory_space<semaphore_mem>>) src(%arg9 : memref<80x128xf32, #tpu.memory_space<vmem>>) dst(%dma_wait3A_36 : memref<10000x128xf32, #tpu.memory_space<vmem_shared>>)
    %dma_wait3A_37 = arith.constant 0 : i32
    %dma_wait3A_38 = arith.constant 0 : i32
    %dma_wait3A_39 = tpu.memref_slice %arg6[%dma_wait3A_37, %dma_wait3A_38] : memref<10000x128xf32, #tpu.memory_space<vmem_shared>> -> memref<10000x128xf32, #tpu.memory_space<vmem_shared>>
    tpu.wait_indirect_dma semaphore(%arg16 : memref<!tpu.dma_semaphore, #tpu.memory_space<semaphore_mem>>) src(%arg10 : memref<80x128xf32, #tpu.memory_space<vmem>>) dst(%dma_wait3A_39 : memref<10000x128xf32, #tpu.memory_space<vmem_shared>>)
    %add3A_40 = arith.constant 9920 : i32
    %add3A_41 = arith.addi %multiple_of3A_23, %add3A_40 : i32
    %multiple_of3A_42 = tpu.assume_multiple %add3A_41, 8 : i32
    %add3A_43 = arith.constant 9920 : i32
    %add3A_44 = arith.addi %multiple_of3A_28, %add3A_43 : i32
    %multiple_of3A_45 = tpu.assume_multiple %add3A_44, 8 : i32
    "tpu.region"() ({
      %run_scoped3A = tpu.sem_alloc : memref<!tpu.dma_semaphore, #tpu.memory_space<semaphore_mem>>
      %dma_start3A = tpu.memref_slice %arg3[%multiple_of3A_45] : memref<320000xi32, #tpu.memory_space<hbm>> -> memref<80xi32, #tpu.memory_space<hbm>>
      %dma_start3A_84 = tpu.memref_slice %arg3[%multiple_of3A_45] : memref<320000xi32, #tpu.memory_space<hbm>> -> memref<80xi32, #tpu.memory_space<hbm>>
      tpu.enqueue_dma source(%dma_start3A_84 : memref<80xi32, #tpu.memory_space<hbm>>) target(%arg7 : memref<80xi32, #tpu.memory_space<vmem>>) target_semaphore(%run_scoped3A : memref<!tpu.dma_semaphore, #tpu.memory_space<semaphore_mem>>)
      %dma_wait3A_85 = tpu.memref_slice %arg3[%multiple_of3A_45] : memref<320000xi32, #tpu.memory_space<hbm>> -> memref<80xi32, #tpu.memory_space<hbm>>
      %dma_wait3A_86 = tpu.memref_slice %arg3[%multiple_of3A_45] : memref<320000xi32, #tpu.memory_space<hbm>> -> memref<80xi32, #tpu.memory_space<hbm>>
      tpu.wait_dma2 semaphore(%run_scoped3A : memref<!tpu.dma_semaphore, #tpu.memory_space<semaphore_mem>>) src(%dma_wait3A_86 : memref<80xi32, #tpu.memory_space<hbm>>) dst(%arg7 : memref<80xi32, #tpu.memory_space<vmem>>)
      tpu.yield
    }) : () -> ()
    "tpu.region"() ({
      %run_scoped3A = tpu.sem_alloc : memref<!tpu.dma_semaphore, #tpu.memory_space<semaphore_mem>>
      %dma_start3A = arith.constant 0 : i32
      %dma_start3A_84 = tpu.memref_slice %arg2[%multiple_of3A_42, %dma_start3A] : memref<320000x128xf32, #tpu.memory_space<hbm>> -> memref<80x128xf32, #tpu.memory_space<hbm>>
      %dma_start3A_85 = arith.constant 0 : i32
      %dma_start3A_86 = tpu.memref_slice %arg2[%multiple_of3A_42, %dma_start3A_85] : memref<320000x128xf32, #tpu.memory_space<hbm>> -> memref<80x128xf32, #tpu.memory_space<hbm>>
      tpu.enqueue_dma source(%dma_start3A_86 : memref<80x128xf32, #tpu.memory_space<hbm>>) target(%arg9 : memref<80x128xf32, #tpu.memory_space<vmem>>) target_semaphore(%run_scoped3A : memref<!tpu.dma_semaphore, #tpu.memory_space<semaphore_mem>>)
      %dma_wait3A_87 = arith.constant 0 : i32
      %dma_wait3A_88 = tpu.memref_slice %arg2[%multiple_of3A_42, %dma_wait3A_87] : memref<320000x128xf32, #tpu.memory_space<hbm>> -> memref<80x128xf32, #tpu.memory_space<hbm>>
      %dma_wait3A_89 = arith.constant 0 : i32
      %dma_wait3A_90 = tpu.memref_slice %arg2[%multiple_of3A_42, %dma_wait3A_89] : memref<320000x128xf32, #tpu.memory_space<hbm>> -> memref<80x128xf32, #tpu.memory_space<hbm>>
      tpu.wait_dma2 semaphore(%run_scoped3A : memref<!tpu.dma_semaphore, #tpu.memory_space<semaphore_mem>>) src(%dma_wait3A_90 : memref<80x128xf32, #tpu.memory_space<hbm>>) dst(%arg9 : memref<80x128xf32, #tpu.memory_space<vmem>>)
      tpu.yield
    }) : () -> ()
    "tpu.region"() ({
      %run_scoped3A = tpu.sem_alloc : memref<!tpu.dma_semaphore, #tpu.memory_space<semaphore_mem>>
      %dma_start3A = arith.constant 0 : i32
      %dma_start3A_84 = arith.constant 0 : i32
      %dma_start3A_85 = tpu.memref_slice %arg6[%dma_start3A, %dma_start3A_84] : memref<10000x128xf32, #tpu.memory_space<vmem_shared>> -> memref<10000x128xf32, #tpu.memory_space<vmem_shared>>
      tpu.enqueue_indirect_dma source(%arg9 : memref<80x128xf32, #tpu.memory_space<vmem>>) target(%dma_start3A_85 : memref<10000x128xf32, #tpu.memory_space<vmem_shared>>) offsets(%arg7 : memref<80xi32, #tpu.memory_space<vmem>>) semaphore(%run_scoped3A : memref<!tpu.dma_semaphore, #tpu.memory_space<semaphore_mem>>) {add = true}
      %dma_wait3A_86 = arith.constant 0 : i32
      %dma_wait3A_87 = arith.constant 0 : i32
      %dma_wait3A_88 = tpu.memref_slice %arg6[%dma_wait3A_86, %dma_wait3A_87] : memref<10000x128xf32, #tpu.memory_space<vmem_shared>> -> memref<10000x128xf32, #tpu.memory_space<vmem_shared>>
      tpu.wait_indirect_dma semaphore(%run_scoped3A : memref<!tpu.dma_semaphore, #tpu.memory_space<semaphore_mem>>) src(%arg9 : memref<80x128xf32, #tpu.memory_space<vmem>>) dst(%dma_wait3A_88 : memref<10000x128xf32, #tpu.memory_space<vmem_shared>>)
      tpu.yield
    }) : () -> ()
    %barrier3A_46 = arith.constant 0 : index
    tpu.barrier barrier_id(%barrier3A_46)
    %add3A_47 = arith.constant 0 : i32
    %add3A_48 = arith.addi %multiple_of3A, %add3A_47 : i32
    "tpu.region"() ({
      %run_scoped3A = tpu.sem_alloc : memref<!tpu.dma_semaphore, #tpu.memory_space<semaphore_mem>>
      %dma_start3A = arith.constant 0 : i32
      %dma_start3A_84 = arith.constant 0 : i32
      %dma_start3A_85 = tpu.memref_slice %arg9[%dma_start3A, %dma_start3A_84] : memref<80x128xf32, #tpu.memory_space<vmem>> -> memref<80x128xf32, #tpu.memory_space<vmem>>
      %dma_start3A_86 = arith.constant 0 : i32
      %dma_start3A_87 = tpu.memref_slice %arg6[%add3A_48, %dma_start3A_86] : memref<10000x128xf32, #tpu.memory_space<vmem_shared>> -> memref<80x128xf32, #tpu.memory_space<vmem_shared>>
      %dma_start3A_88 = arith.constant 0 : i32
      %dma_start3A_89 = arith.constant 0 : i32
      %dma_start3A_90 = tpu.memref_slice %arg9[%dma_start3A_88, %dma_start3A_89] : memref<80x128xf32, #tpu.memory_space<vmem>> -> memref<80x128xf32, #tpu.memory_space<vmem>>
      %dma_start3A_91 = arith.constant 0 : i32
      %dma_start3A_92 = tpu.memref_slice %arg6[%add3A_48, %dma_start3A_91] : memref<10000x128xf32, #tpu.memory_space<vmem_shared>> -> memref<80x128xf32, #tpu.memory_space<vmem_shared>>
      tpu.enqueue_dma source(%dma_start3A_92 : memref<80x128xf32, #tpu.memory_space<vmem_shared>>) target(%dma_start3A_90 : memref<80x128xf32, #tpu.memory_space<vmem>>) target_semaphore(%run_scoped3A : memref<!tpu.dma_semaphore, #tpu.memory_space<semaphore_mem>>)
      %dma_wait3A_93 = arith.constant 0 : i32
      %dma_wait3A_94 = arith.constant 0 : i32
      %dma_wait3A_95 = tpu.memref_slice %arg9[%dma_wait3A_93, %dma_wait3A_94] : memref<80x128xf32, #tpu.memory_space<vmem>> -> memref<80x128xf32, #tpu.memory_space<vmem>>
      %dma_wait3A_96 = arith.constant 0 : i32
      %dma_wait3A_97 = tpu.memref_slice %arg6[%add3A_48, %dma_wait3A_96] : memref<10000x128xf32, #tpu.memory_space<vmem_shared>> -> memref<80x128xf32, #tpu.memory_space<vmem_shared>>
      %dma_wait3A_98 = arith.constant 0 : i32
      %dma_wait3A_99 = arith.constant 0 : i32
      %dma_wait3A_100 = tpu.memref_slice %arg9[%dma_wait3A_98, %dma_wait3A_99] : memref<80x128xf32, #tpu.memory_space<vmem>> -> memref<80x128xf32, #tpu.memory_space<vmem>>
      %dma_wait3A_101 = arith.constant 0 : i32
      %dma_wait3A_102 = tpu.memref_slice %arg6[%add3A_48, %dma_wait3A_101] : memref<10000x128xf32, #tpu.memory_space<vmem_shared>> -> memref<80x128xf32, #tpu.memory_space<vmem_shared>>
      tpu.wait_dma2 semaphore(%run_scoped3A : memref<!tpu.dma_semaphore, #tpu.memory_space<semaphore_mem>>) src(%dma_wait3A_102 : memref<80x128xf32, #tpu.memory_space<vmem_shared>>) dst(%dma_wait3A_100 : memref<80x128xf32, #tpu.memory_space<vmem>>)
      tpu.yield
    }) : () -> ()
    %add3A_49 = arith.constant 0 : i32
    %add3A_50 = arith.addi %multiple_of3A, %add3A_49 : i32
    "tpu.region"() ({
      %run_scoped3A = tpu.sem_alloc : memref<!tpu.dma_semaphore, #tpu.memory_space<semaphore_mem>>
      %dma_start3A = arith.constant 0 : i32
      %dma_start3A_84 = arith.constant 0 : i32
      %dma_start3A_85 = tpu.memref_slice %arg9[%dma_start3A, %dma_start3A_84] : memref<80x128xf32, #tpu.memory_space<vmem>> -> memref<80x128xf32, #tpu.memory_space<vmem>>
      %dma_start3A_86 = arith.constant 0 : i32
      %dma_start3A_87 = tpu.memref_slice %arg5[%arg0, %add3A_50, %dma_start3A_86] : memref<2x10000x128xf32, #tpu.memory_space<hbm>> -> memref<1x80x128xf32, #tpu.memory_space<hbm>>
      %dma_start3A_88 = tpu.memref_squeeze %dma_start3A_87 : memref<1x80x128xf32, #tpu.memory_space<hbm>> -> memref<80x128xf32, #tpu.memory_space<hbm>>
      %dma_start3A_89 = arith.constant 0 : i32
      %dma_start3A_90 = tpu.memref_slice %arg5[%arg0, %add3A_50, %dma_start3A_89] : memref<2x10000x128xf32, #tpu.memory_space<hbm>> -> memref<1x80x128xf32, #tpu.memory_space<hbm>>
      %dma_start3A_91 = tpu.memref_squeeze %dma_start3A_90 : memref<1x80x128xf32, #tpu.memory_space<hbm>> -> memref<80x128xf32, #tpu.memory_space<hbm>>
      %dma_start3A_92 = arith.constant 0 : i32
      %dma_start3A_93 = arith.constant 0 : i32
      %dma_start3A_94 = tpu.memref_slice %arg9[%dma_start3A_92, %dma_start3A_93] : memref<80x128xf32, #tpu.memory_space<vmem>> -> memref<80x128xf32, #tpu.memory_space<vmem>>
      tpu.enqueue_dma source(%dma_start3A_94 : memref<80x128xf32, #tpu.memory_space<vmem>>) target(%dma_start3A_91 : memref<80x128xf32, #tpu.memory_space<hbm>>) target_semaphore(%run_scoped3A : memref<!tpu.dma_semaphore, #tpu.memory_space<semaphore_mem>>)
      %dma_wait3A_95 = arith.constant 0 : i32
      %dma_wait3A_96 = arith.constant 0 : i32
      %dma_wait3A_97 = tpu.memref_slice %arg9[%dma_wait3A_95, %dma_wait3A_96] : memref<80x128xf32, #tpu.memory_space<vmem>> -> memref<80x128xf32, #tpu.memory_space<vmem>>
      %dma_wait3A_98 = arith.constant 0 : i32
      %dma_wait3A_99 = tpu.memref_slice %arg5[%arg0, %add3A_50, %dma_wait3A_98] : memref<2x10000x128xf32, #tpu.memory_space<hbm>> -> memref<1x80x128xf32, #tpu.memory_space<hbm>>
      %dma_wait3A_100 = tpu.memref_squeeze %dma_wait3A_99 : memref<1x80x128xf32, #tpu.memory_space<hbm>> -> memref<80x128xf32, #tpu.memory_space<hbm>>
      %dma_wait3A_101 = arith.constant 0 : i32
      %dma_wait3A_102 = tpu.memref_slice %arg5[%arg0, %add3A_50, %dma_wait3A_101] : memref<2x10000x128xf32, #tpu.memory_space<hbm>> -> memref<1x80x128xf32, #tpu.memory_space<hbm>>
      %dma_wait3A_103 = tpu.memref_squeeze %dma_wait3A_102 : memref<1x80x128xf32, #tpu.memory_space<hbm>> -> memref<80x128xf32, #tpu.memory_space<hbm>>
      %dma_wait3A_104 = arith.constant 0 : i32
      %dma_wait3A_105 = arith.constant 0 : i32
      %dma_wait3A_106 = tpu.memref_slice %arg9[%dma_wait3A_104, %dma_wait3A_105] : memref<80x128xf32, #tpu.memory_space<vmem>> -> memref<80x128xf32, #tpu.memory_space<vmem>>
      tpu.wait_dma2 semaphore(%run_scoped3A : memref<!tpu.dma_semaphore, #tpu.memory_space<semaphore_mem>>) src(%dma_wait3A_106 : memref<80x128xf32, #tpu.memory_space<vmem>>) dst(%dma_wait3A_103 : memref<80x128xf32, #tpu.memory_space<hbm>>)
      tpu.yield
    }) : () -> ()
    %add3A_51 = arith.constant 80 : i32
    %add3A_52 = arith.addi %multiple_of3A, %add3A_51 : i32
    "tpu.region"() ({
      %run_scoped3A = tpu.sem_alloc : memref<!tpu.dma_semaphore, #tpu.memory_space<semaphore_mem>>
      %dma_start3A = arith.constant 0 : i32
      %dma_start3A_84 = arith.constant 0 : i32
      %dma_start3A_85 = tpu.memref_slice %arg9[%dma_start3A, %dma_start3A_84] : memref<80x128xf32, #tpu.memory_space<vmem>> -> memref<80x128xf32, #tpu.memory_space<vmem>>
      %dma_start3A_86 = arith.constant 0 : i32
      %dma_start3A_87 = tpu.memref_slice %arg6[%add3A_52, %dma_start3A_86] : memref<10000x128xf32, #tpu.memory_space<vmem_shared>> -> memref<80x128xf32, #tpu.memory_space<vmem_shared>>
      %dma_start3A_88 = arith.constant 0 : i32
      %dma_start3A_89 = arith.constant 0 : i32
      %dma_start3A_90 = tpu.memref_slice %arg9[%dma_start3A_88, %dma_start3A_89] : memref<80x128xf32, #tpu.memory_space<vmem>> -> memref<80x128xf32, #tpu.memory_space<vmem>>
      %dma_start3A_91 = arith.constant 0 : i32
      %dma_start3A_92 = tpu.memref_slice %arg6[%add3A_52, %dma_start3A_91] : memref<10000x128xf32, #tpu.memory_space<vmem_shared>> -> memref<80x128xf32, #tpu.memory_space<vmem_shared>>
      tpu.enqueue_dma source(%dma_start3A_92 : memref<80x128xf32, #tpu.memory_space<vmem_shared>>) target(%dma_start3A_90 : memref<80x128xf32, #tpu.memory_space<vmem>>) target_semaphore(%run_scoped3A : memref<!tpu.dma_semaphore, #tpu.memory_space<semaphore_mem>>)
      %dma_wait3A_93 = arith.constant 0 : i32
      %dma_wait3A_94 = arith.constant 0 : i32
      %dma_wait3A_95 = tpu.memref_slice %arg9[%dma_wait3A_93, %dma_wait3A_94] : memref<80x128xf32, #tpu.memory_space<vmem>> -> memref<80x128xf32, #tpu.memory_space<vmem>>
      %dma_wait3A_96 = arith.constant 0 : i32
      %dma_wait3A_97 = tpu.memref_slice %arg6[%add3A_52, %dma_wait3A_96] : memref<10000x128xf32, #tpu.memory_space<vmem_shared>> -> memref<80x128xf32, #tpu.memory_space<vmem_shared>>
      %dma_wait3A_98 = arith.constant 0 : i32
      %dma_wait3A_99 = arith.constant 0 : i32
      %dma_wait3A_100 = tpu.memref_slice %arg9[%dma_wait3A_98, %dma_wait3A_99] : memref<80x128xf32, #tpu.memory_space<vmem>> -> memref<80x128xf32, #tpu.memory_space<vmem>>
      %dma_wait3A_101 = arith.constant 0 : i32
      %dma_wait3A_102 = tpu.memref_slice %arg6[%add3A_52, %dma_wait3A_101] : memref<10000x128xf32, #tpu.memory_space<vmem_shared>> -> memref<80x128xf32, #tpu.memory_space<vmem_shared>>
      tpu.wait_dma2 semaphore(%run_scoped3A : memref<!tpu.dma_semaphore, #tpu.memory_space<semaphore_mem>>) src(%dma_wait3A_102 : memref<80x128xf32, #tpu.memory_space<vmem_shared>>) dst(%dma_wait3A_100 : memref<80x128xf32, #tpu.memory_space<vmem>>)
      tpu.yield
    }) : () -> ()
    %add3A_53 = arith.constant 80 : i32
    %add3A_54 = arith.addi %multiple_of3A, %add3A_53 : i32
    "tpu.region"() ({
      %run_scoped3A = tpu.sem_alloc : memref<!tpu.dma_semaphore, #tpu.memory_space<semaphore_mem>>
      %dma_start3A = arith.constant 0 : i32
      %dma_start3A_84 = arith.constant 0 : i32
      %dma_start3A_85 = tpu.memref_slice %arg9[%dma_start3A, %dma_start3A_84] : memref<80x128xf32, #tpu.memory_space<vmem>> -> memref<80x128xf32, #tpu.memory_space<vmem>>
      %dma_start3A_86 = arith.constant 0 : i32
      %dma_start3A_87 = tpu.memref_slice %arg5[%arg0, %add3A_54, %dma_start3A_86] : memref<2x10000x128xf32, #tpu.memory_space<hbm>> -> memref<1x80x128xf32, #tpu.memory_space<hbm>>
      %dma_start3A_88 = tpu.memref_squeeze %dma_start3A_87 : memref<1x80x128xf32, #tpu.memory_space<hbm>> -> memref<80x128xf32, #tpu.memory_space<hbm>>
      %dma_start3A_89 = arith.constant 0 : i32
      %dma_start3A_90 = tpu.memref_slice %arg5[%arg0, %add3A_54, %dma_start3A_89] : memref<2x10000x128xf32, #tpu.memory_space<hbm>> -> memref<1x80x128xf32, #tpu.memory_space<hbm>>
      %dma_start3A_91 = tpu.memref_squeeze %dma_start3A_90 : memref<1x80x128xf32, #tpu.memory_space<hbm>> -> memref<80x128xf32, #tpu.memory_space<hbm>>
      %dma_start3A_92 = arith.constant 0 : i32
      %dma_start3A_93 = arith.constant 0 : i32
      %dma_start3A_94 = tpu.memref_slice %arg9[%dma_start3A_92, %dma_start3A_93] : memref<80x128xf32, #tpu.memory_space<vmem>> -> memref<80x128xf32, #tpu.memory_space<vmem>>
      tpu.enqueue_dma source(%dma_start3A_94 : memref<80x128xf32, #tpu.memory_space<vmem>>) target(%dma_start3A_91 : memref<80x128xf32, #tpu.memory_space<hbm>>) target_semaphore(%run_scoped3A : memref<!tpu.dma_semaphore, #tpu.memory_space<semaphore_mem>>)
      %dma_wait3A_95 = arith.constant 0 : i32
      %dma_wait3A_96 = arith.constant 0 : i32
      %dma_wait3A_97 = tpu.memref_slice %arg9[%dma_wait3A_95, %dma_wait3A_96] : memref<80x128xf32, #tpu.memory_space<vmem>> -> memref<80x128xf32, #tpu.memory_space<vmem>>
      %dma_wait3A_98 = arith.constant 0 : i32
      %dma_wait3A_99 = tpu.memref_slice %arg5[%arg0, %add3A_54, %dma_wait3A_98] : memref<2x10000x128xf32, #tpu.memory_space<hbm>> -> memref<1x80x128xf32, #tpu.memory_space<hbm>>
      %dma_wait3A_100 = tpu.memref_squeeze %dma_wait3A_99 : memref<1x80x128xf32, #tpu.memory_space<hbm>> -> memref<80x128xf32, #tpu.memory_space<hbm>>
      %dma_wait3A_101 = arith.constant 0 : i32
      %dma_wait3A_102 = tpu.memref_slice %arg5[%arg0, %add3A_54, %dma_wait3A_101] : memref<2x10000x128xf32, #tpu.memory_space<hbm>> -> memref<1x80x128xf32, #tpu.memory_space<hbm>>
      %dma_wait3A_103 = tpu.memref_squeeze %dma_wait3A_102 : memref<1x80x128xf32, #tpu.memory_space<hbm>> -> memref<80x128xf32, #tpu.memory_space<hbm>>
      %dma_wait3A_104 = arith.constant 0 : i32
      %dma_wait3A_105 = arith.constant 0 : i32
      %dma_wait3A_106 = tpu.memref_slice %arg9[%dma_wait3A_104, %dma_wait3A_105] : memref<80x128xf32, #tpu.memory_space<vmem>> -> memref<80x128xf32, #tpu.memory_space<vmem>>
      tpu.wait_dma2 semaphore(%run_scoped3A : memref<!tpu.dma_semaphore, #tpu.memory_space<semaphore_mem>>) src(%dma_wait3A_106 : memref<80x128xf32, #tpu.memory_space<vmem>>) dst(%dma_wait3A_103 : memref<80x128xf32, #tpu.memory_space<hbm>>)
      tpu.yield
    }) : () -> ()
    %add3A_55 = arith.constant 160 : i32
    %add3A_56 = arith.addi %multiple_of3A, %add3A_55 : i32
    "tpu.region"() ({
      %run_scoped3A = tpu.sem_alloc : memref<!tpu.dma_semaphore, #tpu.memory_space<semaphore_mem>>
      %dma_start3A = arith.constant 0 : i32
      %dma_start3A_84 = arith.constant 0 : i32
      %dma_start3A_85 = tpu.memref_slice %arg9[%dma_start3A, %dma_start3A_84] : memref<80x128xf32, #tpu.memory_space<vmem>> -> memref<80x128xf32, #tpu.memory_space<vmem>>
      %dma_start3A_86 = arith.constant 0 : i32
      %dma_start3A_87 = tpu.memref_slice %arg6[%add3A_56, %dma_start3A_86] : memref<10000x128xf32, #tpu.memory_space<vmem_shared>> -> memref<80x128xf32, #tpu.memory_space<vmem_shared>>
      %dma_start3A_88 = arith.constant 0 : i32
      %dma_start3A_89 = arith.constant 0 : i32
      %dma_start3A_90 = tpu.memref_slice %arg9[%dma_start3A_88, %dma_start3A_89] : memref<80x128xf32, #tpu.memory_space<vmem>> -> memref<80x128xf32, #tpu.memory_space<vmem>>
      %dma_start3A_91 = arith.constant 0 : i32
      %dma_start3A_92 = tpu.memref_slice %arg6[%add3A_56, %dma_start3A_91] : memref<10000x128xf32, #tpu.memory_space<vmem_shared>> -> memref<80x128xf32, #tpu.memory_space<vmem_shared>>
      tpu.enqueue_dma source(%dma_start3A_92 : memref<80x128xf32, #tpu.memory_space<vmem_shared>>) target(%dma_start3A_90 : memref<80x128xf32, #tpu.memory_space<vmem>>) target_semaphore(%run_scoped3A : memref<!tpu.dma_semaphore, #tpu.memory_space<semaphore_mem>>)
      %dma_wait3A_93 = arith.constant 0 : i32
      %dma_wait3A_94 = arith.constant 0 : i32
      %dma_wait3A_95 = tpu.memref_slice %arg9[%dma_wait3A_93, %dma_wait3A_94] : memref<80x128xf32, #tpu.memory_space<vmem>> -> memref<80x128xf32, #tpu.memory_space<vmem>>
      %dma_wait3A_96 = arith.constant 0 : i32
      %dma_wait3A_97 = tpu.memref_slice %arg6[%add3A_56, %dma_wait3A_96] : memref<10000x128xf32, #tpu.memory_space<vmem_shared>> -> memref<80x128xf32, #tpu.memory_space<vmem_shared>>
      %dma_wait3A_98 = arith.constant 0 : i32
      %dma_wait3A_99 = arith.constant 0 : i32
      %dma_wait3A_100 = tpu.memref_slice %arg9[%dma_wait3A_98, %dma_wait3A_99] : memref<80x128xf32, #tpu.memory_space<vmem>> -> memref<80x128xf32, #tpu.memory_space<vmem>>
      %dma_wait3A_101 = arith.constant 0 : i32
      %dma_wait3A_102 = tpu.memref_slice %arg6[%add3A_56, %dma_wait3A_101] : memref<10000x128xf32, #tpu.memory_space<vmem_shared>> -> memref<80x128xf32, #tpu.memory_space<vmem_shared>>
      tpu.wait_dma2 semaphore(%run_scoped3A : memref<!tpu.dma_semaphore, #tpu.memory_space<semaphore_mem>>) src(%dma_wait3A_102 : memref<80x128xf32, #tpu.memory_space<vmem_shared>>) dst(%dma_wait3A_100 : memref<80x128xf32, #tpu.memory_space<vmem>>)
      tpu.yield
    }) : () -> ()
    %add3A_57 = arith.constant 160 : i32
    %add3A_58 = arith.addi %multiple_of3A, %add3A_57 : i32
    "tpu.region"() ({
      %run_scoped3A = tpu.sem_alloc : memref<!tpu.dma_semaphore, #tpu.memory_space<semaphore_mem>>
      %dma_start3A = arith.constant 0 : i32
      %dma_start3A_84 = arith.constant 0 : i32
      %dma_start3A_85 = tpu.memref_slice %arg9[%dma_start3A, %dma_start3A_84] : memref<80x128xf32, #tpu.memory_space<vmem>> -> memref<80x128xf32, #tpu.memory_space<vmem>>
      %dma_start3A_86 = arith.constant 0 : i32
      %dma_start3A_87 = tpu.memref_slice %arg5[%arg0, %add3A_58, %dma_start3A_86] : memref<2x10000x128xf32, #tpu.memory_space<hbm>> -> memref<1x80x128xf32, #tpu.memory_space<hbm>>
      %dma_start3A_88 = tpu.memref_squeeze %dma_start3A_87 : memref<1x80x128xf32, #tpu.memory_space<hbm>> -> memref<80x128xf32, #tpu.memory_space<hbm>>
      %dma_start3A_89 = arith.constant 0 : i32
      %dma_start3A_90 = tpu.memref_slice %arg5[%arg0, %add3A_58, %dma_start3A_89] : memref<2x10000x128xf32, #tpu.memory_space<hbm>> -> memref<1x80x128xf32, #tpu.memory_space<hbm>>
      %dma_start3A_91 = tpu.memref_squeeze %dma_start3A_90 : memref<1x80x128xf32, #tpu.memory_space<hbm>> -> memref<80x128xf32, #tpu.memory_space<hbm>>
      %dma_start3A_92 = arith.constant 0 : i32
      %dma_start3A_93 = arith.constant 0 : i32
      %dma_start3A_94 = tpu.memref_slice %arg9[%dma_start3A_92, %dma_start3A_93] : memref<80x128xf32, #tpu.memory_space<vmem>> -> memref<80x128xf32, #tpu.memory_space<vmem>>
      tpu.enqueue_dma source(%dma_start3A_94 : memref<80x128xf32, #tpu.memory_space<vmem>>) target(%dma_start3A_91 : memref<80x128xf32, #tpu.memory_space<hbm>>) target_semaphore(%run_scoped3A : memref<!tpu.dma_semaphore, #tpu.memory_space<semaphore_mem>>)
      %dma_wait3A_95 = arith.constant 0 : i32
      %dma_wait3A_96 = arith.constant 0 : i32
      %dma_wait3A_97 = tpu.memref_slice %arg9[%dma_wait3A_95, %dma_wait3A_96] : memref<80x128xf32, #tpu.memory_space<vmem>> -> memref<80x128xf32, #tpu.memory_space<vmem>>
      %dma_wait3A_98 = arith.constant 0 : i32
      %dma_wait3A_99 = tpu.memref_slice %arg5[%arg0, %add3A_58, %dma_wait3A_98] : memref<2x10000x128xf32, #tpu.memory_space<hbm>> -> memref<1x80x128xf32, #tpu.memory_space<hbm>>
      %dma_wait3A_100 = tpu.memref_squeeze %dma_wait3A_99 : memref<1x80x128xf32, #tpu.memory_space<hbm>> -> memref<80x128xf32, #tpu.memory_space<hbm>>
      %dma_wait3A_101 = arith.constant 0 : i32
      %dma_wait3A_102 = tpu.memref_slice %arg5[%arg0, %add3A_58, %dma_wait3A_101] : memref<2x10000x128xf32, #tpu.memory_space<hbm>> -> memref<1x80x128xf32, #tpu.memory_space<hbm>>
      %dma_wait3A_103 = tpu.memref_squeeze %dma_wait3A_102 : memref<1x80x128xf32, #tpu.memory_space<hbm>> -> memref<80x128xf32, #tpu.memory_space<hbm>>
      %dma_wait3A_104 = arith.constant 0 : i32
      %dma_wait3A_105 = arith.constant 0 : i32
      %dma_wait3A_106 = tpu.memref_slice %arg9[%dma_wait3A_104, %dma_wait3A_105] : memref<80x128xf32, #tpu.memory_space<vmem>> -> memref<80x128xf32, #tpu.memory_space<vmem>>
      tpu.wait_dma2 semaphore(%run_scoped3A : memref<!tpu.dma_semaphore, #tpu.memory_space<semaphore_mem>>) src(%dma_wait3A_106 : memref<80x128xf32, #tpu.memory_space<vmem>>) dst(%dma_wait3A_103 : memref<80x128xf32, #tpu.memory_space<hbm>>)
      tpu.yield
    }) : () -> ()
    %add3A_59 = arith.constant 240 : i32
    %add3A_60 = arith.addi %multiple_of3A, %add3A_59 : i32
    "tpu.region"() ({
      %run_scoped3A = tpu.sem_alloc : memref<!tpu.dma_semaphore, #tpu.memory_space<semaphore_mem>>
      %dma_start3A = arith.constant 0 : i32
      %dma_start3A_84 = arith.constant 0 : i32
      %dma_start3A_85 = tpu.memref_slice %arg9[%dma_start3A, %dma_start3A_84] : memref<80x128xf32, #tpu.memory_space<vmem>> -> memref<80x128xf32, #tpu.memory_space<vmem>>
      %dma_start3A_86 = arith.constant 0 : i32
      %dma_start3A_87 = tpu.memref_slice %arg6[%add3A_60, %dma_start3A_86] : memref<10000x128xf32, #tpu.memory_space<vmem_shared>> -> memref<80x128xf32, #tpu.memory_space<vmem_shared>>
      %dma_start3A_88 = arith.constant 0 : i32
      %dma_start3A_89 = arith.constant 0 : i32
      %dma_start3A_90 = tpu.memref_slice %arg9[%dma_start3A_88, %dma_start3A_89] : memref<80x128xf32, #tpu.memory_space<vmem>> -> memref<80x128xf32, #tpu.memory_space<vmem>>
      %dma_start3A_91 = arith.constant 0 : i32
      %dma_start3A_92 = tpu.memref_slice %arg6[%add3A_60, %dma_start3A_91] : memref<10000x128xf32, #tpu.memory_space<vmem_shared>> -> memref<80x128xf32, #tpu.memory_space<vmem_shared>>
      tpu.enqueue_dma source(%dma_start3A_92 : memref<80x128xf32, #tpu.memory_space<vmem_shared>>) target(%dma_start3A_90 : memref<80x128xf32, #tpu.memory_space<vmem>>) target_semaphore(%run_scoped3A : memref<!tpu.dma_semaphore, #tpu.memory_space<semaphore_mem>>)
      %dma_wait3A_93 = arith.constant 0 : i32
      %dma_wait3A_94 = arith.constant 0 : i32
      %dma_wait3A_95 = tpu.memref_slice %arg9[%dma_wait3A_93, %dma_wait3A_94] : memref<80x128xf32, #tpu.memory_space<vmem>> -> memref<80x128xf32, #tpu.memory_space<vmem>>
      %dma_wait3A_96 = arith.constant 0 : i32
      %dma_wait3A_97 = tpu.memref_slice %arg6[%add3A_60, %dma_wait3A_96] : memref<10000x128xf32, #tpu.memory_space<vmem_shared>> -> memref<80x128xf32, #tpu.memory_space<vmem_shared>>
      %dma_wait3A_98 = arith.constant 0 : i32
      %dma_wait3A_99 = arith.constant 0 : i32
      %dma_wait3A_100 = tpu.memref_slice %arg9[%dma_wait3A_98, %dma_wait3A_99] : memref<80x128xf32, #tpu.memory_space<vmem>> -> memref<80x128xf32, #tpu.memory_space<vmem>>
      %dma_wait3A_101 = arith.constant 0 : i32
      %dma_wait3A_102 = tpu.memref_slice %arg6[%add3A_60, %dma_wait3A_101] : memref<10000x128xf32, #tpu.memory_space<vmem_shared>> -> memref<80x128xf32, #tpu.memory_space<vmem_shared>>
      tpu.wait_dma2 semaphore(%run_scoped3A : memref<!tpu.dma_semaphore, #tpu.memory_space<semaphore_mem>>) src(%dma_wait3A_102 : memref<80x128xf32, #tpu.memory_space<vmem_shared>>) dst(%dma_wait3A_100 : memref<80x128xf32, #tpu.memory_space<vmem>>)
      tpu.yield
    }) : () -> ()
    %add3A_61 = arith.constant 240 : i32
    %add3A_62 = arith.addi %multiple_of3A, %add3A_61 : i32
    "tpu.region"() ({
      %run_scoped3A = tpu.sem_alloc : memref<!tpu.dma_semaphore, #tpu.memory_space<semaphore_mem>>
      %dma_start3A = arith.constant 0 : i32
      %dma_start3A_84 = arith.constant 0 : i32
      %dma_start3A_85 = tpu.memref_slice %arg9[%dma_start3A, %dma_start3A_84] : memref<80x128xf32, #tpu.memory_space<vmem>> -> memref<80x128xf32, #tpu.memory_space<vmem>>
      %dma_start3A_86 = arith.constant 0 : i32
      %dma_start3A_87 = tpu.memref_slice %arg5[%arg0, %add3A_62, %dma_start3A_86] : memref<2x10000x128xf32, #tpu.memory_space<hbm>> -> memref<1x80x128xf32, #tpu.memory_space<hbm>>
      %dma_start3A_88 = tpu.memref_squeeze %dma_start3A_87 : memref<1x80x128xf32, #tpu.memory_space<hbm>> -> memref<80x128xf32, #tpu.memory_space<hbm>>
      %dma_start3A_89 = arith.constant 0 : i32
      %dma_start3A_90 = tpu.memref_slice %arg5[%arg0, %add3A_62, %dma_start3A_89] : memref<2x10000x128xf32, #tpu.memory_space<hbm>> -> memref<1x80x128xf32, #tpu.memory_space<hbm>>
      %dma_start3A_91 = tpu.memref_squeeze %dma_start3A_90 : memref<1x80x128xf32, #tpu.memory_space<hbm>> -> memref<80x128xf32, #tpu.memory_space<hbm>>
      %dma_start3A_92 = arith.constant 0 : i32
      %dma_start3A_93 = arith.constant 0 : i32
      %dma_start3A_94 = tpu.memref_slice %arg9[%dma_start3A_92, %dma_start3A_93] : memref<80x128xf32, #tpu.memory_space<vmem>> -> memref<80x128xf32, #tpu.memory_space<vmem>>
      tpu.enqueue_dma source(%dma_start3A_94 : memref<80x128xf32, #tpu.memory_space<vmem>>) target(%dma_start3A_91 : memref<80x128xf32, #tpu.memory_space<hbm>>) target_semaphore(%run_scoped3A : memref<!tpu.dma_semaphore, #tpu.memory_space<semaphore_mem>>)
      %dma_wait3A_95 = arith.constant 0 : i32
      %dma_wait3A_96 = arith.constant 0 : i32
      %dma_wait3A_97 = tpu.memref_slice %arg9[%dma_wait3A_95, %dma_wait3A_96] : memref<80x128xf32, #tpu.memory_space<vmem>> -> memref<80x128xf32, #tpu.memory_space<vmem>>
      %dma_wait3A_98 = arith.constant 0 : i32
      %dma_wait3A_99 = tpu.memref_slice %arg5[%arg0, %add3A_62, %dma_wait3A_98] : memref<2x10000x128xf32, #tpu.memory_space<hbm>> -> memref<1x80x128xf32, #tpu.memory_space<hbm>>
      %dma_wait3A_100 = tpu.memref_squeeze %dma_wait3A_99 : memref<1x80x128xf32, #tpu.memory_space<hbm>> -> memref<80x128xf32, #tpu.memory_space<hbm>>
      %dma_wait3A_101 = arith.constant 0 : i32
      %dma_wait3A_102 = tpu.memref_slice %arg5[%arg0, %add3A_62, %dma_wait3A_101] : memref<2x10000x128xf32, #tpu.memory_space<hbm>> -> memref<1x80x128xf32, #tpu.memory_space<hbm>>
      %dma_wait3A_103 = tpu.memref_squeeze %dma_wait3A_102 : memref<1x80x128xf32, #tpu.memory_space<hbm>> -> memref<80x128xf32, #tpu.memory_space<hbm>>
      %dma_wait3A_104 = arith.constant 0 : i32
      %dma_wait3A_105 = arith.constant 0 : i32
      %dma_wait3A_106 = tpu.memref_slice %arg9[%dma_wait3A_104, %dma_wait3A_105] : memref<80x128xf32, #tpu.memory_space<vmem>> -> memref<80x128xf32, #tpu.memory_space<vmem>>
      tpu.wait_dma2 semaphore(%run_scoped3A : memref<!tpu.dma_semaphore, #tpu.memory_space<semaphore_mem>>) src(%dma_wait3A_106 : memref<80x128xf32, #tpu.memory_space<vmem>>) dst(%dma_wait3A_103 : memref<80x128xf32, #tpu.memory_space<hbm>>)
      tpu.yield
    }) : () -> ()
    %add3A_63 = arith.constant 320 : i32
    %add3A_64 = arith.addi %multiple_of3A, %add3A_63 : i32
    "tpu.region"() ({
      %run_scoped3A = tpu.sem_alloc : memref<!tpu.dma_semaphore, #tpu.memory_space<semaphore_mem>>
      %dma_start3A = arith.constant 0 : i32
      %dma_start3A_84 = arith.constant 0 : i32
      %dma_start3A_85 = tpu.memref_slice %arg9[%dma_start3A, %dma_start3A_84] : memref<80x128xf32, #tpu.memory_space<vmem>> -> memref<80x128xf32, #tpu.memory_space<vmem>>
      %dma_start3A_86 = arith.constant 0 : i32
      %dma_start3A_87 = tpu.memref_slice %arg6[%add3A_64, %dma_start3A_86] : memref<10000x128xf32, #tpu.memory_space<vmem_shared>> -> memref<80x128xf32, #tpu.memory_space<vmem_shared>>
      %dma_start3A_88 = arith.constant 0 : i32
      %dma_start3A_89 = arith.constant 0 : i32
      %dma_start3A_90 = tpu.memref_slice %arg9[%dma_start3A_88, %dma_start3A_89] : memref<80x128xf32, #tpu.memory_space<vmem>> -> memref<80x128xf32, #tpu.memory_space<vmem>>
      %dma_start3A_91 = arith.constant 0 : i32
      %dma_start3A_92 = tpu.memref_slice %arg6[%add3A_64, %dma_start3A_91] : memref<10000x128xf32, #tpu.memory_space<vmem_shared>> -> memref<80x128xf32, #tpu.memory_space<vmem_shared>>
      tpu.enqueue_dma source(%dma_start3A_92 : memref<80x128xf32, #tpu.memory_space<vmem_shared>>) target(%dma_start3A_90 : memref<80x128xf32, #tpu.memory_space<vmem>>) target_semaphore(%run_scoped3A : memref<!tpu.dma_semaphore, #tpu.memory_space<semaphore_mem>>)
      %dma_wait3A_93 = arith.constant 0 : i32
      %dma_wait3A_94 = arith.constant 0 : i32
      %dma_wait3A_95 = tpu.memref_slice %arg9[%dma_wait3A_93, %dma_wait3A_94] : memref<80x128xf32, #tpu.memory_space<vmem>> -> memref<80x128xf32, #tpu.memory_space<vmem>>
      %dma_wait3A_96 = arith.constant 0 : i32
      %dma_wait3A_97 = tpu.memref_slice %arg6[%add3A_64, %dma_wait3A_96] : memref<10000x128xf32, #tpu.memory_space<vmem_shared>> -> memref<80x128xf32, #tpu.memory_space<vmem_shared>>
      %dma_wait3A_98 = arith.constant 0 : i32
      %dma_wait3A_99 = arith.constant 0 : i32
      %dma_wait3A_100 = tpu.memref_slice %arg9[%dma_wait3A_98, %dma_wait3A_99] : memref<80x128xf32, #tpu.memory_space<vmem>> -> memref<80x128xf32, #tpu.memory_space<vmem>>
      %dma_wait3A_101 = arith.constant 0 : i32
      %dma_wait3A_102 = tpu.memref_slice %arg6[%add3A_64, %dma_wait3A_101] : memref<10000x128xf32, #tpu.memory_space<vmem_shared>> -> memref<80x128xf32, #tpu.memory_space<vmem_shared>>
      tpu.wait_dma2 semaphore(%run_scoped3A : memref<!tpu.dma_semaphore, #tpu.memory_space<semaphore_mem>>) src(%dma_wait3A_102 : memref<80x128xf32, #tpu.memory_space<vmem_shared>>) dst(%dma_wait3A_100 : memref<80x128xf32, #tpu.memory_space<vmem>>)
      tpu.yield
    }) : () -> ()
    %add3A_65 = arith.constant 320 : i32
    %add3A_66 = arith.addi %multiple_of3A, %add3A_65 : i32
    "tpu.region"() ({
      %run_scoped3A = tpu.sem_alloc : memref<!tpu.dma_semaphore, #tpu.memory_space<semaphore_mem>>
      %dma_start3A = arith.constant 0 : i32
      %dma_start3A_84 = arith.constant 0 : i32
      %dma_start3A_85 = tpu.memref_slice %arg9[%dma_start3A, %dma_start3A_84] : memref<80x128xf32, #tpu.memory_space<vmem>> -> memref<80x128xf32, #tpu.memory_space<vmem>>
      %dma_start3A_86 = arith.constant 0 : i32
      %dma_start3A_87 = tpu.memref_slice %arg5[%arg0, %add3A_66, %dma_start3A_86] : memref<2x10000x128xf32, #tpu.memory_space<hbm>> -> memref<1x80x128xf32, #tpu.memory_space<hbm>>
      %dma_start3A_88 = tpu.memref_squeeze %dma_start3A_87 : memref<1x80x128xf32, #tpu.memory_space<hbm>> -> memref<80x128xf32, #tpu.memory_space<hbm>>
      %dma_start3A_89 = arith.constant 0 : i32
      %dma_start3A_90 = tpu.memref_slice %arg5[%arg0, %add3A_66, %dma_start3A_89] : memref<2x10000x128xf32, #tpu.memory_space<hbm>> -> memref<1x80x128xf32, #tpu.memory_space<hbm>>
      %dma_start3A_91 = tpu.memref_squeeze %dma_start3A_90 : memref<1x80x128xf32, #tpu.memory_space<hbm>> -> memref<80x128xf32, #tpu.memory_space<hbm>>
      %dma_start3A_92 = arith.constant 0 : i32
      %dma_start3A_93 = arith.constant 0 : i32
      %dma_start3A_94 = tpu.memref_slice %arg9[%dma_start3A_92, %dma_start3A_93] : memref<80x128xf32, #tpu.memory_space<vmem>> -> memref<80x128xf32, #tpu.memory_space<vmem>>
      tpu.enqueue_dma source(%dma_start3A_94 : memref<80x128xf32, #tpu.memory_space<vmem>>) target(%dma_start3A_91 : memref<80x128xf32, #tpu.memory_space<hbm>>) target_semaphore(%run_scoped3A : memref<!tpu.dma_semaphore, #tpu.memory_space<semaphore_mem>>)
      %dma_wait3A_95 = arith.constant 0 : i32
      %dma_wait3A_96 = arith.constant 0 : i32
      %dma_wait3A_97 = tpu.memref_slice %arg9[%dma_wait3A_95, %dma_wait3A_96] : memref<80x128xf32, #tpu.memory_space<vmem>> -> memref<80x128xf32, #tpu.memory_space<vmem>>
      %dma_wait3A_98 = arith.constant 0 : i32
      %dma_wait3A_99 = tpu.memref_slice %arg5[%arg0, %add3A_66, %dma_wait3A_98] : memref<2x10000x128xf32, #tpu.memory_space<hbm>> -> memref<1x80x128xf32, #tpu.memory_space<hbm>>
      %dma_wait3A_100 = tpu.memref_squeeze %dma_wait3A_99 : memref<1x80x128xf32, #tpu.memory_space<hbm>> -> memref<80x128xf32, #tpu.memory_space<hbm>>
      %dma_wait3A_101 = arith.constant 0 : i32
      %dma_wait3A_102 = tpu.memref_slice %arg5[%arg0, %add3A_66, %dma_wait3A_101] : memref<2x10000x128xf32, #tpu.memory_space<hbm>> -> memref<1x80x128xf32, #tpu.memory_space<hbm>>
      %dma_wait3A_103 = tpu.memref_squeeze %dma_wait3A_102 : memref<1x80x128xf32, #tpu.memory_space<hbm>> -> memref<80x128xf32, #tpu.memory_space<hbm>>
      %dma_wait3A_104 = arith.constant 0 : i32
      %dma_wait3A_105 = arith.constant 0 : i32
      %dma_wait3A_106 = tpu.memref_slice %arg9[%dma_wait3A_104, %dma_wait3A_105] : memref<80x128xf32, #tpu.memory_space<vmem>> -> memref<80x128xf32, #tpu.memory_space<vmem>>
      tpu.wait_dma2 semaphore(%run_scoped3A : memref<!tpu.dma_semaphore, #tpu.memory_space<semaphore_mem>>) src(%dma_wait3A_106 : memref<80x128xf32, #tpu.memory_space<vmem>>) dst(%dma_wait3A_103 : memref<80x128xf32, #tpu.memory_space<hbm>>)
      tpu.yield
    }) : () -> ()
    %add3A_67 = arith.constant 400 : i32
    %add3A_68 = arith.addi %multiple_of3A, %add3A_67 : i32
    "tpu.region"() ({
      %run_scoped3A = tpu.sem_alloc : memref<!tpu.dma_semaphore, #tpu.memory_space<semaphore_mem>>
      %dma_start3A = arith.constant 0 : i32
      %dma_start3A_84 = arith.constant 0 : i32
      %dma_start3A_85 = tpu.memref_slice %arg9[%dma_start3A, %dma_start3A_84] : memref<80x128xf32, #tpu.memory_space<vmem>> -> memref<80x128xf32, #tpu.memory_space<vmem>>
      %dma_start3A_86 = arith.constant 0 : i32
      %dma_start3A_87 = tpu.memref_slice %arg6[%add3A_68, %dma_start3A_86] : memref<10000x128xf32, #tpu.memory_space<vmem_shared>> -> memref<80x128xf32, #tpu.memory_space<vmem_shared>>
      %dma_start3A_88 = arith.constant 0 : i32
      %dma_start3A_89 = arith.constant 0 : i32
      %dma_start3A_90 = tpu.memref_slice %arg9[%dma_start3A_88, %dma_start3A_89] : memref<80x128xf32, #tpu.memory_space<vmem>> -> memref<80x128xf32, #tpu.memory_space<vmem>>
      %dma_start3A_91 = arith.constant 0 : i32
      %dma_start3A_92 = tpu.memref_slice %arg6[%add3A_68, %dma_start3A_91] : memref<10000x128xf32, #tpu.memory_space<vmem_shared>> -> memref<80x128xf32, #tpu.memory_space<vmem_shared>>
      tpu.enqueue_dma source(%dma_start3A_92 : memref<80x128xf32, #tpu.memory_space<vmem_shared>>) target(%dma_start3A_90 : memref<80x128xf32, #tpu.memory_space<vmem>>) target_semaphore(%run_scoped3A : memref<!tpu.dma_semaphore, #tpu.memory_space<semaphore_mem>>)
      %dma_wait3A_93 = arith.constant 0 : i32
      %dma_wait3A_94 = arith.constant 0 : i32
      %dma_wait3A_95 = tpu.memref_slice %arg9[%dma_wait3A_93, %dma_wait3A_94] : memref<80x128xf32, #tpu.memory_space<vmem>> -> memref<80x128xf32, #tpu.memory_space<vmem>>
      %dma_wait3A_96 = arith.constant 0 : i32
      %dma_wait3A_97 = tpu.memref_slice %arg6[%add3A_68, %dma_wait3A_96] : memref<10000x128xf32, #tpu.memory_space<vmem_shared>> -> memref<80x128xf32, #tpu.memory_space<vmem_shared>>
      %dma_wait3A_98 = arith.constant 0 : i32
      %dma_wait3A_99 = arith.constant 0 : i32
      %dma_wait3A_100 = tpu.memref_slice %arg9[%dma_wait3A_98, %dma_wait3A_99] : memref<80x128xf32, #tpu.memory_space<vmem>> -> memref<80x128xf32, #tpu.memory_space<vmem>>
      %dma_wait3A_101 = arith.constant 0 : i32
      %dma_wait3A_102 = tpu.memref_slice %arg6[%add3A_68, %dma_wait3A_101] : memref<10000x128xf32, #tpu.memory_space<vmem_shared>> -> memref<80x128xf32, #tpu.memory_space<vmem_shared>>
      tpu.wait_dma2 semaphore(%run_scoped3A : memref<!tpu.dma_semaphore, #tpu.memory_space<semaphore_mem>>) src(%dma_wait3A_102 : memref<80x128xf32, #tpu.memory_space<vmem_shared>>) dst(%dma_wait3A_100 : memref<80x128xf32, #tpu.memory_space<vmem>>)
      tpu.yield
    }) : () -> ()
    %add3A_69 = arith.constant 400 : i32
    %add3A_70 = arith.addi %multiple_of3A, %add3A_69 : i32
    "tpu.region"() ({
      %run_scoped3A = tpu.sem_alloc : memref<!tpu.dma_semaphore, #tpu.memory_space<semaphore_mem>>
      %dma_start3A = arith.constant 0 : i32
      %dma_start3A_84 = arith.constant 0 : i32
      %dma_start3A_85 = tpu.memref_slice %arg9[%dma_start3A, %dma_start3A_84] : memref<80x128xf32, #tpu.memory_space<vmem>> -> memref<80x128xf32, #tpu.memory_space<vmem>>
      %dma_start3A_86 = arith.constant 0 : i32
      %dma_start3A_87 = tpu.memref_slice %arg5[%arg0, %add3A_70, %dma_start3A_86] : memref<2x10000x128xf32, #tpu.memory_space<hbm>> -> memref<1x80x128xf32, #tpu.memory_space<hbm>>
      %dma_start3A_88 = tpu.memref_squeeze %dma_start3A_87 : memref<1x80x128xf32, #tpu.memory_space<hbm>> -> memref<80x128xf32, #tpu.memory_space<hbm>>
      %dma_start3A_89 = arith.constant 0 : i32
      %dma_start3A_90 = tpu.memref_slice %arg5[%arg0, %add3A_70, %dma_start3A_89] : memref<2x10000x128xf32, #tpu.memory_space<hbm>> -> memref<1x80x128xf32, #tpu.memory_space<hbm>>
      %dma_start3A_91 = tpu.memref_squeeze %dma_start3A_90 : memref<1x80x128xf32, #tpu.memory_space<hbm>> -> memref<80x128xf32, #tpu.memory_space<hbm>>
      %dma_start3A_92 = arith.constant 0 : i32
      %dma_start3A_93 = arith.constant 0 : i32
      %dma_start3A_94 = tpu.memref_slice %arg9[%dma_start3A_92, %dma_start3A_93] : memref<80x128xf32, #tpu.memory_space<vmem>> -> memref<80x128xf32, #tpu.memory_space<vmem>>
      tpu.enqueue_dma source(%dma_start3A_94 : memref<80x128xf32, #tpu.memory_space<vmem>>) target(%dma_start3A_91 : memref<80x128xf32, #tpu.memory_space<hbm>>) target_semaphore(%run_scoped3A : memref<!tpu.dma_semaphore, #tpu.memory_space<semaphore_mem>>)
      %dma_wait3A_95 = arith.constant 0 : i32
      %dma_wait3A_96 = arith.constant 0 : i32
      %dma_wait3A_97 = tpu.memref_slice %arg9[%dma_wait3A_95, %dma_wait3A_96] : memref<80x128xf32, #tpu.memory_space<vmem>> -> memref<80x128xf32, #tpu.memory_space<vmem>>
      %dma_wait3A_98 = arith.constant 0 : i32
      %dma_wait3A_99 = tpu.memref_slice %arg5[%arg0, %add3A_70, %dma_wait3A_98] : memref<2x10000x128xf32, #tpu.memory_space<hbm>> -> memref<1x80x128xf32, #tpu.memory_space<hbm>>
      %dma_wait3A_100 = tpu.memref_squeeze %dma_wait3A_99 : memref<1x80x128xf32, #tpu.memory_space<hbm>> -> memref<80x128xf32, #tpu.memory_space<hbm>>
      %dma_wait3A_101 = arith.constant 0 : i32
      %dma_wait3A_102 = tpu.memref_slice %arg5[%arg0, %add3A_70, %dma_wait3A_101] : memref<2x10000x128xf32, #tpu.memory_space<hbm>> -> memref<1x80x128xf32, #tpu.memory_space<hbm>>
      %dma_wait3A_103 = tpu.memref_squeeze %dma_wait3A_102 : memref<1x80x128xf32, #tpu.memory_space<hbm>> -> memref<80x128xf32, #tpu.memory_space<hbm>>
      %dma_wait3A_104 = arith.constant 0 : i32
      %dma_wait3A_105 = arith.constant 0 : i32
      %dma_wait3A_106 = tpu.memref_slice %arg9[%dma_wait3A_104, %dma_wait3A_105] : memref<80x128xf32, #tpu.memory_space<vmem>> -> memref<80x128xf32, #tpu.memory_space<vmem>>
      tpu.wait_dma2 semaphore(%run_scoped3A : memref<!tpu.dma_semaphore, #tpu.memory_space<semaphore_mem>>) src(%dma_wait3A_106 : memref<80x128xf32, #tpu.memory_space<vmem>>) dst(%dma_wait3A_103 : memref<80x128xf32, #tpu.memory_space<hbm>>)
      tpu.yield
    }) : () -> ()
    %add3A_71 = arith.constant 480 : i32
    %add3A_72 = arith.addi %multiple_of3A, %add3A_71 : i32
    "tpu.region"() ({
      %run_scoped3A = tpu.sem_alloc : memref<!tpu.dma_semaphore, #tpu.memory_space<semaphore_mem>>
      %dma_start3A = arith.constant 0 : i32
      %dma_start3A_84 = arith.constant 0 : i32
      %dma_start3A_85 = tpu.memref_slice %arg9[%dma_start3A, %dma_start3A_84] : memref<80x128xf32, #tpu.memory_space<vmem>> -> memref<80x128xf32, #tpu.memory_space<vmem>>
      %dma_start3A_86 = arith.constant 0 : i32
      %dma_start3A_87 = tpu.memref_slice %arg6[%add3A_72, %dma_start3A_86] : memref<10000x128xf32, #tpu.memory_space<vmem_shared>> -> memref<80x128xf32, #tpu.memory_space<vmem_shared>>
      %dma_start3A_88 = arith.constant 0 : i32
      %dma_start3A_89 = arith.constant 0 : i32
      %dma_start3A_90 = tpu.memref_slice %arg9[%dma_start3A_88, %dma_start3A_89] : memref<80x128xf32, #tpu.memory_space<vmem>> -> memref<80x128xf32, #tpu.memory_space<vmem>>
      %dma_start3A_91 = arith.constant 0 : i32
      %dma_start3A_92 = tpu.memref_slice %arg6[%add3A_72, %dma_start3A_91] : memref<10000x128xf32, #tpu.memory_space<vmem_shared>> -> memref<80x128xf32, #tpu.memory_space<vmem_shared>>
      tpu.enqueue_dma source(%dma_start3A_92 : memref<80x128xf32, #tpu.memory_space<vmem_shared>>) target(%dma_start3A_90 : memref<80x128xf32, #tpu.memory_space<vmem>>) target_semaphore(%run_scoped3A : memref<!tpu.dma_semaphore, #tpu.memory_space<semaphore_mem>>)
      %dma_wait3A_93 = arith.constant 0 : i32
      %dma_wait3A_94 = arith.constant 0 : i32
      %dma_wait3A_95 = tpu.memref_slice %arg9[%dma_wait3A_93, %dma_wait3A_94] : memref<80x128xf32, #tpu.memory_space<vmem>> -> memref<80x128xf32, #tpu.memory_space<vmem>>
      %dma_wait3A_96 = arith.constant 0 : i32
      %dma_wait3A_97 = tpu.memref_slice %arg6[%add3A_72, %dma_wait3A_96] : memref<10000x128xf32, #tpu.memory_space<vmem_shared>> -> memref<80x128xf32, #tpu.memory_space<vmem_shared>>
      %dma_wait3A_98 = arith.constant 0 : i32
      %dma_wait3A_99 = arith.constant 0 : i32
      %dma_wait3A_100 = tpu.memref_slice %arg9[%dma_wait3A_98, %dma_wait3A_99] : memref<80x128xf32, #tpu.memory_space<vmem>> -> memref<80x128xf32, #tpu.memory_space<vmem>>
      %dma_wait3A_101 = arith.constant 0 : i32
      %dma_wait3A_102 = tpu.memref_slice %arg6[%add3A_72, %dma_wait3A_101] : memref<10000x128xf32, #tpu.memory_space<vmem_shared>> -> memref<80x128xf32, #tpu.memory_space<vmem_shared>>
      tpu.wait_dma2 semaphore(%run_scoped3A : memref<!tpu.dma_semaphore, #tpu.memory_space<semaphore_mem>>) src(%dma_wait3A_102 : memref<80x128xf32, #tpu.memory_space<vmem_shared>>) dst(%dma_wait3A_100 : memref<80x128xf32, #tpu.memory_space<vmem>>)
      tpu.yield
    }) : () -> ()
    %add3A_73 = arith.constant 480 : i32
    %add3A_74 = arith.addi %multiple_of3A, %add3A_73 : i32
    "tpu.region"() ({
      %run_scoped3A = tpu.sem_alloc : memref<!tpu.dma_semaphore, #tpu.memory_space<semaphore_mem>>
      %dma_start3A = arith.constant 0 : i32
      %dma_start3A_84 = arith.constant 0 : i32
      %dma_start3A_85 = tpu.memref_slice %arg9[%dma_start3A, %dma_start3A_84] : memref<80x128xf32, #tpu.memory_space<vmem>> -> memref<80x128xf32, #tpu.memory_space<vmem>>
      %dma_start3A_86 = arith.constant 0 : i32
      %dma_start3A_87 = tpu.memref_slice %arg5[%arg0, %add3A_74, %dma_start3A_86] : memref<2x10000x128xf32, #tpu.memory_space<hbm>> -> memref<1x80x128xf32, #tpu.memory_space<hbm>>
      %dma_start3A_88 = tpu.memref_squeeze %dma_start3A_87 : memref<1x80x128xf32, #tpu.memory_space<hbm>> -> memref<80x128xf32, #tpu.memory_space<hbm>>
      %dma_start3A_89 = arith.constant 0 : i32
      %dma_start3A_90 = tpu.memref_slice %arg5[%arg0, %add3A_74, %dma_start3A_89] : memref<2x10000x128xf32, #tpu.memory_space<hbm>> -> memref<1x80x128xf32, #tpu.memory_space<hbm>>
      %dma_start3A_91 = tpu.memref_squeeze %dma_start3A_90 : memref<1x80x128xf32, #tpu.memory_space<hbm>> -> memref<80x128xf32, #tpu.memory_space<hbm>>
      %dma_start3A_92 = arith.constant 0 : i32
      %dma_start3A_93 = arith.constant 0 : i32
      %dma_start3A_94 = tpu.memref_slice %arg9[%dma_start3A_92, %dma_start3A_93] : memref<80x128xf32, #tpu.memory_space<vmem>> -> memref<80x128xf32, #tpu.memory_space<vmem>>
      tpu.enqueue_dma source(%dma_start3A_94 : memref<80x128xf32, #tpu.memory_space<vmem>>) target(%dma_start3A_91 : memref<80x128xf32, #tpu.memory_space<hbm>>) target_semaphore(%run_scoped3A : memref<!tpu.dma_semaphore, #tpu.memory_space<semaphore_mem>>)
      %dma_wait3A_95 = arith.constant 0 : i32
      %dma_wait3A_96 = arith.constant 0 : i32
      %dma_wait3A_97 = tpu.memref_slice %arg9[%dma_wait3A_95, %dma_wait3A_96] : memref<80x128xf32, #tpu.memory_space<vmem>> -> memref<80x128xf32, #tpu.memory_space<vmem>>
      %dma_wait3A_98 = arith.constant 0 : i32
      %dma_wait3A_99 = tpu.memref_slice %arg5[%arg0, %add3A_74, %dma_wait3A_98] : memref<2x10000x128xf32, #tpu.memory_space<hbm>> -> memref<1x80x128xf32, #tpu.memory_space<hbm>>
      %dma_wait3A_100 = tpu.memref_squeeze %dma_wait3A_99 : memref<1x80x128xf32, #tpu.memory_space<hbm>> -> memref<80x128xf32, #tpu.memory_space<hbm>>
      %dma_wait3A_101 = arith.constant 0 : i32
      %dma_wait3A_102 = tpu.memref_slice %arg5[%arg0, %add3A_74, %dma_wait3A_101] : memref<2x10000x128xf32, #tpu.memory_space<hbm>> -> memref<1x80x128xf32, #tpu.memory_space<hbm>>
      %dma_wait3A_103 = tpu.memref_squeeze %dma_wait3A_102 : memref<1x80x128xf32, #tpu.memory_space<hbm>> -> memref<80x128xf32, #tpu.memory_space<hbm>>
      %dma_wait3A_104 = arith.constant 0 : i32
      %dma_wait3A_105 = arith.constant 0 : i32
      %dma_wait3A_106 = tpu.memref_slice %arg9[%dma_wait3A_104, %dma_wait3A_105] : memref<80x128xf32, #tpu.memory_space<vmem>> -> memref<80x128xf32, #tpu.memory_space<vmem>>
      tpu.wait_dma2 semaphore(%run_scoped3A : memref<!tpu.dma_semaphore, #tpu.memory_space<semaphore_mem>>) src(%dma_wait3A_106 : memref<80x128xf32, #tpu.memory_space<vmem>>) dst(%dma_wait3A_103 : memref<80x128xf32, #tpu.memory_space<hbm>>)
      tpu.yield
    }) : () -> ()
    %add3A_75 = arith.constant 560 : i32
    %add3A_76 = arith.addi %multiple_of3A, %add3A_75 : i32
    "tpu.region"() ({
      %run_scoped3A = tpu.sem_alloc : memref<!tpu.dma_semaphore, #tpu.memory_space<semaphore_mem>>
      %dma_start3A = arith.constant 0 : i32
      %dma_start3A_84 = arith.constant 0 : i32
      %dma_start3A_85 = tpu.memref_slice %arg9[%dma_start3A, %dma_start3A_84] : memref<80x128xf32, #tpu.memory_space<vmem>> -> memref<64x128xf32, #tpu.memory_space<vmem>>
      %dma_start3A_86 = arith.constant 0 : i32
      %dma_start3A_87 = tpu.memref_slice %arg6[%add3A_76, %dma_start3A_86] : memref<10000x128xf32, #tpu.memory_space<vmem_shared>> -> memref<64x128xf32, #tpu.memory_space<vmem_shared>>
      %dma_start3A_88 = arith.constant 0 : i32
      %dma_start3A_89 = arith.constant 0 : i32
      %dma_start3A_90 = tpu.memref_slice %arg9[%dma_start3A_88, %dma_start3A_89] : memref<80x128xf32, #tpu.memory_space<vmem>> -> memref<64x128xf32, #tpu.memory_space<vmem>>
      %dma_start3A_91 = arith.constant 0 : i32
      %dma_start3A_92 = tpu.memref_slice %arg6[%add3A_76, %dma_start3A_91] : memref<10000x128xf32, #tpu.memory_space<vmem_shared>> -> memref<64x128xf32, #tpu.memory_space<vmem_shared>>
      tpu.enqueue_dma source(%dma_start3A_92 : memref<64x128xf32, #tpu.memory_space<vmem_shared>>) target(%dma_start3A_90 : memref<64x128xf32, #tpu.memory_space<vmem>>) target_semaphore(%run_scoped3A : memref<!tpu.dma_semaphore, #tpu.memory_space<semaphore_mem>>)
      %dma_wait3A_93 = arith.constant 0 : i32
      %dma_wait3A_94 = arith.constant 0 : i32
      %dma_wait3A_95 = tpu.memref_slice %arg9[%dma_wait3A_93, %dma_wait3A_94] : memref<80x128xf32, #tpu.memory_space<vmem>> -> memref<64x128xf32, #tpu.memory_space<vmem>>
      %dma_wait3A_96 = arith.constant 0 : i32
      %dma_wait3A_97 = tpu.memref_slice %arg6[%add3A_76, %dma_wait3A_96] : memref<10000x128xf32, #tpu.memory_space<vmem_shared>> -> memref<64x128xf32, #tpu.memory_space<vmem_shared>>
      %dma_wait3A_98 = arith.constant 0 : i32
      %dma_wait3A_99 = arith.constant 0 : i32
      %dma_wait3A_100 = tpu.memref_slice %arg9[%dma_wait3A_98, %dma_wait3A_99] : memref<80x128xf32, #tpu.memory_space<vmem>> -> memref<64x128xf32, #tpu.memory_space<vmem>>
      %dma_wait3A_101 = arith.constant 0 : i32
      %dma_wait3A_102 = tpu.memref_slice %arg6[%add3A_76, %dma_wait3A_101] : memref<10000x128xf32, #tpu.memory_space<vmem_shared>> -> memref<64x128xf32, #tpu.memory_space<vmem_shared>>
      tpu.wait_dma2 semaphore(%run_scoped3A : memref<!tpu.dma_semaphore, #tpu.memory_space<semaphore_mem>>) src(%dma_wait3A_102 : memref<64x128xf32, #tpu.memory_space<vmem_shared>>) dst(%dma_wait3A_100 : memref<64x128xf32, #tpu.memory_space<vmem>>)
      tpu.yield
    }) : () -> ()
    %add3A_77 = arith.constant 560 : i32
    %add3A_78 = arith.addi %multiple_of3A, %add3A_77 : i32
    "tpu.region"() ({
      %run_scoped3A = tpu.sem_alloc : memref<!tpu.dma_semaphore, #tpu.memory_space<semaphore_mem>>
      %dma_start3A = arith.constant 0 : i32
      %dma_start3A_84 = arith.constant 0 : i32
      %dma_start3A_85 = tpu.memref_slice %arg9[%dma_start3A, %dma_start3A_84] : memref<80x128xf32, #tpu.memory_space<vmem>> -> memref<64x128xf32, #tpu.memory_space<vmem>>
      %dma_start3A_86 = arith.constant 0 : i32
      %dma_start3A_87 = tpu.memref_slice %arg5[%arg0, %add3A_78, %dma_start3A_86] : memref<2x10000x128xf32, #tpu.memory_space<hbm>> -> memref<1x64x128xf32, #tpu.memory_space<hbm>>
      %dma_start3A_88 = tpu.memref_squeeze %dma_start3A_87 : memref<1x64x128xf32, #tpu.memory_space<hbm>> -> memref<64x128xf32, #tpu.memory_space<hbm>>
      %dma_start3A_89 = arith.constant 0 : i32
      %dma_start3A_90 = tpu.memref_slice %arg5[%arg0, %add3A_78, %dma_start3A_89] : memref<2x10000x128xf32, #tpu.memory_space<hbm>> -> memref<1x64x128xf32, #tpu.memory_space<hbm>>
      %dma_start3A_91 = tpu.memref_squeeze %dma_start3A_90 : memref<1x64x128xf32, #tpu.memory_space<hbm>> -> memref<64x128xf32, #tpu.memory_space<hbm>>
      %dma_start3A_92 = arith.constant 0 : i32
      %dma_start3A_93 = arith.constant 0 : i32
      %dma_start3A_94 = tpu.memref_slice %arg9[%dma_start3A_92, %dma_start3A_93] : memref<80x128xf32, #tpu.memory_space<vmem>> -> memref<64x128xf32, #tpu.memory_space<vmem>>
      tpu.enqueue_dma source(%dma_start3A_94 : memref<64x128xf32, #tpu.memory_space<vmem>>) target(%dma_start3A_91 : memref<64x128xf32, #tpu.memory_space<hbm>>) target_semaphore(%run_scoped3A : memref<!tpu.dma_semaphore, #tpu.memory_space<semaphore_mem>>)
      %dma_wait3A_95 = arith.constant 0 : i32
      %dma_wait3A_96 = arith.constant 0 : i32
      %dma_wait3A_97 = tpu.memref_slice %arg9[%dma_wait3A_95, %dma_wait3A_96] : memref<80x128xf32, #tpu.memory_space<vmem>> -> memref<64x128xf32, #tpu.memory_space<vmem>>
      %dma_wait3A_98 = arith.constant 0 : i32
      %dma_wait3A_99 = tpu.memref_slice %arg5[%arg0, %add3A_78, %dma_wait3A_98] : memref<2x10000x128xf32, #tpu.memory_space<hbm>> -> memref<1x64x128xf32, #tpu.memory_space<hbm>>
      %dma_wait3A_100 = tpu.memref_squeeze %dma_wait3A_99 : memref<1x64x128xf32, #tpu.memory_space<hbm>> -> memref<64x128xf32, #tpu.memory_space<hbm>>
      %dma_wait3A_101 = arith.constant 0 : i32
      %dma_wait3A_102 = tpu.memref_slice %arg5[%arg0, %add3A_78, %dma_wait3A_101] : memref<2x10000x128xf32, #tpu.memory_space<hbm>> -> memref<1x64x128xf32, #tpu.memory_space<hbm>>
      %dma_wait3A_103 = tpu.memref_squeeze %dma_wait3A_102 : memref<1x64x128xf32, #tpu.memory_space<hbm>> -> memref<64x128xf32, #tpu.memory_space<hbm>>
      %dma_wait3A_104 = arith.constant 0 : i32
      %dma_wait3A_105 = arith.constant 0 : i32
      %dma_wait3A_106 = tpu.memref_slice %arg9[%dma_wait3A_104, %dma_wait3A_105] : memref<80x128xf32, #tpu.memory_space<vmem>> -> memref<64x128xf32, #tpu.memory_space<vmem>>
      tpu.wait_dma2 semaphore(%run_scoped3A : memref<!tpu.dma_semaphore, #tpu.memory_space<semaphore_mem>>) src(%dma_wait3A_106 : memref<64x128xf32, #tpu.memory_space<vmem>>) dst(%dma_wait3A_103 : memref<64x128xf32, #tpu.memory_space<hbm>>)
      tpu.yield
    }) : () -> ()
    %eq3A_79 = arith.constant 15 : i32
    %eq3A_80 = arith.cmpi eq, %arg1, %eq3A_79 : i32
    %convert_element_type3A_81 = arith.extui %eq3A_80 : i1 to i32
    %cond3A_82 = arith.constant 0 : i32
    %cond3A_83 = arith.cmpi ne, %convert_element_type3A_81, %cond3A_82 : i32
    scf.if %cond3A_83 {
      "tpu.region"() ({
        %run_scoped3A = tpu.sem_alloc : memref<!tpu.dma_semaphore, #tpu.memory_space<semaphore_mem>>
        %dma_start3A = arith.constant 0 : i32
        %dma_start3A_84 = arith.constant 0 : i32
        %dma_start3A_85 = tpu.memref_slice %arg9[%dma_start3A, %dma_start3A_84] : memref<80x128xf32, #tpu.memory_space<vmem>> -> memref<16x128xf32, #tpu.memory_space<vmem>>
        %dma_start3A_86 = arith.constant 9984 : i32
        %dma_start3A_87 = arith.constant 0 : i32
        %dma_start3A_88 = tpu.memref_slice %arg6[%dma_start3A_86, %dma_start3A_87] : memref<10000x128xf32, #tpu.memory_space<vmem_shared>> -> memref<16x128xf32, #tpu.memory_space<vmem_shared>>
        %dma_start3A_89 = arith.constant 0 : i32
        %dma_start3A_90 = arith.constant 0 : i32
        %dma_start3A_91 = tpu.memref_slice %arg9[%dma_start3A_89, %dma_start3A_90] : memref<80x128xf32, #tpu.memory_space<vmem>> -> memref<16x128xf32, #tpu.memory_space<vmem>>
        %dma_start3A_92 = arith.constant 9984 : i32
        %dma_start3A_93 = arith.constant 0 : i32
        %dma_start3A_94 = tpu.memref_slice %arg6[%dma_start3A_92, %dma_start3A_93] : memref<10000x128xf32, #tpu.memory_space<vmem_shared>> -> memref<16x128xf32, #tpu.memory_space<vmem_shared>>
        tpu.enqueue_dma source(%dma_start3A_94 : memref<16x128xf32, #tpu.memory_space<vmem_shared>>) target(%dma_start3A_91 : memref<16x128xf32, #tpu.memory_space<vmem>>) target_semaphore(%run_scoped3A : memref<!tpu.dma_semaphore, #tpu.memory_space<semaphore_mem>>)
        %dma_wait3A_95 = arith.constant 0 : i32
        %dma_wait3A_96 = arith.constant 0 : i32
        %dma_wait3A_97 = tpu.memref_slice %arg9[%dma_wait3A_95, %dma_wait3A_96] : memref<80x128xf32, #tpu.memory_space<vmem>> -> memref<16x128xf32, #tpu.memory_space<vmem>>
        %dma_wait3A_98 = arith.constant 9984 : i32
        %dma_wait3A_99 = arith.constant 0 : i32
        %dma_wait3A_100 = tpu.memref_slice %arg6[%dma_wait3A_98, %dma_wait3A_99] : memref<10000x128xf32, #tpu.memory_space<vmem_shared>> -> memref<16x128xf32, #tpu.memory_space<vmem_shared>>
        %dma_wait3A_101 = arith.constant 0 : i32
        %dma_wait3A_102 = arith.constant 0 : i32
        %dma_wait3A_103 = tpu.memref_slice %arg9[%dma_wait3A_101, %dma_wait3A_102] : memref<80x128xf32, #tpu.memory_space<vmem>> -> memref<16x128xf32, #tpu.memory_space<vmem>>
        %dma_wait3A_104 = arith.constant 9984 : i32
        %dma_wait3A_105 = arith.constant 0 : i32
        %dma_wait3A_106 = tpu.memref_slice %arg6[%dma_wait3A_104, %dma_wait3A_105] : memref<10000x128xf32, #tpu.memory_space<vmem_shared>> -> memref<16x128xf32, #tpu.memory_space<vmem_shared>>
        tpu.wait_dma2 semaphore(%run_scoped3A : memref<!tpu.dma_semaphore, #tpu.memory_space<semaphore_mem>>) src(%dma_wait3A_106 : memref<16x128xf32, #tpu.memory_space<vmem_shared>>) dst(%dma_wait3A_103 : memref<16x128xf32, #tpu.memory_space<vmem>>)
        tpu.yield
      }) : () -> ()
      "tpu.region"() ({
        %run_scoped3A = tpu.sem_alloc : memref<!tpu.dma_semaphore, #tpu.memory_space<semaphore_mem>>
        %dma_start3A = arith.constant 0 : i32
        %dma_start3A_84 = arith.constant 0 : i32
        %dma_start3A_85 = tpu.memref_slice %arg9[%dma_start3A, %dma_start3A_84] : memref<80x128xf32, #tpu.memory_space<vmem>> -> memref<16x128xf32, #tpu.memory_space<vmem>>
        %dma_start3A_86 = arith.constant 9984 : i32
        %dma_start3A_87 = arith.constant 0 : i32
        %dma_start3A_88 = tpu.memref_slice %arg5[%arg0, %dma_start3A_86, %dma_start3A_87] : memref<2x10000x128xf32, #tpu.memory_space<hbm>> -> memref<1x16x128xf32, #tpu.memory_space<hbm>>
        %dma_start3A_89 = tpu.memref_squeeze %dma_start3A_88 : memref<1x16x128xf32, #tpu.memory_space<hbm>> -> memref<16x128xf32, #tpu.memory_space<hbm>>
        %dma_start3A_90 = arith.constant 9984 : i32
        %dma_start3A_91 = arith.constant 0 : i32
        %dma_start3A_92 = tpu.memref_slice %arg5[%arg0, %dma_start3A_90, %dma_start3A_91] : memref<2x10000x128xf32, #tpu.memory_space<hbm>> -> memref<1x16x128xf32, #tpu.memory_space<hbm>>
        %dma_start3A_93 = tpu.memref_squeeze %dma_start3A_92 : memref<1x16x128xf32, #tpu.memory_space<hbm>> -> memref<16x128xf32, #tpu.memory_space<hbm>>
        %dma_start3A_94 = arith.constant 0 : i32
        %dma_start3A_95 = arith.constant 0 : i32
        %dma_start3A_96 = tpu.memref_slice %arg9[%dma_start3A_94, %dma_start3A_95] : memref<80x128xf32, #tpu.memory_space<vmem>> -> memref<16x128xf32, #tpu.memory_space<vmem>>
        tpu.enqueue_dma source(%dma_start3A_96 : memref<16x128xf32, #tpu.memory_space<vmem>>) target(%dma_start3A_93 : memref<16x128xf32, #tpu.memory_space<hbm>>) target_semaphore(%run_scoped3A : memref<!tpu.dma_semaphore, #tpu.memory_space<semaphore_mem>>)
        %dma_wait3A_97 = arith.constant 0 : i32
        %dma_wait3A_98 = arith.constant 0 : i32
        %dma_wait3A_99 = tpu.memref_slice %arg9[%dma_wait3A_97, %dma_wait3A_98] : memref<80x128xf32, #tpu.memory_space<vmem>> -> memref<16x128xf32, #tpu.memory_space<vmem>>
        %dma_wait3A_100 = arith.constant 9984 : i32
        %dma_wait3A_101 = arith.constant 0 : i32
        %dma_wait3A_102 = tpu.memref_slice %arg5[%arg0, %dma_wait3A_100, %dma_wait3A_101] : memref<2x10000x128xf32, #tpu.memory_space<hbm>> -> memref<1x16x128xf32, #tpu.memory_space<hbm>>
        %dma_wait3A_103 = tpu.memref_squeeze %dma_wait3A_102 : memref<1x16x128xf32, #tpu.memory_space<hbm>> -> memref<16x128xf32, #tpu.memory_space<hbm>>
        %dma_wait3A_104 = arith.constant 9984 : i32
        %dma_wait3A_105 = arith.constant 0 : i32
        %dma_wait3A_106 = tpu.memref_slice %arg5[%arg0, %dma_wait3A_104, %dma_wait3A_105] : memref<2x10000x128xf32, #tpu.memory_space<hbm>> -> memref<1x16x128xf32, #tpu.memory_space<hbm>>
        %dma_wait3A_107 = tpu.memref_squeeze %dma_wait3A_106 : memref<1x16x128xf32, #tpu.memory_space<hbm>> -> memref<16x128xf32, #tpu.memory_space<hbm>>
        %dma_wait3A_108 = arith.constant 0 : i32
        %dma_wait3A_109 = arith.constant 0 : i32
        %dma_wait3A_110 = tpu.memref_slice %arg9[%dma_wait3A_108, %dma_wait3A_109] : memref<80x128xf32, #tpu.memory_space<vmem>> -> memref<16x128xf32, #tpu.memory_space<vmem>>
        tpu.wait_dma2 semaphore(%run_scoped3A : memref<!tpu.dma_semaphore, #tpu.memory_space<semaphore_mem>>) src(%dma_wait3A_110 : memref<16x128xf32, #tpu.memory_space<vmem>>) dst(%dma_wait3A_107 : memref<16x128xf32, #tpu.memory_space<hbm>>)
        tpu.yield
      }) : () -> ()
    } else {
    }
    return
  }
}

#map = affine_map<(d0, d1) -> (0, 0)>
#map1 = affine_map<(d0, d1) -> (0)>
#map2 = affine_map<(d0, d1) -> (0, 0, 0)>
module attributes {stable_mosaic.version = 14 : i64} {
  func.func @scatter_k(%arg0: i32, %arg1: i32, %arg2: memref<320000x128xf32, #tpu.memory_space<hbm>>, %arg3: memref<320000xi32, #tpu.memory_space<hbm>>, %arg4: memref<80x128xf32, #tpu.memory_space<hbm>>, %arg5: memref<2x10000x128xf32, #tpu.memory_space<hbm>>, %arg6: memref<10000x128xf32, #tpu.memory_space<vmem_shared>>, %arg7: memref<80xi32, #tpu.memory_space<vmem>>, %arg8: memref<80xi32, #tpu.memory_space<vmem>>, %arg9: memref<80x128xf32, #tpu.memory_space<vmem>>, %arg10: memref<80x128xf32, #tpu.memory_space<vmem>>, %arg11: memref<!tpu.dma_semaphore, #tpu.memory_space<semaphore_mem>>, %arg12: memref<!tpu.dma_semaphore, #tpu.memory_space<semaphore_mem>>, %arg13: memref<!tpu.dma_semaphore, #tpu.memory_space<semaphore_mem>>, %arg14: memref<!tpu.dma_semaphore, #tpu.memory_space<semaphore_mem>>, %arg15: memref<!tpu.dma_semaphore, #tpu.memory_space<semaphore_mem>>, %arg16: memref<!tpu.dma_semaphore, #tpu.memory_space<semaphore_mem>>) attributes {dimension_semantics = [#tpu.dimension_semantics<core_parallel>, #tpu.dimension_semantics<subcore_parallel>], iteration_bounds = array<i64: 2, 16>, scalar_prefetch = 0 : i64, scratch_operands = 11 : i64, tpu.core_type = #tpu.core_type<sc_vector_subcore>, window_params = [{transform_indices = #map}, {transform_indices = #map1}, {transform_indices = #map}, {transform_indices = #map2}]} {
    %mul3A = arith.constant 2 : i32
    %mul3A_0 = arith.muli %arg1, %mul3A : i32
    %add3A = arith.addi %mul3A_0, %arg0 : i32
    %mul3A_1 = arith.constant 624 : i32
    %mul3A_2 = arith.muli %arg1, %mul3A_1 : i32
    %multiple_of3A = tpu.assume_multiple %mul3A_2, 8 : i32
    "tpu.region"() ({
      %run_scoped3A = tpu.sem_alloc : memref<!tpu.dma_semaphore, #tpu.memory_space<semaphore_mem>>
      tpu.enqueue_dma source(%arg4 : memref<80x128xf32, #tpu.memory_space<hbm>>) target(%arg9 : memref<80x128xf32, #tpu.memory_space<vmem>>) target_semaphore(%run_scoped3A : memref<!tpu.dma_semaphore, #tpu.memory_space<semaphore_mem>>)
      tpu.wait_dma2 semaphore(%run_scoped3A : memref<!tpu.dma_semaphore, #tpu.memory_space<semaphore_mem>>) src(%arg4 : memref<80x128xf32, #tpu.memory_space<hbm>>) dst(%arg9 : memref<80x128xf32, #tpu.memory_space<vmem>>)
      tpu.yield
    }) : () -> ()
    %add3A_3 = arith.constant 0 : i32
    %add3A_4 = arith.addi %multiple_of3A, %add3A_3 : i32
    "tpu.region"() ({
      %run_scoped3A = tpu.sem_alloc : memref<!tpu.dma_semaphore, #tpu.memory_space<semaphore_mem>>
      %dma_start3A = arith.constant 0 : i32
      %dma_start3A_84 = arith.constant 0 : i32
      %dma_start3A_85 = tpu.memref_slice %arg9[%dma_start3A, %dma_start3A_84] : memref<80x128xf32, #tpu.memory_space<vmem>> -> memref<80x128xf32, #tpu.memory_space<vmem>>
      %dma_start3A_86 = arith.constant 0 : i32
      %dma_start3A_87 = tpu.memref_slice %arg6[%add3A_4, %dma_start3A_86] : memref<10000x128xf32, #tpu.memory_space<vmem_shared>> -> memref<80x128xf32, #tpu.memory_space<vmem_shared>>
      %dma_start3A_88 = arith.constant 0 : i32
      %dma_start3A_89 = tpu.memref_slice %arg6[%add3A_4, %dma_start3A_88] : memref<10000x128xf32, #tpu.memory_space<vmem_shared>> -> memref<80x128xf32, #tpu.memory_space<vmem_shared>>
      %dma_start3A_90 = arith.constant 0 : i32
      %dma_start3A_91 = arith.constant 0 : i32
      %dma_start3A_92 = tpu.memref_slice %arg9[%dma_start3A_90, %dma_start3A_91] : memref<80x128xf32, #tpu.memory_space<vmem>> -> memref<80x128xf32, #tpu.memory_space<vmem>>
      tpu.enqueue_dma source(%dma_start3A_92 : memref<80x128xf32, #tpu.memory_space<vmem>>) target(%dma_start3A_89 : memref<80x128xf32, #tpu.memory_space<vmem_shared>>) target_semaphore(%run_scoped3A : memref<!tpu.dma_semaphore, #tpu.memory_space<semaphore_mem>>)
      %dma_wait3A_93 = arith.constant 0 : i32
      %dma_wait3A_94 = arith.constant 0 : i32
      %dma_wait3A_95 = tpu.memref_slice %arg9[%dma_wait3A_93, %dma_wait3A_94] : memref<80x128xf32, #tpu.memory_space<vmem>> -> memref<80x128xf32, #tpu.memory_space<vmem>>
      %dma_wait3A_96 = arith.constant 0 : i32
      %dma_wait3A_97 = tpu.memref_slice %arg6[%add3A_4, %dma_wait3A_96] : memref<10000x128xf32, #tpu.memory_space<vmem_shared>> -> memref<80x128xf32, #tpu.memory_space<vmem_shared>>
      %dma_wait3A_98 = arith.constant 0 : i32
      %dma_wait3A_99 = tpu.memref_slice %arg6[%add3A_4, %dma_wait3A_98] : memref<10000x128xf32, #tpu.memory_space<vmem_shared>> -> memref<80x128xf32, #tpu.memory_space<vmem_shared>>
      %dma_wait3A_100 = arith.constant 0 : i32
      %dma_wait3A_101 = arith.constant 0 : i32
      %dma_wait3A_102 = tpu.memref_slice %arg9[%dma_wait3A_100, %dma_wait3A_101] : memref<80x128xf32, #tpu.memory_space<vmem>> -> memref<80x128xf32, #tpu.memory_space<vmem>>
      tpu.wait_dma2 semaphore(%run_scoped3A : memref<!tpu.dma_semaphore, #tpu.memory_space<semaphore_mem>>) src(%dma_wait3A_102 : memref<80x128xf32, #tpu.memory_space<vmem>>) dst(%dma_wait3A_99 : memref<80x128xf32, #tpu.memory_space<vmem_shared>>)
      tpu.yield
    }) : () -> ()
    %add3A_5 = arith.constant 80 : i32
    %add3A_6 = arith.addi %multiple_of3A, %add3A_5 : i32
    "tpu.region"() ({
      %run_scoped3A = tpu.sem_alloc : memref<!tpu.dma_semaphore, #tpu.memory_space<semaphore_mem>>
      %dma_start3A = arith.constant 0 : i32
      %dma_start3A_84 = arith.constant 0 : i32
      %dma_start3A_85 = tpu.memref_slice %arg9[%dma_start3A, %dma_start3A_84] : memref<80x128xf32, #tpu.memory_space<vmem>> -> memref<80x128xf32, #tpu.memory_space<vmem>>
      %dma_start3A_86 = arith.constant 0 : i32
      %dma_start3A_87 = tpu.memref_slice %arg6[%add3A_6, %dma_start3A_86] : memref<10000x128xf32, #tpu.memory_space<vmem_shared>> -> memref<80x128xf32, #tpu.memory_space<vmem_shared>>
      %dma_start3A_88 = arith.constant 0 : i32
      %dma_start3A_89 = tpu.memref_slice %arg6[%add3A_6, %dma_start3A_88] : memref<10000x128xf32, #tpu.memory_space<vmem_shared>> -> memref<80x128xf32, #tpu.memory_space<vmem_shared>>
      %dma_start3A_90 = arith.constant 0 : i32
      %dma_start3A_91 = arith.constant 0 : i32
      %dma_start3A_92 = tpu.memref_slice %arg9[%dma_start3A_90, %dma_start3A_91] : memref<80x128xf32, #tpu.memory_space<vmem>> -> memref<80x128xf32, #tpu.memory_space<vmem>>
      tpu.enqueue_dma source(%dma_start3A_92 : memref<80x128xf32, #tpu.memory_space<vmem>>) target(%dma_start3A_89 : memref<80x128xf32, #tpu.memory_space<vmem_shared>>) target_semaphore(%run_scoped3A : memref<!tpu.dma_semaphore, #tpu.memory_space<semaphore_mem>>)
      %dma_wait3A_93 = arith.constant 0 : i32
      %dma_wait3A_94 = arith.constant 0 : i32
      %dma_wait3A_95 = tpu.memref_slice %arg9[%dma_wait3A_93, %dma_wait3A_94] : memref<80x128xf32, #tpu.memory_space<vmem>> -> memref<80x128xf32, #tpu.memory_space<vmem>>
      %dma_wait3A_96 = arith.constant 0 : i32
      %dma_wait3A_97 = tpu.memref_slice %arg6[%add3A_6, %dma_wait3A_96] : memref<10000x128xf32, #tpu.memory_space<vmem_shared>> -> memref<80x128xf32, #tpu.memory_space<vmem_shared>>
      %dma_wait3A_98 = arith.constant 0 : i32
      %dma_wait3A_99 = tpu.memref_slice %arg6[%add3A_6, %dma_wait3A_98] : memref<10000x128xf32, #tpu.memory_space<vmem_shared>> -> memref<80x128xf32, #tpu.memory_space<vmem_shared>>
      %dma_wait3A_100 = arith.constant 0 : i32
      %dma_wait3A_101 = arith.constant 0 : i32
      %dma_wait3A_102 = tpu.memref_slice %arg9[%dma_wait3A_100, %dma_wait3A_101] : memref<80x128xf32, #tpu.memory_space<vmem>> -> memref<80x128xf32, #tpu.memory_space<vmem>>
      tpu.wait_dma2 semaphore(%run_scoped3A : memref<!tpu.dma_semaphore, #tpu.memory_space<semaphore_mem>>) src(%dma_wait3A_102 : memref<80x128xf32, #tpu.memory_space<vmem>>) dst(%dma_wait3A_99 : memref<80x128xf32, #tpu.memory_space<vmem_shared>>)
      tpu.yield
    }) : () -> ()
    %add3A_7 = arith.constant 160 : i32
    %add3A_8 = arith.addi %multiple_of3A, %add3A_7 : i32
    "tpu.region"() ({
      %run_scoped3A = tpu.sem_alloc : memref<!tpu.dma_semaphore, #tpu.memory_space<semaphore_mem>>
      %dma_start3A = arith.constant 0 : i32
      %dma_start3A_84 = arith.constant 0 : i32
      %dma_start3A_85 = tpu.memref_slice %arg9[%dma_start3A, %dma_start3A_84] : memref<80x128xf32, #tpu.memory_space<vmem>> -> memref<80x128xf32, #tpu.memory_space<vmem>>
      %dma_start3A_86 = arith.constant 0 : i32
      %dma_start3A_87 = tpu.memref_slice %arg6[%add3A_8, %dma_start3A_86] : memref<10000x128xf32, #tpu.memory_space<vmem_shared>> -> memref<80x128xf32, #tpu.memory_space<vmem_shared>>
      %dma_start3A_88 = arith.constant 0 : i32
      %dma_start3A_89 = tpu.memref_slice %arg6[%add3A_8, %dma_start3A_88] : memref<10000x128xf32, #tpu.memory_space<vmem_shared>> -> memref<80x128xf32, #tpu.memory_space<vmem_shared>>
      %dma_start3A_90 = arith.constant 0 : i32
      %dma_start3A_91 = arith.constant 0 : i32
      %dma_start3A_92 = tpu.memref_slice %arg9[%dma_start3A_90, %dma_start3A_91] : memref<80x128xf32, #tpu.memory_space<vmem>> -> memref<80x128xf32, #tpu.memory_space<vmem>>
      tpu.enqueue_dma source(%dma_start3A_92 : memref<80x128xf32, #tpu.memory_space<vmem>>) target(%dma_start3A_89 : memref<80x128xf32, #tpu.memory_space<vmem_shared>>) target_semaphore(%run_scoped3A : memref<!tpu.dma_semaphore, #tpu.memory_space<semaphore_mem>>)
      %dma_wait3A_93 = arith.constant 0 : i32
      %dma_wait3A_94 = arith.constant 0 : i32
      %dma_wait3A_95 = tpu.memref_slice %arg9[%dma_wait3A_93, %dma_wait3A_94] : memref<80x128xf32, #tpu.memory_space<vmem>> -> memref<80x128xf32, #tpu.memory_space<vmem>>
      %dma_wait3A_96 = arith.constant 0 : i32
      %dma_wait3A_97 = tpu.memref_slice %arg6[%add3A_8, %dma_wait3A_96] : memref<10000x128xf32, #tpu.memory_space<vmem_shared>> -> memref<80x128xf32, #tpu.memory_space<vmem_shared>>
      %dma_wait3A_98 = arith.constant 0 : i32
      %dma_wait3A_99 = tpu.memref_slice %arg6[%add3A_8, %dma_wait3A_98] : memref<10000x128xf32, #tpu.memory_space<vmem_shared>> -> memref<80x128xf32, #tpu.memory_space<vmem_shared>>
      %dma_wait3A_100 = arith.constant 0 : i32
      %dma_wait3A_101 = arith.constant 0 : i32
      %dma_wait3A_102 = tpu.memref_slice %arg9[%dma_wait3A_100, %dma_wait3A_101] : memref<80x128xf32, #tpu.memory_space<vmem>> -> memref<80x128xf32, #tpu.memory_space<vmem>>
      tpu.wait_dma2 semaphore(%run_scoped3A : memref<!tpu.dma_semaphore, #tpu.memory_space<semaphore_mem>>) src(%dma_wait3A_102 : memref<80x128xf32, #tpu.memory_space<vmem>>) dst(%dma_wait3A_99 : memref<80x128xf32, #tpu.memory_space<vmem_shared>>)
      tpu.yield
    }) : () -> ()
    %add3A_9 = arith.constant 240 : i32
    %add3A_10 = arith.addi %multiple_of3A, %add3A_9 : i32
    "tpu.region"() ({
      %run_scoped3A = tpu.sem_alloc : memref<!tpu.dma_semaphore, #tpu.memory_space<semaphore_mem>>
      %dma_start3A = arith.constant 0 : i32
      %dma_start3A_84 = arith.constant 0 : i32
      %dma_start3A_85 = tpu.memref_slice %arg9[%dma_start3A, %dma_start3A_84] : memref<80x128xf32, #tpu.memory_space<vmem>> -> memref<80x128xf32, #tpu.memory_space<vmem>>
      %dma_start3A_86 = arith.constant 0 : i32
      %dma_start3A_87 = tpu.memref_slice %arg6[%add3A_10, %dma_start3A_86] : memref<10000x128xf32, #tpu.memory_space<vmem_shared>> -> memref<80x128xf32, #tpu.memory_space<vmem_shared>>
      %dma_start3A_88 = arith.constant 0 : i32
      %dma_start3A_89 = tpu.memref_slice %arg6[%add3A_10, %dma_start3A_88] : memref<10000x128xf32, #tpu.memory_space<vmem_shared>> -> memref<80x128xf32, #tpu.memory_space<vmem_shared>>
      %dma_start3A_90 = arith.constant 0 : i32
      %dma_start3A_91 = arith.constant 0 : i32
      %dma_start3A_92 = tpu.memref_slice %arg9[%dma_start3A_90, %dma_start3A_91] : memref<80x128xf32, #tpu.memory_space<vmem>> -> memref<80x128xf32, #tpu.memory_space<vmem>>
      tpu.enqueue_dma source(%dma_start3A_92 : memref<80x128xf32, #tpu.memory_space<vmem>>) target(%dma_start3A_89 : memref<80x128xf32, #tpu.memory_space<vmem_shared>>) target_semaphore(%run_scoped3A : memref<!tpu.dma_semaphore, #tpu.memory_space<semaphore_mem>>)
      %dma_wait3A_93 = arith.constant 0 : i32
      %dma_wait3A_94 = arith.constant 0 : i32
      %dma_wait3A_95 = tpu.memref_slice %arg9[%dma_wait3A_93, %dma_wait3A_94] : memref<80x128xf32, #tpu.memory_space<vmem>> -> memref<80x128xf32, #tpu.memory_space<vmem>>
      %dma_wait3A_96 = arith.constant 0 : i32
      %dma_wait3A_97 = tpu.memref_slice %arg6[%add3A_10, %dma_wait3A_96] : memref<10000x128xf32, #tpu.memory_space<vmem_shared>> -> memref<80x128xf32, #tpu.memory_space<vmem_shared>>
      %dma_wait3A_98 = arith.constant 0 : i32
      %dma_wait3A_99 = tpu.memref_slice %arg6[%add3A_10, %dma_wait3A_98] : memref<10000x128xf32, #tpu.memory_space<vmem_shared>> -> memref<80x128xf32, #tpu.memory_space<vmem_shared>>
      %dma_wait3A_100 = arith.constant 0 : i32
      %dma_wait3A_101 = arith.constant 0 : i32
      %dma_wait3A_102 = tpu.memref_slice %arg9[%dma_wait3A_100, %dma_wait3A_101] : memref<80x128xf32, #tpu.memory_space<vmem>> -> memref<80x128xf32, #tpu.memory_space<vmem>>
      tpu.wait_dma2 semaphore(%run_scoped3A : memref<!tpu.dma_semaphore, #tpu.memory_space<semaphore_mem>>) src(%dma_wait3A_102 : memref<80x128xf32, #tpu.memory_space<vmem>>) dst(%dma_wait3A_99 : memref<80x128xf32, #tpu.memory_space<vmem_shared>>)
      tpu.yield
    }) : () -> ()
    %add3A_11 = arith.constant 320 : i32
    %add3A_12 = arith.addi %multiple_of3A, %add3A_11 : i32
    "tpu.region"() ({
      %run_scoped3A = tpu.sem_alloc : memref<!tpu.dma_semaphore, #tpu.memory_space<semaphore_mem>>
      %dma_start3A = arith.constant 0 : i32
      %dma_start3A_84 = arith.constant 0 : i32
      %dma_start3A_85 = tpu.memref_slice %arg9[%dma_start3A, %dma_start3A_84] : memref<80x128xf32, #tpu.memory_space<vmem>> -> memref<80x128xf32, #tpu.memory_space<vmem>>
      %dma_start3A_86 = arith.constant 0 : i32
      %dma_start3A_87 = tpu.memref_slice %arg6[%add3A_12, %dma_start3A_86] : memref<10000x128xf32, #tpu.memory_space<vmem_shared>> -> memref<80x128xf32, #tpu.memory_space<vmem_shared>>
      %dma_start3A_88 = arith.constant 0 : i32
      %dma_start3A_89 = tpu.memref_slice %arg6[%add3A_12, %dma_start3A_88] : memref<10000x128xf32, #tpu.memory_space<vmem_shared>> -> memref<80x128xf32, #tpu.memory_space<vmem_shared>>
      %dma_start3A_90 = arith.constant 0 : i32
      %dma_start3A_91 = arith.constant 0 : i32
      %dma_start3A_92 = tpu.memref_slice %arg9[%dma_start3A_90, %dma_start3A_91] : memref<80x128xf32, #tpu.memory_space<vmem>> -> memref<80x128xf32, #tpu.memory_space<vmem>>
      tpu.enqueue_dma source(%dma_start3A_92 : memref<80x128xf32, #tpu.memory_space<vmem>>) target(%dma_start3A_89 : memref<80x128xf32, #tpu.memory_space<vmem_shared>>) target_semaphore(%run_scoped3A : memref<!tpu.dma_semaphore, #tpu.memory_space<semaphore_mem>>)
      %dma_wait3A_93 = arith.constant 0 : i32
      %dma_wait3A_94 = arith.constant 0 : i32
      %dma_wait3A_95 = tpu.memref_slice %arg9[%dma_wait3A_93, %dma_wait3A_94] : memref<80x128xf32, #tpu.memory_space<vmem>> -> memref<80x128xf32, #tpu.memory_space<vmem>>
      %dma_wait3A_96 = arith.constant 0 : i32
      %dma_wait3A_97 = tpu.memref_slice %arg6[%add3A_12, %dma_wait3A_96] : memref<10000x128xf32, #tpu.memory_space<vmem_shared>> -> memref<80x128xf32, #tpu.memory_space<vmem_shared>>
      %dma_wait3A_98 = arith.constant 0 : i32
      %dma_wait3A_99 = tpu.memref_slice %arg6[%add3A_12, %dma_wait3A_98] : memref<10000x128xf32, #tpu.memory_space<vmem_shared>> -> memref<80x128xf32, #tpu.memory_space<vmem_shared>>
      %dma_wait3A_100 = arith.constant 0 : i32
      %dma_wait3A_101 = arith.constant 0 : i32
      %dma_wait3A_102 = tpu.memref_slice %arg9[%dma_wait3A_100, %dma_wait3A_101] : memref<80x128xf32, #tpu.memory_space<vmem>> -> memref<80x128xf32, #tpu.memory_space<vmem>>
      tpu.wait_dma2 semaphore(%run_scoped3A : memref<!tpu.dma_semaphore, #tpu.memory_space<semaphore_mem>>) src(%dma_wait3A_102 : memref<80x128xf32, #tpu.memory_space<vmem>>) dst(%dma_wait3A_99 : memref<80x128xf32, #tpu.memory_space<vmem_shared>>)
      tpu.yield
    }) : () -> ()
    %add3A_13 = arith.constant 400 : i32
    %add3A_14 = arith.addi %multiple_of3A, %add3A_13 : i32
    "tpu.region"() ({
      %run_scoped3A = tpu.sem_alloc : memref<!tpu.dma_semaphore, #tpu.memory_space<semaphore_mem>>
      %dma_start3A = arith.constant 0 : i32
      %dma_start3A_84 = arith.constant 0 : i32
      %dma_start3A_85 = tpu.memref_slice %arg9[%dma_start3A, %dma_start3A_84] : memref<80x128xf32, #tpu.memory_space<vmem>> -> memref<80x128xf32, #tpu.memory_space<vmem>>
      %dma_start3A_86 = arith.constant 0 : i32
      %dma_start3A_87 = tpu.memref_slice %arg6[%add3A_14, %dma_start3A_86] : memref<10000x128xf32, #tpu.memory_space<vmem_shared>> -> memref<80x128xf32, #tpu.memory_space<vmem_shared>>
      %dma_start3A_88 = arith.constant 0 : i32
      %dma_start3A_89 = tpu.memref_slice %arg6[%add3A_14, %dma_start3A_88] : memref<10000x128xf32, #tpu.memory_space<vmem_shared>> -> memref<80x128xf32, #tpu.memory_space<vmem_shared>>
      %dma_start3A_90 = arith.constant 0 : i32
      %dma_start3A_91 = arith.constant 0 : i32
      %dma_start3A_92 = tpu.memref_slice %arg9[%dma_start3A_90, %dma_start3A_91] : memref<80x128xf32, #tpu.memory_space<vmem>> -> memref<80x128xf32, #tpu.memory_space<vmem>>
      tpu.enqueue_dma source(%dma_start3A_92 : memref<80x128xf32, #tpu.memory_space<vmem>>) target(%dma_start3A_89 : memref<80x128xf32, #tpu.memory_space<vmem_shared>>) target_semaphore(%run_scoped3A : memref<!tpu.dma_semaphore, #tpu.memory_space<semaphore_mem>>)
      %dma_wait3A_93 = arith.constant 0 : i32
      %dma_wait3A_94 = arith.constant 0 : i32
      %dma_wait3A_95 = tpu.memref_slice %arg9[%dma_wait3A_93, %dma_wait3A_94] : memref<80x128xf32, #tpu.memory_space<vmem>> -> memref<80x128xf32, #tpu.memory_space<vmem>>
      %dma_wait3A_96 = arith.constant 0 : i32
      %dma_wait3A_97 = tpu.memref_slice %arg6[%add3A_14, %dma_wait3A_96] : memref<10000x128xf32, #tpu.memory_space<vmem_shared>> -> memref<80x128xf32, #tpu.memory_space<vmem_shared>>
      %dma_wait3A_98 = arith.constant 0 : i32
      %dma_wait3A_99 = tpu.memref_slice %arg6[%add3A_14, %dma_wait3A_98] : memref<10000x128xf32, #tpu.memory_space<vmem_shared>> -> memref<80x128xf32, #tpu.memory_space<vmem_shared>>
      %dma_wait3A_100 = arith.constant 0 : i32
      %dma_wait3A_101 = arith.constant 0 : i32
      %dma_wait3A_102 = tpu.memref_slice %arg9[%dma_wait3A_100, %dma_wait3A_101] : memref<80x128xf32, #tpu.memory_space<vmem>> -> memref<80x128xf32, #tpu.memory_space<vmem>>
      tpu.wait_dma2 semaphore(%run_scoped3A : memref<!tpu.dma_semaphore, #tpu.memory_space<semaphore_mem>>) src(%dma_wait3A_102 : memref<80x128xf32, #tpu.memory_space<vmem>>) dst(%dma_wait3A_99 : memref<80x128xf32, #tpu.memory_space<vmem_shared>>)
      tpu.yield
    }) : () -> ()
    %add3A_15 = arith.constant 480 : i32
    %add3A_16 = arith.addi %multiple_of3A, %add3A_15 : i32
    "tpu.region"() ({
      %run_scoped3A = tpu.sem_alloc : memref<!tpu.dma_semaphore, #tpu.memory_space<semaphore_mem>>
      %dma_start3A = arith.constant 0 : i32
      %dma_start3A_84 = arith.constant 0 : i32
      %dma_start3A_85 = tpu.memref_slice %arg9[%dma_start3A, %dma_start3A_84] : memref<80x128xf32, #tpu.memory_space<vmem>> -> memref<80x128xf32, #tpu.memory_space<vmem>>
      %dma_start3A_86 = arith.constant 0 : i32
      %dma_start3A_87 = tpu.memref_slice %arg6[%add3A_16, %dma_start3A_86] : memref<10000x128xf32, #tpu.memory_space<vmem_shared>> -> memref<80x128xf32, #tpu.memory_space<vmem_shared>>
      %dma_start3A_88 = arith.constant 0 : i32
      %dma_start3A_89 = tpu.memref_slice %arg6[%add3A_16, %dma_start3A_88] : memref<10000x128xf32, #tpu.memory_space<vmem_shared>> -> memref<80x128xf32, #tpu.memory_space<vmem_shared>>
      %dma_start3A_90 = arith.constant 0 : i32
      %dma_start3A_91 = arith.constant 0 : i32
      %dma_start3A_92 = tpu.memref_slice %arg9[%dma_start3A_90, %dma_start3A_91] : memref<80x128xf32, #tpu.memory_space<vmem>> -> memref<80x128xf32, #tpu.memory_space<vmem>>
      tpu.enqueue_dma source(%dma_start3A_92 : memref<80x128xf32, #tpu.memory_space<vmem>>) target(%dma_start3A_89 : memref<80x128xf32, #tpu.memory_space<vmem_shared>>) target_semaphore(%run_scoped3A : memref<!tpu.dma_semaphore, #tpu.memory_space<semaphore_mem>>)
      %dma_wait3A_93 = arith.constant 0 : i32
      %dma_wait3A_94 = arith.constant 0 : i32
      %dma_wait3A_95 = tpu.memref_slice %arg9[%dma_wait3A_93, %dma_wait3A_94] : memref<80x128xf32, #tpu.memory_space<vmem>> -> memref<80x128xf32, #tpu.memory_space<vmem>>
      %dma_wait3A_96 = arith.constant 0 : i32
      %dma_wait3A_97 = tpu.memref_slice %arg6[%add3A_16, %dma_wait3A_96] : memref<10000x128xf32, #tpu.memory_space<vmem_shared>> -> memref<80x128xf32, #tpu.memory_space<vmem_shared>>
      %dma_wait3A_98 = arith.constant 0 : i32
      %dma_wait3A_99 = tpu.memref_slice %arg6[%add3A_16, %dma_wait3A_98] : memref<10000x128xf32, #tpu.memory_space<vmem_shared>> -> memref<80x128xf32, #tpu.memory_space<vmem_shared>>
      %dma_wait3A_100 = arith.constant 0 : i32
      %dma_wait3A_101 = arith.constant 0 : i32
      %dma_wait3A_102 = tpu.memref_slice %arg9[%dma_wait3A_100, %dma_wait3A_101] : memref<80x128xf32, #tpu.memory_space<vmem>> -> memref<80x128xf32, #tpu.memory_space<vmem>>
      tpu.wait_dma2 semaphore(%run_scoped3A : memref<!tpu.dma_semaphore, #tpu.memory_space<semaphore_mem>>) src(%dma_wait3A_102 : memref<80x128xf32, #tpu.memory_space<vmem>>) dst(%dma_wait3A_99 : memref<80x128xf32, #tpu.memory_space<vmem_shared>>)
      tpu.yield
    }) : () -> ()
    %add3A_17 = arith.constant 560 : i32
    %add3A_18 = arith.addi %multiple_of3A, %add3A_17 : i32
    "tpu.region"() ({
      %run_scoped3A = tpu.sem_alloc : memref<!tpu.dma_semaphore, #tpu.memory_space<semaphore_mem>>
      %dma_start3A = arith.constant 0 : i32
      %dma_start3A_84 = arith.constant 0 : i32
      %dma_start3A_85 = tpu.memref_slice %arg9[%dma_start3A, %dma_start3A_84] : memref<80x128xf32, #tpu.memory_space<vmem>> -> memref<64x128xf32, #tpu.memory_space<vmem>>
      %dma_start3A_86 = arith.constant 0 : i32
      %dma_start3A_87 = tpu.memref_slice %arg6[%add3A_18, %dma_start3A_86] : memref<10000x128xf32, #tpu.memory_space<vmem_shared>> -> memref<64x128xf32, #tpu.memory_space<vmem_shared>>
      %dma_start3A_88 = arith.constant 0 : i32
      %dma_start3A_89 = tpu.memref_slice %arg6[%add3A_18, %dma_start3A_88] : memref<10000x128xf32, #tpu.memory_space<vmem_shared>> -> memref<64x128xf32, #tpu.memory_space<vmem_shared>>
      %dma_start3A_90 = arith.constant 0 : i32
      %dma_start3A_91 = arith.constant 0 : i32
      %dma_start3A_92 = tpu.memref_slice %arg9[%dma_start3A_90, %dma_start3A_91] : memref<80x128xf32, #tpu.memory_space<vmem>> -> memref<64x128xf32, #tpu.memory_space<vmem>>
      tpu.enqueue_dma source(%dma_start3A_92 : memref<64x128xf32, #tpu.memory_space<vmem>>) target(%dma_start3A_89 : memref<64x128xf32, #tpu.memory_space<vmem_shared>>) target_semaphore(%run_scoped3A : memref<!tpu.dma_semaphore, #tpu.memory_space<semaphore_mem>>)
      %dma_wait3A_93 = arith.constant 0 : i32
      %dma_wait3A_94 = arith.constant 0 : i32
      %dma_wait3A_95 = tpu.memref_slice %arg9[%dma_wait3A_93, %dma_wait3A_94] : memref<80x128xf32, #tpu.memory_space<vmem>> -> memref<64x128xf32, #tpu.memory_space<vmem>>
      %dma_wait3A_96 = arith.constant 0 : i32
      %dma_wait3A_97 = tpu.memref_slice %arg6[%add3A_18, %dma_wait3A_96] : memref<10000x128xf32, #tpu.memory_space<vmem_shared>> -> memref<64x128xf32, #tpu.memory_space<vmem_shared>>
      %dma_wait3A_98 = arith.constant 0 : i32
      %dma_wait3A_99 = tpu.memref_slice %arg6[%add3A_18, %dma_wait3A_98] : memref<10000x128xf32, #tpu.memory_space<vmem_shared>> -> memref<64x128xf32, #tpu.memory_space<vmem_shared>>
      %dma_wait3A_100 = arith.constant 0 : i32
      %dma_wait3A_101 = arith.constant 0 : i32
      %dma_wait3A_102 = tpu.memref_slice %arg9[%dma_wait3A_100, %dma_wait3A_101] : memref<80x128xf32, #tpu.memory_space<vmem>> -> memref<64x128xf32, #tpu.memory_space<vmem>>
      tpu.wait_dma2 semaphore(%run_scoped3A : memref<!tpu.dma_semaphore, #tpu.memory_space<semaphore_mem>>) src(%dma_wait3A_102 : memref<64x128xf32, #tpu.memory_space<vmem>>) dst(%dma_wait3A_99 : memref<64x128xf32, #tpu.memory_space<vmem_shared>>)
      tpu.yield
    }) : () -> ()
    %eq3A = arith.constant 15 : i32
    %eq3A_19 = arith.cmpi eq, %arg1, %eq3A : i32
    %convert_element_type3A = arith.extui %eq3A_19 : i1 to i32
    %cond3A = arith.constant 0 : i32
    %cond3A_20 = arith.cmpi ne, %convert_element_type3A, %cond3A : i32
    scf.if %cond3A_20 {
      "tpu.region"() ({
        %run_scoped3A = tpu.sem_alloc : memref<!tpu.dma_semaphore, #tpu.memory_space<semaphore_mem>>
        %dma_start3A = arith.constant 0 : i32
        %dma_start3A_84 = arith.constant 0 : i32
        %dma_start3A_85 = tpu.memref_slice %arg9[%dma_start3A, %dma_start3A_84] : memref<80x128xf32, #tpu.memory_space<vmem>> -> memref<16x128xf32, #tpu.memory_space<vmem>>
        %dma_start3A_86 = arith.constant 9984 : i32
        %dma_start3A_87 = arith.constant 0 : i32
        %dma_start3A_88 = tpu.memref_slice %arg6[%dma_start3A_86, %dma_start3A_87] : memref<10000x128xf32, #tpu.memory_space<vmem_shared>> -> memref<16x128xf32, #tpu.memory_space<vmem_shared>>
        %dma_start3A_89 = arith.constant 9984 : i32
        %dma_start3A_90 = arith.constant 0 : i32
        %dma_start3A_91 = tpu.memref_slice %arg6[%dma_start3A_89, %dma_start3A_90] : memref<10000x128xf32, #tpu.memory_space<vmem_shared>> -> memref<16x128xf32, #tpu.memory_space<vmem_shared>>
        %dma_start3A_92 = arith.constant 0 : i32
        %dma_start3A_93 = arith.constant 0 : i32
        %dma_start3A_94 = tpu.memref_slice %arg9[%dma_start3A_92, %dma_start3A_93] : memref<80x128xf32, #tpu.memory_space<vmem>> -> memref<16x128xf32, #tpu.memory_space<vmem>>
        tpu.enqueue_dma source(%dma_start3A_94 : memref<16x128xf32, #tpu.memory_space<vmem>>) target(%dma_start3A_91 : memref<16x128xf32, #tpu.memory_space<vmem_shared>>) target_semaphore(%run_scoped3A : memref<!tpu.dma_semaphore, #tpu.memory_space<semaphore_mem>>)
        %dma_wait3A_95 = arith.constant 0 : i32
        %dma_wait3A_96 = arith.constant 0 : i32
        %dma_wait3A_97 = tpu.memref_slice %arg9[%dma_wait3A_95, %dma_wait3A_96] : memref<80x128xf32, #tpu.memory_space<vmem>> -> memref<16x128xf32, #tpu.memory_space<vmem>>
        %dma_wait3A_98 = arith.constant 9984 : i32
        %dma_wait3A_99 = arith.constant 0 : i32
        %dma_wait3A_100 = tpu.memref_slice %arg6[%dma_wait3A_98, %dma_wait3A_99] : memref<10000x128xf32, #tpu.memory_space<vmem_shared>> -> memref<16x128xf32, #tpu.memory_space<vmem_shared>>
        %dma_wait3A_101 = arith.constant 9984 : i32
        %dma_wait3A_102 = arith.constant 0 : i32
        %dma_wait3A_103 = tpu.memref_slice %arg6[%dma_wait3A_101, %dma_wait3A_102] : memref<10000x128xf32, #tpu.memory_space<vmem_shared>> -> memref<16x128xf32, #tpu.memory_space<vmem_shared>>
        %dma_wait3A_104 = arith.constant 0 : i32
        %dma_wait3A_105 = arith.constant 0 : i32
        %dma_wait3A_106 = tpu.memref_slice %arg9[%dma_wait3A_104, %dma_wait3A_105] : memref<80x128xf32, #tpu.memory_space<vmem>> -> memref<16x128xf32, #tpu.memory_space<vmem>>
        tpu.wait_dma2 semaphore(%run_scoped3A : memref<!tpu.dma_semaphore, #tpu.memory_space<semaphore_mem>>) src(%dma_wait3A_106 : memref<16x128xf32, #tpu.memory_space<vmem>>) dst(%dma_wait3A_103 : memref<16x128xf32, #tpu.memory_space<vmem_shared>>)
        tpu.yield
      }) : () -> ()
    } else {
    }
    %barrier3A = arith.constant 0 : index
    tpu.barrier barrier_id(%barrier3A)
    %mul3A_21 = arith.constant 10000 : i32
    %mul3A_22 = arith.muli %add3A, %mul3A_21 : i32
    %multiple_of3A_23 = tpu.assume_multiple %mul3A_22, 8 : i32
    %mul3A_24 = arith.constant 10000 : i32
    %mul3A_25 = arith.muli %add3A, %mul3A_24 : i32
    %add3A_26 = arith.constant 0 : i32
    %add3A_27 = arith.addi %add3A_26, %mul3A_25 : i32
    %multiple_of3A_28 = tpu.assume_multiple %add3A_27, 8 : i32
    %scan3A = arith.constant 0 : i32
    %scan3A_29 = arith.constant 0 : i32
    %scan3A_30 = arith.constant 62 : i32
    %scan3A_31 = arith.addi %scan3A_29, %scan3A_30 : i32
    %scan3A_32 = arith.constant 1 : i32
    %scan3A_33 = scf.for %scan3A_84 = %scan3A_29 to %scan3A_31 step %scan3A_32 iter_args(%scan3A_85 = %scan3A) -> (i32)  : i32 {
      %gt3A = arith.constant 0 : i32
      %gt3A_86 = arith.cmpi sgt, %scan3A_84, %gt3A : i32
      %convert_element_type3A_87 = arith.extui %gt3A_86 : i1 to i32
      %cond3A_88 = arith.constant 0 : i32
      %cond3A_89 = arith.cmpi ne, %convert_element_type3A_87, %cond3A_88 : i32
      scf.if %cond3A_89 {
        %dma_wait3A_148 = arith.constant 0 : i32
        %dma_wait3A_149 = arith.constant 0 : i32
        %dma_wait3A_150 = tpu.memref_slice %arg6[%dma_wait3A_148, %dma_wait3A_149] : memref<10000x128xf32, #tpu.memory_space<vmem_shared>> -> memref<10000x128xf32, #tpu.memory_space<vmem_shared>>
        tpu.wait_indirect_dma semaphore(%arg15 : memref<!tpu.dma_semaphore, #tpu.memory_space<semaphore_mem>>) src(%arg9 : memref<80x128xf32, #tpu.memory_space<vmem>>) dst(%dma_wait3A_150 : memref<10000x128xf32, #tpu.memory_space<vmem_shared>>)
        %dma_wait3A_151 = arith.constant 0 : i32
        %dma_wait3A_152 = arith.constant 0 : i32
        %dma_wait3A_153 = tpu.memref_slice %arg6[%dma_wait3A_151, %dma_wait3A_152] : memref<10000x128xf32, #tpu.memory_space<vmem_shared>> -> memref<10000x128xf32, #tpu.memory_space<vmem_shared>>
        tpu.wait_indirect_dma semaphore(%arg16 : memref<!tpu.dma_semaphore, #tpu.memory_space<semaphore_mem>>) src(%arg10 : memref<80x128xf32, #tpu.memory_space<vmem>>) dst(%dma_wait3A_153 : memref<10000x128xf32, #tpu.memory_space<vmem_shared>>)
      } else {
      }
      %mul3A_90 = arith.constant 2 : i32
      %mul3A_91 = arith.muli %mul3A_90, %scan3A_84 : i32
      %mul3A_92 = arith.constant 80 : i32
      %mul3A_93 = arith.muli %mul3A_91, %mul3A_92 : i32
      %add3A_94 = arith.addi %multiple_of3A_23, %mul3A_93 : i32
      %multiple_of3A_95 = tpu.assume_multiple %add3A_94, 8 : i32
      %mul3A_96 = arith.constant 2 : i32
      %mul3A_97 = arith.muli %mul3A_96, %scan3A_84 : i32
      %add3A_98 = arith.constant 1 : i32
      %add3A_99 = arith.addi %mul3A_97, %add3A_98 : i32
      %mul3A_100 = arith.constant 80 : i32
      %mul3A_101 = arith.muli %add3A_99, %mul3A_100 : i32
      %add3A_102 = arith.addi %multiple_of3A_23, %mul3A_101 : i32
      %multiple_of3A_103 = tpu.assume_multiple %add3A_102, 8 : i32
      %mul3A_104 = arith.constant 2 : i32
      %mul3A_105 = arith.muli %mul3A_104, %scan3A_84 : i32
      %mul3A_106 = arith.constant 80 : i32
      %mul3A_107 = arith.muli %mul3A_105, %mul3A_106 : i32
      %add3A_108 = arith.addi %multiple_of3A_28, %mul3A_107 : i32
      %multiple_of3A_109 = tpu.assume_multiple %add3A_108, 8 : i32
      %mul3A_110 = arith.constant 2 : i32
      %mul3A_111 = arith.muli %mul3A_110, %scan3A_84 : i32
      %add3A_112 = arith.constant 1 : i32
      %add3A_113 = arith.addi %mul3A_111, %add3A_112 : i32
      %mul3A_114 = arith.constant 80 : i32
      %mul3A_115 = arith.muli %add3A_113, %mul3A_114 : i32
      %add3A_116 = arith.addi %multiple_of3A_28, %mul3A_115 : i32
      %multiple_of3A_117 = tpu.assume_multiple %add3A_116, 8 : i32
      %dma_start3A = tpu.memref_slice %arg3[%multiple_of3A_109] : memref<320000xi32, #tpu.memory_space<hbm>> -> memref<80xi32, #tpu.memory_space<hbm>>
      %dma_start3A_118 = tpu.memref_slice %arg3[%multiple_of3A_109] : memref<320000xi32, #tpu.memory_space<hbm>> -> memref<80xi32, #tpu.memory_space<hbm>>
      tpu.enqueue_dma source(%dma_start3A_118 : memref<80xi32, #tpu.memory_space<hbm>>) target(%arg7 : memref<80xi32, #tpu.memory_space<vmem>>) target_semaphore(%arg11 : memref<!tpu.dma_semaphore, #tpu.memory_space<semaphore_mem>>)
      %dma_start3A_119 = arith.constant 0 : i32
      %dma_start3A_120 = tpu.memref_slice %arg2[%multiple_of3A_95, %dma_start3A_119] : memref<320000x128xf32, #tpu.memory_space<hbm>> -> memref<80x128xf32, #tpu.memory_space<hbm>>
      %dma_start3A_121 = arith.constant 0 : i32
      %dma_start3A_122 = tpu.memref_slice %arg2[%multiple_of3A_95, %dma_start3A_121] : memref<320000x128xf32, #tpu.memory_space<hbm>> -> memref<80x128xf32, #tpu.memory_space<hbm>>
      tpu.enqueue_dma source(%dma_start3A_122 : memref<80x128xf32, #tpu.memory_space<hbm>>) target(%arg9 : memref<80x128xf32, #tpu.memory_space<vmem>>) target_semaphore(%arg13 : memref<!tpu.dma_semaphore, #tpu.memory_space<semaphore_mem>>)
      %dma_start3A_123 = tpu.memref_slice %arg3[%multiple_of3A_117] : memref<320000xi32, #tpu.memory_space<hbm>> -> memref<80xi32, #tpu.memory_space<hbm>>
      %dma_start3A_124 = tpu.memref_slice %arg3[%multiple_of3A_117] : memref<320000xi32, #tpu.memory_space<hbm>> -> memref<80xi32, #tpu.memory_space<hbm>>
      tpu.enqueue_dma source(%dma_start3A_124 : memref<80xi32, #tpu.memory_space<hbm>>) target(%arg8 : memref<80xi32, #tpu.memory_space<vmem>>) target_semaphore(%arg12 : memref<!tpu.dma_semaphore, #tpu.memory_space<semaphore_mem>>)
      %dma_start3A_125 = arith.constant 0 : i32
      %dma_start3A_126 = tpu.memref_slice %arg2[%multiple_of3A_103, %dma_start3A_125] : memref<320000x128xf32, #tpu.memory_space<hbm>> -> memref<80x128xf32, #tpu.memory_space<hbm>>
      %dma_start3A_127 = arith.constant 0 : i32
      %dma_start3A_128 = tpu.memref_slice %arg2[%multiple_of3A_103, %dma_start3A_127] : memref<320000x128xf32, #tpu.memory_space<hbm>> -> memref<80x128xf32, #tpu.memory_space<hbm>>
      tpu.enqueue_dma source(%dma_start3A_128 : memref<80x128xf32, #tpu.memory_space<hbm>>) target(%arg10 : memref<80x128xf32, #tpu.memory_space<vmem>>) target_semaphore(%arg14 : memref<!tpu.dma_semaphore, #tpu.memory_space<semaphore_mem>>)
      %dma_wait3A_129 = tpu.memref_slice %arg3[%multiple_of3A_109] : memref<320000xi32, #tpu.memory_space<hbm>> -> memref<80xi32, #tpu.memory_space<hbm>>
      %dma_wait3A_130 = tpu.memref_slice %arg3[%multiple_of3A_109] : memref<320000xi32, #tpu.memory_space<hbm>> -> memref<80xi32, #tpu.memory_space<hbm>>
      tpu.wait_dma2 semaphore(%arg11 : memref<!tpu.dma_semaphore, #tpu.memory_space<semaphore_mem>>) src(%dma_wait3A_130 : memref<80xi32, #tpu.memory_space<hbm>>) dst(%arg7 : memref<80xi32, #tpu.memory_space<vmem>>)
      %dma_wait3A_131 = arith.constant 0 : i32
      %dma_wait3A_132 = tpu.memref_slice %arg2[%multiple_of3A_95, %dma_wait3A_131] : memref<320000x128xf32, #tpu.memory_space<hbm>> -> memref<80x128xf32, #tpu.memory_space<hbm>>
      %dma_wait3A_133 = arith.constant 0 : i32
      %dma_wait3A_134 = tpu.memref_slice %arg2[%multiple_of3A_95, %dma_wait3A_133] : memref<320000x128xf32, #tpu.memory_space<hbm>> -> memref<80x128xf32, #tpu.memory_space<hbm>>
      tpu.wait_dma2 semaphore(%arg13 : memref<!tpu.dma_semaphore, #tpu.memory_space<semaphore_mem>>) src(%dma_wait3A_134 : memref<80x128xf32, #tpu.memory_space<hbm>>) dst(%arg9 : memref<80x128xf32, #tpu.memory_space<vmem>>)
      %dma_start3A_135 = arith.constant 0 : i32
      %dma_start3A_136 = arith.constant 0 : i32
      %dma_start3A_137 = tpu.memref_slice %arg6[%dma_start3A_135, %dma_start3A_136] : memref<10000x128xf32, #tpu.memory_space<vmem_shared>> -> memref<10000x128xf32, #tpu.memory_space<vmem_shared>>
      tpu.enqueue_indirect_dma source(%arg9 : memref<80x128xf32, #tpu.memory_space<vmem>>) target(%dma_start3A_137 : memref<10000x128xf32, #tpu.memory_space<vmem_shared>>) offsets(%arg7 : memref<80xi32, #tpu.memory_space<vmem>>) semaphore(%arg15 : memref<!tpu.dma_semaphore, #tpu.memory_space<semaphore_mem>>) {add = true}
      %dma_wait3A_138 = tpu.memref_slice %arg3[%multiple_of3A_117] : memref<320000xi32, #tpu.memory_space<hbm>> -> memref<80xi32, #tpu.memory_space<hbm>>
      %dma_wait3A_139 = tpu.memref_slice %arg3[%multiple_of3A_117] : memref<320000xi32, #tpu.memory_space<hbm>> -> memref<80xi32, #tpu.memory_space<hbm>>
      tpu.wait_dma2 semaphore(%arg12 : memref<!tpu.dma_semaphore, #tpu.memory_space<semaphore_mem>>) src(%dma_wait3A_139 : memref<80xi32, #tpu.memory_space<hbm>>) dst(%arg8 : memref<80xi32, #tpu.memory_space<vmem>>)
      %dma_wait3A_140 = arith.constant 0 : i32
      %dma_wait3A_141 = tpu.memref_slice %arg2[%multiple_of3A_103, %dma_wait3A_140] : memref<320000x128xf32, #tpu.memory_space<hbm>> -> memref<80x128xf32, #tpu.memory_space<hbm>>
      %dma_wait3A_142 = arith.constant 0 : i32
      %dma_wait3A_143 = tpu.memref_slice %arg2[%multiple_of3A_103, %dma_wait3A_142] : memref<320000x128xf32, #tpu.memory_space<hbm>> -> memref<80x128xf32, #tpu.memory_space<hbm>>
      tpu.wait_dma2 semaphore(%arg14 : memref<!tpu.dma_semaphore, #tpu.memory_space<semaphore_mem>>) src(%dma_wait3A_143 : memref<80x128xf32, #tpu.memory_space<hbm>>) dst(%arg10 : memref<80x128xf32, #tpu.memory_space<vmem>>)
      %dma_start3A_144 = arith.constant 0 : i32
      %dma_start3A_145 = arith.constant 0 : i32
      %dma_start3A_146 = tpu.memref_slice %arg6[%dma_start3A_144, %dma_start3A_145] : memref<10000x128xf32, #tpu.memory_space<vmem_shared>> -> memref<10000x128xf32, #tpu.memory_space<vmem_shared>>
      tpu.enqueue_indirect_dma source(%arg10 : memref<80x128xf32, #tpu.memory_space<vmem>>) target(%dma_start3A_146 : memref<10000x128xf32, #tpu.memory_space<vmem_shared>>) offsets(%arg8 : memref<80xi32, #tpu.memory_space<vmem>>) semaphore(%arg16 : memref<!tpu.dma_semaphore, #tpu.memory_space<semaphore_mem>>) {add = true}
      %scan3A_147 = arith.constant 0 : i32
      scf.yield %scan3A_147 : i32
    }
    %scan3A_34 = arith.constant 62 : i32
    %dma_wait3A = arith.constant 0 : i32
    %dma_wait3A_35 = arith.constant 0 : i32
    %dma_wait3A_36 = tpu.memref_slice %arg6[%dma_wait3A, %dma_wait3A_35] : memref<10000x128xf32, #tpu.memory_space<vmem_shared>> -> memref<10000x128xf32, #tpu.memory_space<vmem_shared>>
    tpu.wait_indirect_dma semaphore(%arg15 : memref<!tpu.dma_semaphore, #tpu.memory_space<semaphore_mem>>) src(%arg9 : memref<80x128xf32, #tpu.memory_space<vmem>>) dst(%dma_wait3A_36 : memref<10000x128xf32, #tpu.memory_space<vmem_shared>>)
    %dma_wait3A_37 = arith.constant 0 : i32
    %dma_wait3A_38 = arith.constant 0 : i32
    %dma_wait3A_39 = tpu.memref_slice %arg6[%dma_wait3A_37, %dma_wait3A_38] : memref<10000x128xf32, #tpu.memory_space<vmem_shared>> -> memref<10000x128xf32, #tpu.memory_space<vmem_shared>>
    tpu.wait_indirect_dma semaphore(%arg16 : memref<!tpu.dma_semaphore, #tpu.memory_space<semaphore_mem>>) src(%arg10 : memref<80x128xf32, #tpu.memory_space<vmem>>) dst(%dma_wait3A_39 : memref<10000x128xf32, #tpu.memory_space<vmem_shared>>)
    %add3A_40 = arith.constant 9920 : i32
    %add3A_41 = arith.addi %multiple_of3A_23, %add3A_40 : i32
    %multiple_of3A_42 = tpu.assume_multiple %add3A_41, 8 : i32
    %add3A_43 = arith.constant 9920 : i32
    %add3A_44 = arith.addi %multiple_of3A_28, %add3A_43 : i32
    %multiple_of3A_45 = tpu.assume_multiple %add3A_44, 8 : i32
    "tpu.region"() ({
      %run_scoped3A = tpu.sem_alloc : memref<!tpu.dma_semaphore, #tpu.memory_space<semaphore_mem>>
      %dma_start3A = tpu.memref_slice %arg3[%multiple_of3A_45] : memref<320000xi32, #tpu.memory_space<hbm>> -> memref<80xi32, #tpu.memory_space<hbm>>
      %dma_start3A_84 = tpu.memref_slice %arg3[%multiple_of3A_45] : memref<320000xi32, #tpu.memory_space<hbm>> -> memref<80xi32, #tpu.memory_space<hbm>>
      tpu.enqueue_dma source(%dma_start3A_84 : memref<80xi32, #tpu.memory_space<hbm>>) target(%arg7 : memref<80xi32, #tpu.memory_space<vmem>>) target_semaphore(%run_scoped3A : memref<!tpu.dma_semaphore, #tpu.memory_space<semaphore_mem>>)
      %dma_wait3A_85 = tpu.memref_slice %arg3[%multiple_of3A_45] : memref<320000xi32, #tpu.memory_space<hbm>> -> memref<80xi32, #tpu.memory_space<hbm>>
      %dma_wait3A_86 = tpu.memref_slice %arg3[%multiple_of3A_45] : memref<320000xi32, #tpu.memory_space<hbm>> -> memref<80xi32, #tpu.memory_space<hbm>>
      tpu.wait_dma2 semaphore(%run_scoped3A : memref<!tpu.dma_semaphore, #tpu.memory_space<semaphore_mem>>) src(%dma_wait3A_86 : memref<80xi32, #tpu.memory_space<hbm>>) dst(%arg7 : memref<80xi32, #tpu.memory_space<vmem>>)
      tpu.yield
    }) : () -> ()
    "tpu.region"() ({
      %run_scoped3A = tpu.sem_alloc : memref<!tpu.dma_semaphore, #tpu.memory_space<semaphore_mem>>
      %dma_start3A = arith.constant 0 : i32
      %dma_start3A_84 = tpu.memref_slice %arg2[%multiple_of3A_42, %dma_start3A] : memref<320000x128xf32, #tpu.memory_space<hbm>> -> memref<80x128xf32, #tpu.memory_space<hbm>>
      %dma_start3A_85 = arith.constant 0 : i32
      %dma_start3A_86 = tpu.memref_slice %arg2[%multiple_of3A_42, %dma_start3A_85] : memref<320000x128xf32, #tpu.memory_space<hbm>> -> memref<80x128xf32, #tpu.memory_space<hbm>>
      tpu.enqueue_dma source(%dma_start3A_86 : memref<80x128xf32, #tpu.memory_space<hbm>>) target(%arg9 : memref<80x128xf32, #tpu.memory_space<vmem>>) target_semaphore(%run_scoped3A : memref<!tpu.dma_semaphore, #tpu.memory_space<semaphore_mem>>)
      %dma_wait3A_87 = arith.constant 0 : i32
      %dma_wait3A_88 = tpu.memref_slice %arg2[%multiple_of3A_42, %dma_wait3A_87] : memref<320000x128xf32, #tpu.memory_space<hbm>> -> memref<80x128xf32, #tpu.memory_space<hbm>>
      %dma_wait3A_89 = arith.constant 0 : i32
      %dma_wait3A_90 = tpu.memref_slice %arg2[%multiple_of3A_42, %dma_wait3A_89] : memref<320000x128xf32, #tpu.memory_space<hbm>> -> memref<80x128xf32, #tpu.memory_space<hbm>>
      tpu.wait_dma2 semaphore(%run_scoped3A : memref<!tpu.dma_semaphore, #tpu.memory_space<semaphore_mem>>) src(%dma_wait3A_90 : memref<80x128xf32, #tpu.memory_space<hbm>>) dst(%arg9 : memref<80x128xf32, #tpu.memory_space<vmem>>)
      tpu.yield
    }) : () -> ()
    "tpu.region"() ({
      %run_scoped3A = tpu.sem_alloc : memref<!tpu.dma_semaphore, #tpu.memory_space<semaphore_mem>>
      %dma_start3A = arith.constant 0 : i32
      %dma_start3A_84 = arith.constant 0 : i32
      %dma_start3A_85 = tpu.memref_slice %arg6[%dma_start3A, %dma_start3A_84] : memref<10000x128xf32, #tpu.memory_space<vmem_shared>> -> memref<10000x128xf32, #tpu.memory_space<vmem_shared>>
      tpu.enqueue_indirect_dma source(%arg9 : memref<80x128xf32, #tpu.memory_space<vmem>>) target(%dma_start3A_85 : memref<10000x128xf32, #tpu.memory_space<vmem_shared>>) offsets(%arg7 : memref<80xi32, #tpu.memory_space<vmem>>) semaphore(%run_scoped3A : memref<!tpu.dma_semaphore, #tpu.memory_space<semaphore_mem>>) {add = true}
      %dma_wait3A_86 = arith.constant 0 : i32
      %dma_wait3A_87 = arith.constant 0 : i32
      %dma_wait3A_88 = tpu.memref_slice %arg6[%dma_wait3A_86, %dma_wait3A_87] : memref<10000x128xf32, #tpu.memory_space<vmem_shared>> -> memref<10000x128xf32, #tpu.memory_space<vmem_shared>>
      tpu.wait_indirect_dma semaphore(%run_scoped3A : memref<!tpu.dma_semaphore, #tpu.memory_space<semaphore_mem>>) src(%arg9 : memref<80x128xf32, #tpu.memory_space<vmem>>) dst(%dma_wait3A_88 : memref<10000x128xf32, #tpu.memory_space<vmem_shared>>)
      tpu.yield
    }) : () -> ()
    %barrier3A_46 = arith.constant 0 : index
    tpu.barrier barrier_id(%barrier3A_46)
    %add3A_47 = arith.constant 0 : i32
    %add3A_48 = arith.addi %multiple_of3A, %add3A_47 : i32
    "tpu.region"() ({
      %run_scoped3A = tpu.sem_alloc : memref<!tpu.dma_semaphore, #tpu.memory_space<semaphore_mem>>
      %dma_start3A = arith.constant 0 : i32
      %dma_start3A_84 = arith.constant 0 : i32
      %dma_start3A_85 = tpu.memref_slice %arg9[%dma_start3A, %dma_start3A_84] : memref<80x128xf32, #tpu.memory_space<vmem>> -> memref<80x128xf32, #tpu.memory_space<vmem>>
      %dma_start3A_86 = arith.constant 0 : i32
      %dma_start3A_87 = tpu.memref_slice %arg6[%add3A_48, %dma_start3A_86] : memref<10000x128xf32, #tpu.memory_space<vmem_shared>> -> memref<80x128xf32, #tpu.memory_space<vmem_shared>>
      %dma_start3A_88 = arith.constant 0 : i32
      %dma_start3A_89 = arith.constant 0 : i32
      %dma_start3A_90 = tpu.memref_slice %arg9[%dma_start3A_88, %dma_start3A_89] : memref<80x128xf32, #tpu.memory_space<vmem>> -> memref<80x128xf32, #tpu.memory_space<vmem>>
      %dma_start3A_91 = arith.constant 0 : i32
      %dma_start3A_92 = tpu.memref_slice %arg6[%add3A_48, %dma_start3A_91] : memref<10000x128xf32, #tpu.memory_space<vmem_shared>> -> memref<80x128xf32, #tpu.memory_space<vmem_shared>>
      tpu.enqueue_dma source(%dma_start3A_92 : memref<80x128xf32, #tpu.memory_space<vmem_shared>>) target(%dma_start3A_90 : memref<80x128xf32, #tpu.memory_space<vmem>>) target_semaphore(%run_scoped3A : memref<!tpu.dma_semaphore, #tpu.memory_space<semaphore_mem>>)
      %dma_wait3A_93 = arith.constant 0 : i32
      %dma_wait3A_94 = arith.constant 0 : i32
      %dma_wait3A_95 = tpu.memref_slice %arg9[%dma_wait3A_93, %dma_wait3A_94] : memref<80x128xf32, #tpu.memory_space<vmem>> -> memref<80x128xf32, #tpu.memory_space<vmem>>
      %dma_wait3A_96 = arith.constant 0 : i32
      %dma_wait3A_97 = tpu.memref_slice %arg6[%add3A_48, %dma_wait3A_96] : memref<10000x128xf32, #tpu.memory_space<vmem_shared>> -> memref<80x128xf32, #tpu.memory_space<vmem_shared>>
      %dma_wait3A_98 = arith.constant 0 : i32
      %dma_wait3A_99 = arith.constant 0 : i32
      %dma_wait3A_100 = tpu.memref_slice %arg9[%dma_wait3A_98, %dma_wait3A_99] : memref<80x128xf32, #tpu.memory_space<vmem>> -> memref<80x128xf32, #tpu.memory_space<vmem>>
      %dma_wait3A_101 = arith.constant 0 : i32
      %dma_wait3A_102 = tpu.memref_slice %arg6[%add3A_48, %dma_wait3A_101] : memref<10000x128xf32, #tpu.memory_space<vmem_shared>> -> memref<80x128xf32, #tpu.memory_space<vmem_shared>>
      tpu.wait_dma2 semaphore(%run_scoped3A : memref<!tpu.dma_semaphore, #tpu.memory_space<semaphore_mem>>) src(%dma_wait3A_102 : memref<80x128xf32, #tpu.memory_space<vmem_shared>>) dst(%dma_wait3A_100 : memref<80x128xf32, #tpu.memory_space<vmem>>)
      tpu.yield
    }) : () -> ()
    %add3A_49 = arith.constant 0 : i32
    %add3A_50 = arith.addi %multiple_of3A, %add3A_49 : i32
    "tpu.region"() ({
      %run_scoped3A = tpu.sem_alloc : memref<!tpu.dma_semaphore, #tpu.memory_space<semaphore_mem>>
      %dma_start3A = arith.constant 0 : i32
      %dma_start3A_84 = arith.constant 0 : i32
      %dma_start3A_85 = tpu.memref_slice %arg9[%dma_start3A, %dma_start3A_84] : memref<80x128xf32, #tpu.memory_space<vmem>> -> memref<80x128xf32, #tpu.memory_space<vmem>>
      %dma_start3A_86 = arith.constant 0 : i32
      %dma_start3A_87 = tpu.memref_slice %arg5[%arg0, %add3A_50, %dma_start3A_86] : memref<2x10000x128xf32, #tpu.memory_space<hbm>> -> memref<1x80x128xf32, #tpu.memory_space<hbm>>
      %dma_start3A_88 = tpu.memref_squeeze %dma_start3A_87 : memref<1x80x128xf32, #tpu.memory_space<hbm>> -> memref<80x128xf32, #tpu.memory_space<hbm>>
      %dma_start3A_89 = arith.constant 0 : i32
      %dma_start3A_90 = tpu.memref_slice %arg5[%arg0, %add3A_50, %dma_start3A_89] : memref<2x10000x128xf32, #tpu.memory_space<hbm>> -> memref<1x80x128xf32, #tpu.memory_space<hbm>>
      %dma_start3A_91 = tpu.memref_squeeze %dma_start3A_90 : memref<1x80x128xf32, #tpu.memory_space<hbm>> -> memref<80x128xf32, #tpu.memory_space<hbm>>
      %dma_start3A_92 = arith.constant 0 : i32
      %dma_start3A_93 = arith.constant 0 : i32
      %dma_start3A_94 = tpu.memref_slice %arg9[%dma_start3A_92, %dma_start3A_93] : memref<80x128xf32, #tpu.memory_space<vmem>> -> memref<80x128xf32, #tpu.memory_space<vmem>>
      tpu.enqueue_dma source(%dma_start3A_94 : memref<80x128xf32, #tpu.memory_space<vmem>>) target(%dma_start3A_91 : memref<80x128xf32, #tpu.memory_space<hbm>>) target_semaphore(%run_scoped3A : memref<!tpu.dma_semaphore, #tpu.memory_space<semaphore_mem>>)
      %dma_wait3A_95 = arith.constant 0 : i32
      %dma_wait3A_96 = arith.constant 0 : i32
      %dma_wait3A_97 = tpu.memref_slice %arg9[%dma_wait3A_95, %dma_wait3A_96] : memref<80x128xf32, #tpu.memory_space<vmem>> -> memref<80x128xf32, #tpu.memory_space<vmem>>
      %dma_wait3A_98 = arith.constant 0 : i32
      %dma_wait3A_99 = tpu.memref_slice %arg5[%arg0, %add3A_50, %dma_wait3A_98] : memref<2x10000x128xf32, #tpu.memory_space<hbm>> -> memref<1x80x128xf32, #tpu.memory_space<hbm>>
      %dma_wait3A_100 = tpu.memref_squeeze %dma_wait3A_99 : memref<1x80x128xf32, #tpu.memory_space<hbm>> -> memref<80x128xf32, #tpu.memory_space<hbm>>
      %dma_wait3A_101 = arith.constant 0 : i32
      %dma_wait3A_102 = tpu.memref_slice %arg5[%arg0, %add3A_50, %dma_wait3A_101] : memref<2x10000x128xf32, #tpu.memory_space<hbm>> -> memref<1x80x128xf32, #tpu.memory_space<hbm>>
      %dma_wait3A_103 = tpu.memref_squeeze %dma_wait3A_102 : memref<1x80x128xf32, #tpu.memory_space<hbm>> -> memref<80x128xf32, #tpu.memory_space<hbm>>
      %dma_wait3A_104 = arith.constant 0 : i32
      %dma_wait3A_105 = arith.constant 0 : i32
      %dma_wait3A_106 = tpu.memref_slice %arg9[%dma_wait3A_104, %dma_wait3A_105] : memref<80x128xf32, #tpu.memory_space<vmem>> -> memref<80x128xf32, #tpu.memory_space<vmem>>
      tpu.wait_dma2 semaphore(%run_scoped3A : memref<!tpu.dma_semaphore, #tpu.memory_space<semaphore_mem>>) src(%dma_wait3A_106 : memref<80x128xf32, #tpu.memory_space<vmem>>) dst(%dma_wait3A_103 : memref<80x128xf32, #tpu.memory_space<hbm>>)
      tpu.yield
    }) : () -> ()
    %add3A_51 = arith.constant 80 : i32
    %add3A_52 = arith.addi %multiple_of3A, %add3A_51 : i32
    "tpu.region"() ({
      %run_scoped3A = tpu.sem_alloc : memref<!tpu.dma_semaphore, #tpu.memory_space<semaphore_mem>>
      %dma_start3A = arith.constant 0 : i32
      %dma_start3A_84 = arith.constant 0 : i32
      %dma_start3A_85 = tpu.memref_slice %arg9[%dma_start3A, %dma_start3A_84] : memref<80x128xf32, #tpu.memory_space<vmem>> -> memref<80x128xf32, #tpu.memory_space<vmem>>
      %dma_start3A_86 = arith.constant 0 : i32
      %dma_start3A_87 = tpu.memref_slice %arg6[%add3A_52, %dma_start3A_86] : memref<10000x128xf32, #tpu.memory_space<vmem_shared>> -> memref<80x128xf32, #tpu.memory_space<vmem_shared>>
      %dma_start3A_88 = arith.constant 0 : i32
      %dma_start3A_89 = arith.constant 0 : i32
      %dma_start3A_90 = tpu.memref_slice %arg9[%dma_start3A_88, %dma_start3A_89] : memref<80x128xf32, #tpu.memory_space<vmem>> -> memref<80x128xf32, #tpu.memory_space<vmem>>
      %dma_start3A_91 = arith.constant 0 : i32
      %dma_start3A_92 = tpu.memref_slice %arg6[%add3A_52, %dma_start3A_91] : memref<10000x128xf32, #tpu.memory_space<vmem_shared>> -> memref<80x128xf32, #tpu.memory_space<vmem_shared>>
      tpu.enqueue_dma source(%dma_start3A_92 : memref<80x128xf32, #tpu.memory_space<vmem_shared>>) target(%dma_start3A_90 : memref<80x128xf32, #tpu.memory_space<vmem>>) target_semaphore(%run_scoped3A : memref<!tpu.dma_semaphore, #tpu.memory_space<semaphore_mem>>)
      %dma_wait3A_93 = arith.constant 0 : i32
      %dma_wait3A_94 = arith.constant 0 : i32
      %dma_wait3A_95 = tpu.memref_slice %arg9[%dma_wait3A_93, %dma_wait3A_94] : memref<80x128xf32, #tpu.memory_space<vmem>> -> memref<80x128xf32, #tpu.memory_space<vmem>>
      %dma_wait3A_96 = arith.constant 0 : i32
      %dma_wait3A_97 = tpu.memref_slice %arg6[%add3A_52, %dma_wait3A_96] : memref<10000x128xf32, #tpu.memory_space<vmem_shared>> -> memref<80x128xf32, #tpu.memory_space<vmem_shared>>
      %dma_wait3A_98 = arith.constant 0 : i32
      %dma_wait3A_99 = arith.constant 0 : i32
      %dma_wait3A_100 = tpu.memref_slice %arg9[%dma_wait3A_98, %dma_wait3A_99] : memref<80x128xf32, #tpu.memory_space<vmem>> -> memref<80x128xf32, #tpu.memory_space<vmem>>
      %dma_wait3A_101 = arith.constant 0 : i32
      %dma_wait3A_102 = tpu.memref_slice %arg6[%add3A_52, %dma_wait3A_101] : memref<10000x128xf32, #tpu.memory_space<vmem_shared>> -> memref<80x128xf32, #tpu.memory_space<vmem_shared>>
      tpu.wait_dma2 semaphore(%run_scoped3A : memref<!tpu.dma_semaphore, #tpu.memory_space<semaphore_mem>>) src(%dma_wait3A_102 : memref<80x128xf32, #tpu.memory_space<vmem_shared>>) dst(%dma_wait3A_100 : memref<80x128xf32, #tpu.memory_space<vmem>>)
      tpu.yield
    }) : () -> ()
    %add3A_53 = arith.constant 80 : i32
    %add3A_54 = arith.addi %multiple_of3A, %add3A_53 : i32
    "tpu.region"() ({
      %run_scoped3A = tpu.sem_alloc : memref<!tpu.dma_semaphore, #tpu.memory_space<semaphore_mem>>
      %dma_start3A = arith.constant 0 : i32
      %dma_start3A_84 = arith.constant 0 : i32
      %dma_start3A_85 = tpu.memref_slice %arg9[%dma_start3A, %dma_start3A_84] : memref<80x128xf32, #tpu.memory_space<vmem>> -> memref<80x128xf32, #tpu.memory_space<vmem>>
      %dma_start3A_86 = arith.constant 0 : i32
      %dma_start3A_87 = tpu.memref_slice %arg5[%arg0, %add3A_54, %dma_start3A_86] : memref<2x10000x128xf32, #tpu.memory_space<hbm>> -> memref<1x80x128xf32, #tpu.memory_space<hbm>>
      %dma_start3A_88 = tpu.memref_squeeze %dma_start3A_87 : memref<1x80x128xf32, #tpu.memory_space<hbm>> -> memref<80x128xf32, #tpu.memory_space<hbm>>
      %dma_start3A_89 = arith.constant 0 : i32
      %dma_start3A_90 = tpu.memref_slice %arg5[%arg0, %add3A_54, %dma_start3A_89] : memref<2x10000x128xf32, #tpu.memory_space<hbm>> -> memref<1x80x128xf32, #tpu.memory_space<hbm>>
      %dma_start3A_91 = tpu.memref_squeeze %dma_start3A_90 : memref<1x80x128xf32, #tpu.memory_space<hbm>> -> memref<80x128xf32, #tpu.memory_space<hbm>>
      %dma_start3A_92 = arith.constant 0 : i32
      %dma_start3A_93 = arith.constant 0 : i32
      %dma_start3A_94 = tpu.memref_slice %arg9[%dma_start3A_92, %dma_start3A_93] : memref<80x128xf32, #tpu.memory_space<vmem>> -> memref<80x128xf32, #tpu.memory_space<vmem>>
      tpu.enqueue_dma source(%dma_start3A_94 : memref<80x128xf32, #tpu.memory_space<vmem>>) target(%dma_start3A_91 : memref<80x128xf32, #tpu.memory_space<hbm>>) target_semaphore(%run_scoped3A : memref<!tpu.dma_semaphore, #tpu.memory_space<semaphore_mem>>)
      %dma_wait3A_95 = arith.constant 0 : i32
      %dma_wait3A_96 = arith.constant 0 : i32
      %dma_wait3A_97 = tpu.memref_slice %arg9[%dma_wait3A_95, %dma_wait3A_96] : memref<80x128xf32, #tpu.memory_space<vmem>> -> memref<80x128xf32, #tpu.memory_space<vmem>>
      %dma_wait3A_98 = arith.constant 0 : i32
      %dma_wait3A_99 = tpu.memref_slice %arg5[%arg0, %add3A_54, %dma_wait3A_98] : memref<2x10000x128xf32, #tpu.memory_space<hbm>> -> memref<1x80x128xf32, #tpu.memory_space<hbm>>
      %dma_wait3A_100 = tpu.memref_squeeze %dma_wait3A_99 : memref<1x80x128xf32, #tpu.memory_space<hbm>> -> memref<80x128xf32, #tpu.memory_space<hbm>>
      %dma_wait3A_101 = arith.constant 0 : i32
      %dma_wait3A_102 = tpu.memref_slice %arg5[%arg0, %add3A_54, %dma_wait3A_101] : memref<2x10000x128xf32, #tpu.memory_space<hbm>> -> memref<1x80x128xf32, #tpu.memory_space<hbm>>
      %dma_wait3A_103 = tpu.memref_squeeze %dma_wait3A_102 : memref<1x80x128xf32, #tpu.memory_space<hbm>> -> memref<80x128xf32, #tpu.memory_space<hbm>>
      %dma_wait3A_104 = arith.constant 0 : i32
      %dma_wait3A_105 = arith.constant 0 : i32
      %dma_wait3A_106 = tpu.memref_slice %arg9[%dma_wait3A_104, %dma_wait3A_105] : memref<80x128xf32, #tpu.memory_space<vmem>> -> memref<80x128xf32, #tpu.memory_space<vmem>>
      tpu.wait_dma2 semaphore(%run_scoped3A : memref<!tpu.dma_semaphore, #tpu.memory_space<semaphore_mem>>) src(%dma_wait3A_106 : memref<80x128xf32, #tpu.memory_space<vmem>>) dst(%dma_wait3A_103 : memref<80x128xf32, #tpu.memory_space<hbm>>)
      tpu.yield
    }) : () -> ()
    %add3A_55 = arith.constant 160 : i32
    %add3A_56 = arith.addi %multiple_of3A, %add3A_55 : i32
    "tpu.region"() ({
      %run_scoped3A = tpu.sem_alloc : memref<!tpu.dma_semaphore, #tpu.memory_space<semaphore_mem>>
      %dma_start3A = arith.constant 0 : i32
      %dma_start3A_84 = arith.constant 0 : i32
      %dma_start3A_85 = tpu.memref_slice %arg9[%dma_start3A, %dma_start3A_84] : memref<80x128xf32, #tpu.memory_space<vmem>> -> memref<80x128xf32, #tpu.memory_space<vmem>>
      %dma_start3A_86 = arith.constant 0 : i32
      %dma_start3A_87 = tpu.memref_slice %arg6[%add3A_56, %dma_start3A_86] : memref<10000x128xf32, #tpu.memory_space<vmem_shared>> -> memref<80x128xf32, #tpu.memory_space<vmem_shared>>
      %dma_start3A_88 = arith.constant 0 : i32
      %dma_start3A_89 = arith.constant 0 : i32
      %dma_start3A_90 = tpu.memref_slice %arg9[%dma_start3A_88, %dma_start3A_89] : memref<80x128xf32, #tpu.memory_space<vmem>> -> memref<80x128xf32, #tpu.memory_space<vmem>>
      %dma_start3A_91 = arith.constant 0 : i32
      %dma_start3A_92 = tpu.memref_slice %arg6[%add3A_56, %dma_start3A_91] : memref<10000x128xf32, #tpu.memory_space<vmem_shared>> -> memref<80x128xf32, #tpu.memory_space<vmem_shared>>
      tpu.enqueue_dma source(%dma_start3A_92 : memref<80x128xf32, #tpu.memory_space<vmem_shared>>) target(%dma_start3A_90 : memref<80x128xf32, #tpu.memory_space<vmem>>) target_semaphore(%run_scoped3A : memref<!tpu.dma_semaphore, #tpu.memory_space<semaphore_mem>>)
      %dma_wait3A_93 = arith.constant 0 : i32
      %dma_wait3A_94 = arith.constant 0 : i32
      %dma_wait3A_95 = tpu.memref_slice %arg9[%dma_wait3A_93, %dma_wait3A_94] : memref<80x128xf32, #tpu.memory_space<vmem>> -> memref<80x128xf32, #tpu.memory_space<vmem>>
      %dma_wait3A_96 = arith.constant 0 : i32
      %dma_wait3A_97 = tpu.memref_slice %arg6[%add3A_56, %dma_wait3A_96] : memref<10000x128xf32, #tpu.memory_space<vmem_shared>> -> memref<80x128xf32, #tpu.memory_space<vmem_shared>>
      %dma_wait3A_98 = arith.constant 0 : i32
      %dma_wait3A_99 = arith.constant 0 : i32
      %dma_wait3A_100 = tpu.memref_slice %arg9[%dma_wait3A_98, %dma_wait3A_99] : memref<80x128xf32, #tpu.memory_space<vmem>> -> memref<80x128xf32, #tpu.memory_space<vmem>>
      %dma_wait3A_101 = arith.constant 0 : i32
      %dma_wait3A_102 = tpu.memref_slice %arg6[%add3A_56, %dma_wait3A_101] : memref<10000x128xf32, #tpu.memory_space<vmem_shared>> -> memref<80x128xf32, #tpu.memory_space<vmem_shared>>
      tpu.wait_dma2 semaphore(%run_scoped3A : memref<!tpu.dma_semaphore, #tpu.memory_space<semaphore_mem>>) src(%dma_wait3A_102 : memref<80x128xf32, #tpu.memory_space<vmem_shared>>) dst(%dma_wait3A_100 : memref<80x128xf32, #tpu.memory_space<vmem>>)
      tpu.yield
    }) : () -> ()
    %add3A_57 = arith.constant 160 : i32
    %add3A_58 = arith.addi %multiple_of3A, %add3A_57 : i32
    "tpu.region"() ({
      %run_scoped3A = tpu.sem_alloc : memref<!tpu.dma_semaphore, #tpu.memory_space<semaphore_mem>>
      %dma_start3A = arith.constant 0 : i32
      %dma_start3A_84 = arith.constant 0 : i32
      %dma_start3A_85 = tpu.memref_slice %arg9[%dma_start3A, %dma_start3A_84] : memref<80x128xf32, #tpu.memory_space<vmem>> -> memref<80x128xf32, #tpu.memory_space<vmem>>
      %dma_start3A_86 = arith.constant 0 : i32
      %dma_start3A_87 = tpu.memref_slice %arg5[%arg0, %add3A_58, %dma_start3A_86] : memref<2x10000x128xf32, #tpu.memory_space<hbm>> -> memref<1x80x128xf32, #tpu.memory_space<hbm>>
      %dma_start3A_88 = tpu.memref_squeeze %dma_start3A_87 : memref<1x80x128xf32, #tpu.memory_space<hbm>> -> memref<80x128xf32, #tpu.memory_space<hbm>>
      %dma_start3A_89 = arith.constant 0 : i32
      %dma_start3A_90 = tpu.memref_slice %arg5[%arg0, %add3A_58, %dma_start3A_89] : memref<2x10000x128xf32, #tpu.memory_space<hbm>> -> memref<1x80x128xf32, #tpu.memory_space<hbm>>
      %dma_start3A_91 = tpu.memref_squeeze %dma_start3A_90 : memref<1x80x128xf32, #tpu.memory_space<hbm>> -> memref<80x128xf32, #tpu.memory_space<hbm>>
      %dma_start3A_92 = arith.constant 0 : i32
      %dma_start3A_93 = arith.constant 0 : i32
      %dma_start3A_94 = tpu.memref_slice %arg9[%dma_start3A_92, %dma_start3A_93] : memref<80x128xf32, #tpu.memory_space<vmem>> -> memref<80x128xf32, #tpu.memory_space<vmem>>
      tpu.enqueue_dma source(%dma_start3A_94 : memref<80x128xf32, #tpu.memory_space<vmem>>) target(%dma_start3A_91 : memref<80x128xf32, #tpu.memory_space<hbm>>) target_semaphore(%run_scoped3A : memref<!tpu.dma_semaphore, #tpu.memory_space<semaphore_mem>>)
      %dma_wait3A_95 = arith.constant 0 : i32
      %dma_wait3A_96 = arith.constant 0 : i32
      %dma_wait3A_97 = tpu.memref_slice %arg9[%dma_wait3A_95, %dma_wait3A_96] : memref<80x128xf32, #tpu.memory_space<vmem>> -> memref<80x128xf32, #tpu.memory_space<vmem>>
      %dma_wait3A_98 = arith.constant 0 : i32
      %dma_wait3A_99 = tpu.memref_slice %arg5[%arg0, %add3A_58, %dma_wait3A_98] : memref<2x10000x128xf32, #tpu.memory_space<hbm>> -> memref<1x80x128xf32, #tpu.memory_space<hbm>>
      %dma_wait3A_100 = tpu.memref_squeeze %dma_wait3A_99 : memref<1x80x128xf32, #tpu.memory_space<hbm>> -> memref<80x128xf32, #tpu.memory_space<hbm>>
      %dma_wait3A_101 = arith.constant 0 : i32
      %dma_wait3A_102 = tpu.memref_slice %arg5[%arg0, %add3A_58, %dma_wait3A_101] : memref<2x10000x128xf32, #tpu.memory_space<hbm>> -> memref<1x80x128xf32, #tpu.memory_space<hbm>>
      %dma_wait3A_103 = tpu.memref_squeeze %dma_wait3A_102 : memref<1x80x128xf32, #tpu.memory_space<hbm>> -> memref<80x128xf32, #tpu.memory_space<hbm>>
      %dma_wait3A_104 = arith.constant 0 : i32
      %dma_wait3A_105 = arith.constant 0 : i32
      %dma_wait3A_106 = tpu.memref_slice %arg9[%dma_wait3A_104, %dma_wait3A_105] : memref<80x128xf32, #tpu.memory_space<vmem>> -> memref<80x128xf32, #tpu.memory_space<vmem>>
      tpu.wait_dma2 semaphore(%run_scoped3A : memref<!tpu.dma_semaphore, #tpu.memory_space<semaphore_mem>>) src(%dma_wait3A_106 : memref<80x128xf32, #tpu.memory_space<vmem>>) dst(%dma_wait3A_103 : memref<80x128xf32, #tpu.memory_space<hbm>>)
      tpu.yield
    }) : () -> ()
    %add3A_59 = arith.constant 240 : i32
    %add3A_60 = arith.addi %multiple_of3A, %add3A_59 : i32
    "tpu.region"() ({
      %run_scoped3A = tpu.sem_alloc : memref<!tpu.dma_semaphore, #tpu.memory_space<semaphore_mem>>
      %dma_start3A = arith.constant 0 : i32
      %dma_start3A_84 = arith.constant 0 : i32
      %dma_start3A_85 = tpu.memref_slice %arg9[%dma_start3A, %dma_start3A_84] : memref<80x128xf32, #tpu.memory_space<vmem>> -> memref<80x128xf32, #tpu.memory_space<vmem>>
      %dma_start3A_86 = arith.constant 0 : i32
      %dma_start3A_87 = tpu.memref_slice %arg6[%add3A_60, %dma_start3A_86] : memref<10000x128xf32, #tpu.memory_space<vmem_shared>> -> memref<80x128xf32, #tpu.memory_space<vmem_shared>>
      %dma_start3A_88 = arith.constant 0 : i32
      %dma_start3A_89 = arith.constant 0 : i32
      %dma_start3A_90 = tpu.memref_slice %arg9[%dma_start3A_88, %dma_start3A_89] : memref<80x128xf32, #tpu.memory_space<vmem>> -> memref<80x128xf32, #tpu.memory_space<vmem>>
      %dma_start3A_91 = arith.constant 0 : i32
      %dma_start3A_92 = tpu.memref_slice %arg6[%add3A_60, %dma_start3A_91] : memref<10000x128xf32, #tpu.memory_space<vmem_shared>> -> memref<80x128xf32, #tpu.memory_space<vmem_shared>>
      tpu.enqueue_dma source(%dma_start3A_92 : memref<80x128xf32, #tpu.memory_space<vmem_shared>>) target(%dma_start3A_90 : memref<80x128xf32, #tpu.memory_space<vmem>>) target_semaphore(%run_scoped3A : memref<!tpu.dma_semaphore, #tpu.memory_space<semaphore_mem>>)
      %dma_wait3A_93 = arith.constant 0 : i32
      %dma_wait3A_94 = arith.constant 0 : i32
      %dma_wait3A_95 = tpu.memref_slice %arg9[%dma_wait3A_93, %dma_wait3A_94] : memref<80x128xf32, #tpu.memory_space<vmem>> -> memref<80x128xf32, #tpu.memory_space<vmem>>
      %dma_wait3A_96 = arith.constant 0 : i32
      %dma_wait3A_97 = tpu.memref_slice %arg6[%add3A_60, %dma_wait3A_96] : memref<10000x128xf32, #tpu.memory_space<vmem_shared>> -> memref<80x128xf32, #tpu.memory_space<vmem_shared>>
      %dma_wait3A_98 = arith.constant 0 : i32
      %dma_wait3A_99 = arith.constant 0 : i32
      %dma_wait3A_100 = tpu.memref_slice %arg9[%dma_wait3A_98, %dma_wait3A_99] : memref<80x128xf32, #tpu.memory_space<vmem>> -> memref<80x128xf32, #tpu.memory_space<vmem>>
      %dma_wait3A_101 = arith.constant 0 : i32
      %dma_wait3A_102 = tpu.memref_slice %arg6[%add3A_60, %dma_wait3A_101] : memref<10000x128xf32, #tpu.memory_space<vmem_shared>> -> memref<80x128xf32, #tpu.memory_space<vmem_shared>>
      tpu.wait_dma2 semaphore(%run_scoped3A : memref<!tpu.dma_semaphore, #tpu.memory_space<semaphore_mem>>) src(%dma_wait3A_102 : memref<80x128xf32, #tpu.memory_space<vmem_shared>>) dst(%dma_wait3A_100 : memref<80x128xf32, #tpu.memory_space<vmem>>)
      tpu.yield
    }) : () -> ()
    %add3A_61 = arith.constant 240 : i32
    %add3A_62 = arith.addi %multiple_of3A, %add3A_61 : i32
    "tpu.region"() ({
      %run_scoped3A = tpu.sem_alloc : memref<!tpu.dma_semaphore, #tpu.memory_space<semaphore_mem>>
      %dma_start3A = arith.constant 0 : i32
      %dma_start3A_84 = arith.constant 0 : i32
      %dma_start3A_85 = tpu.memref_slice %arg9[%dma_start3A, %dma_start3A_84] : memref<80x128xf32, #tpu.memory_space<vmem>> -> memref<80x128xf32, #tpu.memory_space<vmem>>
      %dma_start3A_86 = arith.constant 0 : i32
      %dma_start3A_87 = tpu.memref_slice %arg5[%arg0, %add3A_62, %dma_start3A_86] : memref<2x10000x128xf32, #tpu.memory_space<hbm>> -> memref<1x80x128xf32, #tpu.memory_space<hbm>>
      %dma_start3A_88 = tpu.memref_squeeze %dma_start3A_87 : memref<1x80x128xf32, #tpu.memory_space<hbm>> -> memref<80x128xf32, #tpu.memory_space<hbm>>
      %dma_start3A_89 = arith.constant 0 : i32
      %dma_start3A_90 = tpu.memref_slice %arg5[%arg0, %add3A_62, %dma_start3A_89] : memref<2x10000x128xf32, #tpu.memory_space<hbm>> -> memref<1x80x128xf32, #tpu.memory_space<hbm>>
      %dma_start3A_91 = tpu.memref_squeeze %dma_start3A_90 : memref<1x80x128xf32, #tpu.memory_space<hbm>> -> memref<80x128xf32, #tpu.memory_space<hbm>>
      %dma_start3A_92 = arith.constant 0 : i32
      %dma_start3A_93 = arith.constant 0 : i32
      %dma_start3A_94 = tpu.memref_slice %arg9[%dma_start3A_92, %dma_start3A_93] : memref<80x128xf32, #tpu.memory_space<vmem>> -> memref<80x128xf32, #tpu.memory_space<vmem>>
      tpu.enqueue_dma source(%dma_start3A_94 : memref<80x128xf32, #tpu.memory_space<vmem>>) target(%dma_start3A_91 : memref<80x128xf32, #tpu.memory_space<hbm>>) target_semaphore(%run_scoped3A : memref<!tpu.dma_semaphore, #tpu.memory_space<semaphore_mem>>)
      %dma_wait3A_95 = arith.constant 0 : i32
      %dma_wait3A_96 = arith.constant 0 : i32
      %dma_wait3A_97 = tpu.memref_slice %arg9[%dma_wait3A_95, %dma_wait3A_96] : memref<80x128xf32, #tpu.memory_space<vmem>> -> memref<80x128xf32, #tpu.memory_space<vmem>>
      %dma_wait3A_98 = arith.constant 0 : i32
      %dma_wait3A_99 = tpu.memref_slice %arg5[%arg0, %add3A_62, %dma_wait3A_98] : memref<2x10000x128xf32, #tpu.memory_space<hbm>> -> memref<1x80x128xf32, #tpu.memory_space<hbm>>
      %dma_wait3A_100 = tpu.memref_squeeze %dma_wait3A_99 : memref<1x80x128xf32, #tpu.memory_space<hbm>> -> memref<80x128xf32, #tpu.memory_space<hbm>>
      %dma_wait3A_101 = arith.constant 0 : i32
      %dma_wait3A_102 = tpu.memref_slice %arg5[%arg0, %add3A_62, %dma_wait3A_101] : memref<2x10000x128xf32, #tpu.memory_space<hbm>> -> memref<1x80x128xf32, #tpu.memory_space<hbm>>
      %dma_wait3A_103 = tpu.memref_squeeze %dma_wait3A_102 : memref<1x80x128xf32, #tpu.memory_space<hbm>> -> memref<80x128xf32, #tpu.memory_space<hbm>>
      %dma_wait3A_104 = arith.constant 0 : i32
      %dma_wait3A_105 = arith.constant 0 : i32
      %dma_wait3A_106 = tpu.memref_slice %arg9[%dma_wait3A_104, %dma_wait3A_105] : memref<80x128xf32, #tpu.memory_space<vmem>> -> memref<80x128xf32, #tpu.memory_space<vmem>>
      tpu.wait_dma2 semaphore(%run_scoped3A : memref<!tpu.dma_semaphore, #tpu.memory_space<semaphore_mem>>) src(%dma_wait3A_106 : memref<80x128xf32, #tpu.memory_space<vmem>>) dst(%dma_wait3A_103 : memref<80x128xf32, #tpu.memory_space<hbm>>)
      tpu.yield
    }) : () -> ()
    %add3A_63 = arith.constant 320 : i32
    %add3A_64 = arith.addi %multiple_of3A, %add3A_63 : i32
    "tpu.region"() ({
      %run_scoped3A = tpu.sem_alloc : memref<!tpu.dma_semaphore, #tpu.memory_space<semaphore_mem>>
      %dma_start3A = arith.constant 0 : i32
      %dma_start3A_84 = arith.constant 0 : i32
      %dma_start3A_85 = tpu.memref_slice %arg9[%dma_start3A, %dma_start3A_84] : memref<80x128xf32, #tpu.memory_space<vmem>> -> memref<80x128xf32, #tpu.memory_space<vmem>>
      %dma_start3A_86 = arith.constant 0 : i32
      %dma_start3A_87 = tpu.memref_slice %arg6[%add3A_64, %dma_start3A_86] : memref<10000x128xf32, #tpu.memory_space<vmem_shared>> -> memref<80x128xf32, #tpu.memory_space<vmem_shared>>
      %dma_start3A_88 = arith.constant 0 : i32
      %dma_start3A_89 = arith.constant 0 : i32
      %dma_start3A_90 = tpu.memref_slice %arg9[%dma_start3A_88, %dma_start3A_89] : memref<80x128xf32, #tpu.memory_space<vmem>> -> memref<80x128xf32, #tpu.memory_space<vmem>>
      %dma_start3A_91 = arith.constant 0 : i32
      %dma_start3A_92 = tpu.memref_slice %arg6[%add3A_64, %dma_start3A_91] : memref<10000x128xf32, #tpu.memory_space<vmem_shared>> -> memref<80x128xf32, #tpu.memory_space<vmem_shared>>
      tpu.enqueue_dma source(%dma_start3A_92 : memref<80x128xf32, #tpu.memory_space<vmem_shared>>) target(%dma_start3A_90 : memref<80x128xf32, #tpu.memory_space<vmem>>) target_semaphore(%run_scoped3A : memref<!tpu.dma_semaphore, #tpu.memory_space<semaphore_mem>>)
      %dma_wait3A_93 = arith.constant 0 : i32
      %dma_wait3A_94 = arith.constant 0 : i32
      %dma_wait3A_95 = tpu.memref_slice %arg9[%dma_wait3A_93, %dma_wait3A_94] : memref<80x128xf32, #tpu.memory_space<vmem>> -> memref<80x128xf32, #tpu.memory_space<vmem>>
      %dma_wait3A_96 = arith.constant 0 : i32
      %dma_wait3A_97 = tpu.memref_slice %arg6[%add3A_64, %dma_wait3A_96] : memref<10000x128xf32, #tpu.memory_space<vmem_shared>> -> memref<80x128xf32, #tpu.memory_space<vmem_shared>>
      %dma_wait3A_98 = arith.constant 0 : i32
      %dma_wait3A_99 = arith.constant 0 : i32
      %dma_wait3A_100 = tpu.memref_slice %arg9[%dma_wait3A_98, %dma_wait3A_99] : memref<80x128xf32, #tpu.memory_space<vmem>> -> memref<80x128xf32, #tpu.memory_space<vmem>>
      %dma_wait3A_101 = arith.constant 0 : i32
      %dma_wait3A_102 = tpu.memref_slice %arg6[%add3A_64, %dma_wait3A_101] : memref<10000x128xf32, #tpu.memory_space<vmem_shared>> -> memref<80x128xf32, #tpu.memory_space<vmem_shared>>
      tpu.wait_dma2 semaphore(%run_scoped3A : memref<!tpu.dma_semaphore, #tpu.memory_space<semaphore_mem>>) src(%dma_wait3A_102 : memref<80x128xf32, #tpu.memory_space<vmem_shared>>) dst(%dma_wait3A_100 : memref<80x128xf32, #tpu.memory_space<vmem>>)
      tpu.yield
    }) : () -> ()
    %add3A_65 = arith.constant 320 : i32
    %add3A_66 = arith.addi %multiple_of3A, %add3A_65 : i32
    "tpu.region"() ({
      %run_scoped3A = tpu.sem_alloc : memref<!tpu.dma_semaphore, #tpu.memory_space<semaphore_mem>>
      %dma_start3A = arith.constant 0 : i32
      %dma_start3A_84 = arith.constant 0 : i32
      %dma_start3A_85 = tpu.memref_slice %arg9[%dma_start3A, %dma_start3A_84] : memref<80x128xf32, #tpu.memory_space<vmem>> -> memref<80x128xf32, #tpu.memory_space<vmem>>
      %dma_start3A_86 = arith.constant 0 : i32
      %dma_start3A_87 = tpu.memref_slice %arg5[%arg0, %add3A_66, %dma_start3A_86] : memref<2x10000x128xf32, #tpu.memory_space<hbm>> -> memref<1x80x128xf32, #tpu.memory_space<hbm>>
      %dma_start3A_88 = tpu.memref_squeeze %dma_start3A_87 : memref<1x80x128xf32, #tpu.memory_space<hbm>> -> memref<80x128xf32, #tpu.memory_space<hbm>>
      %dma_start3A_89 = arith.constant 0 : i32
      %dma_start3A_90 = tpu.memref_slice %arg5[%arg0, %add3A_66, %dma_start3A_89] : memref<2x10000x128xf32, #tpu.memory_space<hbm>> -> memref<1x80x128xf32, #tpu.memory_space<hbm>>
      %dma_start3A_91 = tpu.memref_squeeze %dma_start3A_90 : memref<1x80x128xf32, #tpu.memory_space<hbm>> -> memref<80x128xf32, #tpu.memory_space<hbm>>
      %dma_start3A_92 = arith.constant 0 : i32
      %dma_start3A_93 = arith.constant 0 : i32
      %dma_start3A_94 = tpu.memref_slice %arg9[%dma_start3A_92, %dma_start3A_93] : memref<80x128xf32, #tpu.memory_space<vmem>> -> memref<80x128xf32, #tpu.memory_space<vmem>>
      tpu.enqueue_dma source(%dma_start3A_94 : memref<80x128xf32, #tpu.memory_space<vmem>>) target(%dma_start3A_91 : memref<80x128xf32, #tpu.memory_space<hbm>>) target_semaphore(%run_scoped3A : memref<!tpu.dma_semaphore, #tpu.memory_space<semaphore_mem>>)
      %dma_wait3A_95 = arith.constant 0 : i32
      %dma_wait3A_96 = arith.constant 0 : i32
      %dma_wait3A_97 = tpu.memref_slice %arg9[%dma_wait3A_95, %dma_wait3A_96] : memref<80x128xf32, #tpu.memory_space<vmem>> -> memref<80x128xf32, #tpu.memory_space<vmem>>
      %dma_wait3A_98 = arith.constant 0 : i32
      %dma_wait3A_99 = tpu.memref_slice %arg5[%arg0, %add3A_66, %dma_wait3A_98] : memref<2x10000x128xf32, #tpu.memory_space<hbm>> -> memref<1x80x128xf32, #tpu.memory_space<hbm>>
      %dma_wait3A_100 = tpu.memref_squeeze %dma_wait3A_99 : memref<1x80x128xf32, #tpu.memory_space<hbm>> -> memref<80x128xf32, #tpu.memory_space<hbm>>
      %dma_wait3A_101 = arith.constant 0 : i32
      %dma_wait3A_102 = tpu.memref_slice %arg5[%arg0, %add3A_66, %dma_wait3A_101] : memref<2x10000x128xf32, #tpu.memory_space<hbm>> -> memref<1x80x128xf32, #tpu.memory_space<hbm>>
      %dma_wait3A_103 = tpu.memref_squeeze %dma_wait3A_102 : memref<1x80x128xf32, #tpu.memory_space<hbm>> -> memref<80x128xf32, #tpu.memory_space<hbm>>
      %dma_wait3A_104 = arith.constant 0 : i32
      %dma_wait3A_105 = arith.constant 0 : i32
      %dma_wait3A_106 = tpu.memref_slice %arg9[%dma_wait3A_104, %dma_wait3A_105] : memref<80x128xf32, #tpu.memory_space<vmem>> -> memref<80x128xf32, #tpu.memory_space<vmem>>
      tpu.wait_dma2 semaphore(%run_scoped3A : memref<!tpu.dma_semaphore, #tpu.memory_space<semaphore_mem>>) src(%dma_wait3A_106 : memref<80x128xf32, #tpu.memory_space<vmem>>) dst(%dma_wait3A_103 : memref<80x128xf32, #tpu.memory_space<hbm>>)
      tpu.yield
    }) : () -> ()
    %add3A_67 = arith.constant 400 : i32
    %add3A_68 = arith.addi %multiple_of3A, %add3A_67 : i32
    "tpu.region"() ({
      %run_scoped3A = tpu.sem_alloc : memref<!tpu.dma_semaphore, #tpu.memory_space<semaphore_mem>>
      %dma_start3A = arith.constant 0 : i32
      %dma_start3A_84 = arith.constant 0 : i32
      %dma_start3A_85 = tpu.memref_slice %arg9[%dma_start3A, %dma_start3A_84] : memref<80x128xf32, #tpu.memory_space<vmem>> -> memref<80x128xf32, #tpu.memory_space<vmem>>
      %dma_start3A_86 = arith.constant 0 : i32
      %dma_start3A_87 = tpu.memref_slice %arg6[%add3A_68, %dma_start3A_86] : memref<10000x128xf32, #tpu.memory_space<vmem_shared>> -> memref<80x128xf32, #tpu.memory_space<vmem_shared>>
      %dma_start3A_88 = arith.constant 0 : i32
      %dma_start3A_89 = arith.constant 0 : i32
      %dma_start3A_90 = tpu.memref_slice %arg9[%dma_start3A_88, %dma_start3A_89] : memref<80x128xf32, #tpu.memory_space<vmem>> -> memref<80x128xf32, #tpu.memory_space<vmem>>
      %dma_start3A_91 = arith.constant 0 : i32
      %dma_start3A_92 = tpu.memref_slice %arg6[%add3A_68, %dma_start3A_91] : memref<10000x128xf32, #tpu.memory_space<vmem_shared>> -> memref<80x128xf32, #tpu.memory_space<vmem_shared>>
      tpu.enqueue_dma source(%dma_start3A_92 : memref<80x128xf32, #tpu.memory_space<vmem_shared>>) target(%dma_start3A_90 : memref<80x128xf32, #tpu.memory_space<vmem>>) target_semaphore(%run_scoped3A : memref<!tpu.dma_semaphore, #tpu.memory_space<semaphore_mem>>)
      %dma_wait3A_93 = arith.constant 0 : i32
      %dma_wait3A_94 = arith.constant 0 : i32
      %dma_wait3A_95 = tpu.memref_slice %arg9[%dma_wait3A_93, %dma_wait3A_94] : memref<80x128xf32, #tpu.memory_space<vmem>> -> memref<80x128xf32, #tpu.memory_space<vmem>>
      %dma_wait3A_96 = arith.constant 0 : i32
      %dma_wait3A_97 = tpu.memref_slice %arg6[%add3A_68, %dma_wait3A_96] : memref<10000x128xf32, #tpu.memory_space<vmem_shared>> -> memref<80x128xf32, #tpu.memory_space<vmem_shared>>
      %dma_wait3A_98 = arith.constant 0 : i32
      %dma_wait3A_99 = arith.constant 0 : i32
      %dma_wait3A_100 = tpu.memref_slice %arg9[%dma_wait3A_98, %dma_wait3A_99] : memref<80x128xf32, #tpu.memory_space<vmem>> -> memref<80x128xf32, #tpu.memory_space<vmem>>
      %dma_wait3A_101 = arith.constant 0 : i32
      %dma_wait3A_102 = tpu.memref_slice %arg6[%add3A_68, %dma_wait3A_101] : memref<10000x128xf32, #tpu.memory_space<vmem_shared>> -> memref<80x128xf32, #tpu.memory_space<vmem_shared>>
      tpu.wait_dma2 semaphore(%run_scoped3A : memref<!tpu.dma_semaphore, #tpu.memory_space<semaphore_mem>>) src(%dma_wait3A_102 : memref<80x128xf32, #tpu.memory_space<vmem_shared>>) dst(%dma_wait3A_100 : memref<80x128xf32, #tpu.memory_space<vmem>>)
      tpu.yield
    }) : () -> ()
    %add3A_69 = arith.constant 400 : i32
    %add3A_70 = arith.addi %multiple_of3A, %add3A_69 : i32
    "tpu.region"() ({
      %run_scoped3A = tpu.sem_alloc : memref<!tpu.dma_semaphore, #tpu.memory_space<semaphore_mem>>
      %dma_start3A = arith.constant 0 : i32
      %dma_start3A_84 = arith.constant 0 : i32
      %dma_start3A_85 = tpu.memref_slice %arg9[%dma_start3A, %dma_start3A_84] : memref<80x128xf32, #tpu.memory_space<vmem>> -> memref<80x128xf32, #tpu.memory_space<vmem>>
      %dma_start3A_86 = arith.constant 0 : i32
      %dma_start3A_87 = tpu.memref_slice %arg5[%arg0, %add3A_70, %dma_start3A_86] : memref<2x10000x128xf32, #tpu.memory_space<hbm>> -> memref<1x80x128xf32, #tpu.memory_space<hbm>>
      %dma_start3A_88 = tpu.memref_squeeze %dma_start3A_87 : memref<1x80x128xf32, #tpu.memory_space<hbm>> -> memref<80x128xf32, #tpu.memory_space<hbm>>
      %dma_start3A_89 = arith.constant 0 : i32
      %dma_start3A_90 = tpu.memref_slice %arg5[%arg0, %add3A_70, %dma_start3A_89] : memref<2x10000x128xf32, #tpu.memory_space<hbm>> -> memref<1x80x128xf32, #tpu.memory_space<hbm>>
      %dma_start3A_91 = tpu.memref_squeeze %dma_start3A_90 : memref<1x80x128xf32, #tpu.memory_space<hbm>> -> memref<80x128xf32, #tpu.memory_space<hbm>>
      %dma_start3A_92 = arith.constant 0 : i32
      %dma_start3A_93 = arith.constant 0 : i32
      %dma_start3A_94 = tpu.memref_slice %arg9[%dma_start3A_92, %dma_start3A_93] : memref<80x128xf32, #tpu.memory_space<vmem>> -> memref<80x128xf32, #tpu.memory_space<vmem>>
      tpu.enqueue_dma source(%dma_start3A_94 : memref<80x128xf32, #tpu.memory_space<vmem>>) target(%dma_start3A_91 : memref<80x128xf32, #tpu.memory_space<hbm>>) target_semaphore(%run_scoped3A : memref<!tpu.dma_semaphore, #tpu.memory_space<semaphore_mem>>)
      %dma_wait3A_95 = arith.constant 0 : i32
      %dma_wait3A_96 = arith.constant 0 : i32
      %dma_wait3A_97 = tpu.memref_slice %arg9[%dma_wait3A_95, %dma_wait3A_96] : memref<80x128xf32, #tpu.memory_space<vmem>> -> memref<80x128xf32, #tpu.memory_space<vmem>>
      %dma_wait3A_98 = arith.constant 0 : i32
      %dma_wait3A_99 = tpu.memref_slice %arg5[%arg0, %add3A_70, %dma_wait3A_98] : memref<2x10000x128xf32, #tpu.memory_space<hbm>> -> memref<1x80x128xf32, #tpu.memory_space<hbm>>
      %dma_wait3A_100 = tpu.memref_squeeze %dma_wait3A_99 : memref<1x80x128xf32, #tpu.memory_space<hbm>> -> memref<80x128xf32, #tpu.memory_space<hbm>>
      %dma_wait3A_101 = arith.constant 0 : i32
      %dma_wait3A_102 = tpu.memref_slice %arg5[%arg0, %add3A_70, %dma_wait3A_101] : memref<2x10000x128xf32, #tpu.memory_space<hbm>> -> memref<1x80x128xf32, #tpu.memory_space<hbm>>
      %dma_wait3A_103 = tpu.memref_squeeze %dma_wait3A_102 : memref<1x80x128xf32, #tpu.memory_space<hbm>> -> memref<80x128xf32, #tpu.memory_space<hbm>>
      %dma_wait3A_104 = arith.constant 0 : i32
      %dma_wait3A_105 = arith.constant 0 : i32
      %dma_wait3A_106 = tpu.memref_slice %arg9[%dma_wait3A_104, %dma_wait3A_105] : memref<80x128xf32, #tpu.memory_space<vmem>> -> memref<80x128xf32, #tpu.memory_space<vmem>>
      tpu.wait_dma2 semaphore(%run_scoped3A : memref<!tpu.dma_semaphore, #tpu.memory_space<semaphore_mem>>) src(%dma_wait3A_106 : memref<80x128xf32, #tpu.memory_space<vmem>>) dst(%dma_wait3A_103 : memref<80x128xf32, #tpu.memory_space<hbm>>)
      tpu.yield
    }) : () -> ()
    %add3A_71 = arith.constant 480 : i32
    %add3A_72 = arith.addi %multiple_of3A, %add3A_71 : i32
    "tpu.region"() ({
      %run_scoped3A = tpu.sem_alloc : memref<!tpu.dma_semaphore, #tpu.memory_space<semaphore_mem>>
      %dma_start3A = arith.constant 0 : i32
      %dma_start3A_84 = arith.constant 0 : i32
      %dma_start3A_85 = tpu.memref_slice %arg9[%dma_start3A, %dma_start3A_84] : memref<80x128xf32, #tpu.memory_space<vmem>> -> memref<80x128xf32, #tpu.memory_space<vmem>>
      %dma_start3A_86 = arith.constant 0 : i32
      %dma_start3A_87 = tpu.memref_slice %arg6[%add3A_72, %dma_start3A_86] : memref<10000x128xf32, #tpu.memory_space<vmem_shared>> -> memref<80x128xf32, #tpu.memory_space<vmem_shared>>
      %dma_start3A_88 = arith.constant 0 : i32
      %dma_start3A_89 = arith.constant 0 : i32
      %dma_start3A_90 = tpu.memref_slice %arg9[%dma_start3A_88, %dma_start3A_89] : memref<80x128xf32, #tpu.memory_space<vmem>> -> memref<80x128xf32, #tpu.memory_space<vmem>>
      %dma_start3A_91 = arith.constant 0 : i32
      %dma_start3A_92 = tpu.memref_slice %arg6[%add3A_72, %dma_start3A_91] : memref<10000x128xf32, #tpu.memory_space<vmem_shared>> -> memref<80x128xf32, #tpu.memory_space<vmem_shared>>
      tpu.enqueue_dma source(%dma_start3A_92 : memref<80x128xf32, #tpu.memory_space<vmem_shared>>) target(%dma_start3A_90 : memref<80x128xf32, #tpu.memory_space<vmem>>) target_semaphore(%run_scoped3A : memref<!tpu.dma_semaphore, #tpu.memory_space<semaphore_mem>>)
      %dma_wait3A_93 = arith.constant 0 : i32
      %dma_wait3A_94 = arith.constant 0 : i32
      %dma_wait3A_95 = tpu.memref_slice %arg9[%dma_wait3A_93, %dma_wait3A_94] : memref<80x128xf32, #tpu.memory_space<vmem>> -> memref<80x128xf32, #tpu.memory_space<vmem>>
      %dma_wait3A_96 = arith.constant 0 : i32
      %dma_wait3A_97 = tpu.memref_slice %arg6[%add3A_72, %dma_wait3A_96] : memref<10000x128xf32, #tpu.memory_space<vmem_shared>> -> memref<80x128xf32, #tpu.memory_space<vmem_shared>>
      %dma_wait3A_98 = arith.constant 0 : i32
      %dma_wait3A_99 = arith.constant 0 : i32
      %dma_wait3A_100 = tpu.memref_slice %arg9[%dma_wait3A_98, %dma_wait3A_99] : memref<80x128xf32, #tpu.memory_space<vmem>> -> memref<80x128xf32, #tpu.memory_space<vmem>>
      %dma_wait3A_101 = arith.constant 0 : i32
      %dma_wait3A_102 = tpu.memref_slice %arg6[%add3A_72, %dma_wait3A_101] : memref<10000x128xf32, #tpu.memory_space<vmem_shared>> -> memref<80x128xf32, #tpu.memory_space<vmem_shared>>
      tpu.wait_dma2 semaphore(%run_scoped3A : memref<!tpu.dma_semaphore, #tpu.memory_space<semaphore_mem>>) src(%dma_wait3A_102 : memref<80x128xf32, #tpu.memory_space<vmem_shared>>) dst(%dma_wait3A_100 : memref<80x128xf32, #tpu.memory_space<vmem>>)
      tpu.yield
    }) : () -> ()
    %add3A_73 = arith.constant 480 : i32
    %add3A_74 = arith.addi %multiple_of3A, %add3A_73 : i32
    "tpu.region"() ({
      %run_scoped3A = tpu.sem_alloc : memref<!tpu.dma_semaphore, #tpu.memory_space<semaphore_mem>>
      %dma_start3A = arith.constant 0 : i32
      %dma_start3A_84 = arith.constant 0 : i32
      %dma_start3A_85 = tpu.memref_slice %arg9[%dma_start3A, %dma_start3A_84] : memref<80x128xf32, #tpu.memory_space<vmem>> -> memref<80x128xf32, #tpu.memory_space<vmem>>
      %dma_start3A_86 = arith.constant 0 : i32
      %dma_start3A_87 = tpu.memref_slice %arg5[%arg0, %add3A_74, %dma_start3A_86] : memref<2x10000x128xf32, #tpu.memory_space<hbm>> -> memref<1x80x128xf32, #tpu.memory_space<hbm>>
      %dma_start3A_88 = tpu.memref_squeeze %dma_start3A_87 : memref<1x80x128xf32, #tpu.memory_space<hbm>> -> memref<80x128xf32, #tpu.memory_space<hbm>>
      %dma_start3A_89 = arith.constant 0 : i32
      %dma_start3A_90 = tpu.memref_slice %arg5[%arg0, %add3A_74, %dma_start3A_89] : memref<2x10000x128xf32, #tpu.memory_space<hbm>> -> memref<1x80x128xf32, #tpu.memory_space<hbm>>
      %dma_start3A_91 = tpu.memref_squeeze %dma_start3A_90 : memref<1x80x128xf32, #tpu.memory_space<hbm>> -> memref<80x128xf32, #tpu.memory_space<hbm>>
      %dma_start3A_92 = arith.constant 0 : i32
      %dma_start3A_93 = arith.constant 0 : i32
      %dma_start3A_94 = tpu.memref_slice %arg9[%dma_start3A_92, %dma_start3A_93] : memref<80x128xf32, #tpu.memory_space<vmem>> -> memref<80x128xf32, #tpu.memory_space<vmem>>
      tpu.enqueue_dma source(%dma_start3A_94 : memref<80x128xf32, #tpu.memory_space<vmem>>) target(%dma_start3A_91 : memref<80x128xf32, #tpu.memory_space<hbm>>) target_semaphore(%run_scoped3A : memref<!tpu.dma_semaphore, #tpu.memory_space<semaphore_mem>>)
      %dma_wait3A_95 = arith.constant 0 : i32
      %dma_wait3A_96 = arith.constant 0 : i32
      %dma_wait3A_97 = tpu.memref_slice %arg9[%dma_wait3A_95, %dma_wait3A_96] : memref<80x128xf32, #tpu.memory_space<vmem>> -> memref<80x128xf32, #tpu.memory_space<vmem>>
      %dma_wait3A_98 = arith.constant 0 : i32
      %dma_wait3A_99 = tpu.memref_slice %arg5[%arg0, %add3A_74, %dma_wait3A_98] : memref<2x10000x128xf32, #tpu.memory_space<hbm>> -> memref<1x80x128xf32, #tpu.memory_space<hbm>>
      %dma_wait3A_100 = tpu.memref_squeeze %dma_wait3A_99 : memref<1x80x128xf32, #tpu.memory_space<hbm>> -> memref<80x128xf32, #tpu.memory_space<hbm>>
      %dma_wait3A_101 = arith.constant 0 : i32
      %dma_wait3A_102 = tpu.memref_slice %arg5[%arg0, %add3A_74, %dma_wait3A_101] : memref<2x10000x128xf32, #tpu.memory_space<hbm>> -> memref<1x80x128xf32, #tpu.memory_space<hbm>>
      %dma_wait3A_103 = tpu.memref_squeeze %dma_wait3A_102 : memref<1x80x128xf32, #tpu.memory_space<hbm>> -> memref<80x128xf32, #tpu.memory_space<hbm>>
      %dma_wait3A_104 = arith.constant 0 : i32
      %dma_wait3A_105 = arith.constant 0 : i32
      %dma_wait3A_106 = tpu.memref_slice %arg9[%dma_wait3A_104, %dma_wait3A_105] : memref<80x128xf32, #tpu.memory_space<vmem>> -> memref<80x128xf32, #tpu.memory_space<vmem>>
      tpu.wait_dma2 semaphore(%run_scoped3A : memref<!tpu.dma_semaphore, #tpu.memory_space<semaphore_mem>>) src(%dma_wait3A_106 : memref<80x128xf32, #tpu.memory_space<vmem>>) dst(%dma_wait3A_103 : memref<80x128xf32, #tpu.memory_space<hbm>>)
      tpu.yield
    }) : () -> ()
    %add3A_75 = arith.constant 560 : i32
    %add3A_76 = arith.addi %multiple_of3A, %add3A_75 : i32
    "tpu.region"() ({
      %run_scoped3A = tpu.sem_alloc : memref<!tpu.dma_semaphore, #tpu.memory_space<semaphore_mem>>
      %dma_start3A = arith.constant 0 : i32
      %dma_start3A_84 = arith.constant 0 : i32
      %dma_start3A_85 = tpu.memref_slice %arg9[%dma_start3A, %dma_start3A_84] : memref<80x128xf32, #tpu.memory_space<vmem>> -> memref<64x128xf32, #tpu.memory_space<vmem>>
      %dma_start3A_86 = arith.constant 0 : i32
      %dma_start3A_87 = tpu.memref_slice %arg6[%add3A_76, %dma_start3A_86] : memref<10000x128xf32, #tpu.memory_space<vmem_shared>> -> memref<64x128xf32, #tpu.memory_space<vmem_shared>>
      %dma_start3A_88 = arith.constant 0 : i32
      %dma_start3A_89 = arith.constant 0 : i32
      %dma_start3A_90 = tpu.memref_slice %arg9[%dma_start3A_88, %dma_start3A_89] : memref<80x128xf32, #tpu.memory_space<vmem>> -> memref<64x128xf32, #tpu.memory_space<vmem>>
      %dma_start3A_91 = arith.constant 0 : i32
      %dma_start3A_92 = tpu.memref_slice %arg6[%add3A_76, %dma_start3A_91] : memref<10000x128xf32, #tpu.memory_space<vmem_shared>> -> memref<64x128xf32, #tpu.memory_space<vmem_shared>>
      tpu.enqueue_dma source(%dma_start3A_92 : memref<64x128xf32, #tpu.memory_space<vmem_shared>>) target(%dma_start3A_90 : memref<64x128xf32, #tpu.memory_space<vmem>>) target_semaphore(%run_scoped3A : memref<!tpu.dma_semaphore, #tpu.memory_space<semaphore_mem>>)
      %dma_wait3A_93 = arith.constant 0 : i32
      %dma_wait3A_94 = arith.constant 0 : i32
      %dma_wait3A_95 = tpu.memref_slice %arg9[%dma_wait3A_93, %dma_wait3A_94] : memref<80x128xf32, #tpu.memory_space<vmem>> -> memref<64x128xf32, #tpu.memory_space<vmem>>
      %dma_wait3A_96 = arith.constant 0 : i32
      %dma_wait3A_97 = tpu.memref_slice %arg6[%add3A_76, %dma_wait3A_96] : memref<10000x128xf32, #tpu.memory_space<vmem_shared>> -> memref<64x128xf32, #tpu.memory_space<vmem_shared>>
      %dma_wait3A_98 = arith.constant 0 : i32
      %dma_wait3A_99 = arith.constant 0 : i32
      %dma_wait3A_100 = tpu.memref_slice %arg9[%dma_wait3A_98, %dma_wait3A_99] : memref<80x128xf32, #tpu.memory_space<vmem>> -> memref<64x128xf32, #tpu.memory_space<vmem>>
      %dma_wait3A_101 = arith.constant 0 : i32
      %dma_wait3A_102 = tpu.memref_slice %arg6[%add3A_76, %dma_wait3A_101] : memref<10000x128xf32, #tpu.memory_space<vmem_shared>> -> memref<64x128xf32, #tpu.memory_space<vmem_shared>>
      tpu.wait_dma2 semaphore(%run_scoped3A : memref<!tpu.dma_semaphore, #tpu.memory_space<semaphore_mem>>) src(%dma_wait3A_102 : memref<64x128xf32, #tpu.memory_space<vmem_shared>>) dst(%dma_wait3A_100 : memref<64x128xf32, #tpu.memory_space<vmem>>)
      tpu.yield
    }) : () -> ()
    %add3A_77 = arith.constant 560 : i32
    %add3A_78 = arith.addi %multiple_of3A, %add3A_77 : i32
    "tpu.region"() ({
      %run_scoped3A = tpu.sem_alloc : memref<!tpu.dma_semaphore, #tpu.memory_space<semaphore_mem>>
      %dma_start3A = arith.constant 0 : i32
      %dma_start3A_84 = arith.constant 0 : i32
      %dma_start3A_85 = tpu.memref_slice %arg9[%dma_start3A, %dma_start3A_84] : memref<80x128xf32, #tpu.memory_space<vmem>> -> memref<64x128xf32, #tpu.memory_space<vmem>>
      %dma_start3A_86 = arith.constant 0 : i32
      %dma_start3A_87 = tpu.memref_slice %arg5[%arg0, %add3A_78, %dma_start3A_86] : memref<2x10000x128xf32, #tpu.memory_space<hbm>> -> memref<1x64x128xf32, #tpu.memory_space<hbm>>
      %dma_start3A_88 = tpu.memref_squeeze %dma_start3A_87 : memref<1x64x128xf32, #tpu.memory_space<hbm>> -> memref<64x128xf32, #tpu.memory_space<hbm>>
      %dma_start3A_89 = arith.constant 0 : i32
      %dma_start3A_90 = tpu.memref_slice %arg5[%arg0, %add3A_78, %dma_start3A_89] : memref<2x10000x128xf32, #tpu.memory_space<hbm>> -> memref<1x64x128xf32, #tpu.memory_space<hbm>>
      %dma_start3A_91 = tpu.memref_squeeze %dma_start3A_90 : memref<1x64x128xf32, #tpu.memory_space<hbm>> -> memref<64x128xf32, #tpu.memory_space<hbm>>
      %dma_start3A_92 = arith.constant 0 : i32
      %dma_start3A_93 = arith.constant 0 : i32
      %dma_start3A_94 = tpu.memref_slice %arg9[%dma_start3A_92, %dma_start3A_93] : memref<80x128xf32, #tpu.memory_space<vmem>> -> memref<64x128xf32, #tpu.memory_space<vmem>>
      tpu.enqueue_dma source(%dma_start3A_94 : memref<64x128xf32, #tpu.memory_space<vmem>>) target(%dma_start3A_91 : memref<64x128xf32, #tpu.memory_space<hbm>>) target_semaphore(%run_scoped3A : memref<!tpu.dma_semaphore, #tpu.memory_space<semaphore_mem>>)
      %dma_wait3A_95 = arith.constant 0 : i32
      %dma_wait3A_96 = arith.constant 0 : i32
      %dma_wait3A_97 = tpu.memref_slice %arg9[%dma_wait3A_95, %dma_wait3A_96] : memref<80x128xf32, #tpu.memory_space<vmem>> -> memref<64x128xf32, #tpu.memory_space<vmem>>
      %dma_wait3A_98 = arith.constant 0 : i32
      %dma_wait3A_99 = tpu.memref_slice %arg5[%arg0, %add3A_78, %dma_wait3A_98] : memref<2x10000x128xf32, #tpu.memory_space<hbm>> -> memref<1x64x128xf32, #tpu.memory_space<hbm>>
      %dma_wait3A_100 = tpu.memref_squeeze %dma_wait3A_99 : memref<1x64x128xf32, #tpu.memory_space<hbm>> -> memref<64x128xf32, #tpu.memory_space<hbm>>
      %dma_wait3A_101 = arith.constant 0 : i32
      %dma_wait3A_102 = tpu.memref_slice %arg5[%arg0, %add3A_78, %dma_wait3A_101] : memref<2x10000x128xf32, #tpu.memory_space<hbm>> -> memref<1x64x128xf32, #tpu.memory_space<hbm>>
      %dma_wait3A_103 = tpu.memref_squeeze %dma_wait3A_102 : memref<1x64x128xf32, #tpu.memory_space<hbm>> -> memref<64x128xf32, #tpu.memory_space<hbm>>
      %dma_wait3A_104 = arith.constant 0 : i32
      %dma_wait3A_105 = arith.constant 0 : i32
      %dma_wait3A_106 = tpu.memref_slice %arg9[%dma_wait3A_104, %dma_wait3A_105] : memref<80x128xf32, #tpu.memory_space<vmem>> -> memref<64x128xf32, #tpu.memory_space<vmem>>
      tpu.wait_dma2 semaphore(%run_scoped3A : memref<!tpu.dma_semaphore, #tpu.memory_space<semaphore_mem>>) src(%dma_wait3A_106 : memref<64x128xf32, #tpu.memory_space<vmem>>) dst(%dma_wait3A_103 : memref<64x128xf32, #tpu.memory_space<hbm>>)
      tpu.yield
    }) : () -> ()
    %eq3A_79 = arith.constant 15 : i32
    %eq3A_80 = arith.cmpi eq, %arg1, %eq3A_79 : i32
    %convert_element_type3A_81 = arith.extui %eq3A_80 : i1 to i32
    %cond3A_82 = arith.constant 0 : i32
    %cond3A_83 = arith.cmpi ne, %convert_element_type3A_81, %cond3A_82 : i32
    scf.if %cond3A_83 {
      "tpu.region"() ({
        %run_scoped3A = tpu.sem_alloc : memref<!tpu.dma_semaphore, #tpu.memory_space<semaphore_mem>>
        %dma_start3A = arith.constant 0 : i32
        %dma_start3A_84 = arith.constant 0 : i32
        %dma_start3A_85 = tpu.memref_slice %arg9[%dma_start3A, %dma_start3A_84] : memref<80x128xf32, #tpu.memory_space<vmem>> -> memref<16x128xf32, #tpu.memory_space<vmem>>
        %dma_start3A_86 = arith.constant 9984 : i32
        %dma_start3A_87 = arith.constant 0 : i32
        %dma_start3A_88 = tpu.memref_slice %arg6[%dma_start3A_86, %dma_start3A_87] : memref<10000x128xf32, #tpu.memory_space<vmem_shared>> -> memref<16x128xf32, #tpu.memory_space<vmem_shared>>
        %dma_start3A_89 = arith.constant 0 : i32
        %dma_start3A_90 = arith.constant 0 : i32
        %dma_start3A_91 = tpu.memref_slice %arg9[%dma_start3A_89, %dma_start3A_90] : memref<80x128xf32, #tpu.memory_space<vmem>> -> memref<16x128xf32, #tpu.memory_space<vmem>>
        %dma_start3A_92 = arith.constant 9984 : i32
        %dma_start3A_93 = arith.constant 0 : i32
        %dma_start3A_94 = tpu.memref_slice %arg6[%dma_start3A_92, %dma_start3A_93] : memref<10000x128xf32, #tpu.memory_space<vmem_shared>> -> memref<16x128xf32, #tpu.memory_space<vmem_shared>>
        tpu.enqueue_dma source(%dma_start3A_94 : memref<16x128xf32, #tpu.memory_space<vmem_shared>>) target(%dma_start3A_91 : memref<16x128xf32, #tpu.memory_space<vmem>>) target_semaphore(%run_scoped3A : memref<!tpu.dma_semaphore, #tpu.memory_space<semaphore_mem>>)
        %dma_wait3A_95 = arith.constant 0 : i32
        %dma_wait3A_96 = arith.constant 0 : i32
        %dma_wait3A_97 = tpu.memref_slice %arg9[%dma_wait3A_95, %dma_wait3A_96] : memref<80x128xf32, #tpu.memory_space<vmem>> -> memref<16x128xf32, #tpu.memory_space<vmem>>
        %dma_wait3A_98 = arith.constant 9984 : i32
        %dma_wait3A_99 = arith.constant 0 : i32
        %dma_wait3A_100 = tpu.memref_slice %arg6[%dma_wait3A_98, %dma_wait3A_99] : memref<10000x128xf32, #tpu.memory_space<vmem_shared>> -> memref<16x128xf32, #tpu.memory_space<vmem_shared>>
        %dma_wait3A_101 = arith.constant 0 : i32
        %dma_wait3A_102 = arith.constant 0 : i32
        %dma_wait3A_103 = tpu.memref_slice %arg9[%dma_wait3A_101, %dma_wait3A_102] : memref<80x128xf32, #tpu.memory_space<vmem>> -> memref<16x128xf32, #tpu.memory_space<vmem>>
        %dma_wait3A_104 = arith.constant 9984 : i32
        %dma_wait3A_105 = arith.constant 0 : i32
        %dma_wait3A_106 = tpu.memref_slice %arg6[%dma_wait3A_104, %dma_wait3A_105] : memref<10000x128xf32, #tpu.memory_space<vmem_shared>> -> memref<16x128xf32, #tpu.memory_space<vmem_shared>>
        tpu.wait_dma2 semaphore(%run_scoped3A : memref<!tpu.dma_semaphore, #tpu.memory_space<semaphore_mem>>) src(%dma_wait3A_106 : memref<16x128xf32, #tpu.memory_space<vmem_shared>>) dst(%dma_wait3A_103 : memref<16x128xf32, #tpu.memory_space<vmem>>)
        tpu.yield
      }) : () -> ()
      "tpu.region"() ({
        %run_scoped3A = tpu.sem_alloc : memref<!tpu.dma_semaphore, #tpu.memory_space<semaphore_mem>>
        %dma_start3A = arith.constant 0 : i32
        %dma_start3A_84 = arith.constant 0 : i32
        %dma_start3A_85 = tpu.memref_slice %arg9[%dma_start3A, %dma_start3A_84] : memref<80x128xf32, #tpu.memory_space<vmem>> -> memref<16x128xf32, #tpu.memory_space<vmem>>
        %dma_start3A_86 = arith.constant 9984 : i32
        %dma_start3A_87 = arith.constant 0 : i32
        %dma_start3A_88 = tpu.memref_slice %arg5[%arg0, %dma_start3A_86, %dma_start3A_87] : memref<2x10000x128xf32, #tpu.memory_space<hbm>> -> memref<1x16x128xf32, #tpu.memory_space<hbm>>
        %dma_start3A_89 = tpu.memref_squeeze %dma_start3A_88 : memref<1x16x128xf32, #tpu.memory_space<hbm>> -> memref<16x128xf32, #tpu.memory_space<hbm>>
        %dma_start3A_90 = arith.constant 9984 : i32
        %dma_start3A_91 = arith.constant 0 : i32
        %dma_start3A_92 = tpu.memref_slice %arg5[%arg0, %dma_start3A_90, %dma_start3A_91] : memref<2x10000x128xf32, #tpu.memory_space<hbm>> -> memref<1x16x128xf32, #tpu.memory_space<hbm>>
        %dma_start3A_93 = tpu.memref_squeeze %dma_start3A_92 : memref<1x16x128xf32, #tpu.memory_space<hbm>> -> memref<16x128xf32, #tpu.memory_space<hbm>>
        %dma_start3A_94 = arith.constant 0 : i32
        %dma_start3A_95 = arith.constant 0 : i32
        %dma_start3A_96 = tpu.memref_slice %arg9[%dma_start3A_94, %dma_start3A_95] : memref<80x128xf32, #tpu.memory_space<vmem>> -> memref<16x128xf32, #tpu.memory_space<vmem>>
        tpu.enqueue_dma source(%dma_start3A_96 : memref<16x128xf32, #tpu.memory_space<vmem>>) target(%dma_start3A_93 : memref<16x128xf32, #tpu.memory_space<hbm>>) target_semaphore(%run_scoped3A : memref<!tpu.dma_semaphore, #tpu.memory_space<semaphore_mem>>)
        %dma_wait3A_97 = arith.constant 0 : i32
        %dma_wait3A_98 = arith.constant 0 : i32
        %dma_wait3A_99 = tpu.memref_slice %arg9[%dma_wait3A_97, %dma_wait3A_98] : memref<80x128xf32, #tpu.memory_space<vmem>> -> memref<16x128xf32, #tpu.memory_space<vmem>>
        %dma_wait3A_100 = arith.constant 9984 : i32
        %dma_wait3A_101 = arith.constant 0 : i32
        %dma_wait3A_102 = tpu.memref_slice %arg5[%arg0, %dma_wait3A_100, %dma_wait3A_101] : memref<2x10000x128xf32, #tpu.memory_space<hbm>> -> memref<1x16x128xf32, #tpu.memory_space<hbm>>
        %dma_wait3A_103 = tpu.memref_squeeze %dma_wait3A_102 : memref<1x16x128xf32, #tpu.memory_space<hbm>> -> memref<16x128xf32, #tpu.memory_space<hbm>>
        %dma_wait3A_104 = arith.constant 9984 : i32
        %dma_wait3A_105 = arith.constant 0 : i32
        %dma_wait3A_106 = tpu.memref_slice %arg5[%arg0, %dma_wait3A_104, %dma_wait3A_105] : memref<2x10000x128xf32, #tpu.memory_space<hbm>> -> memref<1x16x128xf32, #tpu.memory_space<hbm>>
        %dma_wait3A_107 = tpu.memref_squeeze %dma_wait3A_106 : memref<1x16x128xf32, #tpu.memory_space<hbm>> -> memref<16x128xf32, #tpu.memory_space<hbm>>
        %dma_wait3A_108 = arith.constant 0 : i32
        %dma_wait3A_109 = arith.constant 0 : i32
        %dma_wait3A_110 = tpu.memref_slice %arg9[%dma_wait3A_108, %dma_wait3A_109] : memref<80x128xf32, #tpu.memory_space<vmem>> -> memref<16x128xf32, #tpu.memory_space<vmem>>
        tpu.wait_dma2 semaphore(%run_scoped3A : memref<!tpu.dma_semaphore, #tpu.memory_space<semaphore_mem>>) src(%dma_wait3A_110 : memref<16x128xf32, #tpu.memory_space<vmem>>) dst(%dma_wait3A_107 : memref<16x128xf32, #tpu.memory_space<hbm>>)
        tpu.yield
      }) : () -> ()
    } else {
    }
    return
  }
}

module attributes {stable_mosaic.version = 14 : i64} {
  func.func @_pre_body(%arg0: i32, %arg1: memref<2000x128xf32, #tpu.memory_space<vmem>>, %arg2: memref<2000x128xf32, #tpu.memory_space<vmem>>, %arg3: memref<128x128xf32, #tpu.memory_space<vmem>>, %arg4: memref<128x128xf32, #tpu.memory_space<vmem>>, %arg5: memref<1x128xf32, #tpu.memory_space<vmem>>, %arg6: memref<128x128xf32, #tpu.memory_space<vmem>>, %arg7: memref<128x128xf32, #tpu.memory_space<vmem>>, %arg8: memref<1x128xf32, #tpu.memory_space<vmem>>, %arg9: memref<2000x128xf32, #tpu.memory_space<vmem>>, %arg10: memref<2000x128xf32, #tpu.memory_space<vmem>>, %arg11: memref<2000x128xf32, #tpu.memory_space<vmem>>) attributes {dimension_semantics = [#tpu.dimension_semantics<arbitrary>], iteration_bounds = array<i64: 5>, scalar_prefetch = 0 : i64, scratch_operands = 0 : i64, tpu.core_type = #tpu.core_type<tc>, window_params = [{transform_indices = @transform_0, window_bounds = array<i64: 2000, 128>}, {transform_indices = @transform_1, window_bounds = array<i64: 2000, 128>}, {pipeline_mode = #tpu.pipeline_mode<synchronous>, transform_indices = @transform_2, window_bounds = array<i64: 128, 128>}, {pipeline_mode = #tpu.pipeline_mode<synchronous>, transform_indices = @transform_3, window_bounds = array<i64: 128, 128>}, {pipeline_mode = #tpu.pipeline_mode<synchronous>, transform_indices = @transform_4, window_bounds = array<i64: 1, 128>}, {pipeline_mode = #tpu.pipeline_mode<synchronous>, transform_indices = @transform_5, window_bounds = array<i64: 128, 128>}, {pipeline_mode = #tpu.pipeline_mode<synchronous>, transform_indices = @transform_6, window_bounds = array<i64: 128, 128>}, {pipeline_mode = #tpu.pipeline_mode<synchronous>, transform_indices = @transform_7, window_bounds = array<i64: 1, 128>}, {transform_indices = @transform_8, window_bounds = array<i64: 2000, 128>}, {transform_indices = @transform_9, window_bounds = array<i64: 2000, 128>}, {transform_indices = @transform_10, window_bounds = array<i64: 2000, 128>}]} {
    %get3A = arith.constant 0 : index
    %get3A_0 = arith.constant 0 : index
    %get3A_1 = vector.load %arg1[%get3A, %get3A_0] : memref<2000x128xf32, #tpu.memory_space<vmem>>, vector<2000x128xf32>
    %get3A_2 = arith.constant 0 : index
    %get3A_3 = arith.constant 0 : index
    %get3A_4 = vector.load %arg3[%get3A_2, %get3A_3] : memref<128x128xf32, #tpu.memory_space<vmem>>, vector<128x128xf32>
    %dot_general3A = arith.constant dense<0.000000e+00> : vector<2000x128xf32>
    %dot_general3A_5 = tpu.matmul %get3A_1, %get3A_4, %dot_general3A {dimension_numbers = #tpu.dot_dimension_numbers<[1], [0], [0], [1], [0, 0, 1, 1], [], []>, transpose_lhs_hint = false} : vector<2000x128xf32>, vector<128x128xf32>, vector<2000x128xf32> -> vector<2000x128xf32>
    %get3A_6 = arith.constant 0 : index
    %get3A_7 = arith.constant 0 : index
    %get3A_8 = vector.load %arg5[%get3A_6, %get3A_7] : memref<1x128xf32, #tpu.memory_space<vmem>>, vector<1x128xf32>
    %add3A = vector.broadcast %get3A_8 : vector<1x128xf32> to vector<2000x128xf32>
    %add3A_9 = arith.addf %dot_general3A_5, %add3A : vector<2000x128xf32>
    %swap3A = arith.constant 0 : index
    %swap3A_10 = arith.constant 0 : index
    %swap3A_11 = vector.load %arg9[%swap3A, %swap3A_10] : memref<2000x128xf32, #tpu.memory_space<vmem>>, vector<2000x128xf32>
    tpu.vector_store %arg9[%swap3A, %swap3A_10], %add3A_9 {strides = array<i32>} : memref<2000x128xf32, #tpu.memory_space<vmem>>, vector<2000x128xf32>,
    %get3A_12 = arith.constant 0 : index
    %get3A_13 = arith.constant 0 : index
    %get3A_14 = vector.load %arg4[%get3A_12, %get3A_13] : memref<128x128xf32, #tpu.memory_space<vmem>>, vector<128x128xf32>
    %dot_general3A_15 = arith.constant dense<0.000000e+00> : vector<2000x128xf32>
    %dot_general3A_16 = tpu.matmul %get3A_1, %get3A_14, %dot_general3A_15 {dimension_numbers = #tpu.dot_dimension_numbers<[1], [0], [0], [1], [0, 0, 1, 1], [], []>, transpose_lhs_hint = false} : vector<2000x128xf32>, vector<128x128xf32>, vector<2000x128xf32> -> vector<2000x128xf32>
    %swap3A_17 = arith.constant 0 : index
    %swap3A_18 = arith.constant 0 : index
    %swap3A_19 = vector.load %arg10[%swap3A_17, %swap3A_18] : memref<2000x128xf32, #tpu.memory_space<vmem>>, vector<2000x128xf32>
    tpu.vector_store %arg10[%swap3A_17, %swap3A_18], %dot_general3A_16 {strides = array<i32>} : memref<2000x128xf32, #tpu.memory_space<vmem>>, vector<2000x128xf32>,
    %get3A_20 = arith.constant 0 : index
    %get3A_21 = arith.constant 0 : index
    %get3A_22 = vector.load %arg6[%get3A_20, %get3A_21] : memref<128x128xf32, #tpu.memory_space<vmem>>, vector<128x128xf32>
    %dot_general3A_23 = arith.constant dense<0.000000e+00> : vector<2000x128xf32>
    %dot_general3A_24 = tpu.matmul %get3A_1, %get3A_22, %dot_general3A_23 {dimension_numbers = #tpu.dot_dimension_numbers<[1], [0], [0], [1], [0, 0, 1, 1], [], []>, transpose_lhs_hint = false} : vector<2000x128xf32>, vector<128x128xf32>, vector<2000x128xf32> -> vector<2000x128xf32>
    %get3A_25 = arith.constant 0 : index
    %get3A_26 = arith.constant 0 : index
    %get3A_27 = vector.load %arg2[%get3A_25, %get3A_26] : memref<2000x128xf32, #tpu.memory_space<vmem>>, vector<2000x128xf32>
    %get3A_28 = arith.constant 0 : index
    %get3A_29 = arith.constant 0 : index
    %get3A_30 = vector.load %arg7[%get3A_28, %get3A_29] : memref<128x128xf32, #tpu.memory_space<vmem>>, vector<128x128xf32>
    %dot_general3A_31 = arith.constant dense<0.000000e+00> : vector<2000x128xf32>
    %dot_general3A_32 = tpu.matmul %get3A_27, %get3A_30, %dot_general3A_31 {dimension_numbers = #tpu.dot_dimension_numbers<[1], [0], [0], [1], [0, 0, 1, 1], [], []>, transpose_lhs_hint = false} : vector<2000x128xf32>, vector<128x128xf32>, vector<2000x128xf32> -> vector<2000x128xf32>
    %add3A_33 = arith.addf %dot_general3A_24, %dot_general3A_32 : vector<2000x128xf32>
    %get3A_34 = arith.constant 0 : index
    %get3A_35 = arith.constant 0 : index
    %get3A_36 = vector.load %arg8[%get3A_34, %get3A_35] : memref<1x128xf32, #tpu.memory_space<vmem>>, vector<1x128xf32>
    %add3A_37 = vector.broadcast %get3A_36 : vector<1x128xf32> to vector<2000x128xf32>
    %add3A_38 = arith.addf %add3A_33, %add3A_37 : vector<2000x128xf32>
    %swap3A_39 = arith.constant 0 : index
    %swap3A_40 = arith.constant 0 : index
    %swap3A_41 = vector.load %arg11[%swap3A_39, %swap3A_40] : memref<2000x128xf32, #tpu.memory_space<vmem>>, vector<2000x128xf32>
    tpu.vector_store %arg11[%swap3A_39, %swap3A_40], %add3A_38 {strides = array<i32>} : memref<2000x128xf32, #tpu.memory_space<vmem>>, vector<2000x128xf32>,
    return
  }
  func.func @transform_0(%arg0: i32) -> (i32, i32) {
    %c0_i32 = arith.constant 0 : i32
    %c0_i32_0 = arith.constant 0 : i32
    return %arg0, %c0_i32 : i32, i32
  }
  func.func @transform_1(%arg0: i32) -> (i32, i32) {
    %c0_i32 = arith.constant 0 : i32
    %c0_i32_0 = arith.constant 0 : i32
    return %arg0, %c0_i32 : i32, i32
  }
  func.func @transform_2(%arg0: i32) -> (i32, i32) {
    %c0_i32 = arith.constant 0 : i32
    %c0_i32_0 = arith.constant 0 : i32
    %c0_i32_1 = arith.constant 0 : i32
    return %c0_i32, %c0_i32_0 : i32, i32
  }
  func.func @transform_3(%arg0: i32) -> (i32, i32) {
    %c0_i32 = arith.constant 0 : i32
    %c0_i32_0 = arith.constant 0 : i32
    %c0_i32_1 = arith.constant 0 : i32
    return %c0_i32, %c0_i32_0 : i32, i32
  }
  func.func @transform_4(%arg0: i32) -> (i32, i32) {
    %c0_i32 = arith.constant 0 : i32
    %c0_i32_0 = arith.constant 0 : i32
    %c0_i32_1 = arith.constant 0 : i32
    return %c0_i32, %c0_i32_0 : i32, i32
  }
  func.func @transform_5(%arg0: i32) -> (i32, i32) {
    %c0_i32 = arith.constant 0 : i32
    %c0_i32_0 = arith.constant 0 : i32
    %c0_i32_1 = arith.constant 0 : i32
    return %c0_i32, %c0_i32_0 : i32, i32
  }
  func.func @transform_6(%arg0: i32) -> (i32, i32) {
    %c0_i32 = arith.constant 0 : i32
    %c0_i32_0 = arith.constant 0 : i32
    %c0_i32_1 = arith.constant 0 : i32
    return %c0_i32, %c0_i32_0 : i32, i32
  }
  func.func @transform_7(%arg0: i32) -> (i32, i32) {
    %c0_i32 = arith.constant 0 : i32
    %c0_i32_0 = arith.constant 0 : i32
    %c0_i32_1 = arith.constant 0 : i32
    return %c0_i32, %c0_i32_0 : i32, i32
  }
  func.func @transform_8(%arg0: i32) -> (i32, i32) {
    %c0_i32 = arith.constant 0 : i32
    %c0_i32_0 = arith.constant 0 : i32
    return %arg0, %c0_i32 : i32, i32
  }
  func.func @transform_9(%arg0: i32) -> (i32, i32) {
    %c0_i32 = arith.constant 0 : i32
    %c0_i32_0 = arith.constant 0 : i32
    return %arg0, %c0_i32 : i32, i32
  }
  func.func @transform_10(%arg0: i32) -> (i32, i32) {
    %c0_i32 = arith.constant 0 : i32
    %c0_i32_0 = arith.constant 0 : i32
    return %arg0, %c0_i32 : i32, i32
  }
}

module attributes {stable_mosaic.version = 14 : i64} {
  func.func @_edge_body(%arg0: i32, %arg1: memref<2000x128xf32, #tpu.memory_space<vmem>>, %arg2: memref<2000x128xf32, #tpu.memory_space<vmem>>, %arg3: memref<2000x1xf32, #tpu.memory_space<vmem>>, %arg4: memref<2000x128xf32, #tpu.memory_space<vmem>>, %arg5: memref<2000x4xf32, #tpu.memory_space<vmem>>, %arg6: memref<128x128xf32, #tpu.memory_space<vmem>>, %arg7: memref<1x128xf32, #tpu.memory_space<vmem>>, %arg8: memref<128x128xf32, #tpu.memory_space<vmem>>, %arg9: memref<1x128xf32, #tpu.memory_space<vmem>>, %arg10: memref<128x128xf32, #tpu.memory_space<vmem>>, %arg11: memref<1x128xf32, #tpu.memory_space<vmem>>, %arg12: memref<128x1xf32, #tpu.memory_space<vmem>>, %arg13: memref<2000x128xf32, #tpu.memory_space<vmem>>, %arg14: memref<2000x128xf32, #tpu.memory_space<vmem>>) attributes {dimension_semantics = [#tpu.dimension_semantics<arbitrary>], iteration_bounds = array<i64: 160>, scalar_prefetch = 0 : i64, scratch_operands = 0 : i64, tpu.core_type = #tpu.core_type<tc>, window_params = [{transform_indices = @transform_0, window_bounds = array<i64: 2000, 128>}, {transform_indices = @transform_1, window_bounds = array<i64: 2000, 128>}, {transform_indices = @transform_2, window_bounds = array<i64: 2000, 1>}, {transform_indices = @transform_3, window_bounds = array<i64: 2000, 128>}, {transform_indices = @transform_4, window_bounds = array<i64: 2000, 4>}, {pipeline_mode = #tpu.pipeline_mode<synchronous>, transform_indices = @transform_5, window_bounds = array<i64: 128, 128>}, {pipeline_mode = #tpu.pipeline_mode<synchronous>, transform_indices = @transform_6, window_bounds = array<i64: 1, 128>}, {pipeline_mode = #tpu.pipeline_mode<synchronous>, transform_indices = @transform_7, window_bounds = array<i64: 128, 128>}, {pipeline_mode = #tpu.pipeline_mode<synchronous>, transform_indices = @transform_8, window_bounds = array<i64: 1, 128>}, {pipeline_mode = #tpu.pipeline_mode<synchronous>, transform_indices = @transform_9, window_bounds = array<i64: 128, 128>}, {pipeline_mode = #tpu.pipeline_mode<synchronous>, transform_indices = @transform_10, window_bounds = array<i64: 1, 128>}, {pipeline_mode = #tpu.pipeline_mode<synchronous>, transform_indices = @transform_11, window_bounds = array<i64: 128, 1>}, {transform_indices = @transform_12, window_bounds = array<i64: 2000, 128>}, {transform_indices = @transform_13, window_bounds = array<i64: 2000, 128>}]} {
    %get3A = arith.constant 0 : index
    %get3A_0 = arith.constant 0 : index
    %get3A_1 = vector.load %arg1[%get3A, %get3A_0] : memref<2000x128xf32, #tpu.memory_space<vmem>>, vector<2000x128xf32>
    %get3A_2 = arith.constant 0 : index
    %get3A_3 = arith.constant 0 : index
    %get3A_4 = vector.load %arg2[%get3A_2, %get3A_3] : memref<2000x128xf32, #tpu.memory_space<vmem>>, vector<2000x128xf32>
    %add3A = arith.addf %get3A_1, %get3A_4 : vector<2000x128xf32>
    %get3A_5 = arith.constant 0 : index
    %get3A_6 = arith.constant 0 : index
    %get3A_7 = vector.load %arg3[%get3A_5, %get3A_6] : memref<2000x1xf32, #tpu.memory_space<vmem>>, vector<2000x1xf32>
    %get3A_8 = arith.constant 0 : index
    %get3A_9 = arith.constant 0 : index
    %get3A_10 = vector.load %arg7[%get3A_8, %get3A_9] : memref<1x128xf32, #tpu.memory_space<vmem>>, vector<1x128xf32>
    %mul3A = vector.broadcast %get3A_7 : vector<2000x1xf32> to vector<2000x128xf32>
    %mul3A_11 = vector.broadcast %get3A_10 : vector<1x128xf32> to vector<2000x128xf32>
    %mul3A_12 = arith.mulf %mul3A, %mul3A_11 : vector<2000x128xf32>
    %add3A_13 = arith.addf %add3A, %mul3A_12 : vector<2000x128xf32>
    %get3A_14 = arith.constant 0 : index
    %get3A_15 = arith.constant 0 : index
    %get3A_16 = vector.load %arg4[%get3A_14, %get3A_15] : memref<2000x128xf32, #tpu.memory_space<vmem>>, vector<2000x128xf32>
    %get3A_17 = arith.constant 0 : index
    %get3A_18 = arith.constant 0 : index
    %get3A_19 = vector.load %arg6[%get3A_17, %get3A_18] : memref<128x128xf32, #tpu.memory_space<vmem>>, vector<128x128xf32>
    %dot_general3A = arith.constant dense<0.000000e+00> : vector<2000x128xf32>
    %dot_general3A_20 = tpu.matmul %get3A_16, %get3A_19, %dot_general3A {dimension_numbers = #tpu.dot_dimension_numbers<[1], [0], [0], [1], [0, 0, 1, 1], [], []>, transpose_lhs_hint = false} : vector<2000x128xf32>, vector<128x128xf32>, vector<2000x128xf32> -> vector<2000x128xf32>
    %add3A_21 = arith.addf %add3A_13, %dot_general3A_20 : vector<2000x128xf32>
    %logistic3A = arith.negf %add3A_21 : vector<2000x128xf32>
    %logistic3A_22 = math.exp %logistic3A : vector<2000x128xf32>
    %logistic3A_23 = arith.constant 1.000000e+00 : f32
    %logistic3A_24 = vector.broadcast %logistic3A_23 : f32 to vector<2000x128xf32>
    %logistic3A_25 = arith.addf %logistic3A_24, %logistic3A_22 : vector<2000x128xf32>
    %logistic3A_26 = arith.divf %logistic3A_24, %logistic3A_25 : vector<2000x128xf32>
    %mul3A_27 = arith.mulf %add3A_21, %logistic3A_26 : vector<2000x128xf32>
    %get3A_28 = arith.constant 0 : index
    %get3A_29 = arith.constant 0 : index
    %get3A_30 = vector.load %arg8[%get3A_28, %get3A_29] : memref<128x128xf32, #tpu.memory_space<vmem>>, vector<128x128xf32>
    %dot_general3A_31 = arith.constant dense<0.000000e+00> : vector<2000x128xf32>
    %dot_general3A_32 = tpu.matmul %mul3A_27, %get3A_30, %dot_general3A_31 {dimension_numbers = #tpu.dot_dimension_numbers<[1], [0], [0], [1], [0, 0, 1, 1], [], []>, transpose_lhs_hint = false} : vector<2000x128xf32>, vector<128x128xf32>, vector<2000x128xf32> -> vector<2000x128xf32>
    %get3A_33 = arith.constant 0 : index
    %get3A_34 = arith.constant 0 : index
    %get3A_35 = vector.load %arg9[%get3A_33, %get3A_34] : memref<1x128xf32, #tpu.memory_space<vmem>>, vector<1x128xf32>
    %add3A_36 = vector.broadcast %get3A_35 : vector<1x128xf32> to vector<2000x128xf32>
    %add3A_37 = arith.addf %dot_general3A_32, %add3A_36 : vector<2000x128xf32>
    %logistic3A_38 = arith.negf %add3A_37 : vector<2000x128xf32>
    %logistic3A_39 = math.exp %logistic3A_38 : vector<2000x128xf32>
    %logistic3A_40 = arith.constant 1.000000e+00 : f32
    %logistic3A_41 = vector.broadcast %logistic3A_40 : f32 to vector<2000x128xf32>
    %logistic3A_42 = arith.addf %logistic3A_41, %logistic3A_39 : vector<2000x128xf32>
    %logistic3A_43 = arith.divf %logistic3A_41, %logistic3A_42 : vector<2000x128xf32>
    %mul3A_44 = arith.mulf %add3A_37, %logistic3A_43 : vector<2000x128xf32>
    %get3A_45 = arith.constant 0 : index
    %get3A_46 = arith.constant 0 : index
    %get3A_47 = vector.load %arg10[%get3A_45, %get3A_46] : memref<128x128xf32, #tpu.memory_space<vmem>>, vector<128x128xf32>
    %dot_general3A_48 = arith.constant dense<0.000000e+00> : vector<2000x128xf32>
    %dot_general3A_49 = tpu.matmul %mul3A_44, %get3A_47, %dot_general3A_48 {dimension_numbers = #tpu.dot_dimension_numbers<[1], [0], [0], [1], [0, 0, 1, 1], [], []>, transpose_lhs_hint = false} : vector<2000x128xf32>, vector<128x128xf32>, vector<2000x128xf32> -> vector<2000x128xf32>
    %get3A_50 = arith.constant 0 : index
    %get3A_51 = arith.constant 0 : index
    %get3A_52 = vector.load %arg11[%get3A_50, %get3A_51] : memref<1x128xf32, #tpu.memory_space<vmem>>, vector<1x128xf32>
    %add3A_53 = vector.broadcast %get3A_52 : vector<1x128xf32> to vector<2000x128xf32>
    %add3A_54 = arith.addf %dot_general3A_49, %add3A_53 : vector<2000x128xf32>
    %logistic3A_55 = arith.negf %add3A_54 : vector<2000x128xf32>
    %logistic3A_56 = math.exp %logistic3A_55 : vector<2000x128xf32>
    %logistic3A_57 = arith.constant 1.000000e+00 : f32
    %logistic3A_58 = vector.broadcast %logistic3A_57 : f32 to vector<2000x128xf32>
    %logistic3A_59 = arith.addf %logistic3A_58, %logistic3A_56 : vector<2000x128xf32>
    %logistic3A_60 = arith.divf %logistic3A_58, %logistic3A_59 : vector<2000x128xf32>
    %mul3A_61 = arith.mulf %add3A_54, %logistic3A_60 : vector<2000x128xf32>
    %get3A_62 = arith.constant 0 : index
    %get3A_63 = arith.constant 0 : index
    %get3A_64 = vector.load %arg12[%get3A_62, %get3A_63] : memref<128x1xf32, #tpu.memory_space<vmem>>, vector<128x1xf32>
    %dot_general3A_65 = arith.constant dense<0.000000e+00> : vector<2000x1xf32>
    %dot_general3A_66 = tpu.matmul %mul3A_61, %get3A_64, %dot_general3A_65 {dimension_numbers = #tpu.dot_dimension_numbers<[1], [0], [0], [1], [0, 0, 1, 1], [], []>, transpose_lhs_hint = false} : vector<2000x128xf32>, vector<128x1xf32>, vector<2000x1xf32> -> vector<2000x1xf32>
    %swap3A = arith.constant 0 : index
    %swap3A_67 = arith.constant 0 : index
    %swap3A_68 = vector.load %arg13[%swap3A, %swap3A_67] : memref<2000x128xf32, #tpu.memory_space<vmem>>, vector<2000x128xf32>
    tpu.vector_store %arg13[%swap3A, %swap3A_67], %mul3A_44 {strides = array<i32>} : memref<2000x128xf32, #tpu.memory_space<vmem>>, vector<2000x128xf32>,
    %broadcast_in_dim3A = arith.constant 0.000000e+00 : f32
    %broadcast_in_dim3A_69 = vector.broadcast %broadcast_in_dim3A : f32 to vector<2000x124xf32>
    %get3A_70 = arith.constant 0 : index
    %get3A_71 = arith.constant 0 : index
    %get3A_72 = vector.load %arg5[%get3A_70, %get3A_71] : memref<2000x4xf32, #tpu.memory_space<vmem>>, vector<2000x4xf32>
    %mul3A_73 = vector.broadcast %dot_general3A_66 : vector<2000x1xf32> to vector<2000x4xf32>
    %mul3A_74 = arith.mulf %get3A_72, %mul3A_73 : vector<2000x4xf32>
    %concatenate3A = tpu.concatenate %mul3A_74, %broadcast_in_dim3A_69 in 1 : vector<2000x4xf32>, vector<2000x124xf32> -> vector<2000x128xf32>
    %swap3A_75 = arith.constant 0 : index
    %swap3A_76 = arith.constant 0 : index
    %swap3A_77 = vector.load %arg14[%swap3A_75, %swap3A_76] : memref<2000x128xf32, #tpu.memory_space<vmem>>, vector<2000x128xf32>
    tpu.vector_store %arg14[%swap3A_75, %swap3A_76], %concatenate3A {strides = array<i32>} : memref<2000x128xf32, #tpu.memory_space<vmem>>, vector<2000x128xf32>,
    return
  }
  func.func @transform_0(%arg0: i32) -> (i32, i32) {
    %c0_i32 = arith.constant 0 : i32
    %c0_i32_0 = arith.constant 0 : i32
    return %arg0, %c0_i32 : i32, i32
  }
  func.func @transform_1(%arg0: i32) -> (i32, i32) {
    %c0_i32 = arith.constant 0 : i32
    %c0_i32_0 = arith.constant 0 : i32
    return %arg0, %c0_i32 : i32, i32
  }
  func.func @transform_2(%arg0: i32) -> (i32, i32) {
    %c0_i32 = arith.constant 0 : i32
    %c0_i32_0 = arith.constant 0 : i32
    return %arg0, %c0_i32 : i32, i32
  }
  func.func @transform_3(%arg0: i32) -> (i32, i32) {
    %c0_i32 = arith.constant 0 : i32
    %c0_i32_0 = arith.constant 0 : i32
    return %arg0, %c0_i32 : i32, i32
  }
  func.func @transform_4(%arg0: i32) -> (i32, i32) {
    %c0_i32 = arith.constant 0 : i32
    %c0_i32_0 = arith.constant 0 : i32
    return %arg0, %c0_i32 : i32, i32
  }
  func.func @transform_5(%arg0: i32) -> (i32, i32) {
    %c0_i32 = arith.constant 0 : i32
    %c0_i32_0 = arith.constant 0 : i32
    %c0_i32_1 = arith.constant 0 : i32
    return %c0_i32, %c0_i32_0 : i32, i32
  }
  func.func @transform_6(%arg0: i32) -> (i32, i32) {
    %c0_i32 = arith.constant 0 : i32
    %c0_i32_0 = arith.constant 0 : i32
    %c0_i32_1 = arith.constant 0 : i32
    return %c0_i32, %c0_i32_0 : i32, i32
  }
  func.func @transform_7(%arg0: i32) -> (i32, i32) {
    %c0_i32 = arith.constant 0 : i32
    %c0_i32_0 = arith.constant 0 : i32
    %c0_i32_1 = arith.constant 0 : i32
    return %c0_i32, %c0_i32_0 : i32, i32
  }
  func.func @transform_8(%arg0: i32) -> (i32, i32) {
    %c0_i32 = arith.constant 0 : i32
    %c0_i32_0 = arith.constant 0 : i32
    %c0_i32_1 = arith.constant 0 : i32
    return %c0_i32, %c0_i32_0 : i32, i32
  }
  func.func @transform_9(%arg0: i32) -> (i32, i32) {
    %c0_i32 = arith.constant 0 : i32
    %c0_i32_0 = arith.constant 0 : i32
    %c0_i32_1 = arith.constant 0 : i32
    return %c0_i32, %c0_i32_0 : i32, i32
  }
  func.func @transform_10(%arg0: i32) -> (i32, i32) {
    %c0_i32 = arith.constant 0 : i32
    %c0_i32_0 = arith.constant 0 : i32
    %c0_i32_1 = arith.constant 0 : i32
    return %c0_i32, %c0_i32_0 : i32, i32
  }
  func.func @transform_11(%arg0: i32) -> (i32, i32) {
    %c0_i32 = arith.constant 0 : i32
    %c0_i32_0 = arith.constant 0 : i32
    %c0_i32_1 = arith.constant 0 : i32
    return %c0_i32, %c0_i32_0 : i32, i32
  }
  func.func @transform_12(%arg0: i32) -> (i32, i32) {
    %c0_i32 = arith.constant 0 : i32
    %c0_i32_0 = arith.constant 0 : i32
    return %arg0, %c0_i32 : i32, i32
  }
  func.func @transform_13(%arg0: i32) -> (i32, i32) {
    %c0_i32 = arith.constant 0 : i32
    %c0_i32_0 = arith.constant 0 : i32
    return %arg0, %c0_i32 : i32, i32
  }
}

module attributes {stable_mosaic.version = 14 : i64} {
  func.func @_node_body(%arg0: i32, %arg1: memref<2000x128xf32, #tpu.memory_space<vmem>>, %arg2: memref<2000x128xf32, #tpu.memory_space<vmem>>, %arg3: memref<2000x128xf32, #tpu.memory_space<vmem>>, %arg4: memref<2000x128xf32, #tpu.memory_space<vmem>>, %arg5: memref<2000x128xf32, #tpu.memory_space<vmem>>, %arg6: memref<2000x128xf32, #tpu.memory_space<vmem>>, %arg7: memref<128x128xf32, #tpu.memory_space<vmem>>, %arg8: memref<128x128xf32, #tpu.memory_space<vmem>>, %arg9: memref<1x128xf32, #tpu.memory_space<vmem>>, %arg10: memref<2000x128xf32, #tpu.memory_space<vmem>>, %arg11: memref<2000x3xf32, #tpu.memory_space<vmem>>) attributes {dimension_semantics = [#tpu.dimension_semantics<arbitrary>], iteration_bounds = array<i64: 5>, scalar_prefetch = 0 : i64, scratch_operands = 0 : i64, tpu.core_type = #tpu.core_type<tc>, window_params = [{transform_indices = @transform_0, window_bounds = array<i64: 2000, 128>}, {transform_indices = @transform_1, window_bounds = array<i64: 2000, 128>}, {transform_indices = @transform_2, window_bounds = array<i64: 2000, 128>}, {transform_indices = @transform_3, window_bounds = array<i64: 2000, 128>}, {transform_indices = @transform_4, window_bounds = array<i64: 2000, 128>}, {transform_indices = @transform_5, window_bounds = array<i64: 2000, 128>}, {pipeline_mode = #tpu.pipeline_mode<synchronous>, transform_indices = @transform_6, window_bounds = array<i64: 128, 128>}, {pipeline_mode = #tpu.pipeline_mode<synchronous>, transform_indices = @transform_7, window_bounds = array<i64: 128, 128>}, {pipeline_mode = #tpu.pipeline_mode<synchronous>, transform_indices = @transform_8, window_bounds = array<i64: 1, 128>}, {transform_indices = @transform_9, window_bounds = array<i64: 2000, 128>}, {transform_indices = @transform_10, window_bounds = array<i64: 2000, 3>}]} {
    %get3A = arith.constant 0 : index
    %get3A_0 = arith.constant 0 : index
    %get3A_1 = vector.load %arg3[%get3A, %get3A_0] : memref<2000x128xf32, #tpu.memory_space<vmem>>, vector<2000x128xf32>
    %get3A_2 = arith.constant 0 : index
    %get3A_3 = arith.constant 0 : index
    %get3A_4 = vector.load %arg4[%get3A_2, %get3A_3] : memref<2000x128xf32, #tpu.memory_space<vmem>>, vector<2000x128xf32>
    %add3A = arith.addf %get3A_1, %get3A_4 : vector<2000x128xf32>
    %get3A_5 = arith.constant 0 : index
    %get3A_6 = arith.constant 0 : index
    %get3A_7 = vector.load %arg2[%get3A_5, %get3A_6] : memref<2000x128xf32, #tpu.memory_space<vmem>>, vector<2000x128xf32>
    %get3A_8 = arith.constant 0 : index
    %get3A_9 = arith.constant 0 : index
    %get3A_10 = vector.load %arg7[%get3A_8, %get3A_9] : memref<128x128xf32, #tpu.memory_space<vmem>>, vector<128x128xf32>
    %dot_general3A = arith.constant dense<0.000000e+00> : vector<2000x128xf32>
    %dot_general3A_11 = tpu.matmul %add3A, %get3A_10, %dot_general3A {dimension_numbers = #tpu.dot_dimension_numbers<[1], [0], [0], [1], [0, 0, 1, 1], [], []>, transpose_lhs_hint = false} : vector<2000x128xf32>, vector<128x128xf32>, vector<2000x128xf32> -> vector<2000x128xf32>
    %add3A_12 = arith.addf %get3A_7, %dot_general3A_11 : vector<2000x128xf32>
    %logistic3A = arith.negf %add3A_12 : vector<2000x128xf32>
    %logistic3A_13 = math.exp %logistic3A : vector<2000x128xf32>
    %logistic3A_14 = arith.constant 1.000000e+00 : f32
    %logistic3A_15 = vector.broadcast %logistic3A_14 : f32 to vector<2000x128xf32>
    %logistic3A_16 = arith.addf %logistic3A_15, %logistic3A_13 : vector<2000x128xf32>
    %logistic3A_17 = arith.divf %logistic3A_15, %logistic3A_16 : vector<2000x128xf32>
    %mul3A = arith.mulf %add3A_12, %logistic3A_17 : vector<2000x128xf32>
    %get3A_18 = arith.constant 0 : index
    %get3A_19 = arith.constant 0 : index
    %get3A_20 = vector.load %arg1[%get3A_18, %get3A_19] : memref<2000x128xf32, #tpu.memory_space<vmem>>, vector<2000x128xf32>
    %get3A_21 = arith.constant 0 : index
    %get3A_22 = arith.constant 0 : index
    %get3A_23 = vector.load %arg8[%get3A_21, %get3A_22] : memref<128x128xf32, #tpu.memory_space<vmem>>, vector<128x128xf32>
    %dot_general3A_24 = arith.constant dense<0.000000e+00> : vector<2000x128xf32>
    %dot_general3A_25 = tpu.matmul %mul3A, %get3A_23, %dot_general3A_24 {dimension_numbers = #tpu.dot_dimension_numbers<[1], [0], [0], [1], [0, 0, 1, 1], [], []>, transpose_lhs_hint = false} : vector<2000x128xf32>, vector<128x128xf32>, vector<2000x128xf32> -> vector<2000x128xf32>
    %get3A_26 = arith.constant 0 : index
    %get3A_27 = arith.constant 0 : index
    %get3A_28 = vector.load %arg9[%get3A_26, %get3A_27] : memref<1x128xf32, #tpu.memory_space<vmem>>, vector<1x128xf32>
    %add3A_29 = vector.broadcast %get3A_28 : vector<1x128xf32> to vector<2000x128xf32>
    %add3A_30 = arith.addf %dot_general3A_25, %add3A_29 : vector<2000x128xf32>
    %add3A_31 = arith.addf %get3A_20, %add3A_30 : vector<2000x128xf32>
    %swap3A = arith.constant 0 : index
    %swap3A_32 = arith.constant 0 : index
    %swap3A_33 = vector.load %arg10[%swap3A, %swap3A_32] : memref<2000x128xf32, #tpu.memory_space<vmem>>, vector<2000x128xf32>
    tpu.vector_store %arg10[%swap3A, %swap3A_32], %add3A_31 {strides = array<i32>} : memref<2000x128xf32, #tpu.memory_space<vmem>>, vector<2000x128xf32>,
    %get3A_34 = arith.constant 0 : index
    %get3A_35 = arith.constant 0 : index
    %get3A_36 = vector.load %arg5[%get3A_34, %get3A_35] : memref<2000x128xf32, #tpu.memory_space<vmem>>, vector<2000x128xf32>
    %get3A_37 = arith.constant 0 : index
    %get3A_38 = arith.constant 0 : index
    %get3A_39 = vector.load %arg6[%get3A_37, %get3A_38] : memref<2000x128xf32, #tpu.memory_space<vmem>>, vector<2000x128xf32>
    %add3A_40 = arith.addf %get3A_36, %get3A_39 : vector<2000x128xf32>
    %slice3A = vector.extract_strided_slice %add3A_40 {offsets = [0, 0], sizes = [2000, 3], strides = [1, 1]} : vector<2000x128xf32> to vector<2000x3xf32>
    %swap3A_41 = arith.constant 0 : index
    %swap3A_42 = arith.constant 0 : index
    %swap3A_43 = vector.load %arg11[%swap3A_41, %swap3A_42] : memref<2000x3xf32, #tpu.memory_space<vmem>>, vector<2000x3xf32>
    tpu.vector_store %arg11[%swap3A_41, %swap3A_42], %slice3A {strides = array<i32>} : memref<2000x3xf32, #tpu.memory_space<vmem>>, vector<2000x3xf32>,
    return
  }
  func.func @transform_0(%arg0: i32) -> (i32, i32) {
    %c0_i32 = arith.constant 0 : i32
    %c0_i32_0 = arith.constant 0 : i32
    return %arg0, %c0_i32 : i32, i32
  }
  func.func @transform_1(%arg0: i32) -> (i32, i32) {
    %c0_i32 = arith.constant 0 : i32
    %c0_i32_0 = arith.constant 0 : i32
    return %arg0, %c0_i32 : i32, i32
  }
  func.func @transform_2(%arg0: i32) -> (i32, i32) {
    %c0_i32 = arith.constant 0 : i32
    %c0_i32_0 = arith.constant 0 : i32
    return %arg0, %c0_i32 : i32, i32
  }
  func.func @transform_3(%arg0: i32) -> (i32, i32) {
    %c0_i32 = arith.constant 0 : i32
    %c0_i32_0 = arith.constant 0 : i32
    return %arg0, %c0_i32 : i32, i32
  }
  func.func @transform_4(%arg0: i32) -> (i32, i32) {
    %c0_i32 = arith.constant 0 : i32
    %c0_i32_0 = arith.constant 0 : i32
    return %arg0, %c0_i32 : i32, i32
  }
  func.func @transform_5(%arg0: i32) -> (i32, i32) {
    %c0_i32 = arith.constant 0 : i32
    %c0_i32_0 = arith.constant 0 : i32
    return %arg0, %c0_i32 : i32, i32
  }
  func.func @transform_6(%arg0: i32) -> (i32, i32) {
    %c0_i32 = arith.constant 0 : i32
    %c0_i32_0 = arith.constant 0 : i32
    %c0_i32_1 = arith.constant 0 : i32
    return %c0_i32, %c0_i32_0 : i32, i32
  }
  func.func @transform_7(%arg0: i32) -> (i32, i32) {
    %c0_i32 = arith.constant 0 : i32
    %c0_i32_0 = arith.constant 0 : i32
    %c0_i32_1 = arith.constant 0 : i32
    return %c0_i32, %c0_i32_0 : i32, i32
  }
  func.func @transform_8(%arg0: i32) -> (i32, i32) {
    %c0_i32 = arith.constant 0 : i32
    %c0_i32_0 = arith.constant 0 : i32
    %c0_i32_1 = arith.constant 0 : i32
    return %c0_i32, %c0_i32_0 : i32, i32
  }
  func.func @transform_9(%arg0: i32) -> (i32, i32) {
    %c0_i32 = arith.constant 0 : i32
    %c0_i32_0 = arith.constant 0 : i32
    return %arg0, %c0_i32 : i32, i32
  }
  func.func @transform_10(%arg0: i32) -> (i32, i32) {
    %c0_i32 = arith.constant 0 : i32
    %c0_i32_0 = arith.constant 0 : i32
    return %arg0, %c0_i32 : i32, i32
  }
}

</mosaic_0001>

<sc_bundles>
// kernel: kernel.11.cloned.1.call-start
scs
__scs_entry_jumppad:
0x0: {  	(pc) =	sbr.rel $0x88, $3  }
0x1: {  	(tag) =	ssettag $0x0;
	lr =	simm.s32 $0x1  }
0x2: {  	[smem:$0x3F8F] =	sst lr;
	_ =	strace $0xD0000000  }
0x3: {  	_ = 	snop  }
0x4: {  	_ = 	snop  }
0x5: {  	_ = 	snop  }
0x6: {  	_ = 	snop  }
0x7: {  	_ = 	snop  }
__scs_overlays_trampoline_lowered:
0x8: {  	[smem:$0x3F9E] =	sst s0  }
0x9: {  	[smem:$0x3F9F] =	sst s1  }
0xa: {  	[smem:$0x3FA0] =	sst s2  }
0xb: {  	[smem:$0x3FA1] =	sst s3  }
0xc: {  	[smem:$0x3FA2] =	sst s4  }
0xd: {  	[smem:$0x3FA3] =	sst s5  }
0xe: {  	[smem:$0x3FA4] =	sst s6  }
0xf: {  	[smem:$0x3FA5] =	sst s7  }
0x10: {  	[smem:$0x3FA6] =	sst s8  }
0x11: {  	[smem:$0x3FA7] =	sst s9;
	s0 =	simm.s32 @!p0 $0x0  }
0x12: {  	s1 =	sld [smem:$0x3F8D];
	s0 =	simm.s32 @p0 $0x1  }
0x13: {  	[smem:$0x3FA8] =	sst s0;
	s0 =	simm.s32 @!p1 $0x0  }
0x14: {  	s2 =	sld [smem:$0x3F8C];
	s0 =	simm.s32 @p1 $0x1  }
0x15: {  	[smem:$0x3FA9] =	sst s0;
	s0 =	simm.s32 @!p2 $0x0  }
0x16: {  	s3 =	sld [smem:$0x3FDB];
	s0 =	simm.s32 @p2 $0x1  }
0x17: {  	s4 =	simm.s32 $0x1BF5;
	[smem:$0x3FAB] =	sst s0  }
0x18: {  	s0 =	sld [smem:$0x3F8E];
	_ =	swait.ge [sflag:s4], $0x0  }
0x19: {  	s7 =	sld [smem:$0x3F8F]  }
0x1a: {  	s8 =	sadd.s32 $0xFFFFE003, lr  }
0x1b: {  	s9 =	sadd.s32 $0xFFFFFEF7, lr;
	s5 =	simm.s32 $0xFFFFFFFF;
	p2 =	slt.u32 s8, $0xFFFFF086  }
0x1c: {  	p1 =	slt.u32 s9, $0xF7A;
	s5 =	simm.s32 @!p2 $0x0  }
0x1d: {  	s5 =	simm.s32 @p1 $0x1;
	p0 =	seq.s32 s7, s2  }
0x1e: {  	s7 =	smul.u32 @!p0 $0xF7A, s2;
	p2 =	seq.s32 @!p0 s5, $0x0  }
0x1f: {  	s9 =	smul.u32 $0xF7A, s1;
	s8 =	simm.s32 @!p0 $0x1BF5;
	p2 =	por !p2, p0  }
0x20: {  	[sflag:s8] =	ssyncset.s32 @!p0 $0xFFFFF086;
	s6 =	sadd.s32 @!p0 s3, s7;
	s7 =	simm.s32 @!p0 $0x108  }
0x21: {  	s3 =	sadd.s32 s3, s9;
	s6 =	sadd.s32 @!p0 $0x88, s6;
	s7 =	simm.s32 @p2 $0x1082  }
0x22: {  	[simem:s7], [sflag:s8] =	dma.local @!p0 [hbm:s6], $0xF7A  }
0x23: {  	s9 =	sor.u32 $0xD0000000, s2;
	s6 =	simm.s32 $0x108;
	_ =	swait.ge @!p0 [sflag:s8], $0x0  }
0x24: {  	s3 =	sadd.s32 $0x88, s3;
	s6 =	simm.s32 @!p1 $0x1082;
	[sflag:s4] =	ssyncset.s32 $0xFFFFF086  }
0x25: {  	[simem:s6], [sflag:s4] =	dma.local [hbm:s3], $0xF7A  }
0x26: {  	[smem:$0x3F8F] =	sst s1;
	(tag) =	ssettag s2;
	_ =	strace s9  }
0x27: {  	s1 =	sld [smem:$0x3F9F]  }
0x28: {  	s2 =	sld [smem:$0x3FA0]  }
0x29: {  	s4 =	sld [smem:$0x3FA2]  }
0x2a: {  	p0 =	seq.s32 s5, $0x0;
	s5 =	sld [smem:$0x3FA3]  }
0x2b: {  	s6 =	sld [smem:$0x3FA4]  }
0x2c: {  	s7 =	sld [smem:$0x3FA5]  }
0x2d: {  	s3 =	simm.s32 $0x108;
	s8 =	sld [smem:$0x3FA6]  }
0x2e: {  	s3 =	simm.s32 @!p0 $0x1082;
	s9 =	sld [smem:$0x3FA7]  }
0x2f: {  	lr =	sadd.s32 s0, s3;
	s0 =	sld [smem:$0x3F9E]  }
0x30: {  	s3 =	sld [smem:$0x3FA1]  }
0x31: {  	[smem:$0x3FAA] =	sst s10  }
0x32: {  	s10 =	sld [smem:$0x3FA8];
	_ =	sdelay $0x3  }
0x33: {  	p0 =	seq.s32 s10, $0x1;
	s10 =	sld [smem:$0x3FAA];
	_ =	sdelay $0x3  }
0x34: {  	[smem:$0x3FAA] =	sst s10  }
0x35: {  	s10 =	sld [smem:$0x3FA9];
	_ =	sdelay $0x3  }
0x36: {  	p1 =	seq.s32 s10, $0x1;
	s10 =	sld [smem:$0x3FAA];
	_ =	sdelay $0x3  }
0x37: {  	[smem:$0x3FAA] =	sst s10  }
0x38: {  	s10 =	sld [smem:$0x3FAB]  }
0x39: {  	_ = 	snop;
	(pc) =	sbr.ind lr, $3  }
0x3a: {  	_ = 	snop  }
0x3b: {  	_ = 	snop  }
0x3c: {  	p2 =	seq.s32 s10, $0x1;
	s10 =	sld [smem:$0x3FAA]  }
0x3d: {  	_ =	shalt  }
0x3e: {  	_ =	shalt  }
0x3f: {  	_ =	shalt  }
0x40: {  	_ =	shalt  }
0x41: {  	_ =	shalt  }
0x42: {  	_ =	shalt  }
0x43: {  	_ =	shalt  }
0x44: {  	_ =	shalt  }
0x45: {  	_ =	shalt  }
0x46: {  	_ =	shalt  }
0x47: {  	_ =	shalt  }
0x48: {  	_ =	shalt  }
0x49: {  	_ =	shalt  }
0x4a: {  	_ =	shalt  }
0x4b: {  	_ =	shalt  }
0x4c: {  	_ =	shalt  }
0x4d: {  	_ =	shalt  }
0x4e: {  	_ =	shalt  }
0x4f: {  	_ =	shalt  }
0x50: {  	_ =	shalt  }
0x51: {  	_ =	shalt  }
0x52: {  	_ =	shalt  }
0x53: {  	_ =	shalt  }
0x54: {  	_ =	shalt  }
0x55: {  	_ =	shalt  }
0x56: {  	_ =	shalt  }
0x57: {  	_ =	shalt  }
0x58: {  	_ =	shalt  }
0x59: {  	_ =	shalt  }
0x5a: {  	_ =	shalt  }
0x5b: {  	_ =	shalt  }
0x5c: {  	_ =	shalt  }
0x5d: {  	_ =	shalt  }
0x5e: {  	_ =	shalt  }
0x5f: {  	_ =	shalt  }
0x60: {  	_ =	shalt  }
0x61: {  	_ =	shalt  }
0x62: {  	_ =	shalt  }
0x63: {  	_ =	shalt  }
0x64: {  	_ =	shalt  }
0x65: {  	_ =	shalt  }
0x66: {  	_ =	shalt  }
0x67: {  	_ =	shalt  }
0x68: {  	_ =	shalt  }
0x69: {  	_ =	shalt  }
0x6a: {  	_ =	shalt  }
0x6b: {  	_ =	shalt  }
0x6c: {  	_ =	shalt  }
0x6d: {  	_ =	shalt  }
0x6e: {  	_ =	shalt  }
0x6f: {  	_ =	shalt  }
0x70: {  	_ =	shalt  }
0x71: {  	_ =	shalt  }
0x72: {  	_ =	shalt  }
0x73: {  	_ =	shalt  }
0x74: {  	_ =	shalt  }
0x75: {  	_ =	shalt  }
0x76: {  	_ =	shalt  }
0x77: {  	_ =	shalt  }
0x78: {  	_ =	shalt  }
0x79: {  	_ =	shalt  }
0x7a: {  	_ =	shalt  }
0x7b: {  	_ =	shalt  }
0x7c: {  	_ =	shalt  }
0x7d: {  	_ =	shalt  }
0x7e: {  	_ =	shalt  }
0x7f: {  	_ =	shalt  }
0x80: {  	_ =	shalt  }
0x81: {  	_ =	shalt  }
0x82: {  	_ =	shalt  }
0x83: {  	_ =	shalt  }
0x84: {  	_ =	shalt  }
0x85: {  	_ =	shalt  }
0x86: {  	_ =	shalt  }
0x87: {  	_ =	shalt  }
.Lfunc_end0:
.L_simem_size_0:
called_computation.1_lowered:
.L_overlay_start_0:
0x88: {  	s2 =	sld [smem:$0x3FD9]  }
0x89: {  	s3 =	sld [smem:$0x3FFE];
	_ =	sdelay $0x1  }
0x8a: {  	s1 =	srdreg.scid  }
0x8b: {  	s0 =	sand.u32 $0x1, s1  }
0x8c: {  	s14 =	sshll.u32 s0, $0xA;
	s2 =	sadd.s32 s3, s2  }
0x8d: {  	s2 =	sadd.s32 s2, s14  }
0x8e: {  	[smem:$0x3FB6] =	sst s2  }
0x8f: {  	_ = 	snop  }
0x90: {  	s2 =	sld [smem:$0x3FD0];
	_ =	sdelay $0x2  }
0x91: {  	s4 =	simm.s32 $0xB;
	s5 =	simm.s32 $0x10;
	s15 =	sld [smem:$0x3FC5]  }
0x92: {  	[smem:s5], [sflag:s4] =	dma.local [hbm:s2], $0x1  }
0x93: {  	_ =	swait.eq [sflag:s4], $0x1  }
0x94: {  	[sflag:s4] =	ssyncset.done $0x0  }
0x95: {  	[sflag:s4] =	ssyncadd.s32 $0xFFFFFFFF  }
0x96: {  	s16 =	sld [smem:$0x11];
	(tm) =	ssettm $0x1  }
0x97: {  	s17 =	sld [smem:$0x3FFB];
	_ =	sdelay $0x3  }
0x98: {  	_ =	strace s17  }
0x99: {  	s4 =	sld [smem:$0x3FFC];
	_ =	sdelay $0x3  }
0x9a: {  	_ =	strace s4  }
0x9b: {  	s4 =	sld [smem:$0x3FFD];
	_ =	sdelay $0x3  }
0x9c: {  	_ =	strace s4  }
0x9d: {  	_ =	strace $0x8FFFFFFF  }
0x9e: {  	s18 =	sld [smem:$0x3FDB];
	_ =	sdelay $0x1  }
0x9f: {  	s19 =	simm.s32 $_scs_section_size  }
0xa0: {  	s6 =	simm.s32 $_size__tile_overlayer_lowered;
	s7 =	simm.s32 $_tile_overlayer_lowered  }
0xa1: {  	s22 =	simm.s32 $0x1BFF;
	s21 =	sshll.u32 s7, $0x1;
	s4 =	sadd.s32 s19, s18  }
0xa2: {  	s8 =	simm.s32 $0x0;
	s20 =	sshll.u32 s6, $0x1;
	s6 =	sadd.s32 s21, s4  }
0xa3: {  	[timem:s8], [sflag:s22] =	dma.local [hbm:s6], s20  }
0xa4: {  	_ =	swait.ge [sflag:s22], s20  }
0xa5: {  	s5 =	ssub.s32 $0x0, s20;
	[sflag:s22] =	ssyncset.done $0x0  }
0xa6: {  	[sflag:s22] =	ssyncadd.s32 s5;
	_ =	sdelay $0x1  }
0xa7: {  	s23 =	simm.s32 $0x1B8B  }
0xa8: {  	_ =	swait.ge [sflag:s23], $0x1  }
0xa9: {  	[sflag:s23] =	ssyncset.done $0x0  }
0xaa: {  	s25 =	simm.s32 $0x1B8E;
	s24 =	sld [smem:$0x3FFE];
	[sflag:s23] =	ssyncadd.s32 $0xFFFFFFFF  }
0xab: {  	s26 =	simm.s32 $execute0_lowered;
	[smem:$0x3FD2] =	sst s25  }
0xac: {  	s6 =	sshll.u32 s26, $0x1;
	_ =	strace $0x80000049;
	[dreg:$0x1] =	wrdreg $0xFFFFFFFF  }
0xad: {  	s28 =	simm.s32 $_size_execute0_lowered;
	s4 =	sadd.s32 s4, s6;
	[dreg:$0x0] =	wrdreg $0x0  }
0xae: {  	s6 =	sshll.u32 s28, $0x1;
	[dreg:$0x2] =	wrdreg s4  }
0xaf: {  	[dreg:$0x3] =	wrdreg s6  }
0xb0: {  	[dreg:$0x4] =	wrdreg $0xC0  }
0xb1: {  	_ =	task [dreg:s8], $0x5FFFF  }
0xb2: {  	[dreg:$0x1] =	wrdreg $0xFFFFFFFF  }
0xb3: {  	[dreg:$0x0] =	wrdreg $0x60  }
0xb4: {  	[dreg:$0x2] =	wrdreg s24  }
0xb5: {  	[dreg:$0x3] =	wrdreg s15  }
0xb6: {  	[dreg:$0x4] =	wrdreg s16  }
0xb7: {  	[dreg:$0x5] =	wrdreg $0x0  }
0xb8: {  	[dreg:$0x6] =	wrdreg $0x9  }
0xb9: {  	_ =	task.clear_ibuf [dreg:s8], $0x7FFFF;
	_ =	strace $0x90000049  }
0xba: {  	s29 =	simm.s32 $0x9;
	_ =	strace $0x8000004B  }
0xbb: {  	_ =	swait.ge [sflag:s29], $0x1  }
0xbc: {  	[sflag:s29] =	ssyncadd.s32 $0xFFFFFFFF  }
0xbd: {  	_ =	strace $0x9000004B  }
0xbe: {  	_ =	sfence  }
0xbf: {  	s30 =	sld [smem:$0x0];
	_ =	sdelay $0x2  }
0xc0: {  	s31 =	sshll.u32 s1, $0xD;
	s1 =	sshrl.u32 s1, $0x2  }
0xc1: {  	s3 =	sand.u32 $0x4000, s31;
	s1 =	sadd.s32 s1, s30  }
0xc2: {  	s0 =	sor.u32 s3, s0;
	s1 =	sshll.u32 s1, $0x11  }
0xc3: {  	s0 =	sor.u32 s1, s0  }
0xc4: {  	s0 =	sadd.s32 $0x8F2B, s0  }
0xc5: {  	[sflag:s0] =	ssyncadd.remote.s32 $0x1  }
0xc6: {  	_ =	sfence.sel $0xFFFF  }
0xc7: {  	[dreg:$0x0] =	wrdreg $0xFFFFFFFF;
	(pc) =	sbr.abs _section_cstart, $3  }
0xc8: {  	[dreg:$0x1] =	wrdreg $0xFFFFFFFF  }
0xc9: {  	_ =	task.clear_ibuf [dreg:s8], $0x2FFFF;
	_ =	strace $0x9FFFFFFF  }
0xca: {  	(tm) =	ssettm $0x7FFFFFFF  }
0xcb: {  	_ =	shalt  }
tec
execute0_lowered:
.L_overlay_start_1:
0x0: {  	(tag) =	ssettag $0x1  }
0x1: {  	s1 =	rddreg [dreg:$0x0];
	s0 =	simm.s32 $0x0;
	s2 =	srdreg.scid  }
0x2: {  	s28 =	stileid.u32;
	[smem:$0x7FF] =	sst s0;
	s3 =	sand.u32 $0x1, s2  }
0x3: {  	s4 =	sadd.s32 $0xEFA400, s1;
	s6 =	sshll.u32 s28, $0x1;
	s7 =	smul.u32 $0x13800, s28  }
0x4: {  	s8 =	sadd.s32 $0x13DC400, s1;
	p0 =	sne.s32 s28, $0xF;
	s2 =	ssub.s32 $0x2, s3  }
0x5: {  	s10 =	smul.u32 $0x138800, s3;
	s5 =	sshrl.u32 s2, $0x1;
	s9 =	sadd.s32 $0x5000, s7  }
0x6: {  	s11 =	sadd.s32 $0x7800, s7;
	s13 =	sadd.s32 $0xA000, s7;
	s14 =	sadd.s32 $0xC800, s7  }
0x7: {  	s16 =	sadd.s32 $0xF000, s7;
	s1 =	ssub.s32 s2, s5;
	s5 =	sor.u32 s3, s6  }
0x8: {  	s6 =	sadd.s32 $0x2800, s7;
	s12 =	sadd.s32 s7, s10;
	s7 =	sadd.s32 $0x11800, s7  }
0x9: {  	s17 =	sadd.s32 s10, s9;
	s18 =	sadd.s32 s10, s11;
	s21 =	sadd.s32 s10, s13  }
0xa: {  	s22 =	sadd.s32 s10, s14;
	s23 =	sadd.s32 s10, s16;
	s2 =	smul.u32 $0x2710, s5  }
0xb: {  	s12 =	sshrl.u32 s12, $0x3;
	s26 =	sadd.s32 s10, s6;
	s5 =	smul.u32 $0x27100, s5  }
0xc: {  	s17 =	sshrl.u32 s17, $0x3;
	s24 =	sshrl.u32 s22, $0x3;
	s22 =	smul.u32 $0x27100, s3  }
0xd: {  	s19 =	sshrl.u32 s18, $0x3;
	s3 =	smul.u32 $0x2710, s3;
	s1 =	smax.u32 s1, $0x1  }
0xe: {  	s12 =	sadd.s32 s8, s12;
	s20 =	sadd.s32 s8, s19;
	s19 =	sadd.s32 s10, s7  }
0xf: {  	s10 =	sshrl.u32 s10, $0x3;
	s25 =	sadd.s32 $0x26C0, s2;
	[dreg:$0x5] =	wrdreg s12  }
0x10: {  	s12 =	sshrl.u32 s26, $0x3;
	[dreg:$0x8] =	wrdreg s20;
	s5 =	sadd.s32 s4, s5  }
0x11: {  	s26 =	sshrl.u32 s23, $0x3;
	s12 =	sadd.s32 s8, s12;
	[dreg:$0xe] =	wrdreg s5  }
0x12: {  	s20 =	smul.u32 $0x4E200, s28;
	s18 =	sadd.s32 s8, s26;
	[dreg:$0x6] =	wrdreg s12  }
0x13: {  	s23 =	smul.u32 $0x4E000, s28;
	s12 =	sadd.s32 s8, s17;
	[dreg:$0xb] =	wrdreg s18  }
0x14: {  	s15 =	sshll.u32 s25, $0x4;
	s26 =	sadd.s32 $0x50, s2;
	[dreg:$0x7] =	wrdreg s12  }
0x15: {  	s12 =	sshrl.u32 s21, $0x3;
	s21 =	sadd.s32 s4, s15;
	s15 =	rddreg [dreg:$0x3]  }
0x16: {  	s17 =	sshrl.u32 s26, $0x3;
	s12 =	sadd.s32 s8, s12;
	[dreg:$0xd] =	wrdreg s21  }
0x17: {  	s30 =	sadd.s32 s6, s15;
	[dreg:$0x9] =	wrdreg s12;
	s12 =	sadd.s32 s8, s24  }
0x18: {  	s18 =	sadd.s32 s9, s15;
	[dreg:$0xa] =	wrdreg s12;
	s12 =	sshrl.u32 s19, $0x3  }
0x19: {  	s6 =	simm.s32 $0x16180;
	s24 =	sshll.u32 s26, $0x4;
	s12 =	sadd.s32 s8, s12  }
0x1a: {  	s19 =	smul.u32 $0x4E20, s28;
	s8 =	sadd.s32 s8, s10;
	[dreg:$0xc] =	wrdreg s12  }
0x1b: {  	s10 =	sadd.s32 s20, s4;
	s4 =	sadd.s32 s4, s24;
	s12 =	rddreg [dreg:$0x1]  }
0x1c: {  	s9 =	simm.s32 $0x50;
	s24 =	sadd.s32 s14, s15;
	[dreg:$0xf] =	wrdreg s4  }
0x1d: {  	s4 =	sadd.s32 s22, s10;
	s3 =	sadd.s32 s3, s19;
	s10 =	sshrl.u32 s23, $0x2  }
0x1e: {  	s22 =	sadd.s32 s11, s15;
	s23 =	sadd.s32 s13, s15;
	s13 =	sadd.s32 s16, s15  }
0x1f: {  	s19 =	sadd.s32 s7, s15;
	s11 =	sshrl.u32 s25, $0x3;
	s14 =	sadd.s32 $0x27000, s8  }
0x20: {  	s16 =	sshrl.u32 s2, $0x3;
	_ =	strace $0x8000004A;
	[dreg:$0x14] =	wrdreg s14  }
0x21: {  	s2 =	simm.s32 $0x13980;
	s7 =	simm.s32 $0x1;
	[dreg:$0x15] =	wrdreg s1  }
0x22: {  	s8 =	simm.s32 $0x3;
	s29 =	sadd.s32 s10, s15;
	[dreg:$0x10] =	wrdreg s13  }
0x23: {  	s5 =	sadd.s32 s12, s11;
	s20 =	sadd.s32 $0xF0, s3;
	[dreg:$0x11] =	wrdreg s19  }
0x24: {  	s1 =	sadd.s32 s12, s16;
	s21 =	sadd.s32 s12, s17;
	[dreg:$0x12] =	wrdreg s24  }
0x25: {  	s31 =	sadd.s32 $0xF00, s4;
	s26 =	sadd.s32 $0xA0, s3;
	[dreg:$0x13] =	wrdreg s5  }
0x26: {  	s3 =	simm.s32 $0x7;
	s4 =	simm.s32 $0x13880;
	[dreg:$0x16] =	wrdreg s1  }
0x27: {  	s10 =	simm.s32 $0x2;
	s11 =	simm.s32 $0x4;
	[dreg:$0x17] =	wrdreg s21  }
0x28: {  	s16 =	simm.s32 $0x5;
	s25 =	sshrl.u32 s20, $0x3;
	[dreg:$0x18] =	wrdreg s26  }
0x29: {  	s20 =	sadd.s32 $0x138000, s15;
	s5 =	simm.s32 $0x13900;
	s26 =	simm.s32 $0x0  }
0x2a: {  	s14 =	sadd.s32 s25, s12;
	s25 =	simm.s32 $0x6;
	[dreg:$0x19] =	wrdreg s20  }
.LBB2_1:
0x2b: {  	s17 =	rddreg [dreg:$0x2]  }
0x2c: {  	[tilespmem:s2], [sflag:$0x7] =	stream.linear.gather [hbm4b:s17+s0], $0x2800, $0x38;
	[tilespmem:$0x18980] =	vst v63  }
0x2d: {  	_ =	swait.ge [sflag:s3], $0x2800  }
0x2e: {  	[sflag:s3] =	ssyncset.done $0x0  }
0x2f: {  	[sflag:s3] =	ssyncadd.s32 $0xFFFFD800  }
0x30: {  	[spmem:s29] =	stream.linear.scatter [tilespmem:s2], [sflag:$0x7], $0x2800, $0x38;
	[tilespmem:$0x18980] =	vst v63  }
0x31: {  	_ =	swait.ge [sflag:s3], $0x2800  }
0x32: {  	[sflag:s3] =	ssyncset.done $0x0  }
0x33: {  	[sflag:s3] =	ssyncadd.s32 $0xFFFFD800  }
0x34: {  	[spmem:s30] =	stream.linear.scatter [tilespmem:s2], [sflag:$0x7], $0x2800, $0x38;
	[tilespmem:$0x18980] =	vst v63  }
0x35: {  	_ =	swait.ge [sflag:s3], $0x2800  }
0x36: {  	[sflag:s3] =	ssyncset.done $0x0  }
0x37: {  	[sflag:s3] =	ssyncadd.s32 $0xFFFFD800  }
0x38: {  	[spmem:s18] =	stream.linear.scatter [tilespmem:s2], [sflag:$0x7], $0x2800, $0x38;
	[tilespmem:$0x18980] =	vst v63  }
0x39: {  	_ =	swait.ge [sflag:s3], $0x2800  }
0x3a: {  	[sflag:s3] =	ssyncset.done $0x0  }
0x3b: {  	[sflag:s3] =	ssyncadd.s32 $0xFFFFD800  }
0x3c: {  	[spmem:s22] =	stream.linear.scatter [tilespmem:s2], [sflag:$0x7], $0x2800, $0x38;
	[tilespmem:$0x18980] =	vst v63  }
0x3d: {  	_ =	swait.ge [sflag:s3], $0x2800  }
0x3e: {  	[sflag:s3] =	ssyncset.done $0x0  }
0x3f: {  	[sflag:s3] =	ssyncadd.s32 $0xFFFFD800  }
0x40: {  	[spmem:s23] =	stream.linear.scatter [tilespmem:s2], [sflag:$0x7], $0x2800, $0x38;
	[tilespmem:$0x18980] =	vst v63  }
0x41: {  	_ =	swait.ge [sflag:s3], $0x2800  }
0x42: {  	[sflag:s3] =	ssyncset.done $0x0  }
0x43: {  	[sflag:s3] =	ssyncadd.s32 $0xFFFFD800  }
0x44: {  	[spmem:s24] =	stream.linear.scatter [tilespmem:s2], [sflag:$0x7], $0x2800, $0x38;
	[tilespmem:$0x18980] =	vst v63  }
0x45: {  	_ =	swait.ge [sflag:s3], $0x2800  }
0x46: {  	[sflag:s3] =	ssyncset.done $0x0  }
0x47: {  	[sflag:s3] =	ssyncadd.s32 $0xFFFFD800  }
0x48: {  	[spmem:s13] =	stream.linear.scatter [tilespmem:s2], [sflag:$0x7], $0x2800, $0x38;
	[tilespmem:$0x18980] =	vst v63  }
0x49: {  	_ =	swait.ge [sflag:s3], $0x2800  }
0x4a: {  	[sflag:s3] =	ssyncset.done $0x0  }
0x4b: {  	[sflag:s3] =	ssyncadd.s32 $0xFFFFD800  }
0x4c: {  	[spmem:s19] =	stream.linear.scatter [tilespmem:s2], [sflag:$0x7], $0x2000, $0x38;
	[tilespmem:$0x18980] =	vst v63  }
0x4d: {  	_ =	swait.ge [sflag:s3], $0x2000  }
0x4e: {  	s1 =	smov.u32 s29;
	[sflag:s3] =	ssyncset.done $0x0  }
0x4f: {  	s28 =	simm.s32 @!p0 $0x13980;
	s29 =	smov.u32 s20;
	[sflag:s3] =	ssyncadd.s32 $0xFFFFE000  }
0x50: {  	[spmem:s29] =	stream.linear.scatter @!p0 [tilespmem:s28], [sflag:$0x7], $0x800, $0x38;
	[tilespmem:$0x18980] =	vst v63  }
0x51: {  	s28 =	simm.s32 @!p0 $0x7  }
0x52: {  	_ =	swait.ge @!p0 [sflag:s28], $0x800  }
0x53: {  	[sflag:s28] =	ssyncset.done @!p0 $0x0  }
0x54: {  	[sflag:s28] =	ssyncadd.s32 @!p0 $0xFFFFF800  }
0x55: {  	[bflag:$0x0] =	sbarrier.arrive $0xFFFF  }
0x56: {  	s24 =	rddreg [dreg:$0x16]  }
0x57: {  	[tilespmem:s4], [sflag:$0x1] =	stream.linear.gather [hbm4b:s24+s0], $0x50, $0x38;
	[tilespmem:$0x18980] =	vst v63  }
0x58: {  	s13 =	rddreg [dreg:$0xe]  }
0x59: {  	[tilespmem:s2], [sflag:$0x3] =	stream.linear.gather [hbm4b:s13+s0], $0x2800, $0x38;
	[tilespmem:$0x18980] =	vst v63  }
0x5a: {  	s21 =	smov.u32 s18;
	s18 =	rddreg [dreg:$0x17]  }
0x5b: {  	[tilespmem:s5], [sflag:$0x2] =	stream.linear.gather [hbm4b:s18+s0], $0x50, $0x38;
	[tilespmem:$0x18980] =	vst v63  }
0x5c: {  	s19 =	rddreg [dreg:$0xf]  }
0x5d: {  	[tilespmem:s6], [sflag:$0x4] =	stream.linear.gather [hbm4b:s19+s0], $0x2800, $0x38;
	[tilespmem:$0x18980] =	vst v63  }
0x5e: {  	_ =	swait.ge [sflag:s7], $0x50  }
0x5f: {  	[sflag:s7] =	ssyncset.done $0x0  }
0x60: {  	[sflag:s7] =	ssyncadd.s32 $0xFFFFFFB0  }
0x61: {  	_ =	swait.ge [sflag:s8], $0x2800  }
0x62: {  	[sflag:s8] =	ssyncset.done $0x0  }
0x63: {  	[sflag:s8] =	ssyncadd.s32 $0xFFFFD800  }
0x64: {  	[spmem:s15] =	stream.indirect.scatter.add.f32 [tilespmem:s2], [sflag:$0x5], $0x80, s4, s9, $0xb8;
	[tilespmem:$0x18980] =	vst v63  }
0x65: {  	_ =	swait.ge [sflag:s10], $0x50  }
0x66: {  	[sflag:s10] =	ssyncset.done $0x0  }
0x67: {  	[sflag:s10] =	ssyncadd.s32 $0xFFFFFFB0  }
0x68: {  	_ =	swait.ge [sflag:s11], $0x2800  }
0x69: {  	[sflag:s11] =	ssyncset.done $0x0  }
0x6a: {  	[sflag:s11] =	ssyncadd.s32 $0xFFFFD800  }
0x6b: {  	[spmem:s15] =	stream.indirect.scatter.add.f32 [tilespmem:s6], [sflag:$0x6], $0x80, s5, s9, $0xb8;
	[tilespmem:$0x18980] =	vst v63  }
0x6c: {  	_ =	swait.ge [sflag:s16], $0x2800  }
0x6d: {  	[sflag:s16] =	ssyncset.done $0x0  }
0x6e: {  	[sflag:s16] =	ssyncadd.s32 $0xFFFFD800  }
0x6f: {  	_ =	swait.ge [sflag:s25], $0x2800  }
0x70: {  	s24 =	rddreg [dreg:$0x18]  }
0x71: {  	[sflag:s25] =	ssyncset.done $0x0;
	s28 =	sshrl.u32 s24, $0x3  }
0x72: {  	[sflag:s25] =	ssyncadd.s32 $0xFFFFD800;
	s28 =	sadd.s32 s12, s28  }
0x73: {  	[tilespmem:s4], [sflag:$0x1] =	stream.linear.gather [hbm4b:s28+s0], $0x50, $0x38;
	[tilespmem:$0x18980] =	vst v63  }
0x74: {  	s28 =	sadd.s32 $0xFFFFFB00, s31  }
0x75: {  	[tilespmem:s2], [sflag:$0x3] =	stream.linear.gather [hbm4b:s28+s0], $0x2800, $0x38;
	[tilespmem:$0x18980] =	vst v63  }
0x76: {  	s28 =	sadd.s32 $0x0, s14  }
0x77: {  	[tilespmem:s5], [sflag:$0x2] =	stream.linear.gather [hbm4b:s28+s0], $0x50, $0x38;
	[tilespmem:$0x18980] =	vst v63  }
0x78: {  	_ = 	snop  }
0x79: {  	[tilespmem:s6], [sflag:$0x4] =	stream.linear.gather [hbm4b:s31+s0], $0x2800, $0x38;
	[tilespmem:$0x18980] =	vst v63  }
0x7a: {  	_ =	swait.ge [sflag:s7], $0x50  }
0x7b: {  	[sflag:s7] =	ssyncset.done $0x0  }
0x7c: {  	[sflag:s7] =	ssyncadd.s32 $0xFFFFFFB0  }
0x7d: {  	_ =	swait.ge [sflag:s8], $0x2800  }
0x7e: {  	[sflag:s8] =	ssyncset.done $0x0  }
0x7f: {  	[sflag:s8] =	ssyncadd.s32 $0xFFFFD800  }
0x80: {  	[spmem:s15] =	stream.indirect.scatter.add.f32 [tilespmem:s2], [sflag:$0x5], $0x80, s4, s9, $0xb8;
	[tilespmem:$0x18980] =	vst v63  }
0x81: {  	_ =	swait.ge [sflag:s10], $0x50  }
0x82: {  	[sflag:s10] =	ssyncset.done $0x0  }
0x83: {  	[sflag:s10] =	ssyncadd.s32 $0xFFFFFFB0  }
0x84: {  	_ =	swait.ge [sflag:s11], $0x2800  }
0x85: {  	s20 =	smov.u32 s30;
	s29 =	sadd.s32 $0xA00, s31;
	[sflag:s11] =	ssyncset.done $0x0  }
0x86: {  	s30 =	sadd.s32 $0xA0, s24;
	s28 =	simm.s32 $0x14;
	[sflag:s11] =	ssyncadd.s32 $0xFFFFD800  }
.LBB2_2:
0x87: {  	[spmem:s15] =	stream.indirect.scatter.add.f32 [tilespmem:s6], [sflag:$0x6], $0x80, s5, s9, $0xb8;
	[tilespmem:$0x18980] =	vst v63  }
0x88: {  	s17 =	smov.u32 s28  }
0x89: {  	p1 =	sne.s32 s28, $0x4B0;
	s28 =	sadd.s32 $0x14, s28;
	_ =	swait.ge [sflag:s16], $0x2800  }
0x8a: {  	[sflag:s16] =	ssyncset.done $0x0  }
0x8b: {  	[sflag:s16] =	ssyncadd.s32 $0xFFFFD800  }
0x8c: {  	_ =	swait.ge [sflag:s25], $0x2800  }
0x8d: {  	s18 =	sshrl.u32 s30, $0x3;
	[sflag:s25] =	ssyncset.done $0x0  }
0x8e: {  	s18 =	sadd.s32 s12, s18;
	[sflag:s25] =	ssyncadd.s32 $0xFFFFD800  }
0x8f: {  	[tilespmem:s4], [sflag:$0x1] =	stream.linear.gather [hbm4b:s18+s0], $0x50, $0x38;
	[tilespmem:$0x18980] =	vst v63  }
0x90: {  	s18 =	sadd.s32 $0xFFFFFB00, s29  }
0x91: {  	[tilespmem:s2], [sflag:$0x3] =	stream.linear.gather [hbm4b:s18+s0], $0x2800, $0x38;
	[tilespmem:$0x18980] =	vst v63  }
0x92: {  	s17 =	sadd.s32 s17, s14  }
0x93: {  	[tilespmem:s5], [sflag:$0x2] =	stream.linear.gather [hbm4b:s17+s0], $0x50, $0x38;
	[tilespmem:$0x18980] =	vst v63  }
0x94: {  	_ = 	snop  }
0x95: {  	[tilespmem:s6], [sflag:$0x4] =	stream.linear.gather [hbm4b:s29+s0], $0x2800, $0x38;
	[tilespmem:$0x18980] =	vst v63  }
0x96: {  	_ =	swait.ge [sflag:s7], $0x50  }
0x97: {  	[sflag:s7] =	ssyncset.done $0x0  }
0x98: {  	[sflag:s7] =	ssyncadd.s32 $0xFFFFFFB0  }
0x99: {  	_ =	swait.ge [sflag:s8], $0x2800  }
0x9a: {  	[sflag:s8] =	ssyncset.done $0x0  }
0x9b: {  	[sflag:s8] =	ssyncadd.s32 $0xFFFFD800  }
0x9c: {  	[spmem:s15] =	stream.indirect.scatter.add.f32 [tilespmem:s2], [sflag:$0x5], $0x80, s4, s9, $0xb8;
	[tilespmem:$0x18980] =	vst v63  }
0x9d: {  	_ =	swait.ge [sflag:s10], $0x50  }
.Ltmp0:
0x9e: {  	[sflag:s10] =	ssyncset.done $0x0;
	(pc) =	sbr.rel @p1 .LBB2_2-.Ltmp0, $4  }
0x9f: {  	[sflag:s10] =	ssyncadd.s32 $0xFFFFFFB0  }
0xa0: {  	_ =	swait.ge [sflag:s11], $0x2800  }
0xa1: {  	[sflag:s11] =	ssyncset.done $0x0  }
0xa2: {  	s30 =	sadd.s32 $0xA0, s30;
	s29 =	sadd.s32 $0xA00, s29;
	[sflag:s11] =	ssyncadd.s32 $0xFFFFD800  }
0xa3: {  	[spmem:s15] =	stream.indirect.scatter.add.f32 [tilespmem:s6], [sflag:$0x6], $0x80, s5, s9, $0xb8;
	[tilespmem:$0x18980] =	vst v63  }
0xa4: {  	_ =	swait.ge [sflag:s16], $0x2800  }
0xa5: {  	[sflag:s16] =	ssyncset.done $0x0  }
0xa6: {  	[sflag:s16] =	ssyncadd.s32 $0xFFFFD800  }
0xa7: {  	_ =	swait.ge [sflag:s25], $0x2800  }
0xa8: {  	[sflag:s25] =	ssyncset.done $0x0  }
0xa9: {  	s13 =	rddreg [dreg:$0x13];
	[sflag:s25] =	ssyncadd.s32 $0xFFFFD800  }
0xaa: {  	[tilespmem:s4], [sflag:$0x7] =	stream.linear.gather [hbm4b:s13+s0], $0x50, $0x38;
	[tilespmem:$0x18980] =	vst v63  }
0xab: {  	_ =	swait.ge [sflag:s3], $0x50  }
0xac: {  	[sflag:s3] =	ssyncset.done $0x0  }
0xad: {  	s17 =	rddreg [dreg:$0xd];
	[sflag:s3] =	ssyncadd.s32 $0xFFFFFFB0  }
0xae: {  	[tilespmem:s2], [sflag:$0x7] =	stream.linear.gather [hbm4b:s17+s0], $0x2800, $0x38;
	[tilespmem:$0x18980] =	vst v63  }
0xaf: {  	_ =	swait.ge [sflag:s3], $0x2800  }
0xb0: {  	[sflag:s3] =	ssyncset.done $0x0  }
0xb1: {  	[sflag:s3] =	ssyncadd.s32 $0xFFFFD800  }
0xb2: {  	[spmem:s15] =	stream.indirect.scatter.add.f32 [tilespmem:s2], [sflag:$0x7], $0x80, s4, s9, $0xb8;
	[tilespmem:$0x18980] =	vst v63  }
0xb3: {  	_ =	swait.ge [sflag:s3], $0x2800  }
0xb4: {  	[sflag:s3] =	ssyncset.done $0x0  }
0xb5: {  	[sflag:s3] =	ssyncadd.s32 $0xFFFFD800  }
0xb6: {  	[bflag:$0x0] =	sbarrier.arrive $0xFFFF  }
0xb7: {  	[tilespmem:s2], [sflag:$0x7] =	stream.linear.gather [spmem:s1], $0x2800, $0x38;
	[tilespmem:$0x18980] =	vst v63  }
0xb8: {  	_ =	swait.ge [sflag:s3], $0x2800  }
0xb9: {  	[sflag:s3] =	ssyncset.done $0x0  }
0xba: {  	s19 =	rddreg [dreg:$0x5];
	[sflag:s3] =	ssyncadd.s32 $0xFFFFD800  }
0xbb: {  	[hbm4b:s19+s0] =	stream.linear.scatter [tilespmem:s2], [sflag:$0x7], $0x2800, $0x38;
	[tilespmem:$0x18980] =	vst v63  }
0xbc: {  	_ =	swait.ge [sflag:s3], $0x2800  }
0xbd: {  	[sflag:s3] =	ssyncset.done $0x0  }
0xbe: {  	[sflag:s3] =	ssyncadd.s32 $0xFFFFD800  }
0xbf: {  	[tilespmem:s2], [sflag:$0x7] =	stream.linear.gather [spmem:s20], $0x2800, $0x38;
	[tilespmem:$0x18980] =	vst v63  }
0xc0: {  	_ =	swait.ge [sflag:s3], $0x2800  }
0xc1: {  	[sflag:s3] =	ssyncset.done $0x0  }
0xc2: {  	s24 =	rddreg [dreg:$0x6];
	[sflag:s3] =	ssyncadd.s32 $0xFFFFD800  }
0xc3: {  	[hbm4b:s24+s0] =	stream.linear.scatter [tilespmem:s2], [sflag:$0x7], $0x2800, $0x38;
	[tilespmem:$0x18980] =	vst v63  }
0xc4: {  	_ =	swait.ge [sflag:s3], $0x2800  }
0xc5: {  	[sflag:s3] =	ssyncset.done $0x0  }
0xc6: {  	[sflag:s3] =	ssyncadd.s32 $0xFFFFD800  }
0xc7: {  	[tilespmem:s2], [sflag:$0x7] =	stream.linear.gather [spmem:s21], $0x2800, $0x38;
	[tilespmem:$0x18980] =	vst v63  }
0xc8: {  	_ =	swait.ge [sflag:s3], $0x2800  }
0xc9: {  	[sflag:s3] =	ssyncset.done $0x0  }
0xca: {  	s28 =	rddreg [dreg:$0x7];
	[sflag:s3] =	ssyncadd.s32 $0xFFFFD800  }
0xcb: {  	[hbm4b:s28+s0] =	stream.linear.scatter [tilespmem:s2], [sflag:$0x7], $0x2800, $0x38;
	[tilespmem:$0x18980] =	vst v63  }
0xcc: {  	_ =	swait.ge [sflag:s3], $0x2800  }
0xcd: {  	[sflag:s3] =	ssyncset.done $0x0  }
0xce: {  	[sflag:s3] =	ssyncadd.s32 $0xFFFFD800  }
0xcf: {  	[tilespmem:s2], [sflag:$0x7] =	stream.linear.gather [spmem:s22], $0x2800, $0x38;
	[tilespmem:$0x18980] =	vst v63  }
0xd0: {  	_ =	swait.ge [sflag:s3], $0x2800  }
0xd1: {  	[sflag:s3] =	ssyncset.done $0x0  }
0xd2: {  	s29 =	smov.u32 s1;
	s1 =	rddreg [dreg:$0x8];
	[sflag:s3] =	ssyncadd.s32 $0xFFFFD800  }
0xd3: {  	[hbm4b:s1+s0] =	stream.linear.scatter [tilespmem:s2], [sflag:$0x7], $0x2800, $0x38;
	[tilespmem:$0x18980] =	vst v63  }
0xd4: {  	_ =	swait.ge [sflag:s3], $0x2800  }
0xd5: {  	[sflag:s3] =	ssyncset.done $0x0  }
0xd6: {  	[sflag:s3] =	ssyncadd.s32 $0xFFFFD800  }
0xd7: {  	[tilespmem:s2], [sflag:$0x7] =	stream.linear.gather [spmem:s23], $0x2800, $0x38;
	[tilespmem:$0x18980] =	vst v63  }
0xd8: {  	_ =	swait.ge [sflag:s3], $0x2800  }
0xd9: {  	[sflag:s3] =	ssyncset.done $0x0  }
0xda: {  	s13 =	rddreg [dreg:$0x9];
	[sflag:s3] =	ssyncadd.s32 $0xFFFFD800  }
0xdb: {  	[hbm4b:s13+s0] =	stream.linear.scatter [tilespmem:s2], [sflag:$0x7], $0x2800, $0x38;
	[tilespmem:$0x18980] =	vst v63  }
0xdc: {  	_ =	swait.ge [sflag:s3], $0x2800  }
0xdd: {  	[sflag:s3] =	ssyncset.done $0x0  }
0xde: {  	s24 =	rddreg [dreg:$0x12];
	[sflag:s3] =	ssyncadd.s32 $0xFFFFD800  }
0xdf: {  	[tilespmem:s2], [sflag:$0x7] =	stream.linear.gather [spmem:s24], $0x2800, $0x38;
	[tilespmem:$0x18980] =	vst v63  }
0xe0: {  	_ =	swait.ge [sflag:s3], $0x2800  }
0xe1: {  	[sflag:s3] =	ssyncset.done $0x0  }
0xe2: {  	s18 =	rddreg [dreg:$0xa];
	[sflag:s3] =	ssyncadd.s32 $0xFFFFD800  }
0xe3: {  	[hbm4b:s18+s0] =	stream.linear.scatter [tilespmem:s2], [sflag:$0x7], $0x2800, $0x38;
	[tilespmem:$0x18980] =	vst v63  }
0xe4: {  	_ =	swait.ge [sflag:s3], $0x2800  }
0xe5: {  	[sflag:s3] =	ssyncset.done $0x0  }
0xe6: {  	s13 =	rddreg [dreg:$0x10];
	[sflag:s3] =	ssyncadd.s32 $0xFFFFD800  }
0xe7: {  	[tilespmem:s2], [sflag:$0x7] =	stream.linear.gather [spmem:s13], $0x2800, $0x38;
	[tilespmem:$0x18980] =	vst v63  }
0xe8: {  	_ =	swait.ge [sflag:s3], $0x2800  }
0xe9: {  	[sflag:s3] =	ssyncset.done $0x0  }
0xea: {  	s19 =	rddreg [dreg:$0xb];
	[sflag:s3] =	ssyncadd.s32 $0xFFFFD800  }
0xeb: {  	[hbm4b:s19+s0] =	stream.linear.scatter [tilespmem:s2], [sflag:$0x7], $0x2800, $0x38;
	[tilespmem:$0x18980] =	vst v63  }
0xec: {  	_ =	swait.ge [sflag:s3], $0x2800  }
0xed: {  	[sflag:s3] =	ssyncset.done $0x0  }
0xee: {  	s19 =	rddreg [dreg:$0x11];
	[sflag:s3] =	ssyncadd.s32 $0xFFFFD800  }
0xef: {  	[tilespmem:s2], [sflag:$0x7] =	stream.linear.gather [spmem:s19], $0x2000, $0x38;
	[tilespmem:$0x18980] =	vst v63  }
0xf0: {  	_ =	swait.ge [sflag:s3], $0x2000  }
0xf1: {  	[sflag:s3] =	ssyncset.done $0x0  }
0xf2: {  	s30 =	smov.u32 s20;
	s20 =	rddreg [dreg:$0xc];
	[sflag:s3] =	ssyncadd.s32 $0xFFFFE000  }
0xf3: {  	[hbm4b:s20+s0] =	stream.linear.scatter [tilespmem:s2], [sflag:$0x7], $0x2000, $0x38;
	[tilespmem:$0x18980] =	vst v63  }
0xf4: {  	_ =	swait.ge [sflag:s3], $0x2000  }
0xf5: {  	s17 =	simm.s32 @!p0 $0x13980;
	[sflag:s3] =	ssyncset.done $0x0  }
0xf6: {  	s18 =	simm.s32 @!p0 $0x7;
	s20 =	rddreg [dreg:$0x19];
	[sflag:s3] =	ssyncadd.s32 $0xFFFFE000  }
0xf7: {  	[tilespmem:s17], [sflag:$0x7] =	stream.linear.gather @!p0 [spmem:s20], $0x800, $0x38;
	[tilespmem:$0x18980] =	vst v63  }
0xf8: {  	_ =	swait.ge @!p0 [sflag:s18], $0x800  }
0xf9: {  	[sflag:s18] =	ssyncset.done @!p0 $0x0  }
0xfa: {  	s28 =	simm.s32 @!p0 $0x0;
	s1 =	rddreg [dreg:$0x14];
	[sflag:s18] =	ssyncadd.s32 @!p0 $0xFFFFF800  }
0xfb: {  	[hbm4b:s1+s28] =	stream.linear.scatter @!p0 [tilespmem:s17], [sflag:$0x7], $0x800, $0x38;
	[tilespmem:$0x18980] =	vst v63  }
0xfc: {  	_ =	swait.ge @!p0 [sflag:s18], $0x800  }
0xfd: {  	s26 =	sadd.s32 $0x1, s26;
	s28 =	rddreg [dreg:$0x15]  }
0xfe: {  	p1 =	sne.s32 s26, s28  }
.Ltmp1:
0xff: {  	_ = 	snop;
	(pc) =	sbr.rel @p1 .LBB2_1-.Ltmp1, $3  }
0x100: {  	_ =	sdelay $0x1  }
0x101: {  	[sflag:s18] =	ssyncset.done @!p0 $0x0  }
0x102: {  	[sflag:s18] =	ssyncadd.s32 @!p0 $0xFFFFF800;
	s18 =	smov.u32 s21  }
0x103: {  	_ =	sfence.sel $0x180000  }
0x104: {  	[bflag:$0x0] =	sbarrier.arrive $0xFFFF  }
0x105: {  	_ =	strace $0x9000004A  }
0x106: {  	s0 =	stileid.u32;
	[bflag:$0x2] =	sbarrier.arrive $0xFFFF  }
0x107: {  	p0 =	sne.s32 s0, $0x0;
	s0 =	rddreg [dreg:$0x4]  }
0x108: {  	s0 =	sadd.s32 @!p0 $0x100000, s0  }
0x109: {  	[sflag:s0] =	ssyncadd.tile.s32 @!p0 $0x1;
	_ =	shalt  }
.Lfunc_end2:
_tile_overlayer_lowered:
.L_overlay_start_2:
0x10a: {  	(tag) =	ssettag $0x2  }
0x10b: {  	s0 =	rddreg [dreg:$0x0];
	s2 =	stileid.u32  }
0x10c: {  	s1 =	rddreg [dreg:$0x1];
	p0 =	sne.s32 s2, $0x0  }
0x10d: {  	s3 =	rddreg [dreg:$0x2];
	[bflag:$0x3] =	sbarrier.arrive $0xFFFF;
	s2 =	simm.s32 @!p0 $0x1C07  }
0x10e: {  	[timem:s3], [sflag:s2] =	dma.local @!p0 [hbm:s0], s1  }
0x10f: {  	s0 =	simm.s32 @!p0 $0x7  }
0x110: {  	_ =	swait.ge @!p0 [sflag:s0], s1  }
0x111: {  	s1 =	ssub.s32 @!p0 $0x0, s1;
	[sflag:s0] =	ssyncset.done @!p0 $0x0  }
0x112: {  	[sflag:s0] =	ssyncadd.s32 @!p0 s1  }
0x113: {  	[bflag:$0x3] =	sbarrier.arrive $0xFFFF  }
0x114: {  	_ =	shalt  }

// kernel: kernel.14.cloned.1.call-start
scs
__scs_entry_jumppad:
0x0: {  	(pc) =	sbr.rel $0x88, $3  }
0x1: {  	(tag) =	ssettag $0x0;
	lr =	simm.s32 $0x1  }
0x2: {  	[smem:$0x3F8F] =	sst lr;
	_ =	strace $0xD0000000  }
0x3: {  	_ = 	snop  }
0x4: {  	_ = 	snop  }
0x5: {  	_ = 	snop  }
0x6: {  	_ = 	snop  }
0x7: {  	_ = 	snop  }
__scs_overlays_trampoline_lowered:
0x8: {  	[smem:$0x3F9E] =	sst s0  }
0x9: {  	[smem:$0x3F9F] =	sst s1  }
0xa: {  	[smem:$0x3FA0] =	sst s2  }
0xb: {  	[smem:$0x3FA1] =	sst s3  }
0xc: {  	[smem:$0x3FA2] =	sst s4  }
0xd: {  	[smem:$0x3FA3] =	sst s5  }
0xe: {  	[smem:$0x3FA4] =	sst s6  }
0xf: {  	[smem:$0x3FA5] =	sst s7  }
0x10: {  	[smem:$0x3FA6] =	sst s8  }
0x11: {  	[smem:$0x3FA7] =	sst s9;
	s0 =	simm.s32 @!p0 $0x0  }
0x12: {  	s1 =	sld [smem:$0x3F8D];
	s0 =	simm.s32 @p0 $0x1  }
0x13: {  	[smem:$0x3FA8] =	sst s0;
	s0 =	simm.s32 @!p1 $0x0  }
0x14: {  	s2 =	sld [smem:$0x3F8C];
	s0 =	simm.s32 @p1 $0x1  }
0x15: {  	[smem:$0x3FA9] =	sst s0;
	s0 =	simm.s32 @!p2 $0x0  }
0x16: {  	s3 =	sld [smem:$0x3FDB];
	s0 =	simm.s32 @p2 $0x1  }
0x17: {  	s4 =	simm.s32 $0x1BF5;
	[smem:$0x3FAB] =	sst s0  }
0x18: {  	s0 =	sld [smem:$0x3F8E];
	_ =	swait.ge [sflag:s4], $0x0  }
0x19: {  	s7 =	sld [smem:$0x3F8F]  }
0x1a: {  	s8 =	sadd.s32 $0xFFFFE003, lr  }
0x1b: {  	s9 =	sadd.s32 $0xFFFFFEF7, lr;
	s5 =	simm.s32 $0xFFFFFFFF;
	p2 =	slt.u32 s8, $0xFFFFF086  }
0x1c: {  	p1 =	slt.u32 s9, $0xF7A;
	s5 =	simm.s32 @!p2 $0x0  }
0x1d: {  	s5 =	simm.s32 @p1 $0x1;
	p0 =	seq.s32 s7, s2  }
0x1e: {  	s7 =	smul.u32 @!p0 $0xF7A, s2;
	p2 =	seq.s32 @!p0 s5, $0x0  }
0x1f: {  	s9 =	smul.u32 $0xF7A, s1;
	s8 =	simm.s32 @!p0 $0x1BF5;
	p2 =	por !p2, p0  }
0x20: {  	[sflag:s8] =	ssyncset.s32 @!p0 $0xFFFFF086;
	s6 =	sadd.s32 @!p0 s3, s7;
	s7 =	simm.s32 @!p0 $0x108  }
0x21: {  	s3 =	sadd.s32 s3, s9;
	s6 =	sadd.s32 @!p0 $0x88, s6;
	s7 =	simm.s32 @p2 $0x1082  }
0x22: {  	[simem:s7], [sflag:s8] =	dma.local @!p0 [hbm:s6], $0xF7A  }
0x23: {  	s9 =	sor.u32 $0xD0000000, s2;
	s6 =	simm.s32 $0x108;
	_ =	swait.ge @!p0 [sflag:s8], $0x0  }
0x24: {  	s3 =	sadd.s32 $0x88, s3;
	s6 =	simm.s32 @!p1 $0x1082;
	[sflag:s4] =	ssyncset.s32 $0xFFFFF086  }
0x25: {  	[simem:s6], [sflag:s4] =	dma.local [hbm:s3], $0xF7A  }
0x26: {  	[smem:$0x3F8F] =	sst s1;
	(tag) =	ssettag s2;
	_ =	strace s9  }
0x27: {  	s1 =	sld [smem:$0x3F9F]  }
0x28: {  	s2 =	sld [smem:$0x3FA0]  }
0x29: {  	s4 =	sld [smem:$0x3FA2]  }
0x2a: {  	p0 =	seq.s32 s5, $0x0;
	s5 =	sld [smem:$0x3FA3]  }
0x2b: {  	s6 =	sld [smem:$0x3FA4]  }
0x2c: {  	s7 =	sld [smem:$0x3FA5]  }
0x2d: {  	s3 =	simm.s32 $0x108;
	s8 =	sld [smem:$0x3FA6]  }
0x2e: {  	s3 =	simm.s32 @!p0 $0x1082;
	s9 =	sld [smem:$0x3FA7]  }
0x2f: {  	lr =	sadd.s32 s0, s3;
	s0 =	sld [smem:$0x3F9E]  }
0x30: {  	s3 =	sld [smem:$0x3FA1]  }
0x31: {  	[smem:$0x3FAA] =	sst s10  }
0x32: {  	s10 =	sld [smem:$0x3FA8];
	_ =	sdelay $0x3  }
0x33: {  	p0 =	seq.s32 s10, $0x1;
	s10 =	sld [smem:$0x3FAA];
	_ =	sdelay $0x3  }
0x34: {  	[smem:$0x3FAA] =	sst s10  }
0x35: {  	s10 =	sld [smem:$0x3FA9];
	_ =	sdelay $0x3  }
0x36: {  	p1 =	seq.s32 s10, $0x1;
	s10 =	sld [smem:$0x3FAA];
	_ =	sdelay $0x3  }
0x37: {  	[smem:$0x3FAA] =	sst s10  }
0x38: {  	s10 =	sld [smem:$0x3FAB]  }
0x39: {  	_ = 	snop;
	(pc) =	sbr.ind lr, $3  }
0x3a: {  	_ = 	snop  }
0x3b: {  	_ = 	snop  }
0x3c: {  	p2 =	seq.s32 s10, $0x1;
	s10 =	sld [smem:$0x3FAA]  }
0x3d: {  	_ =	shalt  }
0x3e: {  	_ =	shalt  }
0x3f: {  	_ =	shalt  }
0x40: {  	_ =	shalt  }
0x41: {  	_ =	shalt  }
0x42: {  	_ =	shalt  }
0x43: {  	_ =	shalt  }
0x44: {  	_ =	shalt  }
0x45: {  	_ =	shalt  }
0x46: {  	_ =	shalt  }
0x47: {  	_ =	shalt  }
0x48: {  	_ =	shalt  }
0x49: {  	_ =	shalt  }
0x4a: {  	_ =	shalt  }
0x4b: {  	_ =	shalt  }
0x4c: {  	_ =	shalt  }
0x4d: {  	_ =	shalt  }
0x4e: {  	_ =	shalt  }
0x4f: {  	_ =	shalt  }
0x50: {  	_ =	shalt  }
0x51: {  	_ =	shalt  }
0x52: {  	_ =	shalt  }
0x53: {  	_ =	shalt  }
0x54: {  	_ =	shalt  }
0x55: {  	_ =	shalt  }
0x56: {  	_ =	shalt  }
0x57: {  	_ =	shalt  }
0x58: {  	_ =	shalt  }
0x59: {  	_ =	shalt  }
0x5a: {  	_ =	shalt  }
0x5b: {  	_ =	shalt  }
0x5c: {  	_ =	shalt  }
0x5d: {  	_ =	shalt  }
0x5e: {  	_ =	shalt  }
0x5f: {  	_ =	shalt  }
0x60: {  	_ =	shalt  }
0x61: {  	_ =	shalt  }
0x62: {  	_ =	shalt  }
0x63: {  	_ =	shalt  }
0x64: {  	_ =	shalt  }
0x65: {  	_ =	shalt  }
0x66: {  	_ =	shalt  }
0x67: {  	_ =	shalt  }
0x68: {  	_ =	shalt  }
0x69: {  	_ =	shalt  }
0x6a: {  	_ =	shalt  }
0x6b: {  	_ =	shalt  }
0x6c: {  	_ =	shalt  }
0x6d: {  	_ =	shalt  }
0x6e: {  	_ =	shalt  }
0x6f: {  	_ =	shalt  }
0x70: {  	_ =	shalt  }
0x71: {  	_ =	shalt  }
0x72: {  	_ =	shalt  }
0x73: {  	_ =	shalt  }
0x74: {  	_ =	shalt  }
0x75: {  	_ =	shalt  }
0x76: {  	_ =	shalt  }
0x77: {  	_ =	shalt  }
0x78: {  	_ =	shalt  }
0x79: {  	_ =	shalt  }
0x7a: {  	_ =	shalt  }
0x7b: {  	_ =	shalt  }
0x7c: {  	_ =	shalt  }
0x7d: {  	_ =	shalt  }
0x7e: {  	_ =	shalt  }
0x7f: {  	_ =	shalt  }
0x80: {  	_ =	shalt  }
0x81: {  	_ =	shalt  }
0x82: {  	_ =	shalt  }
0x83: {  	_ =	shalt  }
0x84: {  	_ =	shalt  }
0x85: {  	_ =	shalt  }
0x86: {  	_ =	shalt  }
0x87: {  	_ =	shalt  }
.Lfunc_end0:
.L_simem_size_0:
called_computation.2_lowered:
.L_overlay_start_0:
0x88: {  	s2 =	sld [smem:$0x3FD9]  }
0x89: {  	s3 =	sld [smem:$0x3FFE];
	_ =	sdelay $0x1  }
0x8a: {  	s1 =	srdreg.scid  }
0x8b: {  	s0 =	sand.u32 $0x1, s1  }
0x8c: {  	s15 =	sshll.u32 s0, $0xA;
	s2 =	sadd.s32 s3, s2  }
0x8d: {  	s2 =	sadd.s32 s2, s15  }
0x8e: {  	[smem:$0x3FB6] =	sst s2  }
0x8f: {  	_ = 	snop  }
0x90: {  	s16 =	sld [smem:$0x3FD0];
	_ =	sdelay $0x2  }
0x91: {  	s4 =	simm.s32 $0xB;
	s5 =	simm.s32 $0x10;
	s2 =	sld [smem:$0x3FC6]  }
0x92: {  	[smem:s5], [sflag:s4] =	dma.local [hbm:s16], $0x1  }
0x93: {  	_ =	swait.eq [sflag:s4], $0x1  }
0x94: {  	[sflag:s4] =	ssyncset.done $0x0  }
0x95: {  	[sflag:s4] =	ssyncadd.s32 $0xFFFFFFFF  }
0x96: {  	s17 =	sld [smem:$0x11];
	(tm) =	ssettm $0x1  }
0x97: {  	s18 =	sld [smem:$0x3FFB];
	_ =	sdelay $0x3  }
0x98: {  	_ =	strace s18  }
0x99: {  	s3 =	sld [smem:$0x3FFC];
	_ =	sdelay $0x3  }
0x9a: {  	_ =	strace s3  }
0x9b: {  	s3 =	sld [smem:$0x3FFD];
	_ =	sdelay $0x3  }
0x9c: {  	_ =	strace s3  }
0x9d: {  	_ =	strace $0x8FFFFFFF  }
0x9e: {  	s19 =	sld [smem:$0x3FDB];
	_ =	sdelay $0x1  }
0x9f: {  	s20 =	simm.s32 $_scs_section_size  }
0xa0: {  	s6 =	simm.s32 $_size__tile_overlayer_lowered;
	s7 =	simm.s32 $_tile_overlayer_lowered  }
0xa1: {  	s8 =	simm.s32 $0x1BFF;
	s21 =	sshll.u32 s7, $0x1;
	s5 =	sadd.s32 s20, s19  }
0xa2: {  	s22 =	simm.s32 $0x0;
	s6 =	sshll.u32 s6, $0x1;
	s7 =	sadd.s32 s21, s5  }
0xa3: {  	[timem:s22], [sflag:s8] =	dma.local [hbm:s7], s6  }
0xa4: {  	_ =	swait.ge [sflag:s8], s6  }
0xa5: {  	s6 =	ssub.s32 $0x0, s6;
	[sflag:s8] =	ssyncset.done $0x0  }
0xa6: {  	[sflag:s8] =	ssyncadd.s32 s6;
	_ =	sdelay $0x1  }
0xa7: {  	s23 =	simm.s32 $0x1B8B  }
0xa8: {  	_ =	swait.ge [sflag:s23], $0x1  }
0xa9: {  	[sflag:s23] =	ssyncset.done $0x0  }
0xaa: {  	[sflag:s23] =	ssyncadd.s32 $0xFFFFFFFF  }
0xab: {  	s6 =	sld [smem:$0x0]  }
0xac: {  	s7 =	sand.u32 $0xFFFFFFFE, s1  }
0xad: {  	p0 =	sne.s32 s1, s7  }
0xae: {  	s7 =	sshll.u32 @p0 s7, $0xE  }
0xaf: {  	s7 =	sadd.s32 @p0 $0x11B8D, s7;
	s8 =	sshll.u32 @p0 s6, $0x11  }
0xb0: {  	s7 =	sor.u32 @p0 s8, s7  }
0xb1: {  	[sflag:s7] =	ssyncadd.remote.s32 @p0 $0x1;
	_ =	sdelay $0x1  }
0xb2: {  	s7 =	simm.s32 @p0 $0x1B8D  }
0xb3: {  	_ =	swait.eq @p0 [sflag:s7], $0x1  }
0xb4: {  	[sflag:s7] =	ssyncadd.s32 @p0 $0xFFFFFFFF  }
0xb5: {  	s8 =	sshll.u32 @!p0 s1, $0xE  }
0xb6: {  	s8 =	sor.u32 @!p0 $0x4000, s8;
	s7 =	simm.s32 @!p0 $0x1B8D  }
0xb7: {  	s6 =	sshll.u32 @!p0 s6, $0x11;
	s8 =	sadd.s32 @!p0 $0x11B8D, s8;
	_ =	swait.eq @!p0 [sflag:s7], $0x1  }
0xb8: {  	s6 =	sor.u32 @!p0 s6, s8;
	[sflag:s7] =	ssyncadd.s32 @!p0 $0xFFFFFFFF  }
0xb9: {  	s25 =	simm.s32 $0x1B8E;
	s24 =	sld [smem:$0x3FFE];
	[sflag:s6] =	ssyncadd.remote.s32 @!p0 $0x1  }
0xba: {  	s26 =	simm.s32 $execute0_lowered;
	[smem:$0x3FD2] =	sst s25  }
0xbb: {  	s7 =	sshll.u32 s26, $0x1;
	_ =	strace $0x8000004C;
	[dreg:$0x1] =	wrdreg $0xFFFFFFFF  }
0xbc: {  	s28 =	simm.s32 $_size_execute0_lowered;
	s5 =	sadd.s32 s5, s7;
	[dreg:$0x0] =	wrdreg $0x0  }
0xbd: {  	s7 =	sshll.u32 s28, $0x1;
	[dreg:$0x2] =	wrdreg s5  }
0xbe: {  	[dreg:$0x3] =	wrdreg s7  }
0xbf: {  	[dreg:$0x4] =	wrdreg $0xC0  }
0xc0: {  	_ =	task [dreg:s22], $0x5FFFF  }
0xc1: {  	[dreg:$0x1] =	wrdreg $0xFFFFFFFF  }
0xc2: {  	[dreg:$0x0] =	wrdreg $0x60  }
0xc3: {  	[dreg:$0x2] =	wrdreg s24  }
0xc4: {  	[dreg:$0x3] =	wrdreg s2  }
0xc5: {  	[dreg:$0x4] =	wrdreg s17  }
0xc6: {  	[dreg:$0x5] =	wrdreg $0x0  }
0xc7: {  	[dreg:$0x6] =	wrdreg $0xA  }
0xc8: {  	_ =	task.clear_ibuf [dreg:s22], $0x7FFFF;
	_ =	strace $0x9000004C  }
0xc9: {  	s29 =	simm.s32 $0xA;
	_ =	strace $0x8000004E  }
0xca: {  	_ =	swait.ge [sflag:s29], $0x1  }
0xcb: {  	[sflag:s29] =	ssyncadd.s32 $0xFFFFFFFF  }
0xcc: {  	_ =	strace $0x9000004E  }
0xcd: {  	_ =	sfence  }
0xce: {  	s30 =	sld [smem:$0x0];
	_ =	sdelay $0x2  }
0xcf: {  	s31 =	sshll.u32 s1, $0xD;
	s1 =	sshrl.u32 s1, $0x2  }
0xd0: {  	s4 =	sand.u32 $0x4000, s31;
	s1 =	sadd.s32 s1, s30  }
0xd1: {  	s0 =	sor.u32 s4, s0;
	s1 =	sshll.u32 s1, $0x11  }
0xd2: {  	s0 =	sor.u32 s1, s0  }
0xd3: {  	s0 =	sadd.s32 $0x8F2B, s0  }
0xd4: {  	[sflag:s0] =	ssyncadd.remote.s32 $0x1  }
0xd5: {  	_ =	sfence.sel $0xFFFF  }
0xd6: {  	[dreg:$0x0] =	wrdreg $0xFFFFFFFF;
	(pc) =	sbr.abs _section_cstart, $3  }
0xd7: {  	[dreg:$0x1] =	wrdreg $0xFFFFFFFF  }
0xd8: {  	_ =	task.clear_ibuf [dreg:s22], $0x2FFFF;
	_ =	strace $0x9FFFFFFF  }
0xd9: {  	(tm) =	ssettm $0x7FFFFFFF  }
tec
execute0_lowered:
.L_overlay_start_1:
0x0: {  	(tag) =	ssettag $0x1  }
0x1: {  	s1 =	rddreg [dreg:$0x0];
	s0 =	simm.s32 $0x0;
	s2 =	srdreg.scid  }
0x2: {  	s28 =	stileid.u32;
	[smem:$0x7FF] =	sst s0;
	s3 =	sand.u32 $0x1, s2  }
0x3: {  	s4 =	sadd.s32 $0x18BE400, s1;
	s6 =	sshll.u32 s28, $0x1;
	s7 =	smul.u32 $0x13800, s28  }
0x4: {  	s8 =	sadd.s32 $0x142A600, s1;
	p0 =	sne.s32 s28, $0xF;
	s2 =	ssub.s32 $0x2, s3  }
0x5: {  	s10 =	smul.u32 $0x138800, s3;
	s5 =	sshrl.u32 s2, $0x1;
	s9 =	sadd.s32 $0x5000, s7  }
0x6: {  	s11 =	sadd.s32 $0x7800, s7;
	s13 =	sadd.s32 $0xA000, s7;
	s14 =	sadd.s32 $0xC800, s7  }
0x7: {  	s16 =	sadd.s32 $0xF000, s7;
	s1 =	ssub.s32 s2, s5;
	s5 =	sor.u32 s3, s6  }
0x8: {  	s6 =	sadd.s32 $0x2800, s7;
	s12 =	sadd.s32 s7, s10;
	s7 =	sadd.s32 $0x11800, s7  }
0x9: {  	s17 =	sadd.s32 s10, s9;
	s18 =	sadd.s32 s10, s11;
	s21 =	sadd.s32 s10, s13  }
0xa: {  	s22 =	sadd.s32 s10, s14;
	s23 =	sadd.s32 s10, s16;
	s2 =	smul.u32 $0x2710, s5  }
0xb: {  	s12 =	sshrl.u32 s12, $0x3;
	s26 =	sadd.s32 s10, s6;
	s5 =	smul.u32 $0x27100, s5  }
0xc: {  	s17 =	sshrl.u32 s17, $0x3;
	s24 =	sshrl.u32 s22, $0x3;
	s22 =	smul.u32 $0x27100, s3  }
0xd: {  	s19 =	sshrl.u32 s18, $0x3;
	s3 =	smul.u32 $0x2710, s3;
	s1 =	smax.u32 s1, $0x1  }
0xe: {  	s12 =	sadd.s32 s8, s12;
	s20 =	sadd.s32 s8, s19;
	s19 =	sadd.s32 s10, s7  }
0xf: {  	s10 =	sshrl.u32 s10, $0x3;
	s25 =	sadd.s32 $0x26C0, s2;
	[dreg:$0x5] =	wrdreg s12  }
0x10: {  	s12 =	sshrl.u32 s26, $0x3;
	[dreg:$0x8] =	wrdreg s20;
	s5 =	sadd.s32 s4, s5  }
0x11: {  	s26 =	sshrl.u32 s23, $0x3;
	s12 =	sadd.s32 s8, s12;
	[dreg:$0xe] =	wrdreg s5  }
0x12: {  	s20 =	smul.u32 $0x4E200, s28;
	s18 =	sadd.s32 s8, s26;
	[dreg:$0x6] =	wrdreg s12  }
0x13: {  	s23 =	smul.u32 $0x4E000, s28;
	s12 =	sadd.s32 s8, s17;
	[dreg:$0xb] =	wrdreg s18  }
0x14: {  	s15 =	sshll.u32 s25, $0x4;
	s26 =	sadd.s32 $0x50, s2;
	[dreg:$0x7] =	wrdreg s12  }
0x15: {  	s12 =	sshrl.u32 s21, $0x3;
	s21 =	sadd.s32 s4, s15;
	s15 =	rddreg [dreg:$0x3]  }
0x16: {  	s17 =	sshrl.u32 s26, $0x3;
	s12 =	sadd.s32 s8, s12;
	[dreg:$0xd] =	wrdreg s21  }
0x17: {  	s30 =	sadd.s32 s6, s15;
	[dreg:$0x9] =	wrdreg s12;
	s12 =	sadd.s32 s8, s24  }
0x18: {  	s18 =	sadd.s32 s9, s15;
	[dreg:$0xa] =	wrdreg s12;
	s12 =	sshrl.u32 s19, $0x3  }
0x19: {  	s6 =	simm.s32 $0x16180;
	s24 =	sshll.u32 s26, $0x4;
	s12 =	sadd.s32 s8, s12  }
0x1a: {  	s19 =	smul.u32 $0x4E20, s28;
	s8 =	sadd.s32 s8, s10;
	[dreg:$0xc] =	wrdreg s12  }
0x1b: {  	s10 =	sadd.s32 s20, s4;
	s4 =	sadd.s32 s4, s24;
	s12 =	rddreg [dreg:$0x1]  }
0x1c: {  	s9 =	simm.s32 $0x50;
	s24 =	sadd.s32 s14, s15;
	[dreg:$0xf] =	wrdreg s4  }
0x1d: {  	s4 =	sadd.s32 s22, s10;
	s3 =	sadd.s32 s3, s19;
	s10 =	sshrl.u32 s23, $0x2  }
0x1e: {  	s22 =	sadd.s32 s11, s15;
	s23 =	sadd.s32 s13, s15;
	s13 =	sadd.s32 s16, s15  }
0x1f: {  	s19 =	sadd.s32 s7, s15;
	s11 =	sshrl.u32 s25, $0x3;
	s14 =	sadd.s32 $0x27000, s8  }
0x20: {  	s16 =	sshrl.u32 s2, $0x3;
	_ =	strace $0x8000004D;
	[dreg:$0x14] =	wrdreg s14  }
0x21: {  	s2 =	simm.s32 $0x13980;
	s7 =	simm.s32 $0x1;
	[dreg:$0x15] =	wrdreg s1  }
0x22: {  	s8 =	simm.s32 $0x3;
	s29 =	sadd.s32 s10, s15;
	[dreg:$0x10] =	wrdreg s13  }
0x23: {  	s5 =	sadd.s32 s12, s11;
	s20 =	sadd.s32 $0xF0, s3;
	[dreg:$0x11] =	wrdreg s19  }
0x24: {  	s1 =	sadd.s32 s12, s16;
	s21 =	sadd.s32 s12, s17;
	[dreg:$0x12] =	wrdreg s24  }
0x25: {  	s31 =	sadd.s32 $0xF00, s4;
	s26 =	sadd.s32 $0xA0, s3;
	[dreg:$0x13] =	wrdreg s5  }
0x26: {  	s3 =	simm.s32 $0x7;
	s4 =	simm.s32 $0x13880;
	[dreg:$0x16] =	wrdreg s1  }
0x27: {  	s10 =	simm.s32 $0x2;
	s11 =	simm.s32 $0x4;
	[dreg:$0x17] =	wrdreg s21  }
0x28: {  	s16 =	simm.s32 $0x5;
	s25 =	sshrl.u32 s20, $0x3;
	[dreg:$0x18] =	wrdreg s26  }
0x29: {  	s20 =	sadd.s32 $0x138000, s15;
	s5 =	simm.s32 $0x13900;
	s26 =	simm.s32 $0x0  }
0x2a: {  	s14 =	sadd.s32 s25, s12;
	s25 =	simm.s32 $0x6;
	[dreg:$0x19] =	wrdreg s20  }
.LBB2_1:
0x2b: {  	s17 =	rddreg [dreg:$0x2]  }
0x2c: {  	[tilespmem:s2], [sflag:$0x7] =	stream.linear.gather [hbm4b:s17+s0], $0x2800, $0x38;
	[tilespmem:$0x18980] =	vst v63  }
0x2d: {  	_ =	swait.ge [sflag:s3], $0x2800  }
0x2e: {  	[sflag:s3] =	ssyncset.done $0x0  }
0x2f: {  	[sflag:s3] =	ssyncadd.s32 $0xFFFFD800  }
0x30: {  	[spmem:s29] =	stream.linear.scatter [tilespmem:s2], [sflag:$0x7], $0x2800, $0x38;
	[tilespmem:$0x18980] =	vst v63  }
0x31: {  	_ =	swait.ge [sflag:s3], $0x2800  }
0x32: {  	[sflag:s3] =	ssyncset.done $0x0  }
0x33: {  	[sflag:s3] =	ssyncadd.s32 $0xFFFFD800  }
0x34: {  	[spmem:s30] =	stream.linear.scatter [tilespmem:s2], [sflag:$0x7], $0x2800, $0x38;
	[tilespmem:$0x18980] =	vst v63  }
0x35: {  	_ =	swait.ge [sflag:s3], $0x2800  }
0x36: {  	[sflag:s3] =	ssyncset.done $0x0  }
0x37: {  	[sflag:s3] =	ssyncadd.s32 $0xFFFFD800  }
0x38: {  	[spmem:s18] =	stream.linear.scatter [tilespmem:s2], [sflag:$0x7], $0x2800, $0x38;
	[tilespmem:$0x18980] =	vst v63  }
0x39: {  	_ =	swait.ge [sflag:s3], $0x2800  }
0x3a: {  	[sflag:s3] =	ssyncset.done $0x0  }
0x3b: {  	[sflag:s3] =	ssyncadd.s32 $0xFFFFD800  }
0x3c: {  	[spmem:s22] =	stream.linear.scatter [tilespmem:s2], [sflag:$0x7], $0x2800, $0x38;
	[tilespmem:$0x18980] =	vst v63  }
0x3d: {  	_ =	swait.ge [sflag:s3], $0x2800  }
0x3e: {  	[sflag:s3] =	ssyncset.done $0x0  }
0x3f: {  	[sflag:s3] =	ssyncadd.s32 $0xFFFFD800  }
0x40: {  	[spmem:s23] =	stream.linear.scatter [tilespmem:s2], [sflag:$0x7], $0x2800, $0x38;
	[tilespmem:$0x18980] =	vst v63  }
0x41: {  	_ =	swait.ge [sflag:s3], $0x2800  }
0x42: {  	[sflag:s3] =	ssyncset.done $0x0  }
0x43: {  	[sflag:s3] =	ssyncadd.s32 $0xFFFFD800  }
0x44: {  	[spmem:s24] =	stream.linear.scatter [tilespmem:s2], [sflag:$0x7], $0x2800, $0x38;
	[tilespmem:$0x18980] =	vst v63  }
0x45: {  	_ =	swait.ge [sflag:s3], $0x2800  }
0x46: {  	[sflag:s3] =	ssyncset.done $0x0  }
0x47: {  	[sflag:s3] =	ssyncadd.s32 $0xFFFFD800  }
0x48: {  	[spmem:s13] =	stream.linear.scatter [tilespmem:s2], [sflag:$0x7], $0x2800, $0x38;
	[tilespmem:$0x18980] =	vst v63  }
0x49: {  	_ =	swait.ge [sflag:s3], $0x2800  }
0x4a: {  	[sflag:s3] =	ssyncset.done $0x0  }
0x4b: {  	[sflag:s3] =	ssyncadd.s32 $0xFFFFD800  }
0x4c: {  	[spmem:s19] =	stream.linear.scatter [tilespmem:s2], [sflag:$0x7], $0x2000, $0x38;
	[tilespmem:$0x18980] =	vst v63  }
0x4d: {  	_ =	swait.ge [sflag:s3], $0x2000  }
0x4e: {  	s1 =	smov.u32 s29;
	[sflag:s3] =	ssyncset.done $0x0  }
0x4f: {  	s28 =	simm.s32 @!p0 $0x13980;
	s29 =	smov.u32 s20;
	[sflag:s3] =	ssyncadd.s32 $0xFFFFE000  }
0x50: {  	[spmem:s29] =	stream.linear.scatter @!p0 [tilespmem:s28], [sflag:$0x7], $0x800, $0x38;
	[tilespmem:$0x18980] =	vst v63  }
0x51: {  	s28 =	simm.s32 @!p0 $0x7  }
0x52: {  	_ =	swait.ge @!p0 [sflag:s28], $0x800  }
0x53: {  	[sflag:s28] =	ssyncset.done @!p0 $0x0  }
0x54: {  	[sflag:s28] =	ssyncadd.s32 @!p0 $0xFFFFF800  }
0x55: {  	[bflag:$0x0] =	sbarrier.arrive $0xFFFF  }
0x56: {  	s24 =	rddreg [dreg:$0x16]  }
0x57: {  	[tilespmem:s4], [sflag:$0x1] =	stream.linear.gather [hbm4b:s24+s0], $0x50, $0x38;
	[tilespmem:$0x18980] =	vst v63  }
0x58: {  	s13 =	rddreg [dreg:$0xe]  }
0x59: {  	[tilespmem:s2], [sflag:$0x3] =	stream.linear.gather [hbm4b:s13+s0], $0x2800, $0x38;
	[tilespmem:$0x18980] =	vst v63  }
0x5a: {  	s21 =	smov.u32 s18;
	s18 =	rddreg [dreg:$0x17]  }
0x5b: {  	[tilespmem:s5], [sflag:$0x2] =	stream.linear.gather [hbm4b:s18+s0], $0x50, $0x38;
	[tilespmem:$0x18980] =	vst v63  }
0x5c: {  	s19 =	rddreg [dreg:$0xf]  }
0x5d: {  	[tilespmem:s6], [sflag:$0x4] =	stream.linear.gather [hbm4b:s19+s0], $0x2800, $0x38;
	[tilespmem:$0x18980] =	vst v63  }
0x5e: {  	_ =	swait.ge [sflag:s7], $0x50  }
0x5f: {  	[sflag:s7] =	ssyncset.done $0x0  }
0x60: {  	[sflag:s7] =	ssyncadd.s32 $0xFFFFFFB0  }
0x61: {  	_ =	swait.ge [sflag:s8], $0x2800  }
0x62: {  	[sflag:s8] =	ssyncset.done $0x0  }
0x63: {  	[sflag:s8] =	ssyncadd.s32 $0xFFFFD800  }
0x64: {  	[spmem:s15] =	stream.indirect.scatter.add.f32 [tilespmem:s2], [sflag:$0x5], $0x80, s4, s9, $0xb8;
	[tilespmem:$0x18980] =	vst v63  }
0x65: {  	_ =	swait.ge [sflag:s10], $0x50  }
0x66: {  	[sflag:s10] =	ssyncset.done $0x0  }
0x67: {  	[sflag:s10] =	ssyncadd.s32 $0xFFFFFFB0  }
0x68: {  	_ =	swait.ge [sflag:s11], $0x2800  }
0x69: {  	[sflag:s11] =	ssyncset.done $0x0  }
0x6a: {  	[sflag:s11] =	ssyncadd.s32 $0xFFFFD800  }
0x6b: {  	[spmem:s15] =	stream.indirect.scatter.add.f32 [tilespmem:s6], [sflag:$0x6], $0x80, s5, s9, $0xb8;
	[tilespmem:$0x18980] =	vst v63  }
0x6c: {  	_ =	swait.ge [sflag:s16], $0x2800  }
0x6d: {  	[sflag:s16] =	ssyncset.done $0x0  }
0x6e: {  	[sflag:s16] =	ssyncadd.s32 $0xFFFFD800  }
0x6f: {  	_ =	swait.ge [sflag:s25], $0x2800  }
0x70: {  	s24 =	rddreg [dreg:$0x18]  }
0x71: {  	[sflag:s25] =	ssyncset.done $0x0;
	s28 =	sshrl.u32 s24, $0x3  }
0x72: {  	[sflag:s25] =	ssyncadd.s32 $0xFFFFD800;
	s28 =	sadd.s32 s12, s28  }
0x73: {  	[tilespmem:s4], [sflag:$0x1] =	stream.linear.gather [hbm4b:s28+s0], $0x50, $0x38;
	[tilespmem:$0x18980] =	vst v63  }
0x74: {  	s28 =	sadd.s32 $0xFFFFFB00, s31  }
0x75: {  	[tilespmem:s2], [sflag:$0x3] =	stream.linear.gather [hbm4b:s28+s0], $0x2800, $0x38;
	[tilespmem:$0x18980] =	vst v63  }
0x76: {  	s28 =	sadd.s32 $0x0, s14  }
0x77: {  	[tilespmem:s5], [sflag:$0x2] =	stream.linear.gather [hbm4b:s28+s0], $0x50, $0x38;
	[tilespmem:$0x18980] =	vst v63  }
0x78: {  	_ = 	snop  }
0x79: {  	[tilespmem:s6], [sflag:$0x4] =	stream.linear.gather [hbm4b:s31+s0], $0x2800, $0x38;
	[tilespmem:$0x18980] =	vst v63  }
0x7a: {  	_ =	swait.ge [sflag:s7], $0x50  }
0x7b: {  	[sflag:s7] =	ssyncset.done $0x0  }
0x7c: {  	[sflag:s7] =	ssyncadd.s32 $0xFFFFFFB0  }
0x7d: {  	_ =	swait.ge [sflag:s8], $0x2800  }
0x7e: {  	[sflag:s8] =	ssyncset.done $0x0  }
0x7f: {  	[sflag:s8] =	ssyncadd.s32 $0xFFFFD800  }
0x80: {  	[spmem:s15] =	stream.indirect.scatter.add.f32 [tilespmem:s2], [sflag:$0x5], $0x80, s4, s9, $0xb8;
	[tilespmem:$0x18980] =	vst v63  }
0x81: {  	_ =	swait.ge [sflag:s10], $0x50  }
0x82: {  	[sflag:s10] =	ssyncset.done $0x0  }
0x83: {  	[sflag:s10] =	ssyncadd.s32 $0xFFFFFFB0  }
0x84: {  	_ =	swait.ge [sflag:s11], $0x2800  }
0x85: {  	s20 =	smov.u32 s30;
	s29 =	sadd.s32 $0xA00, s31;
	[sflag:s11] =	ssyncset.done $0x0  }
0x86: {  	s30 =	sadd.s32 $0xA0, s24;
	s28 =	simm.s32 $0x14;
	[sflag:s11] =	ssyncadd.s32 $0xFFFFD800  }
.LBB2_2:
0x87: {  	[spmem:s15] =	stream.indirect.scatter.add.f32 [tilespmem:s6], [sflag:$0x6], $0x80, s5, s9, $0xb8;
	[tilespmem:$0x18980] =	vst v63  }
0x88: {  	s17 =	smov.u32 s28  }
0x89: {  	p1 =	sne.s32 s28, $0x4B0;
	s28 =	sadd.s32 $0x14, s28;
	_ =	swait.ge [sflag:s16], $0x2800  }
0x8a: {  	[sflag:s16] =	ssyncset.done $0x0  }
0x8b: {  	[sflag:s16] =	ssyncadd.s32 $0xFFFFD800  }
0x8c: {  	_ =	swait.ge [sflag:s25], $0x2800  }
0x8d: {  	s18 =	sshrl.u32 s30, $0x3;
	[sflag:s25] =	ssyncset.done $0x0  }
0x8e: {  	s18 =	sadd.s32 s12, s18;
	[sflag:s25] =	ssyncadd.s32 $0xFFFFD800  }
0x8f: {  	[tilespmem:s4], [sflag:$0x1] =	stream.linear.gather [hbm4b:s18+s0], $0x50, $0x38;
	[tilespmem:$0x18980] =	vst v63  }
0x90: {  	s18 =	sadd.s32 $0xFFFFFB00, s29  }
0x91: {  	[tilespmem:s2], [sflag:$0x3] =	stream.linear.gather [hbm4b:s18+s0], $0x2800, $0x38;
	[tilespmem:$0x18980] =	vst v63  }
0x92: {  	s17 =	sadd.s32 s17, s14  }
0x93: {  	[tilespmem:s5], [sflag:$0x2] =	stream.linear.gather [hbm4b:s17+s0], $0x50, $0x38;
	[tilespmem:$0x18980] =	vst v63  }
0x94: {  	_ = 	snop  }
0x95: {  	[tilespmem:s6], [sflag:$0x4] =	stream.linear.gather [hbm4b:s29+s0], $0x2800, $0x38;
	[tilespmem:$0x18980] =	vst v63  }
0x96: {  	_ =	swait.ge [sflag:s7], $0x50  }
0x97: {  	[sflag:s7] =	ssyncset.done $0x0  }
0x98: {  	[sflag:s7] =	ssyncadd.s32 $0xFFFFFFB0  }
0x99: {  	_ =	swait.ge [sflag:s8], $0x2800  }
0x9a: {  	[sflag:s8] =	ssyncset.done $0x0  }
0x9b: {  	[sflag:s8] =	ssyncadd.s32 $0xFFFFD800  }
0x9c: {  	[spmem:s15] =	stream.indirect.scatter.add.f32 [tilespmem:s2], [sflag:$0x5], $0x80, s4, s9, $0xb8;
	[tilespmem:$0x18980] =	vst v63  }
0x9d: {  	_ =	swait.ge [sflag:s10], $0x50  }
.Ltmp0:
0x9e: {  	[sflag:s10] =	ssyncset.done $0x0;
	(pc) =	sbr.rel @p1 .LBB2_2-.Ltmp0, $4  }
0x9f: {  	[sflag:s10] =	ssyncadd.s32 $0xFFFFFFB0  }
0xa0: {  	_ =	swait.ge [sflag:s11], $0x2800  }
0xa1: {  	[sflag:s11] =	ssyncset.done $0x0  }
0xa2: {  	s30 =	sadd.s32 $0xA0, s30;
	s29 =	sadd.s32 $0xA00, s29;
	[sflag:s11] =	ssyncadd.s32 $0xFFFFD800  }
0xa3: {  	[spmem:s15] =	stream.indirect.scatter.add.f32 [tilespmem:s6], [sflag:$0x6], $0x80, s5, s9, $0xb8;
	[tilespmem:$0x18980] =	vst v63  }
0xa4: {  	_ =	swait.ge [sflag:s16], $0x2800  }
0xa5: {  	[sflag:s16] =	ssyncset.done $0x0  }
0xa6: {  	[sflag:s16] =	ssyncadd.s32 $0xFFFFD800  }
0xa7: {  	_ =	swait.ge [sflag:s25], $0x2800  }
0xa8: {  	[sflag:s25] =	ssyncset.done $0x0  }
0xa9: {  	s13 =	rddreg [dreg:$0x13];
	[sflag:s25] =	ssyncadd.s32 $0xFFFFD800  }
0xaa: {  	[tilespmem:s4], [sflag:$0x7] =	stream.linear.gather [hbm4b:s13+s0], $0x50, $0x38;
	[tilespmem:$0x18980] =	vst v63  }
0xab: {  	_ =	swait.ge [sflag:s3], $0x50  }
0xac: {  	[sflag:s3] =	ssyncset.done $0x0  }
0xad: {  	s17 =	rddreg [dreg:$0xd];
	[sflag:s3] =	ssyncadd.s32 $0xFFFFFFB0  }
0xae: {  	[tilespmem:s2], [sflag:$0x7] =	stream.linear.gather [hbm4b:s17+s0], $0x2800, $0x38;
	[tilespmem:$0x18980] =	vst v63  }
0xaf: {  	_ =	swait.ge [sflag:s3], $0x2800  }
0xb0: {  	[sflag:s3] =	ssyncset.done $0x0  }
0xb1: {  	[sflag:s3] =	ssyncadd.s32 $0xFFFFD800  }
0xb2: {  	[spmem:s15] =	stream.indirect.scatter.add.f32 [tilespmem:s2], [sflag:$0x7], $0x80, s4, s9, $0xb8;
	[tilespmem:$0x18980] =	vst v63  }
0xb3: {  	_ =	swait.ge [sflag:s3], $0x2800  }
0xb4: {  	[sflag:s3] =	ssyncset.done $0x0  }
0xb5: {  	[sflag:s3] =	ssyncadd.s32 $0xFFFFD800  }
0xb6: {  	[bflag:$0x0] =	sbarrier.arrive $0xFFFF  }
0xb7: {  	[tilespmem:s2], [sflag:$0x7] =	stream.linear.gather [spmem:s1], $0x2800, $0x38;
	[tilespmem:$0x18980] =	vst v63  }
0xb8: {  	_ =	swait.ge [sflag:s3], $0x2800  }
0xb9: {  	[sflag:s3] =	ssyncset.done $0x0  }
0xba: {  	s19 =	rddreg [dreg:$0x5];
	[sflag:s3] =	ssyncadd.s32 $0xFFFFD800  }
0xbb: {  	[hbm4b:s19+s0] =	stream.linear.scatter [tilespmem:s2], [sflag:$0x7], $0x2800, $0x38;
	[tilespmem:$0x18980] =	vst v63  }
0xbc: {  	_ =	swait.ge [sflag:s3], $0x2800  }
0xbd: {  	[sflag:s3] =	ssyncset.done $0x0  }
0xbe: {  	[sflag:s3] =	ssyncadd.s32 $0xFFFFD800  }
0xbf: {  	[tilespmem:s2], [sflag:$0x7] =	stream.linear.gather [spmem:s20], $0x2800, $0x38;
	[tilespmem:$0x18980] =	vst v63  }
0xc0: {  	_ =	swait.ge [sflag:s3], $0x2800  }
0xc1: {  	[sflag:s3] =	ssyncset.done $0x0  }
0xc2: {  	s24 =	rddreg [dreg:$0x6];
	[sflag:s3] =	ssyncadd.s32 $0xFFFFD800  }
0xc3: {  	[hbm4b:s24+s0] =	stream.linear.scatter [tilespmem:s2], [sflag:$0x7], $0x2800, $0x38;
	[tilespmem:$0x18980] =	vst v63  }
0xc4: {  	_ =	swait.ge [sflag:s3], $0x2800  }
0xc5: {  	[sflag:s3] =	ssyncset.done $0x0  }
0xc6: {  	[sflag:s3] =	ssyncadd.s32 $0xFFFFD800  }
0xc7: {  	[tilespmem:s2], [sflag:$0x7] =	stream.linear.gather [spmem:s21], $0x2800, $0x38;
	[tilespmem:$0x18980] =	vst v63  }
0xc8: {  	_ =	swait.ge [sflag:s3], $0x2800  }
0xc9: {  	[sflag:s3] =	ssyncset.done $0x0  }
0xca: {  	s28 =	rddreg [dreg:$0x7];
	[sflag:s3] =	ssyncadd.s32 $0xFFFFD800  }
0xcb: {  	[hbm4b:s28+s0] =	stream.linear.scatter [tilespmem:s2], [sflag:$0x7], $0x2800, $0x38;
	[tilespmem:$0x18980] =	vst v63  }
0xcc: {  	_ =	swait.ge [sflag:s3], $0x2800  }
0xcd: {  	[sflag:s3] =	ssyncset.done $0x0  }
0xce: {  	[sflag:s3] =	ssyncadd.s32 $0xFFFFD800  }
0xcf: {  	[tilespmem:s2], [sflag:$0x7] =	stream.linear.gather [spmem:s22], $0x2800, $0x38;
	[tilespmem:$0x18980] =	vst v63  }
0xd0: {  	_ =	swait.ge [sflag:s3], $0x2800  }
0xd1: {  	[sflag:s3] =	ssyncset.done $0x0  }
0xd2: {  	s29 =	smov.u32 s1;
	s1 =	rddreg [dreg:$0x8];
	[sflag:s3] =	ssyncadd.s32 $0xFFFFD800  }
0xd3: {  	[hbm4b:s1+s0] =	stream.linear.scatter [tilespmem:s2], [sflag:$0x7], $0x2800, $0x38;
	[tilespmem:$0x18980] =	vst v63  }
0xd4: {  	_ =	swait.ge [sflag:s3], $0x2800  }
0xd5: {  	[sflag:s3] =	ssyncset.done $0x0  }
0xd6: {  	[sflag:s3] =	ssyncadd.s32 $0xFFFFD800  }
0xd7: {  	[tilespmem:s2], [sflag:$0x7] =	stream.linear.gather [spmem:s23], $0x2800, $0x38;
	[tilespmem:$0x18980] =	vst v63  }
0xd8: {  	_ =	swait.ge [sflag:s3], $0x2800  }
0xd9: {  	[sflag:s3] =	ssyncset.done $0x0  }
0xda: {  	s13 =	rddreg [dreg:$0x9];
	[sflag:s3] =	ssyncadd.s32 $0xFFFFD800  }
0xdb: {  	[hbm4b:s13+s0] =	stream.linear.scatter [tilespmem:s2], [sflag:$0x7], $0x2800, $0x38;
	[tilespmem:$0x18980] =	vst v63  }
0xdc: {  	_ =	swait.ge [sflag:s3], $0x2800  }
0xdd: {  	[sflag:s3] =	ssyncset.done $0x0  }
0xde: {  	s24 =	rddreg [dreg:$0x12];
	[sflag:s3] =	ssyncadd.s32 $0xFFFFD800  }
0xdf: {  	[tilespmem:s2], [sflag:$0x7] =	stream.linear.gather [spmem:s24], $0x2800, $0x38;
	[tilespmem:$0x18980] =	vst v63  }
0xe0: {  	_ =	swait.ge [sflag:s3], $0x2800  }
0xe1: {  	[sflag:s3] =	ssyncset.done $0x0  }
0xe2: {  	s18 =	rddreg [dreg:$0xa];
	[sflag:s3] =	ssyncadd.s32 $0xFFFFD800  }
0xe3: {  	[hbm4b:s18+s0] =	stream.linear.scatter [tilespmem:s2], [sflag:$0x7], $0x2800, $0x38;
	[tilespmem:$0x18980] =	vst v63  }
0xe4: {  	_ =	swait.ge [sflag:s3], $0x2800  }
0xe5: {  	[sflag:s3] =	ssyncset.done $0x0  }
0xe6: {  	s13 =	rddreg [dreg:$0x10];
	[sflag:s3] =	ssyncadd.s32 $0xFFFFD800  }
0xe7: {  	[tilespmem:s2], [sflag:$0x7] =	stream.linear.gather [spmem:s13], $0x2800, $0x38;
	[tilespmem:$0x18980] =	vst v63  }
0xe8: {  	_ =	swait.ge [sflag:s3], $0x2800  }
0xe9: {  	[sflag:s3] =	ssyncset.done $0x0  }
0xea: {  	s19 =	rddreg [dreg:$0xb];
	[sflag:s3] =	ssyncadd.s32 $0xFFFFD800  }
0xeb: {  	[hbm4b:s19+s0] =	stream.linear.scatter [tilespmem:s2], [sflag:$0x7], $0x2800, $0x38;
	[tilespmem:$0x18980] =	vst v63  }
0xec: {  	_ =	swait.ge [sflag:s3], $0x2800  }
0xed: {  	[sflag:s3] =	ssyncset.done $0x0  }
0xee: {  	s19 =	rddreg [dreg:$0x11];
	[sflag:s3] =	ssyncadd.s32 $0xFFFFD800  }
0xef: {  	[tilespmem:s2], [sflag:$0x7] =	stream.linear.gather [spmem:s19], $0x2000, $0x38;
	[tilespmem:$0x18980] =	vst v63  }
0xf0: {  	_ =	swait.ge [sflag:s3], $0x2000  }
0xf1: {  	[sflag:s3] =	ssyncset.done $0x0  }
0xf2: {  	s30 =	smov.u32 s20;
	s20 =	rddreg [dreg:$0xc];
	[sflag:s3] =	ssyncadd.s32 $0xFFFFE000  }
0xf3: {  	[hbm4b:s20+s0] =	stream.linear.scatter [tilespmem:s2], [sflag:$0x7], $0x2000, $0x38;
	[tilespmem:$0x18980] =	vst v63  }
0xf4: {  	_ =	swait.ge [sflag:s3], $0x2000  }
0xf5: {  	s17 =	simm.s32 @!p0 $0x13980;
	[sflag:s3] =	ssyncset.done $0x0  }
0xf6: {  	s18 =	simm.s32 @!p0 $0x7;
	s20 =	rddreg [dreg:$0x19];
	[sflag:s3] =	ssyncadd.s32 $0xFFFFE000  }
0xf7: {  	[tilespmem:s17], [sflag:$0x7] =	stream.linear.gather @!p0 [spmem:s20], $0x800, $0x38;
	[tilespmem:$0x18980] =	vst v63  }
0xf8: {  	_ =	swait.ge @!p0 [sflag:s18], $0x800  }
0xf9: {  	[sflag:s18] =	ssyncset.done @!p0 $0x0  }
0xfa: {  	s28 =	simm.s32 @!p0 $0x0;
	s1 =	rddreg [dreg:$0x14];
	[sflag:s18] =	ssyncadd.s32 @!p0 $0xFFFFF800  }
0xfb: {  	[hbm4b:s1+s28] =	stream.linear.scatter @!p0 [tilespmem:s17], [sflag:$0x7], $0x800, $0x38;
	[tilespmem:$0x18980] =	vst v63  }
0xfc: {  	_ =	swait.ge @!p0 [sflag:s18], $0x800  }
0xfd: {  	s26 =	sadd.s32 $0x1, s26;
	s28 =	rddreg [dreg:$0x15]  }
0xfe: {  	p1 =	sne.s32 s26, s28  }
.Ltmp1:
0xff: {  	_ = 	snop;
	(pc) =	sbr.rel @p1 .LBB2_1-.Ltmp1, $3  }
0x100: {  	_ =	sdelay $0x1  }
0x101: {  	[sflag:s18] =	ssyncset.done @!p0 $0x0  }
0x102: {  	[sflag:s18] =	ssyncadd.s32 @!p0 $0xFFFFF800;
	s18 =	smov.u32 s21  }
0x103: {  	_ =	sfence.sel $0x180000  }
0x104: {  	[bflag:$0x0] =	sbarrier.arrive $0xFFFF  }
0x105: {  	_ =	strace $0x9000004D  }
0x106: {  	s0 =	stileid.u32;
	[bflag:$0x2] =	sbarrier.arrive $0xFFFF  }
0x107: {  	p0 =	sne.s32 s0, $0x0;
	s0 =	rddreg [dreg:$0x4]  }
0x108: {  	s0 =	sadd.s32 @!p0 $0x100000, s0  }
0x109: {  	[sflag:s0] =	ssyncadd.tile.s32 @!p0 $0x1;
	_ =	shalt  }
.Lfunc_end2:
_tile_overlayer_lowered:
.L_overlay_start_2:
0x10a: {  	(tag) =	ssettag $0x2  }
0x10b: {  	s0 =	rddreg [dreg:$0x0];
	s2 =	stileid.u32  }
0x10c: {  	s1 =	rddreg [dreg:$0x1];
	p0 =	sne.s32 s2, $0x0  }
0x10d: {  	s3 =	rddreg [dreg:$0x2];
	[bflag:$0x3] =	sbarrier.arrive $0xFFFF;
	s2 =	simm.s32 @!p0 $0x1C07  }
0x10e: {  	[timem:s3], [sflag:s2] =	dma.local @!p0 [hbm:s0], s1  }
0x10f: {  	s0 =	simm.s32 @!p0 $0x7  }
0x110: {  	_ =	swait.ge @!p0 [sflag:s0], s1  }
0x111: {  	s1 =	ssub.s32 @!p0 $0x0, s1;
	[sflag:s0] =	ssyncset.done @!p0 $0x0  }
0x112: {  	[sflag:s0] =	ssyncadd.s32 @!p0 s1  }
0x113: {  	[bflag:$0x3] =	sbarrier.arrive $0xFFFF  }
0x114: {  	_ =	shalt  }

// kernel: kernel.8.cloned.1.call-start
scs
__scs_entry_jumppad:
0x0: {  	(pc) =	sbr.rel $0x88, $3  }
0x1: {  	(tag) =	ssettag $0x0;
	lr =	simm.s32 $0x1  }
0x2: {  	[smem:$0x3F8F] =	sst lr;
	_ =	strace $0xD0000000  }
0x3: {  	_ = 	snop  }
0x4: {  	_ = 	snop  }
0x5: {  	_ = 	snop  }
0x6: {  	_ = 	snop  }
0x7: {  	_ = 	snop  }
__scs_overlays_trampoline_lowered:
0x8: {  	[smem:$0x3F9E] =	sst s0  }
0x9: {  	[smem:$0x3F9F] =	sst s1  }
0xa: {  	[smem:$0x3FA0] =	sst s2  }
0xb: {  	[smem:$0x3FA1] =	sst s3  }
0xc: {  	[smem:$0x3FA2] =	sst s4  }
0xd: {  	[smem:$0x3FA3] =	sst s5  }
0xe: {  	[smem:$0x3FA4] =	sst s6  }
0xf: {  	[smem:$0x3FA5] =	sst s7  }
0x10: {  	[smem:$0x3FA6] =	sst s8  }
0x11: {  	[smem:$0x3FA7] =	sst s9;
	s0 =	simm.s32 @!p0 $0x0  }
0x12: {  	s1 =	sld [smem:$0x3F8D];
	s0 =	simm.s32 @p0 $0x1  }
0x13: {  	[smem:$0x3FA8] =	sst s0;
	s0 =	simm.s32 @!p1 $0x0  }
0x14: {  	s2 =	sld [smem:$0x3F8C];
	s0 =	simm.s32 @p1 $0x1  }
0x15: {  	[smem:$0x3FA9] =	sst s0;
	s0 =	simm.s32 @!p2 $0x0  }
0x16: {  	s3 =	sld [smem:$0x3FDB];
	s0 =	simm.s32 @p2 $0x1  }
0x17: {  	s4 =	simm.s32 $0x1BF5;
	[smem:$0x3FAB] =	sst s0  }
0x18: {  	s0 =	sld [smem:$0x3F8E];
	_ =	swait.ge [sflag:s4], $0x0  }
0x19: {  	s7 =	sld [smem:$0x3F8F]  }
0x1a: {  	s8 =	sadd.s32 $0xFFFFE003, lr  }
0x1b: {  	s9 =	sadd.s32 $0xFFFFFEF7, lr;
	s5 =	simm.s32 $0xFFFFFFFF;
	p2 =	slt.u32 s8, $0xFFFFF086  }
0x1c: {  	p1 =	slt.u32 s9, $0xF7A;
	s5 =	simm.s32 @!p2 $0x0  }
0x1d: {  	s5 =	simm.s32 @p1 $0x1;
	p0 =	seq.s32 s7, s2  }
0x1e: {  	s7 =	smul.u32 @!p0 $0xF7A, s2;
	p2 =	seq.s32 @!p0 s5, $0x0  }
0x1f: {  	s9 =	smul.u32 $0xF7A, s1;
	s8 =	simm.s32 @!p0 $0x1BF5;
	p2 =	por !p2, p0  }
0x20: {  	[sflag:s8] =	ssyncset.s32 @!p0 $0xFFFFF086;
	s6 =	sadd.s32 @!p0 s3, s7;
	s7 =	simm.s32 @!p0 $0x108  }
0x21: {  	s3 =	sadd.s32 s3, s9;
	s6 =	sadd.s32 @!p0 $0x88, s6;
	s7 =	simm.s32 @p2 $0x1082  }
0x22: {  	[simem:s7], [sflag:s8] =	dma.local @!p0 [hbm:s6], $0xF7A  }
0x23: {  	s9 =	sor.u32 $0xD0000000, s2;
	s6 =	simm.s32 $0x108;
	_ =	swait.ge @!p0 [sflag:s8], $0x0  }
0x24: {  	s3 =	sadd.s32 $0x88, s3;
	s6 =	simm.s32 @!p1 $0x1082;
	[sflag:s4] =	ssyncset.s32 $0xFFFFF086  }
0x25: {  	[simem:s6], [sflag:s4] =	dma.local [hbm:s3], $0xF7A  }
0x26: {  	[smem:$0x3F8F] =	sst s1;
	(tag) =	ssettag s2;
	_ =	strace s9  }
0x27: {  	s1 =	sld [smem:$0x3F9F]  }
0x28: {  	s2 =	sld [smem:$0x3FA0]  }
0x29: {  	s4 =	sld [smem:$0x3FA2]  }
0x2a: {  	p0 =	seq.s32 s5, $0x0;
	s5 =	sld [smem:$0x3FA3]  }
0x2b: {  	s6 =	sld [smem:$0x3FA4]  }
0x2c: {  	s7 =	sld [smem:$0x3FA5]  }
0x2d: {  	s3 =	simm.s32 $0x108;
	s8 =	sld [smem:$0x3FA6]  }
0x2e: {  	s3 =	simm.s32 @!p0 $0x1082;
	s9 =	sld [smem:$0x3FA7]  }
0x2f: {  	lr =	sadd.s32 s0, s3;
	s0 =	sld [smem:$0x3F9E]  }
0x30: {  	s3 =	sld [smem:$0x3FA1]  }
0x31: {  	[smem:$0x3FAA] =	sst s10  }
0x32: {  	s10 =	sld [smem:$0x3FA8];
	_ =	sdelay $0x3  }
0x33: {  	p0 =	seq.s32 s10, $0x1;
	s10 =	sld [smem:$0x3FAA];
	_ =	sdelay $0x3  }
0x34: {  	[smem:$0x3FAA] =	sst s10  }
0x35: {  	s10 =	sld [smem:$0x3FA9];
	_ =	sdelay $0x3  }
0x36: {  	p1 =	seq.s32 s10, $0x1;
	s10 =	sld [smem:$0x3FAA];
	_ =	sdelay $0x3  }
0x37: {  	[smem:$0x3FAA] =	sst s10  }
0x38: {  	s10 =	sld [smem:$0x3FAB]  }
0x39: {  	_ = 	snop;
	(pc) =	sbr.ind lr, $3  }
0x3a: {  	_ = 	snop  }
0x3b: {  	_ = 	snop  }
0x3c: {  	p2 =	seq.s32 s10, $0x1;
	s10 =	sld [smem:$0x3FAA]  }
0x3d: {  	_ =	shalt  }
0x3e: {  	_ =	shalt  }
0x3f: {  	_ =	shalt  }
0x40: {  	_ =	shalt  }
0x41: {  	_ =	shalt  }
0x42: {  	_ =	shalt  }
0x43: {  	_ =	shalt  }
0x44: {  	_ =	shalt  }
0x45: {  	_ =	shalt  }
0x46: {  	_ =	shalt  }
0x47: {  	_ =	shalt  }
0x48: {  	_ =	shalt  }
0x49: {  	_ =	shalt  }
0x4a: {  	_ =	shalt  }
0x4b: {  	_ =	shalt  }
0x4c: {  	_ =	shalt  }
0x4d: {  	_ =	shalt  }
0x4e: {  	_ =	shalt  }
0x4f: {  	_ =	shalt  }
0x50: {  	_ =	shalt  }
0x51: {  	_ =	shalt  }
0x52: {  	_ =	shalt  }
0x53: {  	_ =	shalt  }
0x54: {  	_ =	shalt  }
0x55: {  	_ =	shalt  }
0x56: {  	_ =	shalt  }
0x57: {  	_ =	shalt  }
0x58: {  	_ =	shalt  }
0x59: {  	_ =	shalt  }
0x5a: {  	_ =	shalt  }
0x5b: {  	_ =	shalt  }
0x5c: {  	_ =	shalt  }
0x5d: {  	_ =	shalt  }
0x5e: {  	_ =	shalt  }
0x5f: {  	_ =	shalt  }
0x60: {  	_ =	shalt  }
0x61: {  	_ =	shalt  }
0x62: {  	_ =	shalt  }
0x63: {  	_ =	shalt  }
0x64: {  	_ =	shalt  }
0x65: {  	_ =	shalt  }
0x66: {  	_ =	shalt  }
0x67: {  	_ =	shalt  }
0x68: {  	_ =	shalt  }
0x69: {  	_ =	shalt  }
0x6a: {  	_ =	shalt  }
0x6b: {  	_ =	shalt  }
0x6c: {  	_ =	shalt  }
0x6d: {  	_ =	shalt  }
0x6e: {  	_ =	shalt  }
0x6f: {  	_ =	shalt  }
0x70: {  	_ =	shalt  }
0x71: {  	_ =	shalt  }
0x72: {  	_ =	shalt  }
0x73: {  	_ =	shalt  }
0x74: {  	_ =	shalt  }
0x75: {  	_ =	shalt  }
0x76: {  	_ =	shalt  }
0x77: {  	_ =	shalt  }
0x78: {  	_ =	shalt  }
0x79: {  	_ =	shalt  }
0x7a: {  	_ =	shalt  }
0x7b: {  	_ =	shalt  }
0x7c: {  	_ =	shalt  }
0x7d: {  	_ =	shalt  }
0x7e: {  	_ =	shalt  }
0x7f: {  	_ =	shalt  }
0x80: {  	_ =	shalt  }
0x81: {  	_ =	shalt  }
0x82: {  	_ =	shalt  }
0x83: {  	_ =	shalt  }
0x84: {  	_ =	shalt  }
0x85: {  	_ =	shalt  }
0x86: {  	_ =	shalt  }
0x87: {  	_ =	shalt  }
.Lfunc_end0:
.L_simem_size_0:
called_computation_lowered:
.L_overlay_start_0:
0x88: {  	s2 =	sld [smem:$0x3FD9]  }
0x89: {  	s3 =	sld [smem:$0x3FFE];
	_ =	sdelay $0x1  }
0x8a: {  	s1 =	srdreg.scid  }
0x8b: {  	s0 =	sand.u32 $0x1, s1  }
0x8c: {  	s17 =	sshll.u32 s0, $0xA;
	s2 =	sadd.s32 s3, s2  }
0x8d: {  	s2 =	sadd.s32 s2, s17  }
0x8e: {  	[smem:$0x3FB6] =	sst s2  }
0x8f: {  	_ = 	snop  }
0x90: {  	s2 =	sld [smem:$0x3FC6]  }
0x91: {  	s18 =	sld [smem:$0x3FC5];
	(tm) =	ssettm $0x1  }
0x92: {  	s4 =	sld [smem:$0x3FFB];
	_ =	sdelay $0x3  }
0x93: {  	_ =	strace s4  }
0x94: {  	s4 =	sld [smem:$0x3FFC];
	_ =	sdelay $0x3  }
0x95: {  	_ =	strace s4  }
0x96: {  	s4 =	sld [smem:$0x3FFD];
	_ =	sdelay $0x3  }
0x97: {  	_ =	strace s4  }
0x98: {  	_ =	strace $0x8FFFFFFF  }
0x99: {  	s19 =	sld [smem:$0x3FDB];
	_ =	sdelay $0x1  }
0x9a: {  	s5 =	simm.s32 $_scs_section_size  }
0x9b: {  	s6 =	simm.s32 $_size__tile_overlayer_lowered;
	s7 =	simm.s32 $_tile_overlayer_lowered  }
0x9c: {  	s22 =	simm.s32 $0x1BFF;
	s21 =	sshll.u32 s7, $0x1;
	s4 =	sadd.s32 s5, s19  }
0x9d: {  	s8 =	simm.s32 $0x0;
	s20 =	sshll.u32 s6, $0x1;
	s6 =	sadd.s32 s21, s4  }
0x9e: {  	[timem:s8], [sflag:s22] =	dma.local [hbm:s6], s20  }
0x9f: {  	_ =	swait.ge [sflag:s22], s20  }
0xa0: {  	s5 =	ssub.s32 $0x0, s20;
	[sflag:s22] =	ssyncset.done $0x0  }
0xa1: {  	[sflag:s22] =	ssyncadd.s32 s5;
	_ =	sdelay $0x1  }
0xa2: {  	s23 =	simm.s32 $0x1B8B  }
0xa3: {  	_ =	swait.ge [sflag:s23], $0x1  }
0xa4: {  	[sflag:s23] =	ssyncset.done $0x0  }
0xa5: {  	s25 =	simm.s32 $0x1B8E;
	s24 =	sld [smem:$0x3FFE];
	[sflag:s23] =	ssyncadd.s32 $0xFFFFFFFF  }
0xa6: {  	s26 =	simm.s32 $execute0_lowered;
	[smem:$0x3FD2] =	sst s25  }
0xa7: {  	s6 =	sshll.u32 s26, $0x1;
	_ =	strace $0x80000046;
	[dreg:$0x1] =	wrdreg $0xFFFFFFFF  }
0xa8: {  	s28 =	simm.s32 $_size_execute0_lowered;
	s4 =	sadd.s32 s4, s6;
	[dreg:$0x0] =	wrdreg $0x0  }
0xa9: {  	s6 =	sshll.u32 s28, $0x1;
	[dreg:$0x2] =	wrdreg s4  }
0xaa: {  	[dreg:$0x3] =	wrdreg s6  }
0xab: {  	[dreg:$0x4] =	wrdreg $0xC0  }
0xac: {  	_ =	task [dreg:s8], $0x5FFFF  }
0xad: {  	[dreg:$0x1] =	wrdreg $0xFFFFFFFF  }
0xae: {  	[dreg:$0x0] =	wrdreg $0x60  }
0xaf: {  	[dreg:$0x2] =	wrdreg s24  }
0xb0: {  	[dreg:$0x3] =	wrdreg s2  }
0xb1: {  	[dreg:$0x4] =	wrdreg s18  }
0xb2: {  	[dreg:$0x5] =	wrdreg $0x9  }
0xb3: {  	_ =	task.clear_ibuf [dreg:s8], $0x6FFFF;
	_ =	strace $0x90000046  }
0xb4: {  	s29 =	simm.s32 $0x9;
	_ =	strace $0x80000048  }
0xb5: {  	_ =	swait.ge [sflag:s29], $0x1  }
0xb6: {  	[sflag:s29] =	ssyncadd.s32 $0xFFFFFFFF  }
0xb7: {  	_ =	strace $0x90000048  }
0xb8: {  	_ =	sfence  }
0xb9: {  	s30 =	sld [smem:$0x0];
	_ =	sdelay $0x2  }
0xba: {  	s31 =	sshll.u32 s1, $0xD;
	s1 =	sshrl.u32 s1, $0x2  }
0xbb: {  	s3 =	sand.u32 $0x4000, s31;
	s1 =	sadd.s32 s1, s30  }
0xbc: {  	s0 =	sor.u32 s3, s0;
	s1 =	sshll.u32 s1, $0x11  }
0xbd: {  	s0 =	sor.u32 s1, s0  }
0xbe: {  	s0 =	sadd.s32 $0x8F2B, s0  }
0xbf: {  	[sflag:s0] =	ssyncadd.remote.s32 $0x1  }
0xc0: {  	_ =	sfence.sel $0xFFFF  }
0xc1: {  	[dreg:$0x0] =	wrdreg $0xFFFFFFFF;
	(pc) =	sbr.abs _section_cstart, $3  }
0xc2: {  	[dreg:$0x1] =	wrdreg $0xFFFFFFFF  }
0xc3: {  	_ =	task.clear_ibuf [dreg:s8], $0x2FFFF;
	_ =	strace $0x9FFFFFFF  }
0xc4: {  	(tm) =	ssettm $0x7FFFFFFF  }
0xc5: {  	_ =	shalt  }
tec
execute0_lowered:
.L_overlay_start_1:
0x0: {  	(tag) =	ssettag $0x1  }
0x1: {  	s7 =	rddreg [dreg:$0x0]  }
0x2: {  	s1 =	rddreg [dreg:$0x1]  }
0x3: {  	s3 =	rddreg [dreg:$0x2]  }
0x4: {  	s0 =	rddreg [dreg:$0x3];
	s4 =	simm.s32 $0x0;
	s5 =	srdreg.scid  }
0x5: {  	s2 =	stileid.u32;
	s19 =	simm.s32 $0x2;
	s20 =	simm.s32 $0xCC00  }
0x6: {  	s21 =	simm.s32 $0x3;
	s22 =	simm.s32 $0x4;
	s23 =	simm.s32 $0x5  }
0x7: {  	s24 =	simm.s32 $0x6;
	s25 =	simm.s32 $0x0;
	[smem:$0x7FF] =	sst s4  }
0x8: {  	s11 =	sand.u32 $0x1, s5;
	s28 =	sshll.u32 s2, $0x1;
	s15 =	smul.u32 $0x4E200, s2  }
0x9: {  	s5 =	sadd.s32 $0x5E00, s7;
	s6 =	sadd.s32 $0x2D000, s7;
	s17 =	smul.u32 $0x4E20, s2  }
0xa: {  	s12 =	sadd.s32 $0x54200, s7;
	s14 =	sadd.s32 $0x536200, s7;
	s16 =	smul.u32 $0x27100, s11  }
0xb: {  	s8 =	sor.u32 s11, s28;
	s10 =	ssub.s32 $0x2, s11;
	s18 =	smul.u32 $0x2710, s11  }
0xc: {  	_ =	strace $0x80000047;
	s9 =	smul.u32 $0x2710, s8;
	s29 =	sshrl.u32 s10, $0x1  }
0xd: {  	s13 =	smul.u32 $0x27100, s8;
	s30 =	sadd.s32 s15, s14;
	s7 =	ssub.s32 s10, s29  }
0xe: {  	s31 =	sadd.s32 s18, s17;
	s17 =	simm.s32 $0x190;
	s18 =	simm.s32 $0x400  }
0xf: {  	s9 =	sshrl.u32 s9, $0x3;
	s7 =	smax.u32 s7, $0x1;
	s10 =	sadd.s32 s12, s13  }
0x10: {  	s11 =	sadd.s32 s14, s13;
	s12 =	sadd.s32 s15, s12;
	s13 =	sadd.s32 s16, s30  }
0x11: {  	s14 =	sadd.s32 $0x190, s31;
	s15 =	simm.s32 $0x200;
	s8 =	sadd.s32 s1, s9  }
0x12: {  	s9 =	sadd.s32 s3, s9;
	s12 =	sadd.s32 s16, s12;
	s16 =	simm.s32 $0x1  }
.LBB2_1:
0x13: {  	[tilespmem:s4], [sflag:$0x1] =	stream.linear.gather [hbm4b:s8+s4], $0x190, $0x38;
	[tilespmem:$0x19400] =	vst v63  }
0x14: {  	_ = 	snop  }
0x15: {  	[tilespmem:s15], [sflag:$0x2] =	stream.linear.gather [hbm4b:s9+s4], $0x190, $0x38;
	[tilespmem:$0x19400] =	vst v63  }
0x16: {  	_ =	swait.ge [sflag:s16], $0x190  }
0x17: {  	[sflag:s16] =	ssyncset.done $0x0  }
0x18: {  	[sflag:s16] =	ssyncadd.s32 $0xFFFFFE70  }
0x19: {  	[tilespmem:s18], [sflag:$0x3] =	stream.indirect.gather [hbm4b:s5+s17], $0x80, s4, s17, $0xb8;
	[tilespmem:$0x19400] =	vst v63  }
0x1a: {  	_ =	swait.ge [sflag:s19], $0x190  }
0x1b: {  	[sflag:s19] =	ssyncset.done $0x0  }
0x1c: {  	[sflag:s19] =	ssyncadd.s32 $0xFFFFFE70  }
0x1d: {  	[tilespmem:s20], [sflag:$0x4] =	stream.indirect.gather [hbm4b:s6+s17], $0x80, s15, s17, $0xb8;
	[tilespmem:$0x19400] =	vst v63  }
0x1e: {  	_ =	swait.ge [sflag:s21], $0xC800  }
0x1f: {  	[sflag:s21] =	ssyncset.done $0x0  }
0x20: {  	[sflag:s21] =	ssyncadd.s32 $0xFFFF3800  }
0x21: {  	[hbm4b:s10+s4] =	stream.linear.scatter [tilespmem:s18], [sflag:$0x5], $0xC800, $0x38;
	[tilespmem:$0x19400] =	vst v63  }
0x22: {  	_ =	swait.ge [sflag:s22], $0xC800  }
0x23: {  	[sflag:s22] =	ssyncset.done $0x0  }
0x24: {  	[sflag:s22] =	ssyncadd.s32 $0xFFFF3800  }
0x25: {  	[hbm4b:s11+s4] =	stream.linear.scatter [tilespmem:s20], [sflag:$0x6], $0xC800, $0x38;
	[tilespmem:$0x19400] =	vst v63  }
0x26: {  	_ =	swait.ge [sflag:s23], $0xC800  }
0x27: {  	[sflag:s23] =	ssyncset.done $0x0  }
0x28: {  	[sflag:s23] =	ssyncadd.s32 $0xFFFF3800  }
0x29: {  	_ =	swait.ge [sflag:s24], $0xC800  }
0x2a: {  	s26 =	sshrl.u32 s14, $0x3;
	[sflag:s24] =	ssyncset.done $0x0  }
0x2b: {  	s28 =	sadd.s32 s1, s26;
	[sflag:s24] =	ssyncadd.s32 $0xFFFF3800  }
0x2c: {  	[tilespmem:s4], [sflag:$0x1] =	stream.linear.gather [hbm4b:s28+s4], $0x190, $0x38;
	[tilespmem:$0x19400] =	vst v63  }
0x2d: {  	s26 =	sadd.s32 s3, s26  }
0x2e: {  	[tilespmem:s15], [sflag:$0x2] =	stream.linear.gather [hbm4b:s26+s4], $0x190, $0x38;
	[tilespmem:$0x19400] =	vst v63  }
0x2f: {  	_ =	swait.ge [sflag:s16], $0x190  }
0x30: {  	[sflag:s16] =	ssyncset.done $0x0  }
0x31: {  	[sflag:s16] =	ssyncadd.s32 $0xFFFFFE70  }
0x32: {  	[tilespmem:s18], [sflag:$0x3] =	stream.indirect.gather [hbm4b:s5+s17], $0x80, s4, s17, $0xb8;
	[tilespmem:$0x19400] =	vst v63  }
0x33: {  	_ =	swait.ge [sflag:s19], $0x190  }
0x34: {  	[sflag:s19] =	ssyncset.done $0x0  }
0x35: {  	[sflag:s19] =	ssyncadd.s32 $0xFFFFFE70  }
0x36: {  	[tilespmem:s20], [sflag:$0x4] =	stream.indirect.gather [hbm4b:s6+s17], $0x80, s15, s17, $0xb8;
	[tilespmem:$0x19400] =	vst v63  }
0x37: {  	_ =	swait.ge [sflag:s21], $0xC800  }
0x38: {  	[sflag:s21] =	ssyncset.done $0x0  }
0x39: {  	s31 =	sadd.s32 $0x1900, s12;
	[sflag:s21] =	ssyncadd.s32 $0xFFFF3800  }
0x3a: {  	[hbm4b:s31+s4] =	stream.linear.scatter [tilespmem:s18], [sflag:$0x5], $0xC800, $0x38;
	[tilespmem:$0x19400] =	vst v63  }
0x3b: {  	_ =	swait.ge [sflag:s22], $0xC800  }
0x3c: {  	s29 =	sadd.s32 $0x1900, s13;
	[sflag:s22] =	ssyncset.done $0x0  }
0x3d: {  	s28 =	sadd.s32 $0x190, s14;
	s26 =	simm.s32 $0x3200;
	[sflag:s22] =	ssyncadd.s32 $0xFFFF3800  }
.LBB2_2:
0x3e: {  	[hbm4b:s29+s4] =	stream.linear.scatter [tilespmem:s20], [sflag:$0x6], $0xC800, $0x38;
	[tilespmem:$0x19400] =	vst v63  }
0x3f: {  	s29 =	smov.u32 s26  }
0x40: {  	p0 =	sne.s32 s26, $0x25800;
	s26 =	sadd.s32 $0x1900, s26;
	_ =	swait.ge [sflag:s23], $0xC800  }
0x41: {  	[sflag:s23] =	ssyncset.done $0x0  }
0x42: {  	[sflag:s23] =	ssyncadd.s32 $0xFFFF3800  }
0x43: {  	_ =	swait.ge [sflag:s24], $0xC800  }
0x44: {  	s30 =	sshrl.u32 s28, $0x3;
	[sflag:s24] =	ssyncset.done $0x0  }
0x45: {  	s31 =	sadd.s32 s1, s30;
	[sflag:s24] =	ssyncadd.s32 $0xFFFF3800  }
0x46: {  	[tilespmem:s4], [sflag:$0x1] =	stream.linear.gather [hbm4b:s31+s4], $0x190, $0x38;
	[tilespmem:$0x19400] =	vst v63  }
0x47: {  	s30 =	sadd.s32 s3, s30  }
0x48: {  	[tilespmem:s15], [sflag:$0x2] =	stream.linear.gather [hbm4b:s30+s4], $0x190, $0x38;
	[tilespmem:$0x19400] =	vst v63  }
0x49: {  	_ =	swait.ge [sflag:s16], $0x190  }
0x4a: {  	[sflag:s16] =	ssyncset.done $0x0  }
0x4b: {  	[sflag:s16] =	ssyncadd.s32 $0xFFFFFE70  }
0x4c: {  	[tilespmem:s18], [sflag:$0x3] =	stream.indirect.gather [hbm4b:s5+s17], $0x80, s4, s17, $0xb8;
	[tilespmem:$0x19400] =	vst v63  }
0x4d: {  	_ =	swait.ge [sflag:s19], $0x190  }
0x4e: {  	[sflag:s19] =	ssyncset.done $0x0  }
0x4f: {  	[sflag:s19] =	ssyncadd.s32 $0xFFFFFE70  }
0x50: {  	[tilespmem:s20], [sflag:$0x4] =	stream.indirect.gather [hbm4b:s6+s17], $0x80, s15, s17, $0xb8;
	[tilespmem:$0x19400] =	vst v63  }
0x51: {  	_ =	swait.ge [sflag:s21], $0xC800  }
0x52: {  	[sflag:s21] =	ssyncset.done $0x0  }
.Ltmp0:
0x53: {  	s30 =	sadd.s32 s29, s12;
	[sflag:s21] =	ssyncadd.s32 $0xFFFF3800;
	(pc) =	sbr.rel @p0 .LBB2_2-.Ltmp0, $4  }
0x54: {  	[hbm4b:s30+s4] =	stream.linear.scatter [tilespmem:s18], [sflag:$0x5], $0xC800, $0x38;
	[tilespmem:$0x19400] =	vst v63  }
0x55: {  	_ =	swait.ge [sflag:s22], $0xC800  }
0x56: {  	[sflag:s22] =	ssyncset.done $0x0  }
0x57: {  	s28 =	sadd.s32 $0x190, s28;
	s29 =	sadd.s32 s29, s13;
	[sflag:s22] =	ssyncadd.s32 $0xFFFF3800  }
0x58: {  	[hbm4b:s29+s4] =	stream.linear.scatter [tilespmem:s20], [sflag:$0x6], $0xC800, $0x38;
	[tilespmem:$0x19400] =	vst v63  }
0x59: {  	s25 =	sadd.s32 $0x1, s25  }
0x5a: {  	_ =	swait.ge [sflag:s23], $0xC800;
	p0 =	sne.s32 s25, s7  }
.Ltmp1:
0x5b: {  	[sflag:s23] =	ssyncset.done $0x0;
	(pc) =	sbr.rel @p0 .LBB2_1-.Ltmp1, $4  }
0x5c: {  	[sflag:s23] =	ssyncadd.s32 $0xFFFF3800  }
0x5d: {  	_ =	swait.ge [sflag:s24], $0xC800  }
0x5e: {  	[sflag:s24] =	ssyncset.done $0x0  }
0x5f: {  	[sflag:s24] =	ssyncadd.s32 $0xFFFF3800  }
0x60: {  	_ =	sfence.sel $0x180000  }
0x61: {  	[bflag:$0x0] =	sbarrier.arrive $0xFFFF  }
0x62: {  	p0 =	sne.s32 s2, $0x0;
	_ =	strace $0x90000047  }
0x63: {  	s0 =	sadd.s32 @!p0 $0x100000, s0;
	[bflag:$0x2] =	sbarrier.arrive $0xFFFF  }
0x64: {  	[sflag:s0] =	ssyncadd.tile.s32 @!p0 $0x1;
	_ =	shalt  }
.Lfunc_end2:
_tile_overlayer_lowered:
.L_overlay_start_2:
0x65: {  	(tag) =	ssettag $0x2  }
0x66: {  	s0 =	rddreg [dreg:$0x0];
	s2 =	stileid.u32  }
0x67: {  	s1 =	rddreg [dreg:$0x1];
	p0 =	sne.s32 s2, $0x0  }
0x68: {  	s3 =	rddreg [dreg:$0x2];
	[bflag:$0x3] =	sbarrier.arrive $0xFFFF;
	s2 =	simm.s32 @!p0 $0x1C07  }
0x69: {  	[timem:s3], [sflag:s2] =	dma.local @!p0 [hbm:s0], s1  }
0x6a: {  	s0 =	simm.s32 @!p0 $0x7  }
0x6b: {  	_ =	swait.ge @!p0 [sflag:s0], s1  }
0x6c: {  	s1 =	ssub.s32 @!p0 $0x0, s1;
	[sflag:s0] =	ssyncset.done @!p0 $0x0  }
0x6d: {  	[sflag:s0] =	ssyncadd.s32 @!p0 s1  }
0x6e: {  	[bflag:$0x3] =	sbarrier.arrive $0xFFFF  }
0x6f: {  	_ =	shalt  }

</sc_bundles>
